<compile_context>
chip_gen: v7x
topology: tpu7x:2x2x1
jax: 0.10.2.dev20260603
libtpu: 0.0.44.dev20260713+nightly
codegen_flags: <defaults>
</compile_context>

<pallas_src>
import functools

import jax
import jax.numpy as jnp
from jax import lax
from jax.experimental import pallas as pl
from jax.experimental.pallas import tpu as pltpu
from jax.experimental.pallas import tpu_sc as plsc

_ROWS = 32768
_COLS = 2048

_TC_ROWS = 18432
_CH = 512
_NCHUNK = _TC_ROWS // _CH
_NBUF = 4


def _tc_body(x_ref, o_ref, ring, isems, osems):
    in_cp = [None] * _NCHUNK
    out_cp = [None] * _NCHUNK
    for k in range(_NCHUNK):
        r = k % _NBUF
        if k >= _NBUF:
            out_cp[k - _NBUF].wait()
        c_in = pltpu.make_async_copy(
            x_ref.at[pl.ds(k * _CH, _CH)], ring.at[r], isems.at[r]
        )
        c_in.start()
        in_cp[k] = c_in
        if k >= 1:
            in_cp[k - 1].wait()
            pr = (k - 1) % _NBUF
            c_out = pltpu.make_async_copy(
                ring.at[pr], o_ref.at[pl.ds((k - 1) * _CH, _CH)], osems.at[pr]
            )
            c_out.start()
            out_cp[k - 1] = c_out
    last = _NCHUNK - 1
    in_cp[last].wait()
    c_out = pltpu.make_async_copy(
        ring.at[last % _NBUF], o_ref.at[pl.ds(last * _CH, _CH)],
        osems.at[last % _NBUF],
    )
    c_out.start()
    out_cp[last] = c_out
    for k in range(_NCHUNK - _NBUF, _NCHUNK):
        out_cp[k].wait()


def _tc_copy(xr):
    return pl.pallas_call(
        _tc_body,
        in_specs=[pl.BlockSpec(memory_space=pl.ANY)],
        out_specs=pl.BlockSpec(memory_space=pl.ANY),
        scratch_shapes=[
            pltpu.VMEM((_NBUF, _CH, _COLS), jnp.float32),
            pltpu.SemaphoreType.DMA((_NBUF,)),
            pltpu.SemaphoreType.DMA((_NBUF,)),
        ],
        out_shape=jax.ShapeDtypeStruct((_TC_ROWS, _COLS), jnp.float32),
    )(xr)


_SC_ROWS = _ROWS - _TC_ROWS
_NC = 2
_NS = 16
_NW = _NC * _NS
_RPW = _SC_ROWS // _NW
_SCCH = 16
_SCNCH = _RPW // _SCCH


@functools.partial(
    pl.kernel,
    mesh=plsc.VectorSubcoreMesh(core_axis_name="c", subcore_axis_name="s"),
    out_type=jax.ShapeDtypeStruct((_SC_ROWS, _COLS), jnp.float32),
    scratch_types=[
        pltpu.VMEM((_SCCH, _COLS), jnp.float32),
        pltpu.VMEM((_SCCH, _COLS), jnp.float32),
        pltpu.SemaphoreType.DMA,
        pltpu.SemaphoreType.DMA,
        pltpu.SemaphoreType.DMA,
        pltpu.SemaphoreType.DMA,
    ],
)
def _sc_copy(x_hbm, o_hbm, buf0, buf1, si0, si1, so0, so1):
    wid = lax.axis_index("s") * _NC + lax.axis_index("c")
    obase = wid * _RPW
    ibase = _TC_ROWS + obase
    bufs = (buf0, buf1)
    isems = (si0, si1)
    osems = (so0, so1)

    in_copies = [None] * _SCNCH
    out_copies = [None] * _SCNCH
    for k in range(_SCNCH):
        b = k & 1
        if k >= 2:
            out_copies[k - 2].wait()
        c_in = pltpu.make_async_copy(
            x_hbm.at[pl.ds(ibase + k * _SCCH, _SCCH)], bufs[b], isems[b]
        )
        c_in.start()
        in_copies[k] = c_in
        if k >= 1:
            in_copies[k - 1].wait()
            c_out = pltpu.make_async_copy(
                bufs[1 - b], o_hbm.at[pl.ds(obase + (k - 1) * _SCCH, _SCCH)],
                osems[1 - b],
            )
            c_out.start()
            out_copies[k - 1] = c_out
    last = _SCNCH - 1
    in_copies[last].wait()
    c_out = pltpu.make_async_copy(
        bufs[last & 1], o_hbm.at[pl.ds(obase + last * _SCCH, _SCCH)],
        osems[last & 1],
    )
    c_out.start()
    out_copies[last] = c_out
    out_copies[last - 1].wait()
    out_copies[last].wait()


def kernel(x):
    b, s, d = x.shape
    xr = x.reshape(_ROWS, _COLS)
    out_tc = _tc_copy(xr)
    out_sc = _sc_copy(xr)
    out = jnp.concatenate([out_tc, out_sc], axis=0)
    return out.reshape(b, s, d)

# --- scband reference (transcript-rebuilt; emitter-appended) ---
"""Pipeline reference for scband-neuron-replace-31336081391857 (READ-ONLY COPY).

The authoritative reference and input builder live on the scoring server;
editing this copy changes nothing except your own understanding.
"""

import jax, jax.numpy as jnp
import numpy as np

# NeuronReplace with the default (freshly-constructed) state: self.param = {} and
# self.max_tokens = 0. forward() clones x, and since tokens_seen (0) >= max_tokens (0),
# it returns the clone immediately. No scatter-overwrite occurs because no tokens were
# registered via add_token(). The faithful translation is therefore an identity copy.
# (If param entries existed, each would be x = x.at[:, local_index].set(value) -- a
# scatter-overwrite along the sequence axis -- which is the memory-bound pattern this
# module implements in generation loops.)

def setup_inputs(seed: int = 0) -> dict:
    key = jax.random.key(seed)
    x = jax.random.normal(key, (4, 8192, 2048), dtype=jnp.float32)
    return {"x": x}

def reference(x) -> jnp.ndarray:
    # x.clone()
    out = jnp.array(x, copy=True)
    # tokens_seen (0) >= max_tokens (0) -> early return of the clone.
    # Scatter path (executed only when param is non-empty):
    #   for token_index, value in param.items():
    #       out = out.at[:, token_index].set(value.reshape(out.shape[2:]))
    return out

if __name__ == "__main__":
    import jax
    _d = setup_inputs()
    print(jax.jit(kernel)(*tuple(_d.values())))

</pallas_src>

<mosaic_0001>
#map = affine_map<(d0, d1) -> (0, 0)>
module attributes {stable_mosaic.version = 14 : i64} {
  func.func @_sc_copy(%arg0: i32, %arg1: i32, %arg2: memref<32768x2048xf32, #tpu.memory_space<hbm>>, %arg3: memref<14336x2048xf32, #tpu.memory_space<hbm>>, %arg4: memref<16x2048xf32, #tpu.memory_space<vmem>>, %arg5: memref<16x2048xf32, #tpu.memory_space<vmem>>, %arg6: memref<!tpu.dma_semaphore, #tpu.memory_space<semaphore_mem>>, %arg7: memref<!tpu.dma_semaphore, #tpu.memory_space<semaphore_mem>>, %arg8: memref<!tpu.dma_semaphore, #tpu.memory_space<semaphore_mem>>, %arg9: memref<!tpu.dma_semaphore, #tpu.memory_space<semaphore_mem>>) attributes {dimension_semantics = [#tpu.dimension_semantics<core_parallel>, #tpu.dimension_semantics<subcore_parallel>], iteration_bounds = array<i64: 2, 16>, scalar_prefetch = 0 : i64, scratch_operands = 6 : i64, tpu.core_type = #tpu.core_type<sc_vector_subcore>, window_params = [{transform_indices = #map}, {transform_indices = #map}]} {
    %mul3A = arith.constant 2 : i32
    %mul3A_0 = arith.muli %arg1, %mul3A : i32
    %add3A = arith.addi %mul3A_0, %arg0 : i32
    %mul3A_1 = arith.constant 448 : i32
    %mul3A_2 = arith.muli %add3A, %mul3A_1 : i32
    %add3A_3 = arith.constant 18432 : i32
    %add3A_4 = arith.addi %add3A_3, %mul3A_2 : i32
    %add3A_5 = arith.constant 0 : i32
    %add3A_6 = arith.addi %add3A_4, %add3A_5 : i32
    %dma_start3A = arith.constant 0 : i32
    %dma_start3A_7 = tpu.memref_slice %arg2[%add3A_6, %dma_start3A] : memref<32768x2048xf32, #tpu.memory_space<hbm>> -> memref<16x2048xf32, #tpu.memory_space<hbm>>
    %dma_start3A_8 = arith.constant 0 : i32
    %dma_start3A_9 = tpu.memref_slice %arg2[%add3A_6, %dma_start3A_8] : memref<32768x2048xf32, #tpu.memory_space<hbm>> -> memref<16x2048xf32, #tpu.memory_space<hbm>>
    tpu.enqueue_dma source(%dma_start3A_9 : memref<16x2048xf32, #tpu.memory_space<hbm>>) target(%arg4 : memref<16x2048xf32, #tpu.memory_space<vmem>>) target_semaphore(%arg6 : memref<!tpu.dma_semaphore, #tpu.memory_space<semaphore_mem>>)
    %add3A_10 = arith.constant 16 : i32
    %add3A_11 = arith.addi %add3A_4, %add3A_10 : i32
    %dma_start3A_12 = arith.constant 0 : i32
    %dma_start3A_13 = tpu.memref_slice %arg2[%add3A_11, %dma_start3A_12] : memref<32768x2048xf32, #tpu.memory_space<hbm>> -> memref<16x2048xf32, #tpu.memory_space<hbm>>
    %dma_start3A_14 = arith.constant 0 : i32
    %dma_start3A_15 = tpu.memref_slice %arg2[%add3A_11, %dma_start3A_14] : memref<32768x2048xf32, #tpu.memory_space<hbm>> -> memref<16x2048xf32, #tpu.memory_space<hbm>>
    tpu.enqueue_dma source(%dma_start3A_15 : memref<16x2048xf32, #tpu.memory_space<hbm>>) target(%arg5 : memref<16x2048xf32, #tpu.memory_space<vmem>>) target_semaphore(%arg7 : memref<!tpu.dma_semaphore, #tpu.memory_space<semaphore_mem>>)
    %dma_wait3A = arith.constant 0 : i32
    %dma_wait3A_16 = tpu.memref_slice %arg2[%add3A_6, %dma_wait3A] : memref<32768x2048xf32, #tpu.memory_space<hbm>> -> memref<16x2048xf32, #tpu.memory_space<hbm>>
    %dma_wait3A_17 = arith.constant 0 : i32
    %dma_wait3A_18 = tpu.memref_slice %arg2[%add3A_6, %dma_wait3A_17] : memref<32768x2048xf32, #tpu.memory_space<hbm>> -> memref<16x2048xf32, #tpu.memory_space<hbm>>
    tpu.wait_dma2 semaphore(%arg6 : memref<!tpu.dma_semaphore, #tpu.memory_space<semaphore_mem>>) src(%dma_wait3A_18 : memref<16x2048xf32, #tpu.memory_space<hbm>>) dst(%arg4 : memref<16x2048xf32, #tpu.memory_space<vmem>>)
    %add3A_19 = arith.constant 0 : i32
    %add3A_20 = arith.addi %mul3A_2, %add3A_19 : i32
    %dma_start3A_21 = arith.constant 0 : i32
    %dma_start3A_22 = tpu.memref_slice %arg3[%add3A_20, %dma_start3A_21] : memref<14336x2048xf32, #tpu.memory_space<hbm>> -> memref<16x2048xf32, #tpu.memory_space<hbm>>
    %dma_start3A_23 = arith.constant 0 : i32
    %dma_start3A_24 = tpu.memref_slice %arg3[%add3A_20, %dma_start3A_23] : memref<14336x2048xf32, #tpu.memory_space<hbm>> -> memref<16x2048xf32, #tpu.memory_space<hbm>>
    tpu.enqueue_dma source(%arg4 : memref<16x2048xf32, #tpu.memory_space<vmem>>) target(%dma_start3A_24 : memref<16x2048xf32, #tpu.memory_space<hbm>>) target_semaphore(%arg8 : memref<!tpu.dma_semaphore, #tpu.memory_space<semaphore_mem>>)
    %dma_wait3A_25 = arith.constant 0 : i32
    %dma_wait3A_26 = tpu.memref_slice %arg3[%add3A_20, %dma_wait3A_25] : memref<14336x2048xf32, #tpu.memory_space<hbm>> -> memref<16x2048xf32, #tpu.memory_space<hbm>>
    %dma_wait3A_27 = arith.constant 0 : i32
    %dma_wait3A_28 = tpu.memref_slice %arg3[%add3A_20, %dma_wait3A_27] : memref<14336x2048xf32, #tpu.memory_space<hbm>> -> memref<16x2048xf32, #tpu.memory_space<hbm>>
    tpu.wait_dma2 semaphore(%arg8 : memref<!tpu.dma_semaphore, #tpu.memory_space<semaphore_mem>>) src(%arg4 : memref<16x2048xf32, #tpu.memory_space<vmem>>) dst(%dma_wait3A_28 : memref<16x2048xf32, #tpu.memory_space<hbm>>)
    %add3A_29 = arith.constant 32 : i32
    %add3A_30 = arith.addi %add3A_4, %add3A_29 : i32
    %dma_start3A_31 = arith.constant 0 : i32
    %dma_start3A_32 = tpu.memref_slice %arg2[%add3A_30, %dma_start3A_31] : memref<32768x2048xf32, #tpu.memory_space<hbm>> -> memref<16x2048xf32, #tpu.memory_space<hbm>>
    %dma_start3A_33 = arith.constant 0 : i32
    %dma_start3A_34 = tpu.memref_slice %arg2[%add3A_30, %dma_start3A_33] : memref<32768x2048xf32, #tpu.memory_space<hbm>> -> memref<16x2048xf32, #tpu.memory_space<hbm>>
    tpu.enqueue_dma source(%dma_start3A_34 : memref<16x2048xf32, #tpu.memory_space<hbm>>) target(%arg4 : memref<16x2048xf32, #tpu.memory_space<vmem>>) target_semaphore(%arg6 : memref<!tpu.dma_semaphore, #tpu.memory_space<semaphore_mem>>)
    %dma_wait3A_35 = arith.constant 0 : i32
    %dma_wait3A_36 = tpu.memref_slice %arg2[%add3A_11, %dma_wait3A_35] : memref<32768x2048xf32, #tpu.memory_space<hbm>> -> memref<16x2048xf32, #tpu.memory_space<hbm>>
    %dma_wait3A_37 = arith.constant 0 : i32
    %dma_wait3A_38 = tpu.memref_slice %arg2[%add3A_11, %dma_wait3A_37] : memref<32768x2048xf32, #tpu.memory_space<hbm>> -> memref<16x2048xf32, #tpu.memory_space<hbm>>
    tpu.wait_dma2 semaphore(%arg7 : memref<!tpu.dma_semaphore, #tpu.memory_space<semaphore_mem>>) src(%dma_wait3A_38 : memref<16x2048xf32, #tpu.memory_space<hbm>>) dst(%arg5 : memref<16x2048xf32, #tpu.memory_space<vmem>>)
    %add3A_39 = arith.constant 16 : i32
    %add3A_40 = arith.addi %mul3A_2, %add3A_39 : i32
    %dma_start3A_41 = arith.constant 0 : i32
    %dma_start3A_42 = tpu.memref_slice %arg3[%add3A_40, %dma_start3A_41] : memref<14336x2048xf32, #tpu.memory_space<hbm>> -> memref<16x2048xf32, #tpu.memory_space<hbm>>
    %dma_start3A_43 = arith.constant 0 : i32
    %dma_start3A_44 = tpu.memref_slice %arg3[%add3A_40, %dma_start3A_43] : memref<14336x2048xf32, #tpu.memory_space<hbm>> -> memref<16x2048xf32, #tpu.memory_space<hbm>>
    tpu.enqueue_dma source(%arg5 : memref<16x2048xf32, #tpu.memory_space<vmem>>) target(%dma_start3A_44 : memref<16x2048xf32, #tpu.memory_space<hbm>>) target_semaphore(%arg9 : memref<!tpu.dma_semaphore, #tpu.memory_space<semaphore_mem>>)
    %dma_wait3A_45 = arith.constant 0 : i32
    %dma_wait3A_46 = tpu.memref_slice %arg3[%add3A_40, %dma_wait3A_45] : memref<14336x2048xf32, #tpu.memory_space<hbm>> -> memref<16x2048xf32, #tpu.memory_space<hbm>>
    %dma_wait3A_47 = arith.constant 0 : i32
    %dma_wait3A_48 = tpu.memref_slice %arg3[%add3A_40, %dma_wait3A_47] : memref<14336x2048xf32, #tpu.memory_space<hbm>> -> memref<16x2048xf32, #tpu.memory_space<hbm>>
    tpu.wait_dma2 semaphore(%arg9 : memref<!tpu.dma_semaphore, #tpu.memory_space<semaphore_mem>>) src(%arg5 : memref<16x2048xf32, #tpu.memory_space<vmem>>) dst(%dma_wait3A_48 : memref<16x2048xf32, #tpu.memory_space<hbm>>)
    %add3A_49 = arith.constant 48 : i32
    %add3A_50 = arith.addi %add3A_4, %add3A_49 : i32
    %dma_start3A_51 = arith.constant 0 : i32
    %dma_start3A_52 = tpu.memref_slice %arg2[%add3A_50, %dma_start3A_51] : memref<32768x2048xf32, #tpu.memory_space<hbm>> -> memref<16x2048xf32, #tpu.memory_space<hbm>>
    %dma_start3A_53 = arith.constant 0 : i32
    %dma_start3A_54 = tpu.memref_slice %arg2[%add3A_50, %dma_start3A_53] : memref<32768x2048xf32, #tpu.memory_space<hbm>> -> memref<16x2048xf32, #tpu.memory_space<hbm>>
    tpu.enqueue_dma source(%dma_start3A_54 : memref<16x2048xf32, #tpu.memory_space<hbm>>) target(%arg5 : memref<16x2048xf32, #tpu.memory_space<vmem>>) target_semaphore(%arg7 : memref<!tpu.dma_semaphore, #tpu.memory_space<semaphore_mem>>)
    %dma_wait3A_55 = arith.constant 0 : i32
    %dma_wait3A_56 = tpu.memref_slice %arg2[%add3A_30, %dma_wait3A_55] : memref<32768x2048xf32, #tpu.memory_space<hbm>> -> memref<16x2048xf32, #tpu.memory_space<hbm>>
    %dma_wait3A_57 = arith.constant 0 : i32
    %dma_wait3A_58 = tpu.memref_slice %arg2[%add3A_30, %dma_wait3A_57] : memref<32768x2048xf32, #tpu.memory_space<hbm>> -> memref<16x2048xf32, #tpu.memory_space<hbm>>
    tpu.wait_dma2 semaphore(%arg6 : memref<!tpu.dma_semaphore, #tpu.memory_space<semaphore_mem>>) src(%dma_wait3A_58 : memref<16x2048xf32, #tpu.memory_space<hbm>>) dst(%arg4 : memref<16x2048xf32, #tpu.memory_space<vmem>>)
    %add3A_59 = arith.constant 32 : i32
    %add3A_60 = arith.addi %mul3A_2, %add3A_59 : i32
    %dma_start3A_61 = arith.constant 0 : i32
    %dma_start3A_62 = tpu.memref_slice %arg3[%add3A_60, %dma_start3A_61] : memref<14336x2048xf32, #tpu.memory_space<hbm>> -> memref<16x2048xf32, #tpu.memory_space<hbm>>
    %dma_start3A_63 = arith.constant 0 : i32
    %dma_start3A_64 = tpu.memref_slice %arg3[%add3A_60, %dma_start3A_63] : memref<14336x2048xf32, #tpu.memory_space<hbm>> -> memref<16x2048xf32, #tpu.memory_space<hbm>>
    tpu.enqueue_dma source(%arg4 : memref<16x2048xf32, #tpu.memory_space<vmem>>) target(%dma_start3A_64 : memref<16x2048xf32, #tpu.memory_space<hbm>>) target_semaphore(%arg8 : memref<!tpu.dma_semaphore, #tpu.memory_space<semaphore_mem>>)
    %dma_wait3A_65 = arith.constant 0 : i32
    %dma_wait3A_66 = tpu.memref_slice %arg3[%add3A_60, %dma_wait3A_65] : memref<14336x2048xf32, #tpu.memory_space<hbm>> -> memref<16x2048xf32, #tpu.memory_space<hbm>>
    %dma_wait3A_67 = arith.constant 0 : i32
    %dma_wait3A_68 = tpu.memref_slice %arg3[%add3A_60, %dma_wait3A_67] : memref<14336x2048xf32, #tpu.memory_space<hbm>> -> memref<16x2048xf32, #tpu.memory_space<hbm>>
    tpu.wait_dma2 semaphore(%arg8 : memref<!tpu.dma_semaphore, #tpu.memory_space<semaphore_mem>>) src(%arg4 : memref<16x2048xf32, #tpu.memory_space<vmem>>) dst(%dma_wait3A_68 : memref<16x2048xf32, #tpu.memory_space<hbm>>)
    %add3A_69 = arith.constant 64 : i32
    %add3A_70 = arith.addi %add3A_4, %add3A_69 : i32
    %dma_start3A_71 = arith.constant 0 : i32
    %dma_start3A_72 = tpu.memref_slice %arg2[%add3A_70, %dma_start3A_71] : memref<32768x2048xf32, #tpu.memory_space<hbm>> -> memref<16x2048xf32, #tpu.memory_space<hbm>>
    %dma_start3A_73 = arith.constant 0 : i32
    %dma_start3A_74 = tpu.memref_slice %arg2[%add3A_70, %dma_start3A_73] : memref<32768x2048xf32, #tpu.memory_space<hbm>> -> memref<16x2048xf32, #tpu.memory_space<hbm>>
    tpu.enqueue_dma source(%dma_start3A_74 : memref<16x2048xf32, #tpu.memory_space<hbm>>) target(%arg4 : memref<16x2048xf32, #tpu.memory_space<vmem>>) target_semaphore(%arg6 : memref<!tpu.dma_semaphore, #tpu.memory_space<semaphore_mem>>)
    %dma_wait3A_75 = arith.constant 0 : i32
    %dma_wait3A_76 = tpu.memref_slice %arg2[%add3A_50, %dma_wait3A_75] : memref<32768x2048xf32, #tpu.memory_space<hbm>> -> memref<16x2048xf32, #tpu.memory_space<hbm>>
    %dma_wait3A_77 = arith.constant 0 : i32
    %dma_wait3A_78 = tpu.memref_slice %arg2[%add3A_50, %dma_wait3A_77] : memref<32768x2048xf32, #tpu.memory_space<hbm>> -> memref<16x2048xf32, #tpu.memory_space<hbm>>
    tpu.wait_dma2 semaphore(%arg7 : memref<!tpu.dma_semaphore, #tpu.memory_space<semaphore_mem>>) src(%dma_wait3A_78 : memref<16x2048xf32, #tpu.memory_space<hbm>>) dst(%arg5 : memref<16x2048xf32, #tpu.memory_space<vmem>>)
    %add3A_79 = arith.constant 48 : i32
    %add3A_80 = arith.addi %mul3A_2, %add3A_79 : i32
    %dma_start3A_81 = arith.constant 0 : i32
    %dma_start3A_82 = tpu.memref_slice %arg3[%add3A_80, %dma_start3A_81] : memref<14336x2048xf32, #tpu.memory_space<hbm>> -> memref<16x2048xf32, #tpu.memory_space<hbm>>
    %dma_start3A_83 = arith.constant 0 : i32
    %dma_start3A_84 = tpu.memref_slice %arg3[%add3A_80, %dma_start3A_83] : memref<14336x2048xf32, #tpu.memory_space<hbm>> -> memref<16x2048xf32, #tpu.memory_space<hbm>>
    tpu.enqueue_dma source(%arg5 : memref<16x2048xf32, #tpu.memory_space<vmem>>) target(%dma_start3A_84 : memref<16x2048xf32, #tpu.memory_space<hbm>>) target_semaphore(%arg9 : memref<!tpu.dma_semaphore, #tpu.memory_space<semaphore_mem>>)
    %dma_wait3A_85 = arith.constant 0 : i32
    %dma_wait3A_86 = tpu.memref_slice %arg3[%add3A_80, %dma_wait3A_85] : memref<14336x2048xf32, #tpu.memory_space<hbm>> -> memref<16x2048xf32, #tpu.memory_space<hbm>>
    %dma_wait3A_87 = arith.constant 0 : i32
    %dma_wait3A_88 = tpu.memref_slice %arg3[%add3A_80, %dma_wait3A_87] : memref<14336x2048xf32, #tpu.memory_space<hbm>> -> memref<16x2048xf32, #tpu.memory_space<hbm>>
    tpu.wait_dma2 semaphore(%arg9 : memref<!tpu.dma_semaphore, #tpu.memory_space<semaphore_mem>>) src(%arg5 : memref<16x2048xf32, #tpu.memory_space<vmem>>) dst(%dma_wait3A_88 : memref<16x2048xf32, #tpu.memory_space<hbm>>)
    %add3A_89 = arith.constant 80 : i32
    %add3A_90 = arith.addi %add3A_4, %add3A_89 : i32
    %dma_start3A_91 = arith.constant 0 : i32
    %dma_start3A_92 = tpu.memref_slice %arg2[%add3A_90, %dma_start3A_91] : memref<32768x2048xf32, #tpu.memory_space<hbm>> -> memref<16x2048xf32, #tpu.memory_space<hbm>>
    %dma_start3A_93 = arith.constant 0 : i32
    %dma_start3A_94 = tpu.memref_slice %arg2[%add3A_90, %dma_start3A_93] : memref<32768x2048xf32, #tpu.memory_space<hbm>> -> memref<16x2048xf32, #tpu.memory_space<hbm>>
    tpu.enqueue_dma source(%dma_start3A_94 : memref<16x2048xf32, #tpu.memory_space<hbm>>) target(%arg5 : memref<16x2048xf32, #tpu.memory_space<vmem>>) target_semaphore(%arg7 : memref<!tpu.dma_semaphore, #tpu.memory_space<semaphore_mem>>)
    %dma_wait3A_95 = arith.constant 0 : i32
    %dma_wait3A_96 = tpu.memref_slice %arg2[%add3A_70, %dma_wait3A_95] : memref<32768x2048xf32, #tpu.memory_space<hbm>> -> memref<16x2048xf32, #tpu.memory_space<hbm>>
    %dma_wait3A_97 = arith.constant 0 : i32
    %dma_wait3A_98 = tpu.memref_slice %arg2[%add3A_70, %dma_wait3A_97] : memref<32768x2048xf32, #tpu.memory_space<hbm>> -> memref<16x2048xf32, #tpu.memory_space<hbm>>
    tpu.wait_dma2 semaphore(%arg6 : memref<!tpu.dma_semaphore, #tpu.memory_space<semaphore_mem>>) src(%dma_wait3A_98 : memref<16x2048xf32, #tpu.memory_space<hbm>>) dst(%arg4 : memref<16x2048xf32, #tpu.memory_space<vmem>>)
    %add3A_99 = arith.constant 64 : i32
    %add3A_100 = arith.addi %mul3A_2, %add3A_99 : i32
    %dma_start3A_101 = arith.constant 0 : i32
    %dma_start3A_102 = tpu.memref_slice %arg3[%add3A_100, %dma_start3A_101] : memref<14336x2048xf32, #tpu.memory_space<hbm>> -> memref<16x2048xf32, #tpu.memory_space<hbm>>
    %dma_start3A_103 = arith.constant 0 : i32
    %dma_start3A_104 = tpu.memref_slice %arg3[%add3A_100, %dma_start3A_103] : memref<14336x2048xf32, #tpu.memory_space<hbm>> -> memref<16x2048xf32, #tpu.memory_space<hbm>>
    tpu.enqueue_dma source(%arg4 : memref<16x2048xf32, #tpu.memory_space<vmem>>) target(%dma_start3A_104 : memref<16x2048xf32, #tpu.memory_space<hbm>>) target_semaphore(%arg8 : memref<!tpu.dma_semaphore, #tpu.memory_space<semaphore_mem>>)
    %dma_wait3A_105 = arith.constant 0 : i32
    %dma_wait3A_106 = tpu.memref_slice %arg3[%add3A_100, %dma_wait3A_105] : memref<14336x2048xf32, #tpu.memory_space<hbm>> -> memref<16x2048xf32, #tpu.memory_space<hbm>>
    %dma_wait3A_107 = arith.constant 0 : i32
    %dma_wait3A_108 = tpu.memref_slice %arg3[%add3A_100, %dma_wait3A_107] : memref<14336x2048xf32, #tpu.memory_space<hbm>> -> memref<16x2048xf32, #tpu.memory_space<hbm>>
    tpu.wait_dma2 semaphore(%arg8 : memref<!tpu.dma_semaphore, #tpu.memory_space<semaphore_mem>>) src(%arg4 : memref<16x2048xf32, #tpu.memory_space<vmem>>) dst(%dma_wait3A_108 : memref<16x2048xf32, #tpu.memory_space<hbm>>)
    %add3A_109 = arith.constant 96 : i32
    %add3A_110 = arith.addi %add3A_4, %add3A_109 : i32
    %dma_start3A_111 = arith.constant 0 : i32
    %dma_start3A_112 = tpu.memref_slice %arg2[%add3A_110, %dma_start3A_111] : memref<32768x2048xf32, #tpu.memory_space<hbm>> -> memref<16x2048xf32, #tpu.memory_space<hbm>>
    %dma_start3A_113 = arith.constant 0 : i32
    %dma_start3A_114 = tpu.memref_slice %arg2[%add3A_110, %dma_start3A_113] : memref<32768x2048xf32, #tpu.memory_space<hbm>> -> memref<16x2048xf32, #tpu.memory_space<hbm>>
    tpu.enqueue_dma source(%dma_start3A_114 : memref<16x2048xf32, #tpu.memory_space<hbm>>) target(%arg4 : memref<16x2048xf32, #tpu.memory_space<vmem>>) target_semaphore(%arg6 : memref<!tpu.dma_semaphore, #tpu.memory_space<semaphore_mem>>)
    %dma_wait3A_115 = arith.constant 0 : i32
    %dma_wait3A_116 = tpu.memref_slice %arg2[%add3A_90, %dma_wait3A_115] : memref<32768x2048xf32, #tpu.memory_space<hbm>> -> memref<16x2048xf32, #tpu.memory_space<hbm>>
    %dma_wait3A_117 = arith.constant 0 : i32
    %dma_wait3A_118 = tpu.memref_slice %arg2[%add3A_90, %dma_wait3A_117] : memref<32768x2048xf32, #tpu.memory_space<hbm>> -> memref<16x2048xf32, #tpu.memory_space<hbm>>
    tpu.wait_dma2 semaphore(%arg7 : memref<!tpu.dma_semaphore, #tpu.memory_space<semaphore_mem>>) src(%dma_wait3A_118 : memref<16x2048xf32, #tpu.memory_space<hbm>>) dst(%arg5 : memref<16x2048xf32, #tpu.memory_space<vmem>>)
    %add3A_119 = arith.constant 80 : i32
    %add3A_120 = arith.addi %mul3A_2, %add3A_119 : i32
    %dma_start3A_121 = arith.constant 0 : i32
    %dma_start3A_122 = tpu.memref_slice %arg3[%add3A_120, %dma_start3A_121] : memref<14336x2048xf32, #tpu.memory_space<hbm>> -> memref<16x2048xf32, #tpu.memory_space<hbm>>
    %dma_start3A_123 = arith.constant 0 : i32
    %dma_start3A_124 = tpu.memref_slice %arg3[%add3A_120, %dma_start3A_123] : memref<14336x2048xf32, #tpu.memory_space<hbm>> -> memref<16x2048xf32, #tpu.memory_space<hbm>>
    tpu.enqueue_dma source(%arg5 : memref<16x2048xf32, #tpu.memory_space<vmem>>) target(%dma_start3A_124 : memref<16x2048xf32, #tpu.memory_space<hbm>>) target_semaphore(%arg9 : memref<!tpu.dma_semaphore, #tpu.memory_space<semaphore_mem>>)
    %dma_wait3A_125 = arith.constant 0 : i32
    %dma_wait3A_126 = tpu.memref_slice %arg3[%add3A_120, %dma_wait3A_125] : memref<14336x2048xf32, #tpu.memory_space<hbm>> -> memref<16x2048xf32, #tpu.memory_space<hbm>>
    %dma_wait3A_127 = arith.constant 0 : i32
    %dma_wait3A_128 = tpu.memref_slice %arg3[%add3A_120, %dma_wait3A_127] : memref<14336x2048xf32, #tpu.memory_space<hbm>> -> memref<16x2048xf32, #tpu.memory_space<hbm>>
    tpu.wait_dma2 semaphore(%arg9 : memref<!tpu.dma_semaphore, #tpu.memory_space<semaphore_mem>>) src(%arg5 : memref<16x2048xf32, #tpu.memory_space<vmem>>) dst(%dma_wait3A_128 : memref<16x2048xf32, #tpu.memory_space<hbm>>)
    %add3A_129 = arith.constant 112 : i32
    %add3A_130 = arith.addi %add3A_4, %add3A_129 : i32
    %dma_start3A_131 = arith.constant 0 : i32
    %dma_start3A_132 = tpu.memref_slice %arg2[%add3A_130, %dma_start3A_131] : memref<32768x2048xf32, #tpu.memory_space<hbm>> -> memref<16x2048xf32, #tpu.memory_space<hbm>>
    %dma_start3A_133 = arith.constant 0 : i32
    %dma_start3A_134 = tpu.memref_slice %arg2[%add3A_130, %dma_start3A_133] : memref<32768x2048xf32, #tpu.memory_space<hbm>> -> memref<16x2048xf32, #tpu.memory_space<hbm>>
    tpu.enqueue_dma source(%dma_start3A_134 : memref<16x2048xf32, #tpu.memory_space<hbm>>) target(%arg5 : memref<16x2048xf32, #tpu.memory_space<vmem>>) target_semaphore(%arg7 : memref<!tpu.dma_semaphore, #tpu.memory_space<semaphore_mem>>)
    %dma_wait3A_135 = arith.constant 0 : i32
    %dma_wait3A_136 = tpu.memref_slice %arg2[%add3A_110, %dma_wait3A_135] : memref<32768x2048xf32, #tpu.memory_space<hbm>> -> memref<16x2048xf32, #tpu.memory_space<hbm>>
    %dma_wait3A_137 = arith.constant 0 : i32
    %dma_wait3A_138 = tpu.memref_slice %arg2[%add3A_110, %dma_wait3A_137] : memref<32768x2048xf32, #tpu.memory_space<hbm>> -> memref<16x2048xf32, #tpu.memory_space<hbm>>
    tpu.wait_dma2 semaphore(%arg6 : memref<!tpu.dma_semaphore, #tpu.memory_space<semaphore_mem>>) src(%dma_wait3A_138 : memref<16x2048xf32, #tpu.memory_space<hbm>>) dst(%arg4 : memref<16x2048xf32, #tpu.memory_space<vmem>>)
    %add3A_139 = arith.constant 96 : i32
    %add3A_140 = arith.addi %mul3A_2, %add3A_139 : i32
    %dma_start3A_141 = arith.constant 0 : i32
    %dma_start3A_142 = tpu.memref_slice %arg3[%add3A_140, %dma_start3A_141] : memref<14336x2048xf32, #tpu.memory_space<hbm>> -> memref<16x2048xf32, #tpu.memory_space<hbm>>
    %dma_start3A_143 = arith.constant 0 : i32
    %dma_start3A_144 = tpu.memref_slice %arg3[%add3A_140, %dma_start3A_143] : memref<14336x2048xf32, #tpu.memory_space<hbm>> -> memref<16x2048xf32, #tpu.memory_space<hbm>>
    tpu.enqueue_dma source(%arg4 : memref<16x2048xf32, #tpu.memory_space<vmem>>) target(%dma_start3A_144 : memref<16x2048xf32, #tpu.memory_space<hbm>>) target_semaphore(%arg8 : memref<!tpu.dma_semaphore, #tpu.memory_space<semaphore_mem>>)
    %dma_wait3A_145 = arith.constant 0 : i32
    %dma_wait3A_146 = tpu.memref_slice %arg3[%add3A_140, %dma_wait3A_145] : memref<14336x2048xf32, #tpu.memory_space<hbm>> -> memref<16x2048xf32, #tpu.memory_space<hbm>>
    %dma_wait3A_147 = arith.constant 0 : i32
    %dma_wait3A_148 = tpu.memref_slice %arg3[%add3A_140, %dma_wait3A_147] : memref<14336x2048xf32, #tpu.memory_space<hbm>> -> memref<16x2048xf32, #tpu.memory_space<hbm>>
    tpu.wait_dma2 semaphore(%arg8 : memref<!tpu.dma_semaphore, #tpu.memory_space<semaphore_mem>>) src(%arg4 : memref<16x2048xf32, #tpu.memory_space<vmem>>) dst(%dma_wait3A_148 : memref<16x2048xf32, #tpu.memory_space<hbm>>)
    %add3A_149 = arith.constant 128 : i32
    %add3A_150 = arith.addi %add3A_4, %add3A_149 : i32
    %dma_start3A_151 = arith.constant 0 : i32
    %dma_start3A_152 = tpu.memref_slice %arg2[%add3A_150, %dma_start3A_151] : memref<32768x2048xf32, #tpu.memory_space<hbm>> -> memref<16x2048xf32, #tpu.memory_space<hbm>>
    %dma_start3A_153 = arith.constant 0 : i32
    %dma_start3A_154 = tpu.memref_slice %arg2[%add3A_150, %dma_start3A_153] : memref<32768x2048xf32, #tpu.memory_space<hbm>> -> memref<16x2048xf32, #tpu.memory_space<hbm>>
    tpu.enqueue_dma source(%dma_start3A_154 : memref<16x2048xf32, #tpu.memory_space<hbm>>) target(%arg4 : memref<16x2048xf32, #tpu.memory_space<vmem>>) target_semaphore(%arg6 : memref<!tpu.dma_semaphore, #tpu.memory_space<semaphore_mem>>)
    %dma_wait3A_155 = arith.constant 0 : i32
    %dma_wait3A_156 = tpu.memref_slice %arg2[%add3A_130, %dma_wait3A_155] : memref<32768x2048xf32, #tpu.memory_space<hbm>> -> memref<16x2048xf32, #tpu.memory_space<hbm>>
    %dma_wait3A_157 = arith.constant 0 : i32
    %dma_wait3A_158 = tpu.memref_slice %arg2[%add3A_130, %dma_wait3A_157] : memref<32768x2048xf32, #tpu.memory_space<hbm>> -> memref<16x2048xf32, #tpu.memory_space<hbm>>
    tpu.wait_dma2 semaphore(%arg7 : memref<!tpu.dma_semaphore, #tpu.memory_space<semaphore_mem>>) src(%dma_wait3A_158 : memref<16x2048xf32, #tpu.memory_space<hbm>>) dst(%arg5 : memref<16x2048xf32, #tpu.memory_space<vmem>>)
    %add3A_159 = arith.constant 112 : i32
    %add3A_160 = arith.addi %mul3A_2, %add3A_159 : i32
    %dma_start3A_161 = arith.constant 0 : i32
    %dma_start3A_162 = tpu.memref_slice %arg3[%add3A_160, %dma_start3A_161] : memref<14336x2048xf32, #tpu.memory_space<hbm>> -> memref<16x2048xf32, #tpu.memory_space<hbm>>
    %dma_start3A_163 = arith.constant 0 : i32
    %dma_start3A_164 = tpu.memref_slice %arg3[%add3A_160, %dma_start3A_163] : memref<14336x2048xf32, #tpu.memory_space<hbm>> -> memref<16x2048xf32, #tpu.memory_space<hbm>>
    tpu.enqueue_dma source(%arg5 : memref<16x2048xf32, #tpu.memory_space<vmem>>) target(%dma_start3A_164 : memref<16x2048xf32, #tpu.memory_space<hbm>>) target_semaphore(%arg9 : memref<!tpu.dma_semaphore, #tpu.memory_space<semaphore_mem>>)
    %dma_wait3A_165 = arith.constant 0 : i32
    %dma_wait3A_166 = tpu.memref_slice %arg3[%add3A_160, %dma_wait3A_165] : memref<14336x2048xf32, #tpu.memory_space<hbm>> -> memref<16x2048xf32, #tpu.memory_space<hbm>>
    %dma_wait3A_167 = arith.constant 0 : i32
    %dma_wait3A_168 = tpu.memref_slice %arg3[%add3A_160, %dma_wait3A_167] : memref<14336x2048xf32, #tpu.memory_space<hbm>> -> memref<16x2048xf32, #tpu.memory_space<hbm>>
    tpu.wait_dma2 semaphore(%arg9 : memref<!tpu.dma_semaphore, #tpu.memory_space<semaphore_mem>>) src(%arg5 : memref<16x2048xf32, #tpu.memory_space<vmem>>) dst(%dma_wait3A_168 : memref<16x2048xf32, #tpu.memory_space<hbm>>)
    %add3A_169 = arith.constant 144 : i32
    %add3A_170 = arith.addi %add3A_4, %add3A_169 : i32
    %dma_start3A_171 = arith.constant 0 : i32
    %dma_start3A_172 = tpu.memref_slice %arg2[%add3A_170, %dma_start3A_171] : memref<32768x2048xf32, #tpu.memory_space<hbm>> -> memref<16x2048xf32, #tpu.memory_space<hbm>>
    %dma_start3A_173 = arith.constant 0 : i32
    %dma_start3A_174 = tpu.memref_slice %arg2[%add3A_170, %dma_start3A_173] : memref<32768x2048xf32, #tpu.memory_space<hbm>> -> memref<16x2048xf32, #tpu.memory_space<hbm>>
    tpu.enqueue_dma source(%dma_start3A_174 : memref<16x2048xf32, #tpu.memory_space<hbm>>) target(%arg5 : memref<16x2048xf32, #tpu.memory_space<vmem>>) target_semaphore(%arg7 : memref<!tpu.dma_semaphore, #tpu.memory_space<semaphore_mem>>)
    %dma_wait3A_175 = arith.constant 0 : i32
    %dma_wait3A_176 = tpu.memref_slice %arg2[%add3A_150, %dma_wait3A_175] : memref<32768x2048xf32, #tpu.memory_space<hbm>> -> memref<16x2048xf32, #tpu.memory_space<hbm>>
    %dma_wait3A_177 = arith.constant 0 : i32
    %dma_wait3A_178 = tpu.memref_slice %arg2[%add3A_150, %dma_wait3A_177] : memref<32768x2048xf32, #tpu.memory_space<hbm>> -> memref<16x2048xf32, #tpu.memory_space<hbm>>
    tpu.wait_dma2 semaphore(%arg6 : memref<!tpu.dma_semaphore, #tpu.memory_space<semaphore_mem>>) src(%dma_wait3A_178 : memref<16x2048xf32, #tpu.memory_space<hbm>>) dst(%arg4 : memref<16x2048xf32, #tpu.memory_space<vmem>>)
    %add3A_179 = arith.constant 128 : i32
    %add3A_180 = arith.addi %mul3A_2, %add3A_179 : i32
    %dma_start3A_181 = arith.constant 0 : i32
    %dma_start3A_182 = tpu.memref_slice %arg3[%add3A_180, %dma_start3A_181] : memref<14336x2048xf32, #tpu.memory_space<hbm>> -> memref<16x2048xf32, #tpu.memory_space<hbm>>
    %dma_start3A_183 = arith.constant 0 : i32
    %dma_start3A_184 = tpu.memref_slice %arg3[%add3A_180, %dma_start3A_183] : memref<14336x2048xf32, #tpu.memory_space<hbm>> -> memref<16x2048xf32, #tpu.memory_space<hbm>>
    tpu.enqueue_dma source(%arg4 : memref<16x2048xf32, #tpu.memory_space<vmem>>) target(%dma_start3A_184 : memref<16x2048xf32, #tpu.memory_space<hbm>>) target_semaphore(%arg8 : memref<!tpu.dma_semaphore, #tpu.memory_space<semaphore_mem>>)
    %dma_wait3A_185 = arith.constant 0 : i32
    %dma_wait3A_186 = tpu.memref_slice %arg3[%add3A_180, %dma_wait3A_185] : memref<14336x2048xf32, #tpu.memory_space<hbm>> -> memref<16x2048xf32, #tpu.memory_space<hbm>>
    %dma_wait3A_187 = arith.constant 0 : i32
    %dma_wait3A_188 = tpu.memref_slice %arg3[%add3A_180, %dma_wait3A_187] : memref<14336x2048xf32, #tpu.memory_space<hbm>> -> memref<16x2048xf32, #tpu.memory_space<hbm>>
    tpu.wait_dma2 semaphore(%arg8 : memref<!tpu.dma_semaphore, #tpu.memory_space<semaphore_mem>>) src(%arg4 : memref<16x2048xf32, #tpu.memory_space<vmem>>) dst(%dma_wait3A_188 : memref<16x2048xf32, #tpu.memory_space<hbm>>)
    %add3A_189 = arith.constant 160 : i32
    %add3A_190 = arith.addi %add3A_4, %add3A_189 : i32
    %dma_start3A_191 = arith.constant 0 : i32
    %dma_start3A_192 = tpu.memref_slice %arg2[%add3A_190, %dma_start3A_191] : memref<32768x2048xf32, #tpu.memory_space<hbm>> -> memref<16x2048xf32, #tpu.memory_space<hbm>>
    %dma_start3A_193 = arith.constant 0 : i32
    %dma_start3A_194 = tpu.memref_slice %arg2[%add3A_190, %dma_start3A_193] : memref<32768x2048xf32, #tpu.memory_space<hbm>> -> memref<16x2048xf32, #tpu.memory_space<hbm>>
    tpu.enqueue_dma source(%dma_start3A_194 : memref<16x2048xf32, #tpu.memory_space<hbm>>) target(%arg4 : memref<16x2048xf32, #tpu.memory_space<vmem>>) target_semaphore(%arg6 : memref<!tpu.dma_semaphore, #tpu.memory_space<semaphore_mem>>)
    %dma_wait3A_195 = arith.constant 0 : i32
    %dma_wait3A_196 = tpu.memref_slice %arg2[%add3A_170, %dma_wait3A_195] : memref<32768x2048xf32, #tpu.memory_space<hbm>> -> memref<16x2048xf32, #tpu.memory_space<hbm>>
    %dma_wait3A_197 = arith.constant 0 : i32
    %dma_wait3A_198 = tpu.memref_slice %arg2[%add3A_170, %dma_wait3A_197] : memref<32768x2048xf32, #tpu.memory_space<hbm>> -> memref<16x2048xf32, #tpu.memory_space<hbm>>
    tpu.wait_dma2 semaphore(%arg7 : memref<!tpu.dma_semaphore, #tpu.memory_space<semaphore_mem>>) src(%dma_wait3A_198 : memref<16x2048xf32, #tpu.memory_space<hbm>>) dst(%arg5 : memref<16x2048xf32, #tpu.memory_space<vmem>>)
    %add3A_199 = arith.constant 144 : i32
    %add3A_200 = arith.addi %mul3A_2, %add3A_199 : i32
    %dma_start3A_201 = arith.constant 0 : i32
    %dma_start3A_202 = tpu.memref_slice %arg3[%add3A_200, %dma_start3A_201] : memref<14336x2048xf32, #tpu.memory_space<hbm>> -> memref<16x2048xf32, #tpu.memory_space<hbm>>
    %dma_start3A_203 = arith.constant 0 : i32
    %dma_start3A_204 = tpu.memref_slice %arg3[%add3A_200, %dma_start3A_203] : memref<14336x2048xf32, #tpu.memory_space<hbm>> -> memref<16x2048xf32, #tpu.memory_space<hbm>>
    tpu.enqueue_dma source(%arg5 : memref<16x2048xf32, #tpu.memory_space<vmem>>) target(%dma_start3A_204 : memref<16x2048xf32, #tpu.memory_space<hbm>>) target_semaphore(%arg9 : memref<!tpu.dma_semaphore, #tpu.memory_space<semaphore_mem>>)
    %dma_wait3A_205 = arith.constant 0 : i32
    %dma_wait3A_206 = tpu.memref_slice %arg3[%add3A_200, %dma_wait3A_205] : memref<14336x2048xf32, #tpu.memory_space<hbm>> -> memref<16x2048xf32, #tpu.memory_space<hbm>>
    %dma_wait3A_207 = arith.constant 0 : i32
    %dma_wait3A_208 = tpu.memref_slice %arg3[%add3A_200, %dma_wait3A_207] : memref<14336x2048xf32, #tpu.memory_space<hbm>> -> memref<16x2048xf32, #tpu.memory_space<hbm>>
    tpu.wait_dma2 semaphore(%arg9 : memref<!tpu.dma_semaphore, #tpu.memory_space<semaphore_mem>>) src(%arg5 : memref<16x2048xf32, #tpu.memory_space<vmem>>) dst(%dma_wait3A_208 : memref<16x2048xf32, #tpu.memory_space<hbm>>)
    %add3A_209 = arith.constant 176 : i32
    %add3A_210 = arith.addi %add3A_4, %add3A_209 : i32
    %dma_start3A_211 = arith.constant 0 : i32
    %dma_start3A_212 = tpu.memref_slice %arg2[%add3A_210, %dma_start3A_211] : memref<32768x2048xf32, #tpu.memory_space<hbm>> -> memref<16x2048xf32, #tpu.memory_space<hbm>>
    %dma_start3A_213 = arith.constant 0 : i32
    %dma_start3A_214 = tpu.memref_slice %arg2[%add3A_210, %dma_start3A_213] : memref<32768x2048xf32, #tpu.memory_space<hbm>> -> memref<16x2048xf32, #tpu.memory_space<hbm>>
    tpu.enqueue_dma source(%dma_start3A_214 : memref<16x2048xf32, #tpu.memory_space<hbm>>) target(%arg5 : memref<16x2048xf32, #tpu.memory_space<vmem>>) target_semaphore(%arg7 : memref<!tpu.dma_semaphore, #tpu.memory_space<semaphore_mem>>)
    %dma_wait3A_215 = arith.constant 0 : i32
    %dma_wait3A_216 = tpu.memref_slice %arg2[%add3A_190, %dma_wait3A_215] : memref<32768x2048xf32, #tpu.memory_space<hbm>> -> memref<16x2048xf32, #tpu.memory_space<hbm>>
    %dma_wait3A_217 = arith.constant 0 : i32
    %dma_wait3A_218 = tpu.memref_slice %arg2[%add3A_190, %dma_wait3A_217] : memref<32768x2048xf32, #tpu.memory_space<hbm>> -> memref<16x2048xf32, #tpu.memory_space<hbm>>
    tpu.wait_dma2 semaphore(%arg6 : memref<!tpu.dma_semaphore, #tpu.memory_space<semaphore_mem>>) src(%dma_wait3A_218 : memref<16x2048xf32, #tpu.memory_space<hbm>>) dst(%arg4 : memref<16x2048xf32, #tpu.memory_space<vmem>>)
    %add3A_219 = arith.constant 160 : i32
    %add3A_220 = arith.addi %mul3A_2, %add3A_219 : i32
    %dma_start3A_221 = arith.constant 0 : i32
    %dma_start3A_222 = tpu.memref_slice %arg3[%add3A_220, %dma_start3A_221] : memref<14336x2048xf32, #tpu.memory_space<hbm>> -> memref<16x2048xf32, #tpu.memory_space<hbm>>
    %dma_start3A_223 = arith.constant 0 : i32
    %dma_start3A_224 = tpu.memref_slice %arg3[%add3A_220, %dma_start3A_223] : memref<14336x2048xf32, #tpu.memory_space<hbm>> -> memref<16x2048xf32, #tpu.memory_space<hbm>>
    tpu.enqueue_dma source(%arg4 : memref<16x2048xf32, #tpu.memory_space<vmem>>) target(%dma_start3A_224 : memref<16x2048xf32, #tpu.memory_space<hbm>>) target_semaphore(%arg8 : memref<!tpu.dma_semaphore, #tpu.memory_space<semaphore_mem>>)
    %dma_wait3A_225 = arith.constant 0 : i32
    %dma_wait3A_226 = tpu.memref_slice %arg3[%add3A_220, %dma_wait3A_225] : memref<14336x2048xf32, #tpu.memory_space<hbm>> -> memref<16x2048xf32, #tpu.memory_space<hbm>>
    %dma_wait3A_227 = arith.constant 0 : i32
    %dma_wait3A_228 = tpu.memref_slice %arg3[%add3A_220, %dma_wait3A_227] : memref<14336x2048xf32, #tpu.memory_space<hbm>> -> memref<16x2048xf32, #tpu.memory_space<hbm>>
    tpu.wait_dma2 semaphore(%arg8 : memref<!tpu.dma_semaphore, #tpu.memory_space<semaphore_mem>>) src(%arg4 : memref<16x2048xf32, #tpu.memory_space<vmem>>) dst(%dma_wait3A_228 : memref<16x2048xf32, #tpu.memory_space<hbm>>)
    %add3A_229 = arith.constant 192 : i32
    %add3A_230 = arith.addi %add3A_4, %add3A_229 : i32
    %dma_start3A_231 = arith.constant 0 : i32
    %dma_start3A_232 = tpu.memref_slice %arg2[%add3A_230, %dma_start3A_231] : memref<32768x2048xf32, #tpu.memory_space<hbm>> -> memref<16x2048xf32, #tpu.memory_space<hbm>>
    %dma_start3A_233 = arith.constant 0 : i32
    %dma_start3A_234 = tpu.memref_slice %arg2[%add3A_230, %dma_start3A_233] : memref<32768x2048xf32, #tpu.memory_space<hbm>> -> memref<16x2048xf32, #tpu.memory_space<hbm>>
    tpu.enqueue_dma source(%dma_start3A_234 : memref<16x2048xf32, #tpu.memory_space<hbm>>) target(%arg4 : memref<16x2048xf32, #tpu.memory_space<vmem>>) target_semaphore(%arg6 : memref<!tpu.dma_semaphore, #tpu.memory_space<semaphore_mem>>)
    %dma_wait3A_235 = arith.constant 0 : i32
    %dma_wait3A_236 = tpu.memref_slice %arg2[%add3A_210, %dma_wait3A_235] : memref<32768x2048xf32, #tpu.memory_space<hbm>> -> memref<16x2048xf32, #tpu.memory_space<hbm>>
    %dma_wait3A_237 = arith.constant 0 : i32
    %dma_wait3A_238 = tpu.memref_slice %arg2[%add3A_210, %dma_wait3A_237] : memref<32768x2048xf32, #tpu.memory_space<hbm>> -> memref<16x2048xf32, #tpu.memory_space<hbm>>
    tpu.wait_dma2 semaphore(%arg7 : memref<!tpu.dma_semaphore, #tpu.memory_space<semaphore_mem>>) src(%dma_wait3A_238 : memref<16x2048xf32, #tpu.memory_space<hbm>>) dst(%arg5 : memref<16x2048xf32, #tpu.memory_space<vmem>>)
    %add3A_239 = arith.constant 176 : i32
    %add3A_240 = arith.addi %mul3A_2, %add3A_239 : i32
    %dma_start3A_241 = arith.constant 0 : i32
    %dma_start3A_242 = tpu.memref_slice %arg3[%add3A_240, %dma_start3A_241] : memref<14336x2048xf32, #tpu.memory_space<hbm>> -> memref<16x2048xf32, #tpu.memory_space<hbm>>
    %dma_start3A_243 = arith.constant 0 : i32
    %dma_start3A_244 = tpu.memref_slice %arg3[%add3A_240, %dma_start3A_243] : memref<14336x2048xf32, #tpu.memory_space<hbm>> -> memref<16x2048xf32, #tpu.memory_space<hbm>>
    tpu.enqueue_dma source(%arg5 : memref<16x2048xf32, #tpu.memory_space<vmem>>) target(%dma_start3A_244 : memref<16x2048xf32, #tpu.memory_space<hbm>>) target_semaphore(%arg9 : memref<!tpu.dma_semaphore, #tpu.memory_space<semaphore_mem>>)
    %dma_wait3A_245 = arith.constant 0 : i32
    %dma_wait3A_246 = tpu.memref_slice %arg3[%add3A_240, %dma_wait3A_245] : memref<14336x2048xf32, #tpu.memory_space<hbm>> -> memref<16x2048xf32, #tpu.memory_space<hbm>>
    %dma_wait3A_247 = arith.constant 0 : i32
    %dma_wait3A_248 = tpu.memref_slice %arg3[%add3A_240, %dma_wait3A_247] : memref<14336x2048xf32, #tpu.memory_space<hbm>> -> memref<16x2048xf32, #tpu.memory_space<hbm>>
    tpu.wait_dma2 semaphore(%arg9 : memref<!tpu.dma_semaphore, #tpu.memory_space<semaphore_mem>>) src(%arg5 : memref<16x2048xf32, #tpu.memory_space<vmem>>) dst(%dma_wait3A_248 : memref<16x2048xf32, #tpu.memory_space<hbm>>)
    %add3A_249 = arith.constant 208 : i32
    %add3A_250 = arith.addi %add3A_4, %add3A_249 : i32
    %dma_start3A_251 = arith.constant 0 : i32
    %dma_start3A_252 = tpu.memref_slice %arg2[%add3A_250, %dma_start3A_251] : memref<32768x2048xf32, #tpu.memory_space<hbm>> -> memref<16x2048xf32, #tpu.memory_space<hbm>>
    %dma_start3A_253 = arith.constant 0 : i32
    %dma_start3A_254 = tpu.memref_slice %arg2[%add3A_250, %dma_start3A_253] : memref<32768x2048xf32, #tpu.memory_space<hbm>> -> memref<16x2048xf32, #tpu.memory_space<hbm>>
    tpu.enqueue_dma source(%dma_start3A_254 : memref<16x2048xf32, #tpu.memory_space<hbm>>) target(%arg5 : memref<16x2048xf32, #tpu.memory_space<vmem>>) target_semaphore(%arg7 : memref<!tpu.dma_semaphore, #tpu.memory_space<semaphore_mem>>)
    %dma_wait3A_255 = arith.constant 0 : i32
    %dma_wait3A_256 = tpu.memref_slice %arg2[%add3A_230, %dma_wait3A_255] : memref<32768x2048xf32, #tpu.memory_space<hbm>> -> memref<16x2048xf32, #tpu.memory_space<hbm>>
    %dma_wait3A_257 = arith.constant 0 : i32
    %dma_wait3A_258 = tpu.memref_slice %arg2[%add3A_230, %dma_wait3A_257] : memref<32768x2048xf32, #tpu.memory_space<hbm>> -> memref<16x2048xf32, #tpu.memory_space<hbm>>
    tpu.wait_dma2 semaphore(%arg6 : memref<!tpu.dma_semaphore, #tpu.memory_space<semaphore_mem>>) src(%dma_wait3A_258 : memref<16x2048xf32, #tpu.memory_space<hbm>>) dst(%arg4 : memref<16x2048xf32, #tpu.memory_space<vmem>>)
    %add3A_259 = arith.constant 192 : i32
    %add3A_260 = arith.addi %mul3A_2, %add3A_259 : i32
    %dma_start3A_261 = arith.constant 0 : i32
    %dma_start3A_262 = tpu.memref_slice %arg3[%add3A_260, %dma_start3A_261] : memref<14336x2048xf32, #tpu.memory_space<hbm>> -> memref<16x2048xf32, #tpu.memory_space<hbm>>
    %dma_start3A_263 = arith.constant 0 : i32
    %dma_start3A_264 = tpu.memref_slice %arg3[%add3A_260, %dma_start3A_263] : memref<14336x2048xf32, #tpu.memory_space<hbm>> -> memref<16x2048xf32, #tpu.memory_space<hbm>>
    tpu.enqueue_dma source(%arg4 : memref<16x2048xf32, #tpu.memory_space<vmem>>) target(%dma_start3A_264 : memref<16x2048xf32, #tpu.memory_space<hbm>>) target_semaphore(%arg8 : memref<!tpu.dma_semaphore, #tpu.memory_space<semaphore_mem>>)
    %dma_wait3A_265 = arith.constant 0 : i32
    %dma_wait3A_266 = tpu.memref_slice %arg3[%add3A_260, %dma_wait3A_265] : memref<14336x2048xf32, #tpu.memory_space<hbm>> -> memref<16x2048xf32, #tpu.memory_space<hbm>>
    %dma_wait3A_267 = arith.constant 0 : i32
    %dma_wait3A_268 = tpu.memref_slice %arg3[%add3A_260, %dma_wait3A_267] : memref<14336x2048xf32, #tpu.memory_space<hbm>> -> memref<16x2048xf32, #tpu.memory_space<hbm>>
    tpu.wait_dma2 semaphore(%arg8 : memref<!tpu.dma_semaphore, #tpu.memory_space<semaphore_mem>>) src(%arg4 : memref<16x2048xf32, #tpu.memory_space<vmem>>) dst(%dma_wait3A_268 : memref<16x2048xf32, #tpu.memory_space<hbm>>)
    %add3A_269 = arith.constant 224 : i32
    %add3A_270 = arith.addi %add3A_4, %add3A_269 : i32
    %dma_start3A_271 = arith.constant 0 : i32
    %dma_start3A_272 = tpu.memref_slice %arg2[%add3A_270, %dma_start3A_271] : memref<32768x2048xf32, #tpu.memory_space<hbm>> -> memref<16x2048xf32, #tpu.memory_space<hbm>>
    %dma_start3A_273 = arith.constant 0 : i32
    %dma_start3A_274 = tpu.memref_slice %arg2[%add3A_270, %dma_start3A_273] : memref<32768x2048xf32, #tpu.memory_space<hbm>> -> memref<16x2048xf32, #tpu.memory_space<hbm>>
    tpu.enqueue_dma source(%dma_start3A_274 : memref<16x2048xf32, #tpu.memory_space<hbm>>) target(%arg4 : memref<16x2048xf32, #tpu.memory_space<vmem>>) target_semaphore(%arg6 : memref<!tpu.dma_semaphore, #tpu.memory_space<semaphore_mem>>)
    %dma_wait3A_275 = arith.constant 0 : i32
    %dma_wait3A_276 = tpu.memref_slice %arg2[%add3A_250, %dma_wait3A_275] : memref<32768x2048xf32, #tpu.memory_space<hbm>> -> memref<16x2048xf32, #tpu.memory_space<hbm>>
    %dma_wait3A_277 = arith.constant 0 : i32
    %dma_wait3A_278 = tpu.memref_slice %arg2[%add3A_250, %dma_wait3A_277] : memref<32768x2048xf32, #tpu.memory_space<hbm>> -> memref<16x2048xf32, #tpu.memory_space<hbm>>
    tpu.wait_dma2 semaphore(%arg7 : memref<!tpu.dma_semaphore, #tpu.memory_space<semaphore_mem>>) src(%dma_wait3A_278 : memref<16x2048xf32, #tpu.memory_space<hbm>>) dst(%arg5 : memref<16x2048xf32, #tpu.memory_space<vmem>>)
    %add3A_279 = arith.constant 208 : i32
    %add3A_280 = arith.addi %mul3A_2, %add3A_279 : i32
    %dma_start3A_281 = arith.constant 0 : i32
    %dma_start3A_282 = tpu.memref_slice %arg3[%add3A_280, %dma_start3A_281] : memref<14336x2048xf32, #tpu.memory_space<hbm>> -> memref<16x2048xf32, #tpu.memory_space<hbm>>
    %dma_start3A_283 = arith.constant 0 : i32
    %dma_start3A_284 = tpu.memref_slice %arg3[%add3A_280, %dma_start3A_283] : memref<14336x2048xf32, #tpu.memory_space<hbm>> -> memref<16x2048xf32, #tpu.memory_space<hbm>>
    tpu.enqueue_dma source(%arg5 : memref<16x2048xf32, #tpu.memory_space<vmem>>) target(%dma_start3A_284 : memref<16x2048xf32, #tpu.memory_space<hbm>>) target_semaphore(%arg9 : memref<!tpu.dma_semaphore, #tpu.memory_space<semaphore_mem>>)
    %dma_wait3A_285 = arith.constant 0 : i32
    %dma_wait3A_286 = tpu.memref_slice %arg3[%add3A_280, %dma_wait3A_285] : memref<14336x2048xf32, #tpu.memory_space<hbm>> -> memref<16x2048xf32, #tpu.memory_space<hbm>>
    %dma_wait3A_287 = arith.constant 0 : i32
    %dma_wait3A_288 = tpu.memref_slice %arg3[%add3A_280, %dma_wait3A_287] : memref<14336x2048xf32, #tpu.memory_space<hbm>> -> memref<16x2048xf32, #tpu.memory_space<hbm>>
    tpu.wait_dma2 semaphore(%arg9 : memref<!tpu.dma_semaphore, #tpu.memory_space<semaphore_mem>>) src(%arg5 : memref<16x2048xf32, #tpu.memory_space<vmem>>) dst(%dma_wait3A_288 : memref<16x2048xf32, #tpu.memory_space<hbm>>)
    %add3A_289 = arith.constant 240 : i32
    %add3A_290 = arith.addi %add3A_4, %add3A_289 : i32
    %dma_start3A_291 = arith.constant 0 : i32
    %dma_start3A_292 = tpu.memref_slice %arg2[%add3A_290, %dma_start3A_291] : memref<32768x2048xf32, #tpu.memory_space<hbm>> -> memref<16x2048xf32, #tpu.memory_space<hbm>>
    %dma_start3A_293 = arith.constant 0 : i32
    %dma_start3A_294 = tpu.memref_slice %arg2[%add3A_290, %dma_start3A_293] : memref<32768x2048xf32, #tpu.memory_space<hbm>> -> memref<16x2048xf32, #tpu.memory_space<hbm>>
    tpu.enqueue_dma source(%dma_start3A_294 : memref<16x2048xf32, #tpu.memory_space<hbm>>) target(%arg5 : memref<16x2048xf32, #tpu.memory_space<vmem>>) target_semaphore(%arg7 : memref<!tpu.dma_semaphore, #tpu.memory_space<semaphore_mem>>)
    %dma_wait3A_295 = arith.constant 0 : i32
    %dma_wait3A_296 = tpu.memref_slice %arg2[%add3A_270, %dma_wait3A_295] : memref<32768x2048xf32, #tpu.memory_space<hbm>> -> memref<16x2048xf32, #tpu.memory_space<hbm>>
    %dma_wait3A_297 = arith.constant 0 : i32
    %dma_wait3A_298 = tpu.memref_slice %arg2[%add3A_270, %dma_wait3A_297] : memref<32768x2048xf32, #tpu.memory_space<hbm>> -> memref<16x2048xf32, #tpu.memory_space<hbm>>
    tpu.wait_dma2 semaphore(%arg6 : memref<!tpu.dma_semaphore, #tpu.memory_space<semaphore_mem>>) src(%dma_wait3A_298 : memref<16x2048xf32, #tpu.memory_space<hbm>>) dst(%arg4 : memref<16x2048xf32, #tpu.memory_space<vmem>>)
    %add3A_299 = arith.constant 224 : i32
    %add3A_300 = arith.addi %mul3A_2, %add3A_299 : i32
    %dma_start3A_301 = arith.constant 0 : i32
    %dma_start3A_302 = tpu.memref_slice %arg3[%add3A_300, %dma_start3A_301] : memref<14336x2048xf32, #tpu.memory_space<hbm>> -> memref<16x2048xf32, #tpu.memory_space<hbm>>
    %dma_start3A_303 = arith.constant 0 : i32
    %dma_start3A_304 = tpu.memref_slice %arg3[%add3A_300, %dma_start3A_303] : memref<14336x2048xf32, #tpu.memory_space<hbm>> -> memref<16x2048xf32, #tpu.memory_space<hbm>>
    tpu.enqueue_dma source(%arg4 : memref<16x2048xf32, #tpu.memory_space<vmem>>) target(%dma_start3A_304 : memref<16x2048xf32, #tpu.memory_space<hbm>>) target_semaphore(%arg8 : memref<!tpu.dma_semaphore, #tpu.memory_space<semaphore_mem>>)
    %dma_wait3A_305 = arith.constant 0 : i32
    %dma_wait3A_306 = tpu.memref_slice %arg3[%add3A_300, %dma_wait3A_305] : memref<14336x2048xf32, #tpu.memory_space<hbm>> -> memref<16x2048xf32, #tpu.memory_space<hbm>>
    %dma_wait3A_307 = arith.constant 0 : i32
    %dma_wait3A_308 = tpu.memref_slice %arg3[%add3A_300, %dma_wait3A_307] : memref<14336x2048xf32, #tpu.memory_space<hbm>> -> memref<16x2048xf32, #tpu.memory_space<hbm>>
    tpu.wait_dma2 semaphore(%arg8 : memref<!tpu.dma_semaphore, #tpu.memory_space<semaphore_mem>>) src(%arg4 : memref<16x2048xf32, #tpu.memory_space<vmem>>) dst(%dma_wait3A_308 : memref<16x2048xf32, #tpu.memory_space<hbm>>)
    %add3A_309 = arith.constant 256 : i32
    %add3A_310 = arith.addi %add3A_4, %add3A_309 : i32
    %dma_start3A_311 = arith.constant 0 : i32
    %dma_start3A_312 = tpu.memref_slice %arg2[%add3A_310, %dma_start3A_311] : memref<32768x2048xf32, #tpu.memory_space<hbm>> -> memref<16x2048xf32, #tpu.memory_space<hbm>>
    %dma_start3A_313 = arith.constant 0 : i32
    %dma_start3A_314 = tpu.memref_slice %arg2[%add3A_310, %dma_start3A_313] : memref<32768x2048xf32, #tpu.memory_space<hbm>> -> memref<16x2048xf32, #tpu.memory_space<hbm>>
    tpu.enqueue_dma source(%dma_start3A_314 : memref<16x2048xf32, #tpu.memory_space<hbm>>) target(%arg4 : memref<16x2048xf32, #tpu.memory_space<vmem>>) target_semaphore(%arg6 : memref<!tpu.dma_semaphore, #tpu.memory_space<semaphore_mem>>)
    %dma_wait3A_315 = arith.constant 0 : i32
    %dma_wait3A_316 = tpu.memref_slice %arg2[%add3A_290, %dma_wait3A_315] : memref<32768x2048xf32, #tpu.memory_space<hbm>> -> memref<16x2048xf32, #tpu.memory_space<hbm>>
    %dma_wait3A_317 = arith.constant 0 : i32
    %dma_wait3A_318 = tpu.memref_slice %arg2[%add3A_290, %dma_wait3A_317] : memref<32768x2048xf32, #tpu.memory_space<hbm>> -> memref<16x2048xf32, #tpu.memory_space<hbm>>
    tpu.wait_dma2 semaphore(%arg7 : memref<!tpu.dma_semaphore, #tpu.memory_space<semaphore_mem>>) src(%dma_wait3A_318 : memref<16x2048xf32, #tpu.memory_space<hbm>>) dst(%arg5 : memref<16x2048xf32, #tpu.memory_space<vmem>>)
    %add3A_319 = arith.constant 240 : i32
    %add3A_320 = arith.addi %mul3A_2, %add3A_319 : i32
    %dma_start3A_321 = arith.constant 0 : i32
    %dma_start3A_322 = tpu.memref_slice %arg3[%add3A_320, %dma_start3A_321] : memref<14336x2048xf32, #tpu.memory_space<hbm>> -> memref<16x2048xf32, #tpu.memory_space<hbm>>
    %dma_start3A_323 = arith.constant 0 : i32
    %dma_start3A_324 = tpu.memref_slice %arg3[%add3A_320, %dma_start3A_323] : memref<14336x2048xf32, #tpu.memory_space<hbm>> -> memref<16x2048xf32, #tpu.memory_space<hbm>>
    tpu.enqueue_dma source(%arg5 : memref<16x2048xf32, #tpu.memory_space<vmem>>) target(%dma_start3A_324 : memref<16x2048xf32, #tpu.memory_space<hbm>>) target_semaphore(%arg9 : memref<!tpu.dma_semaphore, #tpu.memory_space<semaphore_mem>>)
    %dma_wait3A_325 = arith.constant 0 : i32
    %dma_wait3A_326 = tpu.memref_slice %arg3[%add3A_320, %dma_wait3A_325] : memref<14336x2048xf32, #tpu.memory_space<hbm>> -> memref<16x2048xf32, #tpu.memory_space<hbm>>
    %dma_wait3A_327 = arith.constant 0 : i32
    %dma_wait3A_328 = tpu.memref_slice %arg3[%add3A_320, %dma_wait3A_327] : memref<14336x2048xf32, #tpu.memory_space<hbm>> -> memref<16x2048xf32, #tpu.memory_space<hbm>>
    tpu.wait_dma2 semaphore(%arg9 : memref<!tpu.dma_semaphore, #tpu.memory_space<semaphore_mem>>) src(%arg5 : memref<16x2048xf32, #tpu.memory_space<vmem>>) dst(%dma_wait3A_328 : memref<16x2048xf32, #tpu.memory_space<hbm>>)
    %add3A_329 = arith.constant 272 : i32
    %add3A_330 = arith.addi %add3A_4, %add3A_329 : i32
    %dma_start3A_331 = arith.constant 0 : i32
    %dma_start3A_332 = tpu.memref_slice %arg2[%add3A_330, %dma_start3A_331] : memref<32768x2048xf32, #tpu.memory_space<hbm>> -> memref<16x2048xf32, #tpu.memory_space<hbm>>
    %dma_start3A_333 = arith.constant 0 : i32
    %dma_start3A_334 = tpu.memref_slice %arg2[%add3A_330, %dma_start3A_333] : memref<32768x2048xf32, #tpu.memory_space<hbm>> -> memref<16x2048xf32, #tpu.memory_space<hbm>>
    tpu.enqueue_dma source(%dma_start3A_334 : memref<16x2048xf32, #tpu.memory_space<hbm>>) target(%arg5 : memref<16x2048xf32, #tpu.memory_space<vmem>>) target_semaphore(%arg7 : memref<!tpu.dma_semaphore, #tpu.memory_space<semaphore_mem>>)
    %dma_wait3A_335 = arith.constant 0 : i32
    %dma_wait3A_336 = tpu.memref_slice %arg2[%add3A_310, %dma_wait3A_335] : memref<32768x2048xf32, #tpu.memory_space<hbm>> -> memref<16x2048xf32, #tpu.memory_space<hbm>>
    %dma_wait3A_337 = arith.constant 0 : i32
    %dma_wait3A_338 = tpu.memref_slice %arg2[%add3A_310, %dma_wait3A_337] : memref<32768x2048xf32, #tpu.memory_space<hbm>> -> memref<16x2048xf32, #tpu.memory_space<hbm>>
    tpu.wait_dma2 semaphore(%arg6 : memref<!tpu.dma_semaphore, #tpu.memory_space<semaphore_mem>>) src(%dma_wait3A_338 : memref<16x2048xf32, #tpu.memory_space<hbm>>) dst(%arg4 : memref<16x2048xf32, #tpu.memory_space<vmem>>)
    %add3A_339 = arith.constant 256 : i32
    %add3A_340 = arith.addi %mul3A_2, %add3A_339 : i32
    %dma_start3A_341 = arith.constant 0 : i32
    %dma_start3A_342 = tpu.memref_slice %arg3[%add3A_340, %dma_start3A_341] : memref<14336x2048xf32, #tpu.memory_space<hbm>> -> memref<16x2048xf32, #tpu.memory_space<hbm>>
    %dma_start3A_343 = arith.constant 0 : i32
    %dma_start3A_344 = tpu.memref_slice %arg3[%add3A_340, %dma_start3A_343] : memref<14336x2048xf32, #tpu.memory_space<hbm>> -> memref<16x2048xf32, #tpu.memory_space<hbm>>
    tpu.enqueue_dma source(%arg4 : memref<16x2048xf32, #tpu.memory_space<vmem>>) target(%dma_start3A_344 : memref<16x2048xf32, #tpu.memory_space<hbm>>) target_semaphore(%arg8 : memref<!tpu.dma_semaphore, #tpu.memory_space<semaphore_mem>>)
    %dma_wait3A_345 = arith.constant 0 : i32
    %dma_wait3A_346 = tpu.memref_slice %arg3[%add3A_340, %dma_wait3A_345] : memref<14336x2048xf32, #tpu.memory_space<hbm>> -> memref<16x2048xf32, #tpu.memory_space<hbm>>
    %dma_wait3A_347 = arith.constant 0 : i32
    %dma_wait3A_348 = tpu.memref_slice %arg3[%add3A_340, %dma_wait3A_347] : memref<14336x2048xf32, #tpu.memory_space<hbm>> -> memref<16x2048xf32, #tpu.memory_space<hbm>>
    tpu.wait_dma2 semaphore(%arg8 : memref<!tpu.dma_semaphore, #tpu.memory_space<semaphore_mem>>) src(%arg4 : memref<16x2048xf32, #tpu.memory_space<vmem>>) dst(%dma_wait3A_348 : memref<16x2048xf32, #tpu.memory_space<hbm>>)
    %add3A_349 = arith.constant 288 : i32
    %add3A_350 = arith.addi %add3A_4, %add3A_349 : i32
    %dma_start3A_351 = arith.constant 0 : i32
    %dma_start3A_352 = tpu.memref_slice %arg2[%add3A_350, %dma_start3A_351] : memref<32768x2048xf32, #tpu.memory_space<hbm>> -> memref<16x2048xf32, #tpu.memory_space<hbm>>
    %dma_start3A_353 = arith.constant 0 : i32
    %dma_start3A_354 = tpu.memref_slice %arg2[%add3A_350, %dma_start3A_353] : memref<32768x2048xf32, #tpu.memory_space<hbm>> -> memref<16x2048xf32, #tpu.memory_space<hbm>>
    tpu.enqueue_dma source(%dma_start3A_354 : memref<16x2048xf32, #tpu.memory_space<hbm>>) target(%arg4 : memref<16x2048xf32, #tpu.memory_space<vmem>>) target_semaphore(%arg6 : memref<!tpu.dma_semaphore, #tpu.memory_space<semaphore_mem>>)
    %dma_wait3A_355 = arith.constant 0 : i32
    %dma_wait3A_356 = tpu.memref_slice %arg2[%add3A_330, %dma_wait3A_355] : memref<32768x2048xf32, #tpu.memory_space<hbm>> -> memref<16x2048xf32, #tpu.memory_space<hbm>>
    %dma_wait3A_357 = arith.constant 0 : i32
    %dma_wait3A_358 = tpu.memref_slice %arg2[%add3A_330, %dma_wait3A_357] : memref<32768x2048xf32, #tpu.memory_space<hbm>> -> memref<16x2048xf32, #tpu.memory_space<hbm>>
    tpu.wait_dma2 semaphore(%arg7 : memref<!tpu.dma_semaphore, #tpu.memory_space<semaphore_mem>>) src(%dma_wait3A_358 : memref<16x2048xf32, #tpu.memory_space<hbm>>) dst(%arg5 : memref<16x2048xf32, #tpu.memory_space<vmem>>)
    %add3A_359 = arith.constant 272 : i32
    %add3A_360 = arith.addi %mul3A_2, %add3A_359 : i32
    %dma_start3A_361 = arith.constant 0 : i32
    %dma_start3A_362 = tpu.memref_slice %arg3[%add3A_360, %dma_start3A_361] : memref<14336x2048xf32, #tpu.memory_space<hbm>> -> memref<16x2048xf32, #tpu.memory_space<hbm>>
    %dma_start3A_363 = arith.constant 0 : i32
    %dma_start3A_364 = tpu.memref_slice %arg3[%add3A_360, %dma_start3A_363] : memref<14336x2048xf32, #tpu.memory_space<hbm>> -> memref<16x2048xf32, #tpu.memory_space<hbm>>
    tpu.enqueue_dma source(%arg5 : memref<16x2048xf32, #tpu.memory_space<vmem>>) target(%dma_start3A_364 : memref<16x2048xf32, #tpu.memory_space<hbm>>) target_semaphore(%arg9 : memref<!tpu.dma_semaphore, #tpu.memory_space<semaphore_mem>>)
    %dma_wait3A_365 = arith.constant 0 : i32
    %dma_wait3A_366 = tpu.memref_slice %arg3[%add3A_360, %dma_wait3A_365] : memref<14336x2048xf32, #tpu.memory_space<hbm>> -> memref<16x2048xf32, #tpu.memory_space<hbm>>
    %dma_wait3A_367 = arith.constant 0 : i32
    %dma_wait3A_368 = tpu.memref_slice %arg3[%add3A_360, %dma_wait3A_367] : memref<14336x2048xf32, #tpu.memory_space<hbm>> -> memref<16x2048xf32, #tpu.memory_space<hbm>>
    tpu.wait_dma2 semaphore(%arg9 : memref<!tpu.dma_semaphore, #tpu.memory_space<semaphore_mem>>) src(%arg5 : memref<16x2048xf32, #tpu.memory_space<vmem>>) dst(%dma_wait3A_368 : memref<16x2048xf32, #tpu.memory_space<hbm>>)
    %add3A_369 = arith.constant 304 : i32
    %add3A_370 = arith.addi %add3A_4, %add3A_369 : i32
    %dma_start3A_371 = arith.constant 0 : i32
    %dma_start3A_372 = tpu.memref_slice %arg2[%add3A_370, %dma_start3A_371] : memref<32768x2048xf32, #tpu.memory_space<hbm>> -> memref<16x2048xf32, #tpu.memory_space<hbm>>
    %dma_start3A_373 = arith.constant 0 : i32
    %dma_start3A_374 = tpu.memref_slice %arg2[%add3A_370, %dma_start3A_373] : memref<32768x2048xf32, #tpu.memory_space<hbm>> -> memref<16x2048xf32, #tpu.memory_space<hbm>>
    tpu.enqueue_dma source(%dma_start3A_374 : memref<16x2048xf32, #tpu.memory_space<hbm>>) target(%arg5 : memref<16x2048xf32, #tpu.memory_space<vmem>>) target_semaphore(%arg7 : memref<!tpu.dma_semaphore, #tpu.memory_space<semaphore_mem>>)
    %dma_wait3A_375 = arith.constant 0 : i32
    %dma_wait3A_376 = tpu.memref_slice %arg2[%add3A_350, %dma_wait3A_375] : memref<32768x2048xf32, #tpu.memory_space<hbm>> -> memref<16x2048xf32, #tpu.memory_space<hbm>>
    %dma_wait3A_377 = arith.constant 0 : i32
    %dma_wait3A_378 = tpu.memref_slice %arg2[%add3A_350, %dma_wait3A_377] : memref<32768x2048xf32, #tpu.memory_space<hbm>> -> memref<16x2048xf32, #tpu.memory_space<hbm>>
    tpu.wait_dma2 semaphore(%arg6 : memref<!tpu.dma_semaphore, #tpu.memory_space<semaphore_mem>>) src(%dma_wait3A_378 : memref<16x2048xf32, #tpu.memory_space<hbm>>) dst(%arg4 : memref<16x2048xf32, #tpu.memory_space<vmem>>)
    %add3A_379 = arith.constant 288 : i32
    %add3A_380 = arith.addi %mul3A_2, %add3A_379 : i32
    %dma_start3A_381 = arith.constant 0 : i32
    %dma_start3A_382 = tpu.memref_slice %arg3[%add3A_380, %dma_start3A_381] : memref<14336x2048xf32, #tpu.memory_space<hbm>> -> memref<16x2048xf32, #tpu.memory_space<hbm>>
    %dma_start3A_383 = arith.constant 0 : i32
    %dma_start3A_384 = tpu.memref_slice %arg3[%add3A_380, %dma_start3A_383] : memref<14336x2048xf32, #tpu.memory_space<hbm>> -> memref<16x2048xf32, #tpu.memory_space<hbm>>
    tpu.enqueue_dma source(%arg4 : memref<16x2048xf32, #tpu.memory_space<vmem>>) target(%dma_start3A_384 : memref<16x2048xf32, #tpu.memory_space<hbm>>) target_semaphore(%arg8 : memref<!tpu.dma_semaphore, #tpu.memory_space<semaphore_mem>>)
    %dma_wait3A_385 = arith.constant 0 : i32
    %dma_wait3A_386 = tpu.memref_slice %arg3[%add3A_380, %dma_wait3A_385] : memref<14336x2048xf32, #tpu.memory_space<hbm>> -> memref<16x2048xf32, #tpu.memory_space<hbm>>
    %dma_wait3A_387 = arith.constant 0 : i32
    %dma_wait3A_388 = tpu.memref_slice %arg3[%add3A_380, %dma_wait3A_387] : memref<14336x2048xf32, #tpu.memory_space<hbm>> -> memref<16x2048xf32, #tpu.memory_space<hbm>>
    tpu.wait_dma2 semaphore(%arg8 : memref<!tpu.dma_semaphore, #tpu.memory_space<semaphore_mem>>) src(%arg4 : memref<16x2048xf32, #tpu.memory_space<vmem>>) dst(%dma_wait3A_388 : memref<16x2048xf32, #tpu.memory_space<hbm>>)
    %add3A_389 = arith.constant 320 : i32
    %add3A_390 = arith.addi %add3A_4, %add3A_389 : i32
    %dma_start3A_391 = arith.constant 0 : i32
    %dma_start3A_392 = tpu.memref_slice %arg2[%add3A_390, %dma_start3A_391] : memref<32768x2048xf32, #tpu.memory_space<hbm>> -> memref<16x2048xf32, #tpu.memory_space<hbm>>
    %dma_start3A_393 = arith.constant 0 : i32
    %dma_start3A_394 = tpu.memref_slice %arg2[%add3A_390, %dma_start3A_393] : memref<32768x2048xf32, #tpu.memory_space<hbm>> -> memref<16x2048xf32, #tpu.memory_space<hbm>>
    tpu.enqueue_dma source(%dma_start3A_394 : memref<16x2048xf32, #tpu.memory_space<hbm>>) target(%arg4 : memref<16x2048xf32, #tpu.memory_space<vmem>>) target_semaphore(%arg6 : memref<!tpu.dma_semaphore, #tpu.memory_space<semaphore_mem>>)
    %dma_wait3A_395 = arith.constant 0 : i32
    %dma_wait3A_396 = tpu.memref_slice %arg2[%add3A_370, %dma_wait3A_395] : memref<32768x2048xf32, #tpu.memory_space<hbm>> -> memref<16x2048xf32, #tpu.memory_space<hbm>>
    %dma_wait3A_397 = arith.constant 0 : i32
    %dma_wait3A_398 = tpu.memref_slice %arg2[%add3A_370, %dma_wait3A_397] : memref<32768x2048xf32, #tpu.memory_space<hbm>> -> memref<16x2048xf32, #tpu.memory_space<hbm>>
    tpu.wait_dma2 semaphore(%arg7 : memref<!tpu.dma_semaphore, #tpu.memory_space<semaphore_mem>>) src(%dma_wait3A_398 : memref<16x2048xf32, #tpu.memory_space<hbm>>) dst(%arg5 : memref<16x2048xf32, #tpu.memory_space<vmem>>)
    %add3A_399 = arith.constant 304 : i32
    %add3A_400 = arith.addi %mul3A_2, %add3A_399 : i32
    %dma_start3A_401 = arith.constant 0 : i32
    %dma_start3A_402 = tpu.memref_slice %arg3[%add3A_400, %dma_start3A_401] : memref<14336x2048xf32, #tpu.memory_space<hbm>> -> memref<16x2048xf32, #tpu.memory_space<hbm>>
    %dma_start3A_403 = arith.constant 0 : i32
    %dma_start3A_404 = tpu.memref_slice %arg3[%add3A_400, %dma_start3A_403] : memref<14336x2048xf32, #tpu.memory_space<hbm>> -> memref<16x2048xf32, #tpu.memory_space<hbm>>
    tpu.enqueue_dma source(%arg5 : memref<16x2048xf32, #tpu.memory_space<vmem>>) target(%dma_start3A_404 : memref<16x2048xf32, #tpu.memory_space<hbm>>) target_semaphore(%arg9 : memref<!tpu.dma_semaphore, #tpu.memory_space<semaphore_mem>>)
    %dma_wait3A_405 = arith.constant 0 : i32
    %dma_wait3A_406 = tpu.memref_slice %arg3[%add3A_400, %dma_wait3A_405] : memref<14336x2048xf32, #tpu.memory_space<hbm>> -> memref<16x2048xf32, #tpu.memory_space<hbm>>
    %dma_wait3A_407 = arith.constant 0 : i32
    %dma_wait3A_408 = tpu.memref_slice %arg3[%add3A_400, %dma_wait3A_407] : memref<14336x2048xf32, #tpu.memory_space<hbm>> -> memref<16x2048xf32, #tpu.memory_space<hbm>>
    tpu.wait_dma2 semaphore(%arg9 : memref<!tpu.dma_semaphore, #tpu.memory_space<semaphore_mem>>) src(%arg5 : memref<16x2048xf32, #tpu.memory_space<vmem>>) dst(%dma_wait3A_408 : memref<16x2048xf32, #tpu.memory_space<hbm>>)
    %add3A_409 = arith.constant 336 : i32
    %add3A_410 = arith.addi %add3A_4, %add3A_409 : i32
    %dma_start3A_411 = arith.constant 0 : i32
    %dma_start3A_412 = tpu.memref_slice %arg2[%add3A_410, %dma_start3A_411] : memref<32768x2048xf32, #tpu.memory_space<hbm>> -> memref<16x2048xf32, #tpu.memory_space<hbm>>
    %dma_start3A_413 = arith.constant 0 : i32
    %dma_start3A_414 = tpu.memref_slice %arg2[%add3A_410, %dma_start3A_413] : memref<32768x2048xf32, #tpu.memory_space<hbm>> -> memref<16x2048xf32, #tpu.memory_space<hbm>>
    tpu.enqueue_dma source(%dma_start3A_414 : memref<16x2048xf32, #tpu.memory_space<hbm>>) target(%arg5 : memref<16x2048xf32, #tpu.memory_space<vmem>>) target_semaphore(%arg7 : memref<!tpu.dma_semaphore, #tpu.memory_space<semaphore_mem>>)
    %dma_wait3A_415 = arith.constant 0 : i32
    %dma_wait3A_416 = tpu.memref_slice %arg2[%add3A_390, %dma_wait3A_415] : memref<32768x2048xf32, #tpu.memory_space<hbm>> -> memref<16x2048xf32, #tpu.memory_space<hbm>>
    %dma_wait3A_417 = arith.constant 0 : i32
    %dma_wait3A_418 = tpu.memref_slice %arg2[%add3A_390, %dma_wait3A_417] : memref<32768x2048xf32, #tpu.memory_space<hbm>> -> memref<16x2048xf32, #tpu.memory_space<hbm>>
    tpu.wait_dma2 semaphore(%arg6 : memref<!tpu.dma_semaphore, #tpu.memory_space<semaphore_mem>>) src(%dma_wait3A_418 : memref<16x2048xf32, #tpu.memory_space<hbm>>) dst(%arg4 : memref<16x2048xf32, #tpu.memory_space<vmem>>)
    %add3A_419 = arith.constant 320 : i32
    %add3A_420 = arith.addi %mul3A_2, %add3A_419 : i32
    %dma_start3A_421 = arith.constant 0 : i32
    %dma_start3A_422 = tpu.memref_slice %arg3[%add3A_420, %dma_start3A_421] : memref<14336x2048xf32, #tpu.memory_space<hbm>> -> memref<16x2048xf32, #tpu.memory_space<hbm>>
    %dma_start3A_423 = arith.constant 0 : i32
    %dma_start3A_424 = tpu.memref_slice %arg3[%add3A_420, %dma_start3A_423] : memref<14336x2048xf32, #tpu.memory_space<hbm>> -> memref<16x2048xf32, #tpu.memory_space<hbm>>
    tpu.enqueue_dma source(%arg4 : memref<16x2048xf32, #tpu.memory_space<vmem>>) target(%dma_start3A_424 : memref<16x2048xf32, #tpu.memory_space<hbm>>) target_semaphore(%arg8 : memref<!tpu.dma_semaphore, #tpu.memory_space<semaphore_mem>>)
    %dma_wait3A_425 = arith.constant 0 : i32
    %dma_wait3A_426 = tpu.memref_slice %arg3[%add3A_420, %dma_wait3A_425] : memref<14336x2048xf32, #tpu.memory_space<hbm>> -> memref<16x2048xf32, #tpu.memory_space<hbm>>
    %dma_wait3A_427 = arith.constant 0 : i32
    %dma_wait3A_428 = tpu.memref_slice %arg3[%add3A_420, %dma_wait3A_427] : memref<14336x2048xf32, #tpu.memory_space<hbm>> -> memref<16x2048xf32, #tpu.memory_space<hbm>>
    tpu.wait_dma2 semaphore(%arg8 : memref<!tpu.dma_semaphore, #tpu.memory_space<semaphore_mem>>) src(%arg4 : memref<16x2048xf32, #tpu.memory_space<vmem>>) dst(%dma_wait3A_428 : memref<16x2048xf32, #tpu.memory_space<hbm>>)
    %add3A_429 = arith.constant 352 : i32
    %add3A_430 = arith.addi %add3A_4, %add3A_429 : i32
    %dma_start3A_431 = arith.constant 0 : i32
    %dma_start3A_432 = tpu.memref_slice %arg2[%add3A_430, %dma_start3A_431] : memref<32768x2048xf32, #tpu.memory_space<hbm>> -> memref<16x2048xf32, #tpu.memory_space<hbm>>
    %dma_start3A_433 = arith.constant 0 : i32
    %dma_start3A_434 = tpu.memref_slice %arg2[%add3A_430, %dma_start3A_433] : memref<32768x2048xf32, #tpu.memory_space<hbm>> -> memref<16x2048xf32, #tpu.memory_space<hbm>>
    tpu.enqueue_dma source(%dma_start3A_434 : memref<16x2048xf32, #tpu.memory_space<hbm>>) target(%arg4 : memref<16x2048xf32, #tpu.memory_space<vmem>>) target_semaphore(%arg6 : memref<!tpu.dma_semaphore, #tpu.memory_space<semaphore_mem>>)
    %dma_wait3A_435 = arith.constant 0 : i32
    %dma_wait3A_436 = tpu.memref_slice %arg2[%add3A_410, %dma_wait3A_435] : memref<32768x2048xf32, #tpu.memory_space<hbm>> -> memref<16x2048xf32, #tpu.memory_space<hbm>>
    %dma_wait3A_437 = arith.constant 0 : i32
    %dma_wait3A_438 = tpu.memref_slice %arg2[%add3A_410, %dma_wait3A_437] : memref<32768x2048xf32, #tpu.memory_space<hbm>> -> memref<16x2048xf32, #tpu.memory_space<hbm>>
    tpu.wait_dma2 semaphore(%arg7 : memref<!tpu.dma_semaphore, #tpu.memory_space<semaphore_mem>>) src(%dma_wait3A_438 : memref<16x2048xf32, #tpu.memory_space<hbm>>) dst(%arg5 : memref<16x2048xf32, #tpu.memory_space<vmem>>)
    %add3A_439 = arith.constant 336 : i32
    %add3A_440 = arith.addi %mul3A_2, %add3A_439 : i32
    %dma_start3A_441 = arith.constant 0 : i32
    %dma_start3A_442 = tpu.memref_slice %arg3[%add3A_440, %dma_start3A_441] : memref<14336x2048xf32, #tpu.memory_space<hbm>> -> memref<16x2048xf32, #tpu.memory_space<hbm>>
    %dma_start3A_443 = arith.constant 0 : i32
    %dma_start3A_444 = tpu.memref_slice %arg3[%add3A_440, %dma_start3A_443] : memref<14336x2048xf32, #tpu.memory_space<hbm>> -> memref<16x2048xf32, #tpu.memory_space<hbm>>
    tpu.enqueue_dma source(%arg5 : memref<16x2048xf32, #tpu.memory_space<vmem>>) target(%dma_start3A_444 : memref<16x2048xf32, #tpu.memory_space<hbm>>) target_semaphore(%arg9 : memref<!tpu.dma_semaphore, #tpu.memory_space<semaphore_mem>>)
    %dma_wait3A_445 = arith.constant 0 : i32
    %dma_wait3A_446 = tpu.memref_slice %arg3[%add3A_440, %dma_wait3A_445] : memref<14336x2048xf32, #tpu.memory_space<hbm>> -> memref<16x2048xf32, #tpu.memory_space<hbm>>
    %dma_wait3A_447 = arith.constant 0 : i32
    %dma_wait3A_448 = tpu.memref_slice %arg3[%add3A_440, %dma_wait3A_447] : memref<14336x2048xf32, #tpu.memory_space<hbm>> -> memref<16x2048xf32, #tpu.memory_space<hbm>>
    tpu.wait_dma2 semaphore(%arg9 : memref<!tpu.dma_semaphore, #tpu.memory_space<semaphore_mem>>) src(%arg5 : memref<16x2048xf32, #tpu.memory_space<vmem>>) dst(%dma_wait3A_448 : memref<16x2048xf32, #tpu.memory_space<hbm>>)
    %add3A_449 = arith.constant 368 : i32
    %add3A_450 = arith.addi %add3A_4, %add3A_449 : i32
    %dma_start3A_451 = arith.constant 0 : i32
    %dma_start3A_452 = tpu.memref_slice %arg2[%add3A_450, %dma_start3A_451] : memref<32768x2048xf32, #tpu.memory_space<hbm>> -> memref<16x2048xf32, #tpu.memory_space<hbm>>
    %dma_start3A_453 = arith.constant 0 : i32
    %dma_start3A_454 = tpu.memref_slice %arg2[%add3A_450, %dma_start3A_453] : memref<32768x2048xf32, #tpu.memory_space<hbm>> -> memref<16x2048xf32, #tpu.memory_space<hbm>>
    tpu.enqueue_dma source(%dma_start3A_454 : memref<16x2048xf32, #tpu.memory_space<hbm>>) target(%arg5 : memref<16x2048xf32, #tpu.memory_space<vmem>>) target_semaphore(%arg7 : memref<!tpu.dma_semaphore, #tpu.memory_space<semaphore_mem>>)
    %dma_wait3A_455 = arith.constant 0 : i32
    %dma_wait3A_456 = tpu.memref_slice %arg2[%add3A_430, %dma_wait3A_455] : memref<32768x2048xf32, #tpu.memory_space<hbm>> -> memref<16x2048xf32, #tpu.memory_space<hbm>>
    %dma_wait3A_457 = arith.constant 0 : i32
    %dma_wait3A_458 = tpu.memref_slice %arg2[%add3A_430, %dma_wait3A_457] : memref<32768x2048xf32, #tpu.memory_space<hbm>> -> memref<16x2048xf32, #tpu.memory_space<hbm>>
    tpu.wait_dma2 semaphore(%arg6 : memref<!tpu.dma_semaphore, #tpu.memory_space<semaphore_mem>>) src(%dma_wait3A_458 : memref<16x2048xf32, #tpu.memory_space<hbm>>) dst(%arg4 : memref<16x2048xf32, #tpu.memory_space<vmem>>)
    %add3A_459 = arith.constant 352 : i32
    %add3A_460 = arith.addi %mul3A_2, %add3A_459 : i32
    %dma_start3A_461 = arith.constant 0 : i32
    %dma_start3A_462 = tpu.memref_slice %arg3[%add3A_460, %dma_start3A_461] : memref<14336x2048xf32, #tpu.memory_space<hbm>> -> memref<16x2048xf32, #tpu.memory_space<hbm>>
    %dma_start3A_463 = arith.constant 0 : i32
    %dma_start3A_464 = tpu.memref_slice %arg3[%add3A_460, %dma_start3A_463] : memref<14336x2048xf32, #tpu.memory_space<hbm>> -> memref<16x2048xf32, #tpu.memory_space<hbm>>
    tpu.enqueue_dma source(%arg4 : memref<16x2048xf32, #tpu.memory_space<vmem>>) target(%dma_start3A_464 : memref<16x2048xf32, #tpu.memory_space<hbm>>) target_semaphore(%arg8 : memref<!tpu.dma_semaphore, #tpu.memory_space<semaphore_mem>>)
    %dma_wait3A_465 = arith.constant 0 : i32
    %dma_wait3A_466 = tpu.memref_slice %arg3[%add3A_460, %dma_wait3A_465] : memref<14336x2048xf32, #tpu.memory_space<hbm>> -> memref<16x2048xf32, #tpu.memory_space<hbm>>
    %dma_wait3A_467 = arith.constant 0 : i32
    %dma_wait3A_468 = tpu.memref_slice %arg3[%add3A_460, %dma_wait3A_467] : memref<14336x2048xf32, #tpu.memory_space<hbm>> -> memref<16x2048xf32, #tpu.memory_space<hbm>>
    tpu.wait_dma2 semaphore(%arg8 : memref<!tpu.dma_semaphore, #tpu.memory_space<semaphore_mem>>) src(%arg4 : memref<16x2048xf32, #tpu.memory_space<vmem>>) dst(%dma_wait3A_468 : memref<16x2048xf32, #tpu.memory_space<hbm>>)
    %add3A_469 = arith.constant 384 : i32
    %add3A_470 = arith.addi %add3A_4, %add3A_469 : i32
    %dma_start3A_471 = arith.constant 0 : i32
    %dma_start3A_472 = tpu.memref_slice %arg2[%add3A_470, %dma_start3A_471] : memref<32768x2048xf32, #tpu.memory_space<hbm>> -> memref<16x2048xf32, #tpu.memory_space<hbm>>
    %dma_start3A_473 = arith.constant 0 : i32
    %dma_start3A_474 = tpu.memref_slice %arg2[%add3A_470, %dma_start3A_473] : memref<32768x2048xf32, #tpu.memory_space<hbm>> -> memref<16x2048xf32, #tpu.memory_space<hbm>>
    tpu.enqueue_dma source(%dma_start3A_474 : memref<16x2048xf32, #tpu.memory_space<hbm>>) target(%arg4 : memref<16x2048xf32, #tpu.memory_space<vmem>>) target_semaphore(%arg6 : memref<!tpu.dma_semaphore, #tpu.memory_space<semaphore_mem>>)
    %dma_wait3A_475 = arith.constant 0 : i32
    %dma_wait3A_476 = tpu.memref_slice %arg2[%add3A_450, %dma_wait3A_475] : memref<32768x2048xf32, #tpu.memory_space<hbm>> -> memref<16x2048xf32, #tpu.memory_space<hbm>>
    %dma_wait3A_477 = arith.constant 0 : i32
    %dma_wait3A_478 = tpu.memref_slice %arg2[%add3A_450, %dma_wait3A_477] : memref<32768x2048xf32, #tpu.memory_space<hbm>> -> memref<16x2048xf32, #tpu.memory_space<hbm>>
    tpu.wait_dma2 semaphore(%arg7 : memref<!tpu.dma_semaphore, #tpu.memory_space<semaphore_mem>>) src(%dma_wait3A_478 : memref<16x2048xf32, #tpu.memory_space<hbm>>) dst(%arg5 : memref<16x2048xf32, #tpu.memory_space<vmem>>)
    %add3A_479 = arith.constant 368 : i32
    %add3A_480 = arith.addi %mul3A_2, %add3A_479 : i32
    %dma_start3A_481 = arith.constant 0 : i32
    %dma_start3A_482 = tpu.memref_slice %arg3[%add3A_480, %dma_start3A_481] : memref<14336x2048xf32, #tpu.memory_space<hbm>> -> memref<16x2048xf32, #tpu.memory_space<hbm>>
    %dma_start3A_483 = arith.constant 0 : i32
    %dma_start3A_484 = tpu.memref_slice %arg3[%add3A_480, %dma_start3A_483] : memref<14336x2048xf32, #tpu.memory_space<hbm>> -> memref<16x2048xf32, #tpu.memory_space<hbm>>
    tpu.enqueue_dma source(%arg5 : memref<16x2048xf32, #tpu.memory_space<vmem>>) target(%dma_start3A_484 : memref<16x2048xf32, #tpu.memory_space<hbm>>) target_semaphore(%arg9 : memref<!tpu.dma_semaphore, #tpu.memory_space<semaphore_mem>>)
    %dma_wait3A_485 = arith.constant 0 : i32
    %dma_wait3A_486 = tpu.memref_slice %arg3[%add3A_480, %dma_wait3A_485] : memref<14336x2048xf32, #tpu.memory_space<hbm>> -> memref<16x2048xf32, #tpu.memory_space<hbm>>
    %dma_wait3A_487 = arith.constant 0 : i32
    %dma_wait3A_488 = tpu.memref_slice %arg3[%add3A_480, %dma_wait3A_487] : memref<14336x2048xf32, #tpu.memory_space<hbm>> -> memref<16x2048xf32, #tpu.memory_space<hbm>>
    tpu.wait_dma2 semaphore(%arg9 : memref<!tpu.dma_semaphore, #tpu.memory_space<semaphore_mem>>) src(%arg5 : memref<16x2048xf32, #tpu.memory_space<vmem>>) dst(%dma_wait3A_488 : memref<16x2048xf32, #tpu.memory_space<hbm>>)
    %add3A_489 = arith.constant 400 : i32
    %add3A_490 = arith.addi %add3A_4, %add3A_489 : i32
    %dma_start3A_491 = arith.constant 0 : i32
    %dma_start3A_492 = tpu.memref_slice %arg2[%add3A_490, %dma_start3A_491] : memref<32768x2048xf32, #tpu.memory_space<hbm>> -> memref<16x2048xf32, #tpu.memory_space<hbm>>
    %dma_start3A_493 = arith.constant 0 : i32
    %dma_start3A_494 = tpu.memref_slice %arg2[%add3A_490, %dma_start3A_493] : memref<32768x2048xf32, #tpu.memory_space<hbm>> -> memref<16x2048xf32, #tpu.memory_space<hbm>>
    tpu.enqueue_dma source(%dma_start3A_494 : memref<16x2048xf32, #tpu.memory_space<hbm>>) target(%arg5 : memref<16x2048xf32, #tpu.memory_space<vmem>>) target_semaphore(%arg7 : memref<!tpu.dma_semaphore, #tpu.memory_space<semaphore_mem>>)
    %dma_wait3A_495 = arith.constant 0 : i32
    %dma_wait3A_496 = tpu.memref_slice %arg2[%add3A_470, %dma_wait3A_495] : memref<32768x2048xf32, #tpu.memory_space<hbm>> -> memref<16x2048xf32, #tpu.memory_space<hbm>>
    %dma_wait3A_497 = arith.constant 0 : i32
    %dma_wait3A_498 = tpu.memref_slice %arg2[%add3A_470, %dma_wait3A_497] : memref<32768x2048xf32, #tpu.memory_space<hbm>> -> memref<16x2048xf32, #tpu.memory_space<hbm>>
    tpu.wait_dma2 semaphore(%arg6 : memref<!tpu.dma_semaphore, #tpu.memory_space<semaphore_mem>>) src(%dma_wait3A_498 : memref<16x2048xf32, #tpu.memory_space<hbm>>) dst(%arg4 : memref<16x2048xf32, #tpu.memory_space<vmem>>)
    %add3A_499 = arith.constant 384 : i32
    %add3A_500 = arith.addi %mul3A_2, %add3A_499 : i32
    %dma_start3A_501 = arith.constant 0 : i32
    %dma_start3A_502 = tpu.memref_slice %arg3[%add3A_500, %dma_start3A_501] : memref<14336x2048xf32, #tpu.memory_space<hbm>> -> memref<16x2048xf32, #tpu.memory_space<hbm>>
    %dma_start3A_503 = arith.constant 0 : i32
    %dma_start3A_504 = tpu.memref_slice %arg3[%add3A_500, %dma_start3A_503] : memref<14336x2048xf32, #tpu.memory_space<hbm>> -> memref<16x2048xf32, #tpu.memory_space<hbm>>
    tpu.enqueue_dma source(%arg4 : memref<16x2048xf32, #tpu.memory_space<vmem>>) target(%dma_start3A_504 : memref<16x2048xf32, #tpu.memory_space<hbm>>) target_semaphore(%arg8 : memref<!tpu.dma_semaphore, #tpu.memory_space<semaphore_mem>>)
    %dma_wait3A_505 = arith.constant 0 : i32
    %dma_wait3A_506 = tpu.memref_slice %arg3[%add3A_500, %dma_wait3A_505] : memref<14336x2048xf32, #tpu.memory_space<hbm>> -> memref<16x2048xf32, #tpu.memory_space<hbm>>
    %dma_wait3A_507 = arith.constant 0 : i32
    %dma_wait3A_508 = tpu.memref_slice %arg3[%add3A_500, %dma_wait3A_507] : memref<14336x2048xf32, #tpu.memory_space<hbm>> -> memref<16x2048xf32, #tpu.memory_space<hbm>>
    tpu.wait_dma2 semaphore(%arg8 : memref<!tpu.dma_semaphore, #tpu.memory_space<semaphore_mem>>) src(%arg4 : memref<16x2048xf32, #tpu.memory_space<vmem>>) dst(%dma_wait3A_508 : memref<16x2048xf32, #tpu.memory_space<hbm>>)
    %add3A_509 = arith.constant 416 : i32
    %add3A_510 = arith.addi %add3A_4, %add3A_509 : i32
    %dma_start3A_511 = arith.constant 0 : i32
    %dma_start3A_512 = tpu.memref_slice %arg2[%add3A_510, %dma_start3A_511] : memref<32768x2048xf32, #tpu.memory_space<hbm>> -> memref<16x2048xf32, #tpu.memory_space<hbm>>
    %dma_start3A_513 = arith.constant 0 : i32
    %dma_start3A_514 = tpu.memref_slice %arg2[%add3A_510, %dma_start3A_513] : memref<32768x2048xf32, #tpu.memory_space<hbm>> -> memref<16x2048xf32, #tpu.memory_space<hbm>>
    tpu.enqueue_dma source(%dma_start3A_514 : memref<16x2048xf32, #tpu.memory_space<hbm>>) target(%arg4 : memref<16x2048xf32, #tpu.memory_space<vmem>>) target_semaphore(%arg6 : memref<!tpu.dma_semaphore, #tpu.memory_space<semaphore_mem>>)
    %dma_wait3A_515 = arith.constant 0 : i32
    %dma_wait3A_516 = tpu.memref_slice %arg2[%add3A_490, %dma_wait3A_515] : memref<32768x2048xf32, #tpu.memory_space<hbm>> -> memref<16x2048xf32, #tpu.memory_space<hbm>>
    %dma_wait3A_517 = arith.constant 0 : i32
    %dma_wait3A_518 = tpu.memref_slice %arg2[%add3A_490, %dma_wait3A_517] : memref<32768x2048xf32, #tpu.memory_space<hbm>> -> memref<16x2048xf32, #tpu.memory_space<hbm>>
    tpu.wait_dma2 semaphore(%arg7 : memref<!tpu.dma_semaphore, #tpu.memory_space<semaphore_mem>>) src(%dma_wait3A_518 : memref<16x2048xf32, #tpu.memory_space<hbm>>) dst(%arg5 : memref<16x2048xf32, #tpu.memory_space<vmem>>)
    %add3A_519 = arith.constant 400 : i32
    %add3A_520 = arith.addi %mul3A_2, %add3A_519 : i32
    %dma_start3A_521 = arith.constant 0 : i32
    %dma_start3A_522 = tpu.memref_slice %arg3[%add3A_520, %dma_start3A_521] : memref<14336x2048xf32, #tpu.memory_space<hbm>> -> memref<16x2048xf32, #tpu.memory_space<hbm>>
    %dma_start3A_523 = arith.constant 0 : i32
    %dma_start3A_524 = tpu.memref_slice %arg3[%add3A_520, %dma_start3A_523] : memref<14336x2048xf32, #tpu.memory_space<hbm>> -> memref<16x2048xf32, #tpu.memory_space<hbm>>
    tpu.enqueue_dma source(%arg5 : memref<16x2048xf32, #tpu.memory_space<vmem>>) target(%dma_start3A_524 : memref<16x2048xf32, #tpu.memory_space<hbm>>) target_semaphore(%arg9 : memref<!tpu.dma_semaphore, #tpu.memory_space<semaphore_mem>>)
    %dma_wait3A_525 = arith.constant 0 : i32
    %dma_wait3A_526 = tpu.memref_slice %arg3[%add3A_520, %dma_wait3A_525] : memref<14336x2048xf32, #tpu.memory_space<hbm>> -> memref<16x2048xf32, #tpu.memory_space<hbm>>
    %dma_wait3A_527 = arith.constant 0 : i32
    %dma_wait3A_528 = tpu.memref_slice %arg3[%add3A_520, %dma_wait3A_527] : memref<14336x2048xf32, #tpu.memory_space<hbm>> -> memref<16x2048xf32, #tpu.memory_space<hbm>>
    tpu.wait_dma2 semaphore(%arg9 : memref<!tpu.dma_semaphore, #tpu.memory_space<semaphore_mem>>) src(%arg5 : memref<16x2048xf32, #tpu.memory_space<vmem>>) dst(%dma_wait3A_528 : memref<16x2048xf32, #tpu.memory_space<hbm>>)
    %add3A_529 = arith.constant 432 : i32
    %add3A_530 = arith.addi %add3A_4, %add3A_529 : i32
    %dma_start3A_531 = arith.constant 0 : i32
    %dma_start3A_532 = tpu.memref_slice %arg2[%add3A_530, %dma_start3A_531] : memref<32768x2048xf32, #tpu.memory_space<hbm>> -> memref<16x2048xf32, #tpu.memory_space<hbm>>
    %dma_start3A_533 = arith.constant 0 : i32
    %dma_start3A_534 = tpu.memref_slice %arg2[%add3A_530, %dma_start3A_533] : memref<32768x2048xf32, #tpu.memory_space<hbm>> -> memref<16x2048xf32, #tpu.memory_space<hbm>>
    tpu.enqueue_dma source(%dma_start3A_534 : memref<16x2048xf32, #tpu.memory_space<hbm>>) target(%arg5 : memref<16x2048xf32, #tpu.memory_space<vmem>>) target_semaphore(%arg7 : memref<!tpu.dma_semaphore, #tpu.memory_space<semaphore_mem>>)
    %dma_wait3A_535 = arith.constant 0 : i32
    %dma_wait3A_536 = tpu.memref_slice %arg2[%add3A_510, %dma_wait3A_535] : memref<32768x2048xf32, #tpu.memory_space<hbm>> -> memref<16x2048xf32, #tpu.memory_space<hbm>>
    %dma_wait3A_537 = arith.constant 0 : i32
    %dma_wait3A_538 = tpu.memref_slice %arg2[%add3A_510, %dma_wait3A_537] : memref<32768x2048xf32, #tpu.memory_space<hbm>> -> memref<16x2048xf32, #tpu.memory_space<hbm>>
    tpu.wait_dma2 semaphore(%arg6 : memref<!tpu.dma_semaphore, #tpu.memory_space<semaphore_mem>>) src(%dma_wait3A_538 : memref<16x2048xf32, #tpu.memory_space<hbm>>) dst(%arg4 : memref<16x2048xf32, #tpu.memory_space<vmem>>)
    %add3A_539 = arith.constant 416 : i32
    %add3A_540 = arith.addi %mul3A_2, %add3A_539 : i32
    %dma_start3A_541 = arith.constant 0 : i32
    %dma_start3A_542 = tpu.memref_slice %arg3[%add3A_540, %dma_start3A_541] : memref<14336x2048xf32, #tpu.memory_space<hbm>> -> memref<16x2048xf32, #tpu.memory_space<hbm>>
    %dma_start3A_543 = arith.constant 0 : i32
    %dma_start3A_544 = tpu.memref_slice %arg3[%add3A_540, %dma_start3A_543] : memref<14336x2048xf32, #tpu.memory_space<hbm>> -> memref<16x2048xf32, #tpu.memory_space<hbm>>
    tpu.enqueue_dma source(%arg4 : memref<16x2048xf32, #tpu.memory_space<vmem>>) target(%dma_start3A_544 : memref<16x2048xf32, #tpu.memory_space<hbm>>) target_semaphore(%arg8 : memref<!tpu.dma_semaphore, #tpu.memory_space<semaphore_mem>>)
    %dma_wait3A_545 = arith.constant 0 : i32
    %dma_wait3A_546 = tpu.memref_slice %arg2[%add3A_530, %dma_wait3A_545] : memref<32768x2048xf32, #tpu.memory_space<hbm>> -> memref<16x2048xf32, #tpu.memory_space<hbm>>
    %dma_wait3A_547 = arith.constant 0 : i32
    %dma_wait3A_548 = tpu.memref_slice %arg2[%add3A_530, %dma_wait3A_547] : memref<32768x2048xf32, #tpu.memory_space<hbm>> -> memref<16x2048xf32, #tpu.memory_space<hbm>>
    tpu.wait_dma2 semaphore(%arg7 : memref<!tpu.dma_semaphore, #tpu.memory_space<semaphore_mem>>) src(%dma_wait3A_548 : memref<16x2048xf32, #tpu.memory_space<hbm>>) dst(%arg5 : memref<16x2048xf32, #tpu.memory_space<vmem>>)
    %add3A_549 = arith.constant 432 : i32
    %add3A_550 = arith.addi %mul3A_2, %add3A_549 : i32
    %dma_start3A_551 = arith.constant 0 : i32
    %dma_start3A_552 = tpu.memref_slice %arg3[%add3A_550, %dma_start3A_551] : memref<14336x2048xf32, #tpu.memory_space<hbm>> -> memref<16x2048xf32, #tpu.memory_space<hbm>>
    %dma_start3A_553 = arith.constant 0 : i32
    %dma_start3A_554 = tpu.memref_slice %arg3[%add3A_550, %dma_start3A_553] : memref<14336x2048xf32, #tpu.memory_space<hbm>> -> memref<16x2048xf32, #tpu.memory_space<hbm>>
    tpu.enqueue_dma source(%arg5 : memref<16x2048xf32, #tpu.memory_space<vmem>>) target(%dma_start3A_554 : memref<16x2048xf32, #tpu.memory_space<hbm>>) target_semaphore(%arg9 : memref<!tpu.dma_semaphore, #tpu.memory_space<semaphore_mem>>)
    %dma_wait3A_555 = arith.constant 0 : i32
    %dma_wait3A_556 = tpu.memref_slice %arg3[%add3A_540, %dma_wait3A_555] : memref<14336x2048xf32, #tpu.memory_space<hbm>> -> memref<16x2048xf32, #tpu.memory_space<hbm>>
    %dma_wait3A_557 = arith.constant 0 : i32
    %dma_wait3A_558 = tpu.memref_slice %arg3[%add3A_540, %dma_wait3A_557] : memref<14336x2048xf32, #tpu.memory_space<hbm>> -> memref<16x2048xf32, #tpu.memory_space<hbm>>
    tpu.wait_dma2 semaphore(%arg8 : memref<!tpu.dma_semaphore, #tpu.memory_space<semaphore_mem>>) src(%arg4 : memref<16x2048xf32, #tpu.memory_space<vmem>>) dst(%dma_wait3A_558 : memref<16x2048xf32, #tpu.memory_space<hbm>>)
    %dma_wait3A_559 = arith.constant 0 : i32
    %dma_wait3A_560 = tpu.memref_slice %arg3[%add3A_550, %dma_wait3A_559] : memref<14336x2048xf32, #tpu.memory_space<hbm>> -> memref<16x2048xf32, #tpu.memory_space<hbm>>
    %dma_wait3A_561 = arith.constant 0 : i32
    %dma_wait3A_562 = tpu.memref_slice %arg3[%add3A_550, %dma_wait3A_561] : memref<14336x2048xf32, #tpu.memory_space<hbm>> -> memref<16x2048xf32, #tpu.memory_space<hbm>>
    tpu.wait_dma2 semaphore(%arg9 : memref<!tpu.dma_semaphore, #tpu.memory_space<semaphore_mem>>) src(%arg5 : memref<16x2048xf32, #tpu.memory_space<vmem>>) dst(%dma_wait3A_562 : memref<16x2048xf32, #tpu.memory_space<hbm>>)
    return
  }
}

module attributes {stable_mosaic.version = 14 : i64} {
  func.func @_tc_body(%arg0: memref<32768x2048xf32, #tpu.memory_space<any>>, %arg1: memref<18432x2048xf32, #tpu.memory_space<any>>, %arg2: memref<4x512x2048xf32, #tpu.memory_space<vmem>>, %arg3: memref<4x!tpu.dma_semaphore, #tpu.memory_space<semaphore_mem>>, %arg4: memref<4x!tpu.dma_semaphore, #tpu.memory_space<semaphore_mem>>) attributes {dimension_semantics = [], scalar_prefetch = 0 : i64, scratch_operands = 3 : i64, tpu.core_type = #tpu.core_type<tc>} {
    %dma_start3A = arith.constant 0 : i32
    %dma_start3A_0 = arith.constant 0 : i32
    %dma_start3A_1 = tpu.memref_slice %arg3[%dma_start3A_0] : memref<4x!tpu.dma_semaphore, #tpu.memory_space<semaphore_mem>> -> memref<1x!tpu.dma_semaphore, #tpu.memory_space<semaphore_mem>>
    %dma_start3A_2 = tpu.memref_squeeze %dma_start3A_1 : memref<1x!tpu.dma_semaphore, #tpu.memory_space<semaphore_mem>> -> memref<!tpu.dma_semaphore, #tpu.memory_space<semaphore_mem>>
    %dma_start3A_3 = arith.constant 0 : i32
    %dma_start3A_4 = arith.constant 0 : i32
    %dma_start3A_5 = tpu.memref_slice %arg2[%dma_start3A, %dma_start3A_3, %dma_start3A_4] : memref<4x512x2048xf32, #tpu.memory_space<vmem>> -> memref<1x512x2048xf32, #tpu.memory_space<vmem>>
    %dma_start3A_6 = tpu.memref_squeeze %dma_start3A_5 : memref<1x512x2048xf32, #tpu.memory_space<vmem>> -> memref<512x2048xf32, #tpu.memory_space<vmem>>
    %dma_start3A_7 = arith.constant 0 : i32
    %dma_start3A_8 = arith.constant 0 : i32
    %dma_start3A_9 = tpu.memref_slice %arg0[%dma_start3A_7, %dma_start3A_8] : memref<32768x2048xf32, #tpu.memory_space<any>> -> memref<512x2048xf32, #tpu.memory_space<any>>
    tpu.enqueue_dma source(%dma_start3A_9 : memref<512x2048xf32, #tpu.memory_space<any>>) target(%dma_start3A_6 : memref<512x2048xf32, #tpu.memory_space<vmem>>) target_semaphore(%dma_start3A_2 : memref<!tpu.dma_semaphore, #tpu.memory_space<semaphore_mem>>)
    %dma_start3A_10 = arith.constant 1 : i32
    %dma_start3A_11 = arith.constant 1 : i32
    %dma_start3A_12 = tpu.memref_slice %arg3[%dma_start3A_11] : memref<4x!tpu.dma_semaphore, #tpu.memory_space<semaphore_mem>> -> memref<1x!tpu.dma_semaphore, #tpu.memory_space<semaphore_mem>>
    %dma_start3A_13 = tpu.memref_squeeze %dma_start3A_12 : memref<1x!tpu.dma_semaphore, #tpu.memory_space<semaphore_mem>> -> memref<!tpu.dma_semaphore, #tpu.memory_space<semaphore_mem>>
    %dma_start3A_14 = arith.constant 0 : i32
    %dma_start3A_15 = arith.constant 0 : i32
    %dma_start3A_16 = tpu.memref_slice %arg2[%dma_start3A_10, %dma_start3A_14, %dma_start3A_15] : memref<4x512x2048xf32, #tpu.memory_space<vmem>> -> memref<1x512x2048xf32, #tpu.memory_space<vmem>>
    %dma_start3A_17 = tpu.memref_squeeze %dma_start3A_16 : memref<1x512x2048xf32, #tpu.memory_space<vmem>> -> memref<512x2048xf32, #tpu.memory_space<vmem>>
    %dma_start3A_18 = arith.constant 512 : i32
    %dma_start3A_19 = arith.constant 0 : i32
    %dma_start3A_20 = tpu.memref_slice %arg0[%dma_start3A_18, %dma_start3A_19] : memref<32768x2048xf32, #tpu.memory_space<any>> -> memref<512x2048xf32, #tpu.memory_space<any>>
    tpu.enqueue_dma source(%dma_start3A_20 : memref<512x2048xf32, #tpu.memory_space<any>>) target(%dma_start3A_17 : memref<512x2048xf32, #tpu.memory_space<vmem>>) target_semaphore(%dma_start3A_13 : memref<!tpu.dma_semaphore, #tpu.memory_space<semaphore_mem>>)
    %dma_wait3A = arith.constant 0 : i32
    %dma_wait3A_21 = arith.constant 0 : i32
    %dma_wait3A_22 = tpu.memref_slice %arg3[%dma_wait3A_21] : memref<4x!tpu.dma_semaphore, #tpu.memory_space<semaphore_mem>> -> memref<1x!tpu.dma_semaphore, #tpu.memory_space<semaphore_mem>>
    %dma_wait3A_23 = tpu.memref_squeeze %dma_wait3A_22 : memref<1x!tpu.dma_semaphore, #tpu.memory_space<semaphore_mem>> -> memref<!tpu.dma_semaphore, #tpu.memory_space<semaphore_mem>>
    %dma_wait3A_24 = arith.constant 0 : i32
    %dma_wait3A_25 = arith.constant 0 : i32
    %dma_wait3A_26 = tpu.memref_slice %arg2[%dma_wait3A, %dma_wait3A_24, %dma_wait3A_25] : memref<4x512x2048xf32, #tpu.memory_space<vmem>> -> memref<1x512x2048xf32, #tpu.memory_space<vmem>>
    %dma_wait3A_27 = tpu.memref_squeeze %dma_wait3A_26 : memref<1x512x2048xf32, #tpu.memory_space<vmem>> -> memref<512x2048xf32, #tpu.memory_space<vmem>>
    %dma_wait3A_28 = arith.constant 0 : i32
    %dma_wait3A_29 = arith.constant 0 : i32
    %dma_wait3A_30 = tpu.memref_slice %arg0[%dma_wait3A_28, %dma_wait3A_29] : memref<32768x2048xf32, #tpu.memory_space<any>> -> memref<512x2048xf32, #tpu.memory_space<any>>
    tpu.wait_dma2 semaphore(%dma_wait3A_23 : memref<!tpu.dma_semaphore, #tpu.memory_space<semaphore_mem>>) src(%dma_wait3A_30 : memref<512x2048xf32, #tpu.memory_space<any>>) dst(%dma_wait3A_27 : memref<512x2048xf32, #tpu.memory_space<vmem>>)
    %dma_start3A_31 = arith.constant 0 : i32
    %dma_start3A_32 = arith.constant 0 : i32
    %dma_start3A_33 = tpu.memref_slice %arg4[%dma_start3A_32] : memref<4x!tpu.dma_semaphore, #tpu.memory_space<semaphore_mem>> -> memref<1x!tpu.dma_semaphore, #tpu.memory_space<semaphore_mem>>
    %dma_start3A_34 = tpu.memref_squeeze %dma_start3A_33 : memref<1x!tpu.dma_semaphore, #tpu.memory_space<semaphore_mem>> -> memref<!tpu.dma_semaphore, #tpu.memory_space<semaphore_mem>>
    %dma_start3A_35 = arith.constant 0 : i32
    %dma_start3A_36 = arith.constant 0 : i32
    %dma_start3A_37 = tpu.memref_slice %arg1[%dma_start3A_35, %dma_start3A_36] : memref<18432x2048xf32, #tpu.memory_space<any>> -> memref<512x2048xf32, #tpu.memory_space<any>>
    %dma_start3A_38 = arith.constant 0 : i32
    %dma_start3A_39 = arith.constant 0 : i32
    %dma_start3A_40 = tpu.memref_slice %arg2[%dma_start3A_31, %dma_start3A_38, %dma_start3A_39] : memref<4x512x2048xf32, #tpu.memory_space<vmem>> -> memref<1x512x2048xf32, #tpu.memory_space<vmem>>
    %dma_start3A_41 = tpu.memref_squeeze %dma_start3A_40 : memref<1x512x2048xf32, #tpu.memory_space<vmem>> -> memref<512x2048xf32, #tpu.memory_space<vmem>>
    tpu.enqueue_dma source(%dma_start3A_41 : memref<512x2048xf32, #tpu.memory_space<vmem>>) target(%dma_start3A_37 : memref<512x2048xf32, #tpu.memory_space<any>>) target_semaphore(%dma_start3A_34 : memref<!tpu.dma_semaphore, #tpu.memory_space<semaphore_mem>>)
    %dma_start3A_42 = arith.constant 2 : i32
    %dma_start3A_43 = arith.constant 2 : i32
    %dma_start3A_44 = tpu.memref_slice %arg3[%dma_start3A_43] : memref<4x!tpu.dma_semaphore, #tpu.memory_space<semaphore_mem>> -> memref<1x!tpu.dma_semaphore, #tpu.memory_space<semaphore_mem>>
    %dma_start3A_45 = tpu.memref_squeeze %dma_start3A_44 : memref<1x!tpu.dma_semaphore, #tpu.memory_space<semaphore_mem>> -> memref<!tpu.dma_semaphore, #tpu.memory_space<semaphore_mem>>
    %dma_start3A_46 = arith.constant 0 : i32
    %dma_start3A_47 = arith.constant 0 : i32
    %dma_start3A_48 = tpu.memref_slice %arg2[%dma_start3A_42, %dma_start3A_46, %dma_start3A_47] : memref<4x512x2048xf32, #tpu.memory_space<vmem>> -> memref<1x512x2048xf32, #tpu.memory_space<vmem>>
    %dma_start3A_49 = tpu.memref_squeeze %dma_start3A_48 : memref<1x512x2048xf32, #tpu.memory_space<vmem>> -> memref<512x2048xf32, #tpu.memory_space<vmem>>
    %dma_start3A_50 = arith.constant 1024 : i32
    %dma_start3A_51 = arith.constant 0 : i32
    %dma_start3A_52 = tpu.memref_slice %arg0[%dma_start3A_50, %dma_start3A_51] : memref<32768x2048xf32, #tpu.memory_space<any>> -> memref<512x2048xf32, #tpu.memory_space<any>>
    tpu.enqueue_dma source(%dma_start3A_52 : memref<512x2048xf32, #tpu.memory_space<any>>) target(%dma_start3A_49 : memref<512x2048xf32, #tpu.memory_space<vmem>>) target_semaphore(%dma_start3A_45 : memref<!tpu.dma_semaphore, #tpu.memory_space<semaphore_mem>>)
    %dma_wait3A_53 = arith.constant 1 : i32
    %dma_wait3A_54 = arith.constant 1 : i32
    %dma_wait3A_55 = tpu.memref_slice %arg3[%dma_wait3A_54] : memref<4x!tpu.dma_semaphore, #tpu.memory_space<semaphore_mem>> -> memref<1x!tpu.dma_semaphore, #tpu.memory_space<semaphore_mem>>
    %dma_wait3A_56 = tpu.memref_squeeze %dma_wait3A_55 : memref<1x!tpu.dma_semaphore, #tpu.memory_space<semaphore_mem>> -> memref<!tpu.dma_semaphore, #tpu.memory_space<semaphore_mem>>
    %dma_wait3A_57 = arith.constant 0 : i32
    %dma_wait3A_58 = arith.constant 0 : i32
    %dma_wait3A_59 = tpu.memref_slice %arg2[%dma_wait3A_53, %dma_wait3A_57, %dma_wait3A_58] : memref<4x512x2048xf32, #tpu.memory_space<vmem>> -> memref<1x512x2048xf32, #tpu.memory_space<vmem>>
    %dma_wait3A_60 = tpu.memref_squeeze %dma_wait3A_59 : memref<1x512x2048xf32, #tpu.memory_space<vmem>> -> memref<512x2048xf32, #tpu.memory_space<vmem>>
    %dma_wait3A_61 = arith.constant 512 : i32
    %dma_wait3A_62 = arith.constant 0 : i32
    %dma_wait3A_63 = tpu.memref_slice %arg0[%dma_wait3A_61, %dma_wait3A_62] : memref<32768x2048xf32, #tpu.memory_space<any>> -> memref<512x2048xf32, #tpu.memory_space<any>>
    tpu.wait_dma2 semaphore(%dma_wait3A_56 : memref<!tpu.dma_semaphore, #tpu.memory_space<semaphore_mem>>) src(%dma_wait3A_63 : memref<512x2048xf32, #tpu.memory_space<any>>) dst(%dma_wait3A_60 : memref<512x2048xf32, #tpu.memory_space<vmem>>)
    %dma_start3A_64 = arith.constant 1 : i32
    %dma_start3A_65 = arith.constant 1 : i32
    %dma_start3A_66 = tpu.memref_slice %arg4[%dma_start3A_65] : memref<4x!tpu.dma_semaphore, #tpu.memory_space<semaphore_mem>> -> memref<1x!tpu.dma_semaphore, #tpu.memory_space<semaphore_mem>>
    %dma_start3A_67 = tpu.memref_squeeze %dma_start3A_66 : memref<1x!tpu.dma_semaphore, #tpu.memory_space<semaphore_mem>> -> memref<!tpu.dma_semaphore, #tpu.memory_space<semaphore_mem>>
    %dma_start3A_68 = arith.constant 512 : i32
    %dma_start3A_69 = arith.constant 0 : i32
    %dma_start3A_70 = tpu.memref_slice %arg1[%dma_start3A_68, %dma_start3A_69] : memref<18432x2048xf32, #tpu.memory_space<any>> -> memref<512x2048xf32, #tpu.memory_space<any>>
    %dma_start3A_71 = arith.constant 0 : i32
    %dma_start3A_72 = arith.constant 0 : i32
    %dma_start3A_73 = tpu.memref_slice %arg2[%dma_start3A_64, %dma_start3A_71, %dma_start3A_72] : memref<4x512x2048xf32, #tpu.memory_space<vmem>> -> memref<1x512x2048xf32, #tpu.memory_space<vmem>>
    %dma_start3A_74 = tpu.memref_squeeze %dma_start3A_73 : memref<1x512x2048xf32, #tpu.memory_space<vmem>> -> memref<512x2048xf32, #tpu.memory_space<vmem>>
    tpu.enqueue_dma source(%dma_start3A_74 : memref<512x2048xf32, #tpu.memory_space<vmem>>) target(%dma_start3A_70 : memref<512x2048xf32, #tpu.memory_space<any>>) target_semaphore(%dma_start3A_67 : memref<!tpu.dma_semaphore, #tpu.memory_space<semaphore_mem>>)
    %dma_start3A_75 = arith.constant 3 : i32
    %dma_start3A_76 = arith.constant 3 : i32
    %dma_start3A_77 = tpu.memref_slice %arg3[%dma_start3A_76] : memref<4x!tpu.dma_semaphore, #tpu.memory_space<semaphore_mem>> -> memref<1x!tpu.dma_semaphore, #tpu.memory_space<semaphore_mem>>
    %dma_start3A_78 = tpu.memref_squeeze %dma_start3A_77 : memref<1x!tpu.dma_semaphore, #tpu.memory_space<semaphore_mem>> -> memref<!tpu.dma_semaphore, #tpu.memory_space<semaphore_mem>>
    %dma_start3A_79 = arith.constant 0 : i32
    %dma_start3A_80 = arith.constant 0 : i32
    %dma_start3A_81 = tpu.memref_slice %arg2[%dma_start3A_75, %dma_start3A_79, %dma_start3A_80] : memref<4x512x2048xf32, #tpu.memory_space<vmem>> -> memref<1x512x2048xf32, #tpu.memory_space<vmem>>
    %dma_start3A_82 = tpu.memref_squeeze %dma_start3A_81 : memref<1x512x2048xf32, #tpu.memory_space<vmem>> -> memref<512x2048xf32, #tpu.memory_space<vmem>>
    %dma_start3A_83 = arith.constant 1536 : i32
    %dma_start3A_84 = arith.constant 0 : i32
    %dma_start3A_85 = tpu.memref_slice %arg0[%dma_start3A_83, %dma_start3A_84] : memref<32768x2048xf32, #tpu.memory_space<any>> -> memref<512x2048xf32, #tpu.memory_space<any>>
    tpu.enqueue_dma source(%dma_start3A_85 : memref<512x2048xf32, #tpu.memory_space<any>>) target(%dma_start3A_82 : memref<512x2048xf32, #tpu.memory_space<vmem>>) target_semaphore(%dma_start3A_78 : memref<!tpu.dma_semaphore, #tpu.memory_space<semaphore_mem>>)
    %dma_wait3A_86 = arith.constant 2 : i32
    %dma_wait3A_87 = arith.constant 2 : i32
    %dma_wait3A_88 = tpu.memref_slice %arg3[%dma_wait3A_87] : memref<4x!tpu.dma_semaphore, #tpu.memory_space<semaphore_mem>> -> memref<1x!tpu.dma_semaphore, #tpu.memory_space<semaphore_mem>>
    %dma_wait3A_89 = tpu.memref_squeeze %dma_wait3A_88 : memref<1x!tpu.dma_semaphore, #tpu.memory_space<semaphore_mem>> -> memref<!tpu.dma_semaphore, #tpu.memory_space<semaphore_mem>>
    %dma_wait3A_90 = arith.constant 0 : i32
    %dma_wait3A_91 = arith.constant 0 : i32
    %dma_wait3A_92 = tpu.memref_slice %arg2[%dma_wait3A_86, %dma_wait3A_90, %dma_wait3A_91] : memref<4x512x2048xf32, #tpu.memory_space<vmem>> -> memref<1x512x2048xf32, #tpu.memory_space<vmem>>
    %dma_wait3A_93 = tpu.memref_squeeze %dma_wait3A_92 : memref<1x512x2048xf32, #tpu.memory_space<vmem>> -> memref<512x2048xf32, #tpu.memory_space<vmem>>
    %dma_wait3A_94 = arith.constant 1024 : i32
    %dma_wait3A_95 = arith.constant 0 : i32
    %dma_wait3A_96 = tpu.memref_slice %arg0[%dma_wait3A_94, %dma_wait3A_95] : memref<32768x2048xf32, #tpu.memory_space<any>> -> memref<512x2048xf32, #tpu.memory_space<any>>
    tpu.wait_dma2 semaphore(%dma_wait3A_89 : memref<!tpu.dma_semaphore, #tpu.memory_space<semaphore_mem>>) src(%dma_wait3A_96 : memref<512x2048xf32, #tpu.memory_space<any>>) dst(%dma_wait3A_93 : memref<512x2048xf32, #tpu.memory_space<vmem>>)
    %dma_start3A_97 = arith.constant 2 : i32
    %dma_start3A_98 = arith.constant 2 : i32
    %dma_start3A_99 = tpu.memref_slice %arg4[%dma_start3A_98] : memref<4x!tpu.dma_semaphore, #tpu.memory_space<semaphore_mem>> -> memref<1x!tpu.dma_semaphore, #tpu.memory_space<semaphore_mem>>
    %dma_start3A_100 = tpu.memref_squeeze %dma_start3A_99 : memref<1x!tpu.dma_semaphore, #tpu.memory_space<semaphore_mem>> -> memref<!tpu.dma_semaphore, #tpu.memory_space<semaphore_mem>>
    %dma_start3A_101 = arith.constant 1024 : i32
    %dma_start3A_102 = arith.constant 0 : i32
    %dma_start3A_103 = tpu.memref_slice %arg1[%dma_start3A_101, %dma_start3A_102] : memref<18432x2048xf32, #tpu.memory_space<any>> -> memref<512x2048xf32, #tpu.memory_space<any>>
    %dma_start3A_104 = arith.constant 0 : i32
    %dma_start3A_105 = arith.constant 0 : i32
    %dma_start3A_106 = tpu.memref_slice %arg2[%dma_start3A_97, %dma_start3A_104, %dma_start3A_105] : memref<4x512x2048xf32, #tpu.memory_space<vmem>> -> memref<1x512x2048xf32, #tpu.memory_space<vmem>>
    %dma_start3A_107 = tpu.memref_squeeze %dma_start3A_106 : memref<1x512x2048xf32, #tpu.memory_space<vmem>> -> memref<512x2048xf32, #tpu.memory_space<vmem>>
    tpu.enqueue_dma source(%dma_start3A_107 : memref<512x2048xf32, #tpu.memory_space<vmem>>) target(%dma_start3A_103 : memref<512x2048xf32, #tpu.memory_space<any>>) target_semaphore(%dma_start3A_100 : memref<!tpu.dma_semaphore, #tpu.memory_space<semaphore_mem>>)
    %dma_wait3A_108 = arith.constant 0 : i32
    %dma_wait3A_109 = arith.constant 0 : i32
    %dma_wait3A_110 = tpu.memref_slice %arg4[%dma_wait3A_109] : memref<4x!tpu.dma_semaphore, #tpu.memory_space<semaphore_mem>> -> memref<1x!tpu.dma_semaphore, #tpu.memory_space<semaphore_mem>>
    %dma_wait3A_111 = tpu.memref_squeeze %dma_wait3A_110 : memref<1x!tpu.dma_semaphore, #tpu.memory_space<semaphore_mem>> -> memref<!tpu.dma_semaphore, #tpu.memory_space<semaphore_mem>>
    %dma_wait3A_112 = arith.constant 0 : i32
    %dma_wait3A_113 = arith.constant 0 : i32
    %dma_wait3A_114 = tpu.memref_slice %arg1[%dma_wait3A_112, %dma_wait3A_113] : memref<18432x2048xf32, #tpu.memory_space<any>> -> memref<512x2048xf32, #tpu.memory_space<any>>
    %dma_wait3A_115 = arith.constant 0 : i32
    %dma_wait3A_116 = arith.constant 0 : i32
    %dma_wait3A_117 = tpu.memref_slice %arg2[%dma_wait3A_108, %dma_wait3A_115, %dma_wait3A_116] : memref<4x512x2048xf32, #tpu.memory_space<vmem>> -> memref<1x512x2048xf32, #tpu.memory_space<vmem>>
    %dma_wait3A_118 = tpu.memref_squeeze %dma_wait3A_117 : memref<1x512x2048xf32, #tpu.memory_space<vmem>> -> memref<512x2048xf32, #tpu.memory_space<vmem>>
    tpu.wait_dma2 semaphore(%dma_wait3A_111 : memref<!tpu.dma_semaphore, #tpu.memory_space<semaphore_mem>>) src(%dma_wait3A_118 : memref<512x2048xf32, #tpu.memory_space<vmem>>) dst(%dma_wait3A_114 : memref<512x2048xf32, #tpu.memory_space<any>>)
    %dma_start3A_119 = arith.constant 0 : i32
    %dma_start3A_120 = arith.constant 0 : i32
    %dma_start3A_121 = tpu.memref_slice %arg3[%dma_start3A_120] : memref<4x!tpu.dma_semaphore, #tpu.memory_space<semaphore_mem>> -> memref<1x!tpu.dma_semaphore, #tpu.memory_space<semaphore_mem>>
    %dma_start3A_122 = tpu.memref_squeeze %dma_start3A_121 : memref<1x!tpu.dma_semaphore, #tpu.memory_space<semaphore_mem>> -> memref<!tpu.dma_semaphore, #tpu.memory_space<semaphore_mem>>
    %dma_start3A_123 = arith.constant 0 : i32
    %dma_start3A_124 = arith.constant 0 : i32
    %dma_start3A_125 = tpu.memref_slice %arg2[%dma_start3A_119, %dma_start3A_123, %dma_start3A_124] : memref<4x512x2048xf32, #tpu.memory_space<vmem>> -> memref<1x512x2048xf32, #tpu.memory_space<vmem>>
    %dma_start3A_126 = tpu.memref_squeeze %dma_start3A_125 : memref<1x512x2048xf32, #tpu.memory_space<vmem>> -> memref<512x2048xf32, #tpu.memory_space<vmem>>
    %dma_start3A_127 = arith.constant 2048 : i32
    %dma_start3A_128 = arith.constant 0 : i32
    %dma_start3A_129 = tpu.memref_slice %arg0[%dma_start3A_127, %dma_start3A_128] : memref<32768x2048xf32, #tpu.memory_space<any>> -> memref<512x2048xf32, #tpu.memory_space<any>>
    tpu.enqueue_dma source(%dma_start3A_129 : memref<512x2048xf32, #tpu.memory_space<any>>) target(%dma_start3A_126 : memref<512x2048xf32, #tpu.memory_space<vmem>>) target_semaphore(%dma_start3A_122 : memref<!tpu.dma_semaphore, #tpu.memory_space<semaphore_mem>>)
    %dma_wait3A_130 = arith.constant 3 : i32
    %dma_wait3A_131 = arith.constant 3 : i32
    %dma_wait3A_132 = tpu.memref_slice %arg3[%dma_wait3A_131] : memref<4x!tpu.dma_semaphore, #tpu.memory_space<semaphore_mem>> -> memref<1x!tpu.dma_semaphore, #tpu.memory_space<semaphore_mem>>
    %dma_wait3A_133 = tpu.memref_squeeze %dma_wait3A_132 : memref<1x!tpu.dma_semaphore, #tpu.memory_space<semaphore_mem>> -> memref<!tpu.dma_semaphore, #tpu.memory_space<semaphore_mem>>
    %dma_wait3A_134 = arith.constant 0 : i32
    %dma_wait3A_135 = arith.constant 0 : i32
    %dma_wait3A_136 = tpu.memref_slice %arg2[%dma_wait3A_130, %dma_wait3A_134, %dma_wait3A_135] : memref<4x512x2048xf32, #tpu.memory_space<vmem>> -> memref<1x512x2048xf32, #tpu.memory_space<vmem>>
    %dma_wait3A_137 = tpu.memref_squeeze %dma_wait3A_136 : memref<1x512x2048xf32, #tpu.memory_space<vmem>> -> memref<512x2048xf32, #tpu.memory_space<vmem>>
    %dma_wait3A_138 = arith.constant 1536 : i32
    %dma_wait3A_139 = arith.constant 0 : i32
    %dma_wait3A_140 = tpu.memref_slice %arg0[%dma_wait3A_138, %dma_wait3A_139] : memref<32768x2048xf32, #tpu.memory_space<any>> -> memref<512x2048xf32, #tpu.memory_space<any>>
    tpu.wait_dma2 semaphore(%dma_wait3A_133 : memref<!tpu.dma_semaphore, #tpu.memory_space<semaphore_mem>>) src(%dma_wait3A_140 : memref<512x2048xf32, #tpu.memory_space<any>>) dst(%dma_wait3A_137 : memref<512x2048xf32, #tpu.memory_space<vmem>>)
    %dma_start3A_141 = arith.constant 3 : i32
    %dma_start3A_142 = arith.constant 3 : i32
    %dma_start3A_143 = tpu.memref_slice %arg4[%dma_start3A_142] : memref<4x!tpu.dma_semaphore, #tpu.memory_space<semaphore_mem>> -> memref<1x!tpu.dma_semaphore, #tpu.memory_space<semaphore_mem>>
    %dma_start3A_144 = tpu.memref_squeeze %dma_start3A_143 : memref<1x!tpu.dma_semaphore, #tpu.memory_space<semaphore_mem>> -> memref<!tpu.dma_semaphore, #tpu.memory_space<semaphore_mem>>
    %dma_start3A_145 = arith.constant 1536 : i32
    %dma_start3A_146 = arith.constant 0 : i32
    %dma_start3A_147 = tpu.memref_slice %arg1[%dma_start3A_145, %dma_start3A_146] : memref<18432x2048xf32, #tpu.memory_space<any>> -> memref<512x2048xf32, #tpu.memory_space<any>>
    %dma_start3A_148 = arith.constant 0 : i32
    %dma_start3A_149 = arith.constant 0 : i32
    %dma_start3A_150 = tpu.memref_slice %arg2[%dma_start3A_141, %dma_start3A_148, %dma_start3A_149] : memref<4x512x2048xf32, #tpu.memory_space<vmem>> -> memref<1x512x2048xf32, #tpu.memory_space<vmem>>
    %dma_start3A_151 = tpu.memref_squeeze %dma_start3A_150 : memref<1x512x2048xf32, #tpu.memory_space<vmem>> -> memref<512x2048xf32, #tpu.memory_space<vmem>>
    tpu.enqueue_dma source(%dma_start3A_151 : memref<512x2048xf32, #tpu.memory_space<vmem>>) target(%dma_start3A_147 : memref<512x2048xf32, #tpu.memory_space<any>>) target_semaphore(%dma_start3A_144 : memref<!tpu.dma_semaphore, #tpu.memory_space<semaphore_mem>>)
    %dma_wait3A_152 = arith.constant 1 : i32
    %dma_wait3A_153 = arith.constant 1 : i32
    %dma_wait3A_154 = tpu.memref_slice %arg4[%dma_wait3A_153] : memref<4x!tpu.dma_semaphore, #tpu.memory_space<semaphore_mem>> -> memref<1x!tpu.dma_semaphore, #tpu.memory_space<semaphore_mem>>
    %dma_wait3A_155 = tpu.memref_squeeze %dma_wait3A_154 : memref<1x!tpu.dma_semaphore, #tpu.memory_space<semaphore_mem>> -> memref<!tpu.dma_semaphore, #tpu.memory_space<semaphore_mem>>
    %dma_wait3A_156 = arith.constant 512 : i32
    %dma_wait3A_157 = arith.constant 0 : i32
    %dma_wait3A_158 = tpu.memref_slice %arg1[%dma_wait3A_156, %dma_wait3A_157] : memref<18432x2048xf32, #tpu.memory_space<any>> -> memref<512x2048xf32, #tpu.memory_space<any>>
    %dma_wait3A_159 = arith.constant 0 : i32
    %dma_wait3A_160 = arith.constant 0 : i32
    %dma_wait3A_161 = tpu.memref_slice %arg2[%dma_wait3A_152, %dma_wait3A_159, %dma_wait3A_160] : memref<4x512x2048xf32, #tpu.memory_space<vmem>> -> memref<1x512x2048xf32, #tpu.memory_space<vmem>>
    %dma_wait3A_162 = tpu.memref_squeeze %dma_wait3A_161 : memref<1x512x2048xf32, #tpu.memory_space<vmem>> -> memref<512x2048xf32, #tpu.memory_space<vmem>>
    tpu.wait_dma2 semaphore(%dma_wait3A_155 : memref<!tpu.dma_semaphore, #tpu.memory_space<semaphore_mem>>) src(%dma_wait3A_162 : memref<512x2048xf32, #tpu.memory_space<vmem>>) dst(%dma_wait3A_158 : memref<512x2048xf32, #tpu.memory_space<any>>)
    %dma_start3A_163 = arith.constant 1 : i32
    %dma_start3A_164 = arith.constant 1 : i32
    %dma_start3A_165 = tpu.memref_slice %arg3[%dma_start3A_164] : memref<4x!tpu.dma_semaphore, #tpu.memory_space<semaphore_mem>> -> memref<1x!tpu.dma_semaphore, #tpu.memory_space<semaphore_mem>>
    %dma_start3A_166 = tpu.memref_squeeze %dma_start3A_165 : memref<1x!tpu.dma_semaphore, #tpu.memory_space<semaphore_mem>> -> memref<!tpu.dma_semaphore, #tpu.memory_space<semaphore_mem>>
    %dma_start3A_167 = arith.constant 0 : i32
    %dma_start3A_168 = arith.constant 0 : i32
    %dma_start3A_169 = tpu.memref_slice %arg2[%dma_start3A_163, %dma_start3A_167, %dma_start3A_168] : memref<4x512x2048xf32, #tpu.memory_space<vmem>> -> memref<1x512x2048xf32, #tpu.memory_space<vmem>>
    %dma_start3A_170 = tpu.memref_squeeze %dma_start3A_169 : memref<1x512x2048xf32, #tpu.memory_space<vmem>> -> memref<512x2048xf32, #tpu.memory_space<vmem>>
    %dma_start3A_171 = arith.constant 2560 : i32
    %dma_start3A_172 = arith.constant 0 : i32
    %dma_start3A_173 = tpu.memref_slice %arg0[%dma_start3A_171, %dma_start3A_172] : memref<32768x2048xf32, #tpu.memory_space<any>> -> memref<512x2048xf32, #tpu.memory_space<any>>
    tpu.enqueue_dma source(%dma_start3A_173 : memref<512x2048xf32, #tpu.memory_space<any>>) target(%dma_start3A_170 : memref<512x2048xf32, #tpu.memory_space<vmem>>) target_semaphore(%dma_start3A_166 : memref<!tpu.dma_semaphore, #tpu.memory_space<semaphore_mem>>)
    %dma_wait3A_174 = arith.constant 0 : i32
    %dma_wait3A_175 = arith.constant 0 : i32
    %dma_wait3A_176 = tpu.memref_slice %arg3[%dma_wait3A_175] : memref<4x!tpu.dma_semaphore, #tpu.memory_space<semaphore_mem>> -> memref<1x!tpu.dma_semaphore, #tpu.memory_space<semaphore_mem>>
    %dma_wait3A_177 = tpu.memref_squeeze %dma_wait3A_176 : memref<1x!tpu.dma_semaphore, #tpu.memory_space<semaphore_mem>> -> memref<!tpu.dma_semaphore, #tpu.memory_space<semaphore_mem>>
    %dma_wait3A_178 = arith.constant 0 : i32
    %dma_wait3A_179 = arith.constant 0 : i32
    %dma_wait3A_180 = tpu.memref_slice %arg2[%dma_wait3A_174, %dma_wait3A_178, %dma_wait3A_179] : memref<4x512x2048xf32, #tpu.memory_space<vmem>> -> memref<1x512x2048xf32, #tpu.memory_space<vmem>>
    %dma_wait3A_181 = tpu.memref_squeeze %dma_wait3A_180 : memref<1x512x2048xf32, #tpu.memory_space<vmem>> -> memref<512x2048xf32, #tpu.memory_space<vmem>>
    %dma_wait3A_182 = arith.constant 2048 : i32
    %dma_wait3A_183 = arith.constant 0 : i32
    %dma_wait3A_184 = tpu.memref_slice %arg0[%dma_wait3A_182, %dma_wait3A_183] : memref<32768x2048xf32, #tpu.memory_space<any>> -> memref<512x2048xf32, #tpu.memory_space<any>>
    tpu.wait_dma2 semaphore(%dma_wait3A_177 : memref<!tpu.dma_semaphore, #tpu.memory_space<semaphore_mem>>) src(%dma_wait3A_184 : memref<512x2048xf32, #tpu.memory_space<any>>) dst(%dma_wait3A_181 : memref<512x2048xf32, #tpu.memory_space<vmem>>)
    %dma_start3A_185 = arith.constant 0 : i32
    %dma_start3A_186 = arith.constant 0 : i32
    %dma_start3A_187 = tpu.memref_slice %arg4[%dma_start3A_186] : memref<4x!tpu.dma_semaphore, #tpu.memory_space<semaphore_mem>> -> memref<1x!tpu.dma_semaphore, #tpu.memory_space<semaphore_mem>>
    %dma_start3A_188 = tpu.memref_squeeze %dma_start3A_187 : memref<1x!tpu.dma_semaphore, #tpu.memory_space<semaphore_mem>> -> memref<!tpu.dma_semaphore, #tpu.memory_space<semaphore_mem>>
    %dma_start3A_189 = arith.constant 2048 : i32
    %dma_start3A_190 = arith.constant 0 : i32
    %dma_start3A_191 = tpu.memref_slice %arg1[%dma_start3A_189, %dma_start3A_190] : memref<18432x2048xf32, #tpu.memory_space<any>> -> memref<512x2048xf32, #tpu.memory_space<any>>
    %dma_start3A_192 = arith.constant 0 : i32
    %dma_start3A_193 = arith.constant 0 : i32
    %dma_start3A_194 = tpu.memref_slice %arg2[%dma_start3A_185, %dma_start3A_192, %dma_start3A_193] : memref<4x512x2048xf32, #tpu.memory_space<vmem>> -> memref<1x512x2048xf32, #tpu.memory_space<vmem>>
    %dma_start3A_195 = tpu.memref_squeeze %dma_start3A_194 : memref<1x512x2048xf32, #tpu.memory_space<vmem>> -> memref<512x2048xf32, #tpu.memory_space<vmem>>
    tpu.enqueue_dma source(%dma_start3A_195 : memref<512x2048xf32, #tpu.memory_space<vmem>>) target(%dma_start3A_191 : memref<512x2048xf32, #tpu.memory_space<any>>) target_semaphore(%dma_start3A_188 : memref<!tpu.dma_semaphore, #tpu.memory_space<semaphore_mem>>)
    %dma_wait3A_196 = arith.constant 2 : i32
    %dma_wait3A_197 = arith.constant 2 : i32
    %dma_wait3A_198 = tpu.memref_slice %arg4[%dma_wait3A_197] : memref<4x!tpu.dma_semaphore, #tpu.memory_space<semaphore_mem>> -> memref<1x!tpu.dma_semaphore, #tpu.memory_space<semaphore_mem>>
    %dma_wait3A_199 = tpu.memref_squeeze %dma_wait3A_198 : memref<1x!tpu.dma_semaphore, #tpu.memory_space<semaphore_mem>> -> memref<!tpu.dma_semaphore, #tpu.memory_space<semaphore_mem>>
    %dma_wait3A_200 = arith.constant 1024 : i32
    %dma_wait3A_201 = arith.constant 0 : i32
    %dma_wait3A_202 = tpu.memref_slice %arg1[%dma_wait3A_200, %dma_wait3A_201] : memref<18432x2048xf32, #tpu.memory_space<any>> -> memref<512x2048xf32, #tpu.memory_space<any>>
    %dma_wait3A_203 = arith.constant 0 : i32
    %dma_wait3A_204 = arith.constant 0 : i32
    %dma_wait3A_205 = tpu.memref_slice %arg2[%dma_wait3A_196, %dma_wait3A_203, %dma_wait3A_204] : memref<4x512x2048xf32, #tpu.memory_space<vmem>> -> memref<1x512x2048xf32, #tpu.memory_space<vmem>>
    %dma_wait3A_206 = tpu.memref_squeeze %dma_wait3A_205 : memref<1x512x2048xf32, #tpu.memory_space<vmem>> -> memref<512x2048xf32, #tpu.memory_space<vmem>>
    tpu.wait_dma2 semaphore(%dma_wait3A_199 : memref<!tpu.dma_semaphore, #tpu.memory_space<semaphore_mem>>) src(%dma_wait3A_206 : memref<512x2048xf32, #tpu.memory_space<vmem>>) dst(%dma_wait3A_202 : memref<512x2048xf32, #tpu.memory_space<any>>)
    %dma_start3A_207 = arith.constant 2 : i32
    %dma_start3A_208 = arith.constant 2 : i32
    %dma_start3A_209 = tpu.memref_slice %arg3[%dma_start3A_208] : memref<4x!tpu.dma_semaphore, #tpu.memory_space<semaphore_mem>> -> memref<1x!tpu.dma_semaphore, #tpu.memory_space<semaphore_mem>>
    %dma_start3A_210 = tpu.memref_squeeze %dma_start3A_209 : memref<1x!tpu.dma_semaphore, #tpu.memory_space<semaphore_mem>> -> memref<!tpu.dma_semaphore, #tpu.memory_space<semaphore_mem>>
    %dma_start3A_211 = arith.constant 0 : i32
    %dma_start3A_212 = arith.constant 0 : i32
    %dma_start3A_213 = tpu.memref_slice %arg2[%dma_start3A_207, %dma_start3A_211, %dma_start3A_212] : memref<4x512x2048xf32, #tpu.memory_space<vmem>> -> memref<1x512x2048xf32, #tpu.memory_space<vmem>>
    %dma_start3A_214 = tpu.memref_squeeze %dma_start3A_213 : memref<1x512x2048xf32, #tpu.memory_space<vmem>> -> memref<512x2048xf32, #tpu.memory_space<vmem>>
    %dma_start3A_215 = arith.constant 3072 : i32
    %dma_start3A_216 = arith.constant 0 : i32
    %dma_start3A_217 = tpu.memref_slice %arg0[%dma_start3A_215, %dma_start3A_216] : memref<32768x2048xf32, #tpu.memory_space<any>> -> memref<512x2048xf32, #tpu.memory_space<any>>
    tpu.enqueue_dma source(%dma_start3A_217 : memref<512x2048xf32, #tpu.memory_space<any>>) target(%dma_start3A_214 : memref<512x2048xf32, #tpu.memory_space<vmem>>) target_semaphore(%dma_start3A_210 : memref<!tpu.dma_semaphore, #tpu.memory_space<semaphore_mem>>)
    %dma_wait3A_218 = arith.constant 1 : i32
    %dma_wait3A_219 = arith.constant 1 : i32
    %dma_wait3A_220 = tpu.memref_slice %arg3[%dma_wait3A_219] : memref<4x!tpu.dma_semaphore, #tpu.memory_space<semaphore_mem>> -> memref<1x!tpu.dma_semaphore, #tpu.memory_space<semaphore_mem>>
    %dma_wait3A_221 = tpu.memref_squeeze %dma_wait3A_220 : memref<1x!tpu.dma_semaphore, #tpu.memory_space<semaphore_mem>> -> memref<!tpu.dma_semaphore, #tpu.memory_space<semaphore_mem>>
    %dma_wait3A_222 = arith.constant 0 : i32
    %dma_wait3A_223 = arith.constant 0 : i32
    %dma_wait3A_224 = tpu.memref_slice %arg2[%dma_wait3A_218, %dma_wait3A_222, %dma_wait3A_223] : memref<4x512x2048xf32, #tpu.memory_space<vmem>> -> memref<1x512x2048xf32, #tpu.memory_space<vmem>>
    %dma_wait3A_225 = tpu.memref_squeeze %dma_wait3A_224 : memref<1x512x2048xf32, #tpu.memory_space<vmem>> -> memref<512x2048xf32, #tpu.memory_space<vmem>>
    %dma_wait3A_226 = arith.constant 2560 : i32
    %dma_wait3A_227 = arith.constant 0 : i32
    %dma_wait3A_228 = tpu.memref_slice %arg0[%dma_wait3A_226, %dma_wait3A_227] : memref<32768x2048xf32, #tpu.memory_space<any>> -> memref<512x2048xf32, #tpu.memory_space<any>>
    tpu.wait_dma2 semaphore(%dma_wait3A_221 : memref<!tpu.dma_semaphore, #tpu.memory_space<semaphore_mem>>) src(%dma_wait3A_228 : memref<512x2048xf32, #tpu.memory_space<any>>) dst(%dma_wait3A_225 : memref<512x2048xf32, #tpu.memory_space<vmem>>)
    %dma_start3A_229 = arith.constant 1 : i32
    %dma_start3A_230 = arith.constant 1 : i32
    %dma_start3A_231 = tpu.memref_slice %arg4[%dma_start3A_230] : memref<4x!tpu.dma_semaphore, #tpu.memory_space<semaphore_mem>> -> memref<1x!tpu.dma_semaphore, #tpu.memory_space<semaphore_mem>>
    %dma_start3A_232 = tpu.memref_squeeze %dma_start3A_231 : memref<1x!tpu.dma_semaphore, #tpu.memory_space<semaphore_mem>> -> memref<!tpu.dma_semaphore, #tpu.memory_space<semaphore_mem>>
    %dma_start3A_233 = arith.constant 2560 : i32
    %dma_start3A_234 = arith.constant 0 : i32
    %dma_start3A_235 = tpu.memref_slice %arg1[%dma_start3A_233, %dma_start3A_234] : memref<18432x2048xf32, #tpu.memory_space<any>> -> memref<512x2048xf32, #tpu.memory_space<any>>
    %dma_start3A_236 = arith.constant 0 : i32
    %dma_start3A_237 = arith.constant 0 : i32
    %dma_start3A_238 = tpu.memref_slice %arg2[%dma_start3A_229, %dma_start3A_236, %dma_start3A_237] : memref<4x512x2048xf32, #tpu.memory_space<vmem>> -> memref<1x512x2048xf32, #tpu.memory_space<vmem>>
    %dma_start3A_239 = tpu.memref_squeeze %dma_start3A_238 : memref<1x512x2048xf32, #tpu.memory_space<vmem>> -> memref<512x2048xf32, #tpu.memory_space<vmem>>
    tpu.enqueue_dma source(%dma_start3A_239 : memref<512x2048xf32, #tpu.memory_space<vmem>>) target(%dma_start3A_235 : memref<512x2048xf32, #tpu.memory_space<any>>) target_semaphore(%dma_start3A_232 : memref<!tpu.dma_semaphore, #tpu.memory_space<semaphore_mem>>)
    %dma_wait3A_240 = arith.constant 3 : i32
    %dma_wait3A_241 = arith.constant 3 : i32
    %dma_wait3A_242 = tpu.memref_slice %arg4[%dma_wait3A_241] : memref<4x!tpu.dma_semaphore, #tpu.memory_space<semaphore_mem>> -> memref<1x!tpu.dma_semaphore, #tpu.memory_space<semaphore_mem>>
    %dma_wait3A_243 = tpu.memref_squeeze %dma_wait3A_242 : memref<1x!tpu.dma_semaphore, #tpu.memory_space<semaphore_mem>> -> memref<!tpu.dma_semaphore, #tpu.memory_space<semaphore_mem>>
    %dma_wait3A_244 = arith.constant 1536 : i32
    %dma_wait3A_245 = arith.constant 0 : i32
    %dma_wait3A_246 = tpu.memref_slice %arg1[%dma_wait3A_244, %dma_wait3A_245] : memref<18432x2048xf32, #tpu.memory_space<any>> -> memref<512x2048xf32, #tpu.memory_space<any>>
    %dma_wait3A_247 = arith.constant 0 : i32
    %dma_wait3A_248 = arith.constant 0 : i32
    %dma_wait3A_249 = tpu.memref_slice %arg2[%dma_wait3A_240, %dma_wait3A_247, %dma_wait3A_248] : memref<4x512x2048xf32, #tpu.memory_space<vmem>> -> memref<1x512x2048xf32, #tpu.memory_space<vmem>>
    %dma_wait3A_250 = tpu.memref_squeeze %dma_wait3A_249 : memref<1x512x2048xf32, #tpu.memory_space<vmem>> -> memref<512x2048xf32, #tpu.memory_space<vmem>>
    tpu.wait_dma2 semaphore(%dma_wait3A_243 : memref<!tpu.dma_semaphore, #tpu.memory_space<semaphore_mem>>) src(%dma_wait3A_250 : memref<512x2048xf32, #tpu.memory_space<vmem>>) dst(%dma_wait3A_246 : memref<512x2048xf32, #tpu.memory_space<any>>)
    %dma_start3A_251 = arith.constant 3 : i32
    %dma_start3A_252 = arith.constant 3 : i32
    %dma_start3A_253 = tpu.memref_slice %arg3[%dma_start3A_252] : memref<4x!tpu.dma_semaphore, #tpu.memory_space<semaphore_mem>> -> memref<1x!tpu.dma_semaphore, #tpu.memory_space<semaphore_mem>>
    %dma_start3A_254 = tpu.memref_squeeze %dma_start3A_253 : memref<1x!tpu.dma_semaphore, #tpu.memory_space<semaphore_mem>> -> memref<!tpu.dma_semaphore, #tpu.memory_space<semaphore_mem>>
    %dma_start3A_255 = arith.constant 0 : i32
    %dma_start3A_256 = arith.constant 0 : i32
    %dma_start3A_257 = tpu.memref_slice %arg2[%dma_start3A_251, %dma_start3A_255, %dma_start3A_256] : memref<4x512x2048xf32, #tpu.memory_space<vmem>> -> memref<1x512x2048xf32, #tpu.memory_space<vmem>>
    %dma_start3A_258 = tpu.memref_squeeze %dma_start3A_257 : memref<1x512x2048xf32, #tpu.memory_space<vmem>> -> memref<512x2048xf32, #tpu.memory_space<vmem>>
    %dma_start3A_259 = arith.constant 3584 : i32
    %dma_start3A_260 = arith.constant 0 : i32
    %dma_start3A_261 = tpu.memref_slice %arg0[%dma_start3A_259, %dma_start3A_260] : memref<32768x2048xf32, #tpu.memory_space<any>> -> memref<512x2048xf32, #tpu.memory_space<any>>
    tpu.enqueue_dma source(%dma_start3A_261 : memref<512x2048xf32, #tpu.memory_space<any>>) target(%dma_start3A_258 : memref<512x2048xf32, #tpu.memory_space<vmem>>) target_semaphore(%dma_start3A_254 : memref<!tpu.dma_semaphore, #tpu.memory_space<semaphore_mem>>)
    %dma_wait3A_262 = arith.constant 2 : i32
    %dma_wait3A_263 = arith.constant 2 : i32
    %dma_wait3A_264 = tpu.memref_slice %arg3[%dma_wait3A_263] : memref<4x!tpu.dma_semaphore, #tpu.memory_space<semaphore_mem>> -> memref<1x!tpu.dma_semaphore, #tpu.memory_space<semaphore_mem>>
    %dma_wait3A_265 = tpu.memref_squeeze %dma_wait3A_264 : memref<1x!tpu.dma_semaphore, #tpu.memory_space<semaphore_mem>> -> memref<!tpu.dma_semaphore, #tpu.memory_space<semaphore_mem>>
    %dma_wait3A_266 = arith.constant 0 : i32
    %dma_wait3A_267 = arith.constant 0 : i32
    %dma_wait3A_268 = tpu.memref_slice %arg2[%dma_wait3A_262, %dma_wait3A_266, %dma_wait3A_267] : memref<4x512x2048xf32, #tpu.memory_space<vmem>> -> memref<1x512x2048xf32, #tpu.memory_space<vmem>>
    %dma_wait3A_269 = tpu.memref_squeeze %dma_wait3A_268 : memref<1x512x2048xf32, #tpu.memory_space<vmem>> -> memref<512x2048xf32, #tpu.memory_space<vmem>>
    %dma_wait3A_270 = arith.constant 3072 : i32
    %dma_wait3A_271 = arith.constant 0 : i32
    %dma_wait3A_272 = tpu.memref_slice %arg0[%dma_wait3A_270, %dma_wait3A_271] : memref<32768x2048xf32, #tpu.memory_space<any>> -> memref<512x2048xf32, #tpu.memory_space<any>>
    tpu.wait_dma2 semaphore(%dma_wait3A_265 : memref<!tpu.dma_semaphore, #tpu.memory_space<semaphore_mem>>) src(%dma_wait3A_272 : memref<512x2048xf32, #tpu.memory_space<any>>) dst(%dma_wait3A_269 : memref<512x2048xf32, #tpu.memory_space<vmem>>)
    %dma_start3A_273 = arith.constant 2 : i32
    %dma_start3A_274 = arith.constant 2 : i32
    %dma_start3A_275 = tpu.memref_slice %arg4[%dma_start3A_274] : memref<4x!tpu.dma_semaphore, #tpu.memory_space<semaphore_mem>> -> memref<1x!tpu.dma_semaphore, #tpu.memory_space<semaphore_mem>>
    %dma_start3A_276 = tpu.memref_squeeze %dma_start3A_275 : memref<1x!tpu.dma_semaphore, #tpu.memory_space<semaphore_mem>> -> memref<!tpu.dma_semaphore, #tpu.memory_space<semaphore_mem>>
    %dma_start3A_277 = arith.constant 3072 : i32
    %dma_start3A_278 = arith.constant 0 : i32
    %dma_start3A_279 = tpu.memref_slice %arg1[%dma_start3A_277, %dma_start3A_278] : memref<18432x2048xf32, #tpu.memory_space<any>> -> memref<512x2048xf32, #tpu.memory_space<any>>
    %dma_start3A_280 = arith.constant 0 : i32
    %dma_start3A_281 = arith.constant 0 : i32
    %dma_start3A_282 = tpu.memref_slice %arg2[%dma_start3A_273, %dma_start3A_280, %dma_start3A_281] : memref<4x512x2048xf32, #tpu.memory_space<vmem>> -> memref<1x512x2048xf32, #tpu.memory_space<vmem>>
    %dma_start3A_283 = tpu.memref_squeeze %dma_start3A_282 : memref<1x512x2048xf32, #tpu.memory_space<vmem>> -> memref<512x2048xf32, #tpu.memory_space<vmem>>
    tpu.enqueue_dma source(%dma_start3A_283 : memref<512x2048xf32, #tpu.memory_space<vmem>>) target(%dma_start3A_279 : memref<512x2048xf32, #tpu.memory_space<any>>) target_semaphore(%dma_start3A_276 : memref<!tpu.dma_semaphore, #tpu.memory_space<semaphore_mem>>)
    %dma_wait3A_284 = arith.constant 0 : i32
    %dma_wait3A_285 = arith.constant 0 : i32
    %dma_wait3A_286 = tpu.memref_slice %arg4[%dma_wait3A_285] : memref<4x!tpu.dma_semaphore, #tpu.memory_space<semaphore_mem>> -> memref<1x!tpu.dma_semaphore, #tpu.memory_space<semaphore_mem>>
    %dma_wait3A_287 = tpu.memref_squeeze %dma_wait3A_286 : memref<1x!tpu.dma_semaphore, #tpu.memory_space<semaphore_mem>> -> memref<!tpu.dma_semaphore, #tpu.memory_space<semaphore_mem>>
    %dma_wait3A_288 = arith.constant 2048 : i32
    %dma_wait3A_289 = arith.constant 0 : i32
    %dma_wait3A_290 = tpu.memref_slice %arg1[%dma_wait3A_288, %dma_wait3A_289] : memref<18432x2048xf32, #tpu.memory_space<any>> -> memref<512x2048xf32, #tpu.memory_space<any>>
    %dma_wait3A_291 = arith.constant 0 : i32
    %dma_wait3A_292 = arith.constant 0 : i32
    %dma_wait3A_293 = tpu.memref_slice %arg2[%dma_wait3A_284, %dma_wait3A_291, %dma_wait3A_292] : memref<4x512x2048xf32, #tpu.memory_space<vmem>> -> memref<1x512x2048xf32, #tpu.memory_space<vmem>>
    %dma_wait3A_294 = tpu.memref_squeeze %dma_wait3A_293 : memref<1x512x2048xf32, #tpu.memory_space<vmem>> -> memref<512x2048xf32, #tpu.memory_space<vmem>>
    tpu.wait_dma2 semaphore(%dma_wait3A_287 : memref<!tpu.dma_semaphore, #tpu.memory_space<semaphore_mem>>) src(%dma_wait3A_294 : memref<512x2048xf32, #tpu.memory_space<vmem>>) dst(%dma_wait3A_290 : memref<512x2048xf32, #tpu.memory_space<any>>)
    %dma_start3A_295 = arith.constant 0 : i32
    %dma_start3A_296 = arith.constant 0 : i32
    %dma_start3A_297 = tpu.memref_slice %arg3[%dma_start3A_296] : memref<4x!tpu.dma_semaphore, #tpu.memory_space<semaphore_mem>> -> memref<1x!tpu.dma_semaphore, #tpu.memory_space<semaphore_mem>>
    %dma_start3A_298 = tpu.memref_squeeze %dma_start3A_297 : memref<1x!tpu.dma_semaphore, #tpu.memory_space<semaphore_mem>> -> memref<!tpu.dma_semaphore, #tpu.memory_space<semaphore_mem>>
    %dma_start3A_299 = arith.constant 0 : i32
    %dma_start3A_300 = arith.constant 0 : i32
    %dma_start3A_301 = tpu.memref_slice %arg2[%dma_start3A_295, %dma_start3A_299, %dma_start3A_300] : memref<4x512x2048xf32, #tpu.memory_space<vmem>> -> memref<1x512x2048xf32, #tpu.memory_space<vmem>>
    %dma_start3A_302 = tpu.memref_squeeze %dma_start3A_301 : memref<1x512x2048xf32, #tpu.memory_space<vmem>> -> memref<512x2048xf32, #tpu.memory_space<vmem>>
    %dma_start3A_303 = arith.constant 4096 : i32
    %dma_start3A_304 = arith.constant 0 : i32
    %dma_start3A_305 = tpu.memref_slice %arg0[%dma_start3A_303, %dma_start3A_304] : memref<32768x2048xf32, #tpu.memory_space<any>> -> memref<512x2048xf32, #tpu.memory_space<any>>
    tpu.enqueue_dma source(%dma_start3A_305 : memref<512x2048xf32, #tpu.memory_space<any>>) target(%dma_start3A_302 : memref<512x2048xf32, #tpu.memory_space<vmem>>) target_semaphore(%dma_start3A_298 : memref<!tpu.dma_semaphore, #tpu.memory_space<semaphore_mem>>)
    %dma_wait3A_306 = arith.constant 3 : i32
    %dma_wait3A_307 = arith.constant 3 : i32
    %dma_wait3A_308 = tpu.memref_slice %arg3[%dma_wait3A_307] : memref<4x!tpu.dma_semaphore, #tpu.memory_space<semaphore_mem>> -> memref<1x!tpu.dma_semaphore, #tpu.memory_space<semaphore_mem>>
    %dma_wait3A_309 = tpu.memref_squeeze %dma_wait3A_308 : memref<1x!tpu.dma_semaphore, #tpu.memory_space<semaphore_mem>> -> memref<!tpu.dma_semaphore, #tpu.memory_space<semaphore_mem>>
    %dma_wait3A_310 = arith.constant 0 : i32
    %dma_wait3A_311 = arith.constant 0 : i32
    %dma_wait3A_312 = tpu.memref_slice %arg2[%dma_wait3A_306, %dma_wait3A_310, %dma_wait3A_311] : memref<4x512x2048xf32, #tpu.memory_space<vmem>> -> memref<1x512x2048xf32, #tpu.memory_space<vmem>>
    %dma_wait3A_313 = tpu.memref_squeeze %dma_wait3A_312 : memref<1x512x2048xf32, #tpu.memory_space<vmem>> -> memref<512x2048xf32, #tpu.memory_space<vmem>>
    %dma_wait3A_314 = arith.constant 3584 : i32
    %dma_wait3A_315 = arith.constant 0 : i32
    %dma_wait3A_316 = tpu.memref_slice %arg0[%dma_wait3A_314, %dma_wait3A_315] : memref<32768x2048xf32, #tpu.memory_space<any>> -> memref<512x2048xf32, #tpu.memory_space<any>>
    tpu.wait_dma2 semaphore(%dma_wait3A_309 : memref<!tpu.dma_semaphore, #tpu.memory_space<semaphore_mem>>) src(%dma_wait3A_316 : memref<512x2048xf32, #tpu.memory_space<any>>) dst(%dma_wait3A_313 : memref<512x2048xf32, #tpu.memory_space<vmem>>)
    %dma_start3A_317 = arith.constant 3 : i32
    %dma_start3A_318 = arith.constant 3 : i32
    %dma_start3A_319 = tpu.memref_slice %arg4[%dma_start3A_318] : memref<4x!tpu.dma_semaphore, #tpu.memory_space<semaphore_mem>> -> memref<1x!tpu.dma_semaphore, #tpu.memory_space<semaphore_mem>>
    %dma_start3A_320 = tpu.memref_squeeze %dma_start3A_319 : memref<1x!tpu.dma_semaphore, #tpu.memory_space<semaphore_mem>> -> memref<!tpu.dma_semaphore, #tpu.memory_space<semaphore_mem>>
    %dma_start3A_321 = arith.constant 3584 : i32
    %dma_start3A_322 = arith.constant 0 : i32
    %dma_start3A_323 = tpu.memref_slice %arg1[%dma_start3A_321, %dma_start3A_322] : memref<18432x2048xf32, #tpu.memory_space<any>> -> memref<512x2048xf32, #tpu.memory_space<any>>
    %dma_start3A_324 = arith.constant 0 : i32
    %dma_start3A_325 = arith.constant 0 : i32
    %dma_start3A_326 = tpu.memref_slice %arg2[%dma_start3A_317, %dma_start3A_324, %dma_start3A_325] : memref<4x512x2048xf32, #tpu.memory_space<vmem>> -> memref<1x512x2048xf32, #tpu.memory_space<vmem>>
    %dma_start3A_327 = tpu.memref_squeeze %dma_start3A_326 : memref<1x512x2048xf32, #tpu.memory_space<vmem>> -> memref<512x2048xf32, #tpu.memory_space<vmem>>
    tpu.enqueue_dma source(%dma_start3A_327 : memref<512x2048xf32, #tpu.memory_space<vmem>>) target(%dma_start3A_323 : memref<512x2048xf32, #tpu.memory_space<any>>) target_semaphore(%dma_start3A_320 : memref<!tpu.dma_semaphore, #tpu.memory_space<semaphore_mem>>)
    %dma_wait3A_328 = arith.constant 1 : i32
    %dma_wait3A_329 = arith.constant 1 : i32
    %dma_wait3A_330 = tpu.memref_slice %arg4[%dma_wait3A_329] : memref<4x!tpu.dma_semaphore, #tpu.memory_space<semaphore_mem>> -> memref<1x!tpu.dma_semaphore, #tpu.memory_space<semaphore_mem>>
    %dma_wait3A_331 = tpu.memref_squeeze %dma_wait3A_330 : memref<1x!tpu.dma_semaphore, #tpu.memory_space<semaphore_mem>> -> memref<!tpu.dma_semaphore, #tpu.memory_space<semaphore_mem>>
    %dma_wait3A_332 = arith.constant 2560 : i32
    %dma_wait3A_333 = arith.constant 0 : i32
    %dma_wait3A_334 = tpu.memref_slice %arg1[%dma_wait3A_332, %dma_wait3A_333] : memref<18432x2048xf32, #tpu.memory_space<any>> -> memref<512x2048xf32, #tpu.memory_space<any>>
    %dma_wait3A_335 = arith.constant 0 : i32
    %dma_wait3A_336 = arith.constant 0 : i32
    %dma_wait3A_337 = tpu.memref_slice %arg2[%dma_wait3A_328, %dma_wait3A_335, %dma_wait3A_336] : memref<4x512x2048xf32, #tpu.memory_space<vmem>> -> memref<1x512x2048xf32, #tpu.memory_space<vmem>>
    %dma_wait3A_338 = tpu.memref_squeeze %dma_wait3A_337 : memref<1x512x2048xf32, #tpu.memory_space<vmem>> -> memref<512x2048xf32, #tpu.memory_space<vmem>>
    tpu.wait_dma2 semaphore(%dma_wait3A_331 : memref<!tpu.dma_semaphore, #tpu.memory_space<semaphore_mem>>) src(%dma_wait3A_338 : memref<512x2048xf32, #tpu.memory_space<vmem>>) dst(%dma_wait3A_334 : memref<512x2048xf32, #tpu.memory_space<any>>)
    %dma_start3A_339 = arith.constant 1 : i32
    %dma_start3A_340 = arith.constant 1 : i32
    %dma_start3A_341 = tpu.memref_slice %arg3[%dma_start3A_340] : memref<4x!tpu.dma_semaphore, #tpu.memory_space<semaphore_mem>> -> memref<1x!tpu.dma_semaphore, #tpu.memory_space<semaphore_mem>>
    %dma_start3A_342 = tpu.memref_squeeze %dma_start3A_341 : memref<1x!tpu.dma_semaphore, #tpu.memory_space<semaphore_mem>> -> memref<!tpu.dma_semaphore, #tpu.memory_space<semaphore_mem>>
    %dma_start3A_343 = arith.constant 0 : i32
    %dma_start3A_344 = arith.constant 0 : i32
    %dma_start3A_345 = tpu.memref_slice %arg2[%dma_start3A_339, %dma_start3A_343, %dma_start3A_344] : memref<4x512x2048xf32, #tpu.memory_space<vmem>> -> memref<1x512x2048xf32, #tpu.memory_space<vmem>>
    %dma_start3A_346 = tpu.memref_squeeze %dma_start3A_345 : memref<1x512x2048xf32, #tpu.memory_space<vmem>> -> memref<512x2048xf32, #tpu.memory_space<vmem>>
    %dma_start3A_347 = arith.constant 4608 : i32
    %dma_start3A_348 = arith.constant 0 : i32
    %dma_start3A_349 = tpu.memref_slice %arg0[%dma_start3A_347, %dma_start3A_348] : memref<32768x2048xf32, #tpu.memory_space<any>> -> memref<512x2048xf32, #tpu.memory_space<any>>
    tpu.enqueue_dma source(%dma_start3A_349 : memref<512x2048xf32, #tpu.memory_space<any>>) target(%dma_start3A_346 : memref<512x2048xf32, #tpu.memory_space<vmem>>) target_semaphore(%dma_start3A_342 : memref<!tpu.dma_semaphore, #tpu.memory_space<semaphore_mem>>)
    %dma_wait3A_350 = arith.constant 0 : i32
    %dma_wait3A_351 = arith.constant 0 : i32
    %dma_wait3A_352 = tpu.memref_slice %arg3[%dma_wait3A_351] : memref<4x!tpu.dma_semaphore, #tpu.memory_space<semaphore_mem>> -> memref<1x!tpu.dma_semaphore, #tpu.memory_space<semaphore_mem>>
    %dma_wait3A_353 = tpu.memref_squeeze %dma_wait3A_352 : memref<1x!tpu.dma_semaphore, #tpu.memory_space<semaphore_mem>> -> memref<!tpu.dma_semaphore, #tpu.memory_space<semaphore_mem>>
    %dma_wait3A_354 = arith.constant 0 : i32
    %dma_wait3A_355 = arith.constant 0 : i32
    %dma_wait3A_356 = tpu.memref_slice %arg2[%dma_wait3A_350, %dma_wait3A_354, %dma_wait3A_355] : memref<4x512x2048xf32, #tpu.memory_space<vmem>> -> memref<1x512x2048xf32, #tpu.memory_space<vmem>>
    %dma_wait3A_357 = tpu.memref_squeeze %dma_wait3A_356 : memref<1x512x2048xf32, #tpu.memory_space<vmem>> -> memref<512x2048xf32, #tpu.memory_space<vmem>>
    %dma_wait3A_358 = arith.constant 4096 : i32
    %dma_wait3A_359 = arith.constant 0 : i32
    %dma_wait3A_360 = tpu.memref_slice %arg0[%dma_wait3A_358, %dma_wait3A_359] : memref<32768x2048xf32, #tpu.memory_space<any>> -> memref<512x2048xf32, #tpu.memory_space<any>>
    tpu.wait_dma2 semaphore(%dma_wait3A_353 : memref<!tpu.dma_semaphore, #tpu.memory_space<semaphore_mem>>) src(%dma_wait3A_360 : memref<512x2048xf32, #tpu.memory_space<any>>) dst(%dma_wait3A_357 : memref<512x2048xf32, #tpu.memory_space<vmem>>)
    %dma_start3A_361 = arith.constant 0 : i32
    %dma_start3A_362 = arith.constant 0 : i32
    %dma_start3A_363 = tpu.memref_slice %arg4[%dma_start3A_362] : memref<4x!tpu.dma_semaphore, #tpu.memory_space<semaphore_mem>> -> memref<1x!tpu.dma_semaphore, #tpu.memory_space<semaphore_mem>>
    %dma_start3A_364 = tpu.memref_squeeze %dma_start3A_363 : memref<1x!tpu.dma_semaphore, #tpu.memory_space<semaphore_mem>> -> memref<!tpu.dma_semaphore, #tpu.memory_space<semaphore_mem>>
    %dma_start3A_365 = arith.constant 4096 : i32
    %dma_start3A_366 = arith.constant 0 : i32
    %dma_start3A_367 = tpu.memref_slice %arg1[%dma_start3A_365, %dma_start3A_366] : memref<18432x2048xf32, #tpu.memory_space<any>> -> memref<512x2048xf32, #tpu.memory_space<any>>
    %dma_start3A_368 = arith.constant 0 : i32
    %dma_start3A_369 = arith.constant 0 : i32
    %dma_start3A_370 = tpu.memref_slice %arg2[%dma_start3A_361, %dma_start3A_368, %dma_start3A_369] : memref<4x512x2048xf32, #tpu.memory_space<vmem>> -> memref<1x512x2048xf32, #tpu.memory_space<vmem>>
    %dma_start3A_371 = tpu.memref_squeeze %dma_start3A_370 : memref<1x512x2048xf32, #tpu.memory_space<vmem>> -> memref<512x2048xf32, #tpu.memory_space<vmem>>
    tpu.enqueue_dma source(%dma_start3A_371 : memref<512x2048xf32, #tpu.memory_space<vmem>>) target(%dma_start3A_367 : memref<512x2048xf32, #tpu.memory_space<any>>) target_semaphore(%dma_start3A_364 : memref<!tpu.dma_semaphore, #tpu.memory_space<semaphore_mem>>)
    %dma_wait3A_372 = arith.constant 2 : i32
    %dma_wait3A_373 = arith.constant 2 : i32
    %dma_wait3A_374 = tpu.memref_slice %arg4[%dma_wait3A_373] : memref<4x!tpu.dma_semaphore, #tpu.memory_space<semaphore_mem>> -> memref<1x!tpu.dma_semaphore, #tpu.memory_space<semaphore_mem>>
    %dma_wait3A_375 = tpu.memref_squeeze %dma_wait3A_374 : memref<1x!tpu.dma_semaphore, #tpu.memory_space<semaphore_mem>> -> memref<!tpu.dma_semaphore, #tpu.memory_space<semaphore_mem>>
    %dma_wait3A_376 = arith.constant 3072 : i32
    %dma_wait3A_377 = arith.constant 0 : i32
    %dma_wait3A_378 = tpu.memref_slice %arg1[%dma_wait3A_376, %dma_wait3A_377] : memref<18432x2048xf32, #tpu.memory_space<any>> -> memref<512x2048xf32, #tpu.memory_space<any>>
    %dma_wait3A_379 = arith.constant 0 : i32
    %dma_wait3A_380 = arith.constant 0 : i32
    %dma_wait3A_381 = tpu.memref_slice %arg2[%dma_wait3A_372, %dma_wait3A_379, %dma_wait3A_380] : memref<4x512x2048xf32, #tpu.memory_space<vmem>> -> memref<1x512x2048xf32, #tpu.memory_space<vmem>>
    %dma_wait3A_382 = tpu.memref_squeeze %dma_wait3A_381 : memref<1x512x2048xf32, #tpu.memory_space<vmem>> -> memref<512x2048xf32, #tpu.memory_space<vmem>>
    tpu.wait_dma2 semaphore(%dma_wait3A_375 : memref<!tpu.dma_semaphore, #tpu.memory_space<semaphore_mem>>) src(%dma_wait3A_382 : memref<512x2048xf32, #tpu.memory_space<vmem>>) dst(%dma_wait3A_378 : memref<512x2048xf32, #tpu.memory_space<any>>)
    %dma_start3A_383 = arith.constant 2 : i32
    %dma_start3A_384 = arith.constant 2 : i32
    %dma_start3A_385 = tpu.memref_slice %arg3[%dma_start3A_384] : memref<4x!tpu.dma_semaphore, #tpu.memory_space<semaphore_mem>> -> memref<1x!tpu.dma_semaphore, #tpu.memory_space<semaphore_mem>>
    %dma_start3A_386 = tpu.memref_squeeze %dma_start3A_385 : memref<1x!tpu.dma_semaphore, #tpu.memory_space<semaphore_mem>> -> memref<!tpu.dma_semaphore, #tpu.memory_space<semaphore_mem>>
    %dma_start3A_387 = arith.constant 0 : i32
    %dma_start3A_388 = arith.constant 0 : i32
    %dma_start3A_389 = tpu.memref_slice %arg2[%dma_start3A_383, %dma_start3A_387, %dma_start3A_388] : memref<4x512x2048xf32, #tpu.memory_space<vmem>> -> memref<1x512x2048xf32, #tpu.memory_space<vmem>>
    %dma_start3A_390 = tpu.memref_squeeze %dma_start3A_389 : memref<1x512x2048xf32, #tpu.memory_space<vmem>> -> memref<512x2048xf32, #tpu.memory_space<vmem>>
    %dma_start3A_391 = arith.constant 5120 : i32
    %dma_start3A_392 = arith.constant 0 : i32
    %dma_start3A_393 = tpu.memref_slice %arg0[%dma_start3A_391, %dma_start3A_392] : memref<32768x2048xf32, #tpu.memory_space<any>> -> memref<512x2048xf32, #tpu.memory_space<any>>
    tpu.enqueue_dma source(%dma_start3A_393 : memref<512x2048xf32, #tpu.memory_space<any>>) target(%dma_start3A_390 : memref<512x2048xf32, #tpu.memory_space<vmem>>) target_semaphore(%dma_start3A_386 : memref<!tpu.dma_semaphore, #tpu.memory_space<semaphore_mem>>)
    %dma_wait3A_394 = arith.constant 1 : i32
    %dma_wait3A_395 = arith.constant 1 : i32
    %dma_wait3A_396 = tpu.memref_slice %arg3[%dma_wait3A_395] : memref<4x!tpu.dma_semaphore, #tpu.memory_space<semaphore_mem>> -> memref<1x!tpu.dma_semaphore, #tpu.memory_space<semaphore_mem>>
    %dma_wait3A_397 = tpu.memref_squeeze %dma_wait3A_396 : memref<1x!tpu.dma_semaphore, #tpu.memory_space<semaphore_mem>> -> memref<!tpu.dma_semaphore, #tpu.memory_space<semaphore_mem>>
    %dma_wait3A_398 = arith.constant 0 : i32
    %dma_wait3A_399 = arith.constant 0 : i32
    %dma_wait3A_400 = tpu.memref_slice %arg2[%dma_wait3A_394, %dma_wait3A_398, %dma_wait3A_399] : memref<4x512x2048xf32, #tpu.memory_space<vmem>> -> memref<1x512x2048xf32, #tpu.memory_space<vmem>>
    %dma_wait3A_401 = tpu.memref_squeeze %dma_wait3A_400 : memref<1x512x2048xf32, #tpu.memory_space<vmem>> -> memref<512x2048xf32, #tpu.memory_space<vmem>>
    %dma_wait3A_402 = arith.constant 4608 : i32
    %dma_wait3A_403 = arith.constant 0 : i32
    %dma_wait3A_404 = tpu.memref_slice %arg0[%dma_wait3A_402, %dma_wait3A_403] : memref<32768x2048xf32, #tpu.memory_space<any>> -> memref<512x2048xf32, #tpu.memory_space<any>>
    tpu.wait_dma2 semaphore(%dma_wait3A_397 : memref<!tpu.dma_semaphore, #tpu.memory_space<semaphore_mem>>) src(%dma_wait3A_404 : memref<512x2048xf32, #tpu.memory_space<any>>) dst(%dma_wait3A_401 : memref<512x2048xf32, #tpu.memory_space<vmem>>)
    %dma_start3A_405 = arith.constant 1 : i32
    %dma_start3A_406 = arith.constant 1 : i32
    %dma_start3A_407 = tpu.memref_slice %arg4[%dma_start3A_406] : memref<4x!tpu.dma_semaphore, #tpu.memory_space<semaphore_mem>> -> memref<1x!tpu.dma_semaphore, #tpu.memory_space<semaphore_mem>>
    %dma_start3A_408 = tpu.memref_squeeze %dma_start3A_407 : memref<1x!tpu.dma_semaphore, #tpu.memory_space<semaphore_mem>> -> memref<!tpu.dma_semaphore, #tpu.memory_space<semaphore_mem>>
    %dma_start3A_409 = arith.constant 4608 : i32
    %dma_start3A_410 = arith.constant 0 : i32
    %dma_start3A_411 = tpu.memref_slice %arg1[%dma_start3A_409, %dma_start3A_410] : memref<18432x2048xf32, #tpu.memory_space<any>> -> memref<512x2048xf32, #tpu.memory_space<any>>
    %dma_start3A_412 = arith.constant 0 : i32
    %dma_start3A_413 = arith.constant 0 : i32
    %dma_start3A_414 = tpu.memref_slice %arg2[%dma_start3A_405, %dma_start3A_412, %dma_start3A_413] : memref<4x512x2048xf32, #tpu.memory_space<vmem>> -> memref<1x512x2048xf32, #tpu.memory_space<vmem>>
    %dma_start3A_415 = tpu.memref_squeeze %dma_start3A_414 : memref<1x512x2048xf32, #tpu.memory_space<vmem>> -> memref<512x2048xf32, #tpu.memory_space<vmem>>
    tpu.enqueue_dma source(%dma_start3A_415 : memref<512x2048xf32, #tpu.memory_space<vmem>>) target(%dma_start3A_411 : memref<512x2048xf32, #tpu.memory_space<any>>) target_semaphore(%dma_start3A_408 : memref<!tpu.dma_semaphore, #tpu.memory_space<semaphore_mem>>)
    %dma_wait3A_416 = arith.constant 3 : i32
    %dma_wait3A_417 = arith.constant 3 : i32
    %dma_wait3A_418 = tpu.memref_slice %arg4[%dma_wait3A_417] : memref<4x!tpu.dma_semaphore, #tpu.memory_space<semaphore_mem>> -> memref<1x!tpu.dma_semaphore, #tpu.memory_space<semaphore_mem>>
    %dma_wait3A_419 = tpu.memref_squeeze %dma_wait3A_418 : memref<1x!tpu.dma_semaphore, #tpu.memory_space<semaphore_mem>> -> memref<!tpu.dma_semaphore, #tpu.memory_space<semaphore_mem>>
    %dma_wait3A_420 = arith.constant 3584 : i32
    %dma_wait3A_421 = arith.constant 0 : i32
    %dma_wait3A_422 = tpu.memref_slice %arg1[%dma_wait3A_420, %dma_wait3A_421] : memref<18432x2048xf32, #tpu.memory_space<any>> -> memref<512x2048xf32, #tpu.memory_space<any>>
    %dma_wait3A_423 = arith.constant 0 : i32
    %dma_wait3A_424 = arith.constant 0 : i32
    %dma_wait3A_425 = tpu.memref_slice %arg2[%dma_wait3A_416, %dma_wait3A_423, %dma_wait3A_424] : memref<4x512x2048xf32, #tpu.memory_space<vmem>> -> memref<1x512x2048xf32, #tpu.memory_space<vmem>>
    %dma_wait3A_426 = tpu.memref_squeeze %dma_wait3A_425 : memref<1x512x2048xf32, #tpu.memory_space<vmem>> -> memref<512x2048xf32, #tpu.memory_space<vmem>>
    tpu.wait_dma2 semaphore(%dma_wait3A_419 : memref<!tpu.dma_semaphore, #tpu.memory_space<semaphore_mem>>) src(%dma_wait3A_426 : memref<512x2048xf32, #tpu.memory_space<vmem>>) dst(%dma_wait3A_422 : memref<512x2048xf32, #tpu.memory_space<any>>)
    %dma_start3A_427 = arith.constant 3 : i32
    %dma_start3A_428 = arith.constant 3 : i32
    %dma_start3A_429 = tpu.memref_slice %arg3[%dma_start3A_428] : memref<4x!tpu.dma_semaphore, #tpu.memory_space<semaphore_mem>> -> memref<1x!tpu.dma_semaphore, #tpu.memory_space<semaphore_mem>>
    %dma_start3A_430 = tpu.memref_squeeze %dma_start3A_429 : memref<1x!tpu.dma_semaphore, #tpu.memory_space<semaphore_mem>> -> memref<!tpu.dma_semaphore, #tpu.memory_space<semaphore_mem>>
    %dma_start3A_431 = arith.constant 0 : i32
    %dma_start3A_432 = arith.constant 0 : i32
    %dma_start3A_433 = tpu.memref_slice %arg2[%dma_start3A_427, %dma_start3A_431, %dma_start3A_432] : memref<4x512x2048xf32, #tpu.memory_space<vmem>> -> memref<1x512x2048xf32, #tpu.memory_space<vmem>>
    %dma_start3A_434 = tpu.memref_squeeze %dma_start3A_433 : memref<1x512x2048xf32, #tpu.memory_space<vmem>> -> memref<512x2048xf32, #tpu.memory_space<vmem>>
    %dma_start3A_435 = arith.constant 5632 : i32
    %dma_start3A_436 = arith.constant 0 : i32
    %dma_start3A_437 = tpu.memref_slice %arg0[%dma_start3A_435, %dma_start3A_436] : memref<32768x2048xf32, #tpu.memory_space<any>> -> memref<512x2048xf32, #tpu.memory_space<any>>
    tpu.enqueue_dma source(%dma_start3A_437 : memref<512x2048xf32, #tpu.memory_space<any>>) target(%dma_start3A_434 : memref<512x2048xf32, #tpu.memory_space<vmem>>) target_semaphore(%dma_start3A_430 : memref<!tpu.dma_semaphore, #tpu.memory_space<semaphore_mem>>)
    %dma_wait3A_438 = arith.constant 2 : i32
    %dma_wait3A_439 = arith.constant 2 : i32
    %dma_wait3A_440 = tpu.memref_slice %arg3[%dma_wait3A_439] : memref<4x!tpu.dma_semaphore, #tpu.memory_space<semaphore_mem>> -> memref<1x!tpu.dma_semaphore, #tpu.memory_space<semaphore_mem>>
    %dma_wait3A_441 = tpu.memref_squeeze %dma_wait3A_440 : memref<1x!tpu.dma_semaphore, #tpu.memory_space<semaphore_mem>> -> memref<!tpu.dma_semaphore, #tpu.memory_space<semaphore_mem>>
    %dma_wait3A_442 = arith.constant 0 : i32
    %dma_wait3A_443 = arith.constant 0 : i32
    %dma_wait3A_444 = tpu.memref_slice %arg2[%dma_wait3A_438, %dma_wait3A_442, %dma_wait3A_443] : memref<4x512x2048xf32, #tpu.memory_space<vmem>> -> memref<1x512x2048xf32, #tpu.memory_space<vmem>>
    %dma_wait3A_445 = tpu.memref_squeeze %dma_wait3A_444 : memref<1x512x2048xf32, #tpu.memory_space<vmem>> -> memref<512x2048xf32, #tpu.memory_space<vmem>>
    %dma_wait3A_446 = arith.constant 5120 : i32
    %dma_wait3A_447 = arith.constant 0 : i32
    %dma_wait3A_448 = tpu.memref_slice %arg0[%dma_wait3A_446, %dma_wait3A_447] : memref<32768x2048xf32, #tpu.memory_space<any>> -> memref<512x2048xf32, #tpu.memory_space<any>>
    tpu.wait_dma2 semaphore(%dma_wait3A_441 : memref<!tpu.dma_semaphore, #tpu.memory_space<semaphore_mem>>) src(%dma_wait3A_448 : memref<512x2048xf32, #tpu.memory_space<any>>) dst(%dma_wait3A_445 : memref<512x2048xf32, #tpu.memory_space<vmem>>)
    %dma_start3A_449 = arith.constant 2 : i32
    %dma_start3A_450 = arith.constant 2 : i32
    %dma_start3A_451 = tpu.memref_slice %arg4[%dma_start3A_450] : memref<4x!tpu.dma_semaphore, #tpu.memory_space<semaphore_mem>> -> memref<1x!tpu.dma_semaphore, #tpu.memory_space<semaphore_mem>>
    %dma_start3A_452 = tpu.memref_squeeze %dma_start3A_451 : memref<1x!tpu.dma_semaphore, #tpu.memory_space<semaphore_mem>> -> memref<!tpu.dma_semaphore, #tpu.memory_space<semaphore_mem>>
    %dma_start3A_453 = arith.constant 5120 : i32
    %dma_start3A_454 = arith.constant 0 : i32
    %dma_start3A_455 = tpu.memref_slice %arg1[%dma_start3A_453, %dma_start3A_454] : memref<18432x2048xf32, #tpu.memory_space<any>> -> memref<512x2048xf32, #tpu.memory_space<any>>
    %dma_start3A_456 = arith.constant 0 : i32
    %dma_start3A_457 = arith.constant 0 : i32
    %dma_start3A_458 = tpu.memref_slice %arg2[%dma_start3A_449, %dma_start3A_456, %dma_start3A_457] : memref<4x512x2048xf32, #tpu.memory_space<vmem>> -> memref<1x512x2048xf32, #tpu.memory_space<vmem>>
    %dma_start3A_459 = tpu.memref_squeeze %dma_start3A_458 : memref<1x512x2048xf32, #tpu.memory_space<vmem>> -> memref<512x2048xf32, #tpu.memory_space<vmem>>
    tpu.enqueue_dma source(%dma_start3A_459 : memref<512x2048xf32, #tpu.memory_space<vmem>>) target(%dma_start3A_455 : memref<512x2048xf32, #tpu.memory_space<any>>) target_semaphore(%dma_start3A_452 : memref<!tpu.dma_semaphore, #tpu.memory_space<semaphore_mem>>)
    %dma_wait3A_460 = arith.constant 0 : i32
    %dma_wait3A_461 = arith.constant 0 : i32
    %dma_wait3A_462 = tpu.memref_slice %arg4[%dma_wait3A_461] : memref<4x!tpu.dma_semaphore, #tpu.memory_space<semaphore_mem>> -> memref<1x!tpu.dma_semaphore, #tpu.memory_space<semaphore_mem>>
    %dma_wait3A_463 = tpu.memref_squeeze %dma_wait3A_462 : memref<1x!tpu.dma_semaphore, #tpu.memory_space<semaphore_mem>> -> memref<!tpu.dma_semaphore, #tpu.memory_space<semaphore_mem>>
    %dma_wait3A_464 = arith.constant 4096 : i32
    %dma_wait3A_465 = arith.constant 0 : i32
    %dma_wait3A_466 = tpu.memref_slice %arg1[%dma_wait3A_464, %dma_wait3A_465] : memref<18432x2048xf32, #tpu.memory_space<any>> -> memref<512x2048xf32, #tpu.memory_space<any>>
    %dma_wait3A_467 = arith.constant 0 : i32
    %dma_wait3A_468 = arith.constant 0 : i32
    %dma_wait3A_469 = tpu.memref_slice %arg2[%dma_wait3A_460, %dma_wait3A_467, %dma_wait3A_468] : memref<4x512x2048xf32, #tpu.memory_space<vmem>> -> memref<1x512x2048xf32, #tpu.memory_space<vmem>>
    %dma_wait3A_470 = tpu.memref_squeeze %dma_wait3A_469 : memref<1x512x2048xf32, #tpu.memory_space<vmem>> -> memref<512x2048xf32, #tpu.memory_space<vmem>>
    tpu.wait_dma2 semaphore(%dma_wait3A_463 : memref<!tpu.dma_semaphore, #tpu.memory_space<semaphore_mem>>) src(%dma_wait3A_470 : memref<512x2048xf32, #tpu.memory_space<vmem>>) dst(%dma_wait3A_466 : memref<512x2048xf32, #tpu.memory_space<any>>)
    %dma_start3A_471 = arith.constant 0 : i32
    %dma_start3A_472 = arith.constant 0 : i32
    %dma_start3A_473 = tpu.memref_slice %arg3[%dma_start3A_472] : memref<4x!tpu.dma_semaphore, #tpu.memory_space<semaphore_mem>> -> memref<1x!tpu.dma_semaphore, #tpu.memory_space<semaphore_mem>>
    %dma_start3A_474 = tpu.memref_squeeze %dma_start3A_473 : memref<1x!tpu.dma_semaphore, #tpu.memory_space<semaphore_mem>> -> memref<!tpu.dma_semaphore, #tpu.memory_space<semaphore_mem>>
    %dma_start3A_475 = arith.constant 0 : i32
    %dma_start3A_476 = arith.constant 0 : i32
    %dma_start3A_477 = tpu.memref_slice %arg2[%dma_start3A_471, %dma_start3A_475, %dma_start3A_476] : memref<4x512x2048xf32, #tpu.memory_space<vmem>> -> memref<1x512x2048xf32, #tpu.memory_space<vmem>>
    %dma_start3A_478 = tpu.memref_squeeze %dma_start3A_477 : memref<1x512x2048xf32, #tpu.memory_space<vmem>> -> memref<512x2048xf32, #tpu.memory_space<vmem>>
    %dma_start3A_479 = arith.constant 6144 : i32
    %dma_start3A_480 = arith.constant 0 : i32
    %dma_start3A_481 = tpu.memref_slice %arg0[%dma_start3A_479, %dma_start3A_480] : memref<32768x2048xf32, #tpu.memory_space<any>> -> memref<512x2048xf32, #tpu.memory_space<any>>
    tpu.enqueue_dma source(%dma_start3A_481 : memref<512x2048xf32, #tpu.memory_space<any>>) target(%dma_start3A_478 : memref<512x2048xf32, #tpu.memory_space<vmem>>) target_semaphore(%dma_start3A_474 : memref<!tpu.dma_semaphore, #tpu.memory_space<semaphore_mem>>)
    %dma_wait3A_482 = arith.constant 3 : i32
    %dma_wait3A_483 = arith.constant 3 : i32
    %dma_wait3A_484 = tpu.memref_slice %arg3[%dma_wait3A_483] : memref<4x!tpu.dma_semaphore, #tpu.memory_space<semaphore_mem>> -> memref<1x!tpu.dma_semaphore, #tpu.memory_space<semaphore_mem>>
    %dma_wait3A_485 = tpu.memref_squeeze %dma_wait3A_484 : memref<1x!tpu.dma_semaphore, #tpu.memory_space<semaphore_mem>> -> memref<!tpu.dma_semaphore, #tpu.memory_space<semaphore_mem>>
    %dma_wait3A_486 = arith.constant 0 : i32
    %dma_wait3A_487 = arith.constant 0 : i32
    %dma_wait3A_488 = tpu.memref_slice %arg2[%dma_wait3A_482, %dma_wait3A_486, %dma_wait3A_487] : memref<4x512x2048xf32, #tpu.memory_space<vmem>> -> memref<1x512x2048xf32, #tpu.memory_space<vmem>>
    %dma_wait3A_489 = tpu.memref_squeeze %dma_wait3A_488 : memref<1x512x2048xf32, #tpu.memory_space<vmem>> -> memref<512x2048xf32, #tpu.memory_space<vmem>>
    %dma_wait3A_490 = arith.constant 5632 : i32
    %dma_wait3A_491 = arith.constant 0 : i32
    %dma_wait3A_492 = tpu.memref_slice %arg0[%dma_wait3A_490, %dma_wait3A_491] : memref<32768x2048xf32, #tpu.memory_space<any>> -> memref<512x2048xf32, #tpu.memory_space<any>>
    tpu.wait_dma2 semaphore(%dma_wait3A_485 : memref<!tpu.dma_semaphore, #tpu.memory_space<semaphore_mem>>) src(%dma_wait3A_492 : memref<512x2048xf32, #tpu.memory_space<any>>) dst(%dma_wait3A_489 : memref<512x2048xf32, #tpu.memory_space<vmem>>)
    %dma_start3A_493 = arith.constant 3 : i32
    %dma_start3A_494 = arith.constant 3 : i32
    %dma_start3A_495 = tpu.memref_slice %arg4[%dma_start3A_494] : memref<4x!tpu.dma_semaphore, #tpu.memory_space<semaphore_mem>> -> memref<1x!tpu.dma_semaphore, #tpu.memory_space<semaphore_mem>>
    %dma_start3A_496 = tpu.memref_squeeze %dma_start3A_495 : memref<1x!tpu.dma_semaphore, #tpu.memory_space<semaphore_mem>> -> memref<!tpu.dma_semaphore, #tpu.memory_space<semaphore_mem>>
    %dma_start3A_497 = arith.constant 5632 : i32
    %dma_start3A_498 = arith.constant 0 : i32
    %dma_start3A_499 = tpu.memref_slice %arg1[%dma_start3A_497, %dma_start3A_498] : memref<18432x2048xf32, #tpu.memory_space<any>> -> memref<512x2048xf32, #tpu.memory_space<any>>
    %dma_start3A_500 = arith.constant 0 : i32
    %dma_start3A_501 = arith.constant 0 : i32
    %dma_start3A_502 = tpu.memref_slice %arg2[%dma_start3A_493, %dma_start3A_500, %dma_start3A_501] : memref<4x512x2048xf32, #tpu.memory_space<vmem>> -> memref<1x512x2048xf32, #tpu.memory_space<vmem>>
    %dma_start3A_503 = tpu.memref_squeeze %dma_start3A_502 : memref<1x512x2048xf32, #tpu.memory_space<vmem>> -> memref<512x2048xf32, #tpu.memory_space<vmem>>
    tpu.enqueue_dma source(%dma_start3A_503 : memref<512x2048xf32, #tpu.memory_space<vmem>>) target(%dma_start3A_499 : memref<512x2048xf32, #tpu.memory_space<any>>) target_semaphore(%dma_start3A_496 : memref<!tpu.dma_semaphore, #tpu.memory_space<semaphore_mem>>)
    %dma_wait3A_504 = arith.constant 1 : i32
    %dma_wait3A_505 = arith.constant 1 : i32
    %dma_wait3A_506 = tpu.memref_slice %arg4[%dma_wait3A_505] : memref<4x!tpu.dma_semaphore, #tpu.memory_space<semaphore_mem>> -> memref<1x!tpu.dma_semaphore, #tpu.memory_space<semaphore_mem>>
    %dma_wait3A_507 = tpu.memref_squeeze %dma_wait3A_506 : memref<1x!tpu.dma_semaphore, #tpu.memory_space<semaphore_mem>> -> memref<!tpu.dma_semaphore, #tpu.memory_space<semaphore_mem>>
    %dma_wait3A_508 = arith.constant 4608 : i32
    %dma_wait3A_509 = arith.constant 0 : i32
    %dma_wait3A_510 = tpu.memref_slice %arg1[%dma_wait3A_508, %dma_wait3A_509] : memref<18432x2048xf32, #tpu.memory_space<any>> -> memref<512x2048xf32, #tpu.memory_space<any>>
    %dma_wait3A_511 = arith.constant 0 : i32
    %dma_wait3A_512 = arith.constant 0 : i32
    %dma_wait3A_513 = tpu.memref_slice %arg2[%dma_wait3A_504, %dma_wait3A_511, %dma_wait3A_512] : memref<4x512x2048xf32, #tpu.memory_space<vmem>> -> memref<1x512x2048xf32, #tpu.memory_space<vmem>>
    %dma_wait3A_514 = tpu.memref_squeeze %dma_wait3A_513 : memref<1x512x2048xf32, #tpu.memory_space<vmem>> -> memref<512x2048xf32, #tpu.memory_space<vmem>>
    tpu.wait_dma2 semaphore(%dma_wait3A_507 : memref<!tpu.dma_semaphore, #tpu.memory_space<semaphore_mem>>) src(%dma_wait3A_514 : memref<512x2048xf32, #tpu.memory_space<vmem>>) dst(%dma_wait3A_510 : memref<512x2048xf32, #tpu.memory_space<any>>)
    %dma_start3A_515 = arith.constant 1 : i32
    %dma_start3A_516 = arith.constant 1 : i32
    %dma_start3A_517 = tpu.memref_slice %arg3[%dma_start3A_516] : memref<4x!tpu.dma_semaphore, #tpu.memory_space<semaphore_mem>> -> memref<1x!tpu.dma_semaphore, #tpu.memory_space<semaphore_mem>>
    %dma_start3A_518 = tpu.memref_squeeze %dma_start3A_517 : memref<1x!tpu.dma_semaphore, #tpu.memory_space<semaphore_mem>> -> memref<!tpu.dma_semaphore, #tpu.memory_space<semaphore_mem>>
    %dma_start3A_519 = arith.constant 0 : i32
    %dma_start3A_520 = arith.constant 0 : i32
    %dma_start3A_521 = tpu.memref_slice %arg2[%dma_start3A_515, %dma_start3A_519, %dma_start3A_520] : memref<4x512x2048xf32, #tpu.memory_space<vmem>> -> memref<1x512x2048xf32, #tpu.memory_space<vmem>>
    %dma_start3A_522 = tpu.memref_squeeze %dma_start3A_521 : memref<1x512x2048xf32, #tpu.memory_space<vmem>> -> memref<512x2048xf32, #tpu.memory_space<vmem>>
    %dma_start3A_523 = arith.constant 6656 : i32
    %dma_start3A_524 = arith.constant 0 : i32
    %dma_start3A_525 = tpu.memref_slice %arg0[%dma_start3A_523, %dma_start3A_524] : memref<32768x2048xf32, #tpu.memory_space<any>> -> memref<512x2048xf32, #tpu.memory_space<any>>
    tpu.enqueue_dma source(%dma_start3A_525 : memref<512x2048xf32, #tpu.memory_space<any>>) target(%dma_start3A_522 : memref<512x2048xf32, #tpu.memory_space<vmem>>) target_semaphore(%dma_start3A_518 : memref<!tpu.dma_semaphore, #tpu.memory_space<semaphore_mem>>)
    %dma_wait3A_526 = arith.constant 0 : i32
    %dma_wait3A_527 = arith.constant 0 : i32
    %dma_wait3A_528 = tpu.memref_slice %arg3[%dma_wait3A_527] : memref<4x!tpu.dma_semaphore, #tpu.memory_space<semaphore_mem>> -> memref<1x!tpu.dma_semaphore, #tpu.memory_space<semaphore_mem>>
    %dma_wait3A_529 = tpu.memref_squeeze %dma_wait3A_528 : memref<1x!tpu.dma_semaphore, #tpu.memory_space<semaphore_mem>> -> memref<!tpu.dma_semaphore, #tpu.memory_space<semaphore_mem>>
    %dma_wait3A_530 = arith.constant 0 : i32
    %dma_wait3A_531 = arith.constant 0 : i32
    %dma_wait3A_532 = tpu.memref_slice %arg2[%dma_wait3A_526, %dma_wait3A_530, %dma_wait3A_531] : memref<4x512x2048xf32, #tpu.memory_space<vmem>> -> memref<1x512x2048xf32, #tpu.memory_space<vmem>>
    %dma_wait3A_533 = tpu.memref_squeeze %dma_wait3A_532 : memref<1x512x2048xf32, #tpu.memory_space<vmem>> -> memref<512x2048xf32, #tpu.memory_space<vmem>>
    %dma_wait3A_534 = arith.constant 6144 : i32
    %dma_wait3A_535 = arith.constant 0 : i32
    %dma_wait3A_536 = tpu.memref_slice %arg0[%dma_wait3A_534, %dma_wait3A_535] : memref<32768x2048xf32, #tpu.memory_space<any>> -> memref<512x2048xf32, #tpu.memory_space<any>>
    tpu.wait_dma2 semaphore(%dma_wait3A_529 : memref<!tpu.dma_semaphore, #tpu.memory_space<semaphore_mem>>) src(%dma_wait3A_536 : memref<512x2048xf32, #tpu.memory_space<any>>) dst(%dma_wait3A_533 : memref<512x2048xf32, #tpu.memory_space<vmem>>)
    %dma_start3A_537 = arith.constant 0 : i32
    %dma_start3A_538 = arith.constant 0 : i32
    %dma_start3A_539 = tpu.memref_slice %arg4[%dma_start3A_538] : memref<4x!tpu.dma_semaphore, #tpu.memory_space<semaphore_mem>> -> memref<1x!tpu.dma_semaphore, #tpu.memory_space<semaphore_mem>>
    %dma_start3A_540 = tpu.memref_squeeze %dma_start3A_539 : memref<1x!tpu.dma_semaphore, #tpu.memory_space<semaphore_mem>> -> memref<!tpu.dma_semaphore, #tpu.memory_space<semaphore_mem>>
    %dma_start3A_541 = arith.constant 6144 : i32
    %dma_start3A_542 = arith.constant 0 : i32
    %dma_start3A_543 = tpu.memref_slice %arg1[%dma_start3A_541, %dma_start3A_542] : memref<18432x2048xf32, #tpu.memory_space<any>> -> memref<512x2048xf32, #tpu.memory_space<any>>
    %dma_start3A_544 = arith.constant 0 : i32
    %dma_start3A_545 = arith.constant 0 : i32
    %dma_start3A_546 = tpu.memref_slice %arg2[%dma_start3A_537, %dma_start3A_544, %dma_start3A_545] : memref<4x512x2048xf32, #tpu.memory_space<vmem>> -> memref<1x512x2048xf32, #tpu.memory_space<vmem>>
    %dma_start3A_547 = tpu.memref_squeeze %dma_start3A_546 : memref<1x512x2048xf32, #tpu.memory_space<vmem>> -> memref<512x2048xf32, #tpu.memory_space<vmem>>
    tpu.enqueue_dma source(%dma_start3A_547 : memref<512x2048xf32, #tpu.memory_space<vmem>>) target(%dma_start3A_543 : memref<512x2048xf32, #tpu.memory_space<any>>) target_semaphore(%dma_start3A_540 : memref<!tpu.dma_semaphore, #tpu.memory_space<semaphore_mem>>)
    %dma_wait3A_548 = arith.constant 2 : i32
    %dma_wait3A_549 = arith.constant 2 : i32
    %dma_wait3A_550 = tpu.memref_slice %arg4[%dma_wait3A_549] : memref<4x!tpu.dma_semaphore, #tpu.memory_space<semaphore_mem>> -> memref<1x!tpu.dma_semaphore, #tpu.memory_space<semaphore_mem>>
    %dma_wait3A_551 = tpu.memref_squeeze %dma_wait3A_550 : memref<1x!tpu.dma_semaphore, #tpu.memory_space<semaphore_mem>> -> memref<!tpu.dma_semaphore, #tpu.memory_space<semaphore_mem>>
    %dma_wait3A_552 = arith.constant 5120 : i32
    %dma_wait3A_553 = arith.constant 0 : i32
    %dma_wait3A_554 = tpu.memref_slice %arg1[%dma_wait3A_552, %dma_wait3A_553] : memref<18432x2048xf32, #tpu.memory_space<any>> -> memref<512x2048xf32, #tpu.memory_space<any>>
    %dma_wait3A_555 = arith.constant 0 : i32
    %dma_wait3A_556 = arith.constant 0 : i32
    %dma_wait3A_557 = tpu.memref_slice %arg2[%dma_wait3A_548, %dma_wait3A_555, %dma_wait3A_556] : memref<4x512x2048xf32, #tpu.memory_space<vmem>> -> memref<1x512x2048xf32, #tpu.memory_space<vmem>>
    %dma_wait3A_558 = tpu.memref_squeeze %dma_wait3A_557 : memref<1x512x2048xf32, #tpu.memory_space<vmem>> -> memref<512x2048xf32, #tpu.memory_space<vmem>>
    tpu.wait_dma2 semaphore(%dma_wait3A_551 : memref<!tpu.dma_semaphore, #tpu.memory_space<semaphore_mem>>) src(%dma_wait3A_558 : memref<512x2048xf32, #tpu.memory_space<vmem>>) dst(%dma_wait3A_554 : memref<512x2048xf32, #tpu.memory_space<any>>)
    %dma_start3A_559 = arith.constant 2 : i32
    %dma_start3A_560 = arith.constant 2 : i32
    %dma_start3A_561 = tpu.memref_slice %arg3[%dma_start3A_560] : memref<4x!tpu.dma_semaphore, #tpu.memory_space<semaphore_mem>> -> memref<1x!tpu.dma_semaphore, #tpu.memory_space<semaphore_mem>>
    %dma_start3A_562 = tpu.memref_squeeze %dma_start3A_561 : memref<1x!tpu.dma_semaphore, #tpu.memory_space<semaphore_mem>> -> memref<!tpu.dma_semaphore, #tpu.memory_space<semaphore_mem>>
    %dma_start3A_563 = arith.constant 0 : i32
    %dma_start3A_564 = arith.constant 0 : i32
    %dma_start3A_565 = tpu.memref_slice %arg2[%dma_start3A_559, %dma_start3A_563, %dma_start3A_564] : memref<4x512x2048xf32, #tpu.memory_space<vmem>> -> memref<1x512x2048xf32, #tpu.memory_space<vmem>>
    %dma_start3A_566 = tpu.memref_squeeze %dma_start3A_565 : memref<1x512x2048xf32, #tpu.memory_space<vmem>> -> memref<512x2048xf32, #tpu.memory_space<vmem>>
    %dma_start3A_567 = arith.constant 7168 : i32
    %dma_start3A_568 = arith.constant 0 : i32
    %dma_start3A_569 = tpu.memref_slice %arg0[%dma_start3A_567, %dma_start3A_568] : memref<32768x2048xf32, #tpu.memory_space<any>> -> memref<512x2048xf32, #tpu.memory_space<any>>
    tpu.enqueue_dma source(%dma_start3A_569 : memref<512x2048xf32, #tpu.memory_space<any>>) target(%dma_start3A_566 : memref<512x2048xf32, #tpu.memory_space<vmem>>) target_semaphore(%dma_start3A_562 : memref<!tpu.dma_semaphore, #tpu.memory_space<semaphore_mem>>)
    %dma_wait3A_570 = arith.constant 1 : i32
    %dma_wait3A_571 = arith.constant 1 : i32
    %dma_wait3A_572 = tpu.memref_slice %arg3[%dma_wait3A_571] : memref<4x!tpu.dma_semaphore, #tpu.memory_space<semaphore_mem>> -> memref<1x!tpu.dma_semaphore, #tpu.memory_space<semaphore_mem>>
    %dma_wait3A_573 = tpu.memref_squeeze %dma_wait3A_572 : memref<1x!tpu.dma_semaphore, #tpu.memory_space<semaphore_mem>> -> memref<!tpu.dma_semaphore, #tpu.memory_space<semaphore_mem>>
    %dma_wait3A_574 = arith.constant 0 : i32
    %dma_wait3A_575 = arith.constant 0 : i32
    %dma_wait3A_576 = tpu.memref_slice %arg2[%dma_wait3A_570, %dma_wait3A_574, %dma_wait3A_575] : memref<4x512x2048xf32, #tpu.memory_space<vmem>> -> memref<1x512x2048xf32, #tpu.memory_space<vmem>>
    %dma_wait3A_577 = tpu.memref_squeeze %dma_wait3A_576 : memref<1x512x2048xf32, #tpu.memory_space<vmem>> -> memref<512x2048xf32, #tpu.memory_space<vmem>>
    %dma_wait3A_578 = arith.constant 6656 : i32
    %dma_wait3A_579 = arith.constant 0 : i32
    %dma_wait3A_580 = tpu.memref_slice %arg0[%dma_wait3A_578, %dma_wait3A_579] : memref<32768x2048xf32, #tpu.memory_space<any>> -> memref<512x2048xf32, #tpu.memory_space<any>>
    tpu.wait_dma2 semaphore(%dma_wait3A_573 : memref<!tpu.dma_semaphore, #tpu.memory_space<semaphore_mem>>) src(%dma_wait3A_580 : memref<512x2048xf32, #tpu.memory_space<any>>) dst(%dma_wait3A_577 : memref<512x2048xf32, #tpu.memory_space<vmem>>)
    %dma_start3A_581 = arith.constant 1 : i32
    %dma_start3A_582 = arith.constant 1 : i32
    %dma_start3A_583 = tpu.memref_slice %arg4[%dma_start3A_582] : memref<4x!tpu.dma_semaphore, #tpu.memory_space<semaphore_mem>> -> memref<1x!tpu.dma_semaphore, #tpu.memory_space<semaphore_mem>>
    %dma_start3A_584 = tpu.memref_squeeze %dma_start3A_583 : memref<1x!tpu.dma_semaphore, #tpu.memory_space<semaphore_mem>> -> memref<!tpu.dma_semaphore, #tpu.memory_space<semaphore_mem>>
    %dma_start3A_585 = arith.constant 6656 : i32
    %dma_start3A_586 = arith.constant 0 : i32
    %dma_start3A_587 = tpu.memref_slice %arg1[%dma_start3A_585, %dma_start3A_586] : memref<18432x2048xf32, #tpu.memory_space<any>> -> memref<512x2048xf32, #tpu.memory_space<any>>
    %dma_start3A_588 = arith.constant 0 : i32
    %dma_start3A_589 = arith.constant 0 : i32
    %dma_start3A_590 = tpu.memref_slice %arg2[%dma_start3A_581, %dma_start3A_588, %dma_start3A_589] : memref<4x512x2048xf32, #tpu.memory_space<vmem>> -> memref<1x512x2048xf32, #tpu.memory_space<vmem>>
    %dma_start3A_591 = tpu.memref_squeeze %dma_start3A_590 : memref<1x512x2048xf32, #tpu.memory_space<vmem>> -> memref<512x2048xf32, #tpu.memory_space<vmem>>
    tpu.enqueue_dma source(%dma_start3A_591 : memref<512x2048xf32, #tpu.memory_space<vmem>>) target(%dma_start3A_587 : memref<512x2048xf32, #tpu.memory_space<any>>) target_semaphore(%dma_start3A_584 : memref<!tpu.dma_semaphore, #tpu.memory_space<semaphore_mem>>)
    %dma_wait3A_592 = arith.constant 3 : i32
    %dma_wait3A_593 = arith.constant 3 : i32
    %dma_wait3A_594 = tpu.memref_slice %arg4[%dma_wait3A_593] : memref<4x!tpu.dma_semaphore, #tpu.memory_space<semaphore_mem>> -> memref<1x!tpu.dma_semaphore, #tpu.memory_space<semaphore_mem>>
    %dma_wait3A_595 = tpu.memref_squeeze %dma_wait3A_594 : memref<1x!tpu.dma_semaphore, #tpu.memory_space<semaphore_mem>> -> memref<!tpu.dma_semaphore, #tpu.memory_space<semaphore_mem>>
    %dma_wait3A_596 = arith.constant 5632 : i32
    %dma_wait3A_597 = arith.constant 0 : i32
    %dma_wait3A_598 = tpu.memref_slice %arg1[%dma_wait3A_596, %dma_wait3A_597] : memref<18432x2048xf32, #tpu.memory_space<any>> -> memref<512x2048xf32, #tpu.memory_space<any>>
    %dma_wait3A_599 = arith.constant 0 : i32
    %dma_wait3A_600 = arith.constant 0 : i32
    %dma_wait3A_601 = tpu.memref_slice %arg2[%dma_wait3A_592, %dma_wait3A_599, %dma_wait3A_600] : memref<4x512x2048xf32, #tpu.memory_space<vmem>> -> memref<1x512x2048xf32, #tpu.memory_space<vmem>>
    %dma_wait3A_602 = tpu.memref_squeeze %dma_wait3A_601 : memref<1x512x2048xf32, #tpu.memory_space<vmem>> -> memref<512x2048xf32, #tpu.memory_space<vmem>>
    tpu.wait_dma2 semaphore(%dma_wait3A_595 : memref<!tpu.dma_semaphore, #tpu.memory_space<semaphore_mem>>) src(%dma_wait3A_602 : memref<512x2048xf32, #tpu.memory_space<vmem>>) dst(%dma_wait3A_598 : memref<512x2048xf32, #tpu.memory_space<any>>)
    %dma_start3A_603 = arith.constant 3 : i32
    %dma_start3A_604 = arith.constant 3 : i32
    %dma_start3A_605 = tpu.memref_slice %arg3[%dma_start3A_604] : memref<4x!tpu.dma_semaphore, #tpu.memory_space<semaphore_mem>> -> memref<1x!tpu.dma_semaphore, #tpu.memory_space<semaphore_mem>>
    %dma_start3A_606 = tpu.memref_squeeze %dma_start3A_605 : memref<1x!tpu.dma_semaphore, #tpu.memory_space<semaphore_mem>> -> memref<!tpu.dma_semaphore, #tpu.memory_space<semaphore_mem>>
    %dma_start3A_607 = arith.constant 0 : i32
    %dma_start3A_608 = arith.constant 0 : i32
    %dma_start3A_609 = tpu.memref_slice %arg2[%dma_start3A_603, %dma_start3A_607, %dma_start3A_608] : memref<4x512x2048xf32, #tpu.memory_space<vmem>> -> memref<1x512x2048xf32, #tpu.memory_space<vmem>>
    %dma_start3A_610 = tpu.memref_squeeze %dma_start3A_609 : memref<1x512x2048xf32, #tpu.memory_space<vmem>> -> memref<512x2048xf32, #tpu.memory_space<vmem>>
    %dma_start3A_611 = arith.constant 7680 : i32
    %dma_start3A_612 = arith.constant 0 : i32
    %dma_start3A_613 = tpu.memref_slice %arg0[%dma_start3A_611, %dma_start3A_612] : memref<32768x2048xf32, #tpu.memory_space<any>> -> memref<512x2048xf32, #tpu.memory_space<any>>
    tpu.enqueue_dma source(%dma_start3A_613 : memref<512x2048xf32, #tpu.memory_space<any>>) target(%dma_start3A_610 : memref<512x2048xf32, #tpu.memory_space<vmem>>) target_semaphore(%dma_start3A_606 : memref<!tpu.dma_semaphore, #tpu.memory_space<semaphore_mem>>)
    %dma_wait3A_614 = arith.constant 2 : i32
    %dma_wait3A_615 = arith.constant 2 : i32
    %dma_wait3A_616 = tpu.memref_slice %arg3[%dma_wait3A_615] : memref<4x!tpu.dma_semaphore, #tpu.memory_space<semaphore_mem>> -> memref<1x!tpu.dma_semaphore, #tpu.memory_space<semaphore_mem>>
    %dma_wait3A_617 = tpu.memref_squeeze %dma_wait3A_616 : memref<1x!tpu.dma_semaphore, #tpu.memory_space<semaphore_mem>> -> memref<!tpu.dma_semaphore, #tpu.memory_space<semaphore_mem>>
    %dma_wait3A_618 = arith.constant 0 : i32
    %dma_wait3A_619 = arith.constant 0 : i32
    %dma_wait3A_620 = tpu.memref_slice %arg2[%dma_wait3A_614, %dma_wait3A_618, %dma_wait3A_619] : memref<4x512x2048xf32, #tpu.memory_space<vmem>> -> memref<1x512x2048xf32, #tpu.memory_space<vmem>>
    %dma_wait3A_621 = tpu.memref_squeeze %dma_wait3A_620 : memref<1x512x2048xf32, #tpu.memory_space<vmem>> -> memref<512x2048xf32, #tpu.memory_space<vmem>>
    %dma_wait3A_622 = arith.constant 7168 : i32
    %dma_wait3A_623 = arith.constant 0 : i32
    %dma_wait3A_624 = tpu.memref_slice %arg0[%dma_wait3A_622, %dma_wait3A_623] : memref<32768x2048xf32, #tpu.memory_space<any>> -> memref<512x2048xf32, #tpu.memory_space<any>>
    tpu.wait_dma2 semaphore(%dma_wait3A_617 : memref<!tpu.dma_semaphore, #tpu.memory_space<semaphore_mem>>) src(%dma_wait3A_624 : memref<512x2048xf32, #tpu.memory_space<any>>) dst(%dma_wait3A_621 : memref<512x2048xf32, #tpu.memory_space<vmem>>)
    %dma_start3A_625 = arith.constant 2 : i32
    %dma_start3A_626 = arith.constant 2 : i32
    %dma_start3A_627 = tpu.memref_slice %arg4[%dma_start3A_626] : memref<4x!tpu.dma_semaphore, #tpu.memory_space<semaphore_mem>> -> memref<1x!tpu.dma_semaphore, #tpu.memory_space<semaphore_mem>>
    %dma_start3A_628 = tpu.memref_squeeze %dma_start3A_627 : memref<1x!tpu.dma_semaphore, #tpu.memory_space<semaphore_mem>> -> memref<!tpu.dma_semaphore, #tpu.memory_space<semaphore_mem>>
    %dma_start3A_629 = arith.constant 7168 : i32
    %dma_start3A_630 = arith.constant 0 : i32
    %dma_start3A_631 = tpu.memref_slice %arg1[%dma_start3A_629, %dma_start3A_630] : memref<18432x2048xf32, #tpu.memory_space<any>> -> memref<512x2048xf32, #tpu.memory_space<any>>
    %dma_start3A_632 = arith.constant 0 : i32
    %dma_start3A_633 = arith.constant 0 : i32
    %dma_start3A_634 = tpu.memref_slice %arg2[%dma_start3A_625, %dma_start3A_632, %dma_start3A_633] : memref<4x512x2048xf32, #tpu.memory_space<vmem>> -> memref<1x512x2048xf32, #tpu.memory_space<vmem>>
    %dma_start3A_635 = tpu.memref_squeeze %dma_start3A_634 : memref<1x512x2048xf32, #tpu.memory_space<vmem>> -> memref<512x2048xf32, #tpu.memory_space<vmem>>
    tpu.enqueue_dma source(%dma_start3A_635 : memref<512x2048xf32, #tpu.memory_space<vmem>>) target(%dma_start3A_631 : memref<512x2048xf32, #tpu.memory_space<any>>) target_semaphore(%dma_start3A_628 : memref<!tpu.dma_semaphore, #tpu.memory_space<semaphore_mem>>)
    %dma_wait3A_636 = arith.constant 0 : i32
    %dma_wait3A_637 = arith.constant 0 : i32
    %dma_wait3A_638 = tpu.memref_slice %arg4[%dma_wait3A_637] : memref<4x!tpu.dma_semaphore, #tpu.memory_space<semaphore_mem>> -> memref<1x!tpu.dma_semaphore, #tpu.memory_space<semaphore_mem>>
    %dma_wait3A_639 = tpu.memref_squeeze %dma_wait3A_638 : memref<1x!tpu.dma_semaphore, #tpu.memory_space<semaphore_mem>> -> memref<!tpu.dma_semaphore, #tpu.memory_space<semaphore_mem>>
    %dma_wait3A_640 = arith.constant 6144 : i32
    %dma_wait3A_641 = arith.constant 0 : i32
    %dma_wait3A_642 = tpu.memref_slice %arg1[%dma_wait3A_640, %dma_wait3A_641] : memref<18432x2048xf32, #tpu.memory_space<any>> -> memref<512x2048xf32, #tpu.memory_space<any>>
    %dma_wait3A_643 = arith.constant 0 : i32
    %dma_wait3A_644 = arith.constant 0 : i32
    %dma_wait3A_645 = tpu.memref_slice %arg2[%dma_wait3A_636, %dma_wait3A_643, %dma_wait3A_644] : memref<4x512x2048xf32, #tpu.memory_space<vmem>> -> memref<1x512x2048xf32, #tpu.memory_space<vmem>>
    %dma_wait3A_646 = tpu.memref_squeeze %dma_wait3A_645 : memref<1x512x2048xf32, #tpu.memory_space<vmem>> -> memref<512x2048xf32, #tpu.memory_space<vmem>>
    tpu.wait_dma2 semaphore(%dma_wait3A_639 : memref<!tpu.dma_semaphore, #tpu.memory_space<semaphore_mem>>) src(%dma_wait3A_646 : memref<512x2048xf32, #tpu.memory_space<vmem>>) dst(%dma_wait3A_642 : memref<512x2048xf32, #tpu.memory_space<any>>)
    %dma_start3A_647 = arith.constant 0 : i32
    %dma_start3A_648 = arith.constant 0 : i32
    %dma_start3A_649 = tpu.memref_slice %arg3[%dma_start3A_648] : memref<4x!tpu.dma_semaphore, #tpu.memory_space<semaphore_mem>> -> memref<1x!tpu.dma_semaphore, #tpu.memory_space<semaphore_mem>>
    %dma_start3A_650 = tpu.memref_squeeze %dma_start3A_649 : memref<1x!tpu.dma_semaphore, #tpu.memory_space<semaphore_mem>> -> memref<!tpu.dma_semaphore, #tpu.memory_space<semaphore_mem>>
    %dma_start3A_651 = arith.constant 0 : i32
    %dma_start3A_652 = arith.constant 0 : i32
    %dma_start3A_653 = tpu.memref_slice %arg2[%dma_start3A_647, %dma_start3A_651, %dma_start3A_652] : memref<4x512x2048xf32, #tpu.memory_space<vmem>> -> memref<1x512x2048xf32, #tpu.memory_space<vmem>>
    %dma_start3A_654 = tpu.memref_squeeze %dma_start3A_653 : memref<1x512x2048xf32, #tpu.memory_space<vmem>> -> memref<512x2048xf32, #tpu.memory_space<vmem>>
    %dma_start3A_655 = arith.constant 8192 : i32
    %dma_start3A_656 = arith.constant 0 : i32
    %dma_start3A_657 = tpu.memref_slice %arg0[%dma_start3A_655, %dma_start3A_656] : memref<32768x2048xf32, #tpu.memory_space<any>> -> memref<512x2048xf32, #tpu.memory_space<any>>
    tpu.enqueue_dma source(%dma_start3A_657 : memref<512x2048xf32, #tpu.memory_space<any>>) target(%dma_start3A_654 : memref<512x2048xf32, #tpu.memory_space<vmem>>) target_semaphore(%dma_start3A_650 : memref<!tpu.dma_semaphore, #tpu.memory_space<semaphore_mem>>)
    %dma_wait3A_658 = arith.constant 3 : i32
    %dma_wait3A_659 = arith.constant 3 : i32
    %dma_wait3A_660 = tpu.memref_slice %arg3[%dma_wait3A_659] : memref<4x!tpu.dma_semaphore, #tpu.memory_space<semaphore_mem>> -> memref<1x!tpu.dma_semaphore, #tpu.memory_space<semaphore_mem>>
    %dma_wait3A_661 = tpu.memref_squeeze %dma_wait3A_660 : memref<1x!tpu.dma_semaphore, #tpu.memory_space<semaphore_mem>> -> memref<!tpu.dma_semaphore, #tpu.memory_space<semaphore_mem>>
    %dma_wait3A_662 = arith.constant 0 : i32
    %dma_wait3A_663 = arith.constant 0 : i32
    %dma_wait3A_664 = tpu.memref_slice %arg2[%dma_wait3A_658, %dma_wait3A_662, %dma_wait3A_663] : memref<4x512x2048xf32, #tpu.memory_space<vmem>> -> memref<1x512x2048xf32, #tpu.memory_space<vmem>>
    %dma_wait3A_665 = tpu.memref_squeeze %dma_wait3A_664 : memref<1x512x2048xf32, #tpu.memory_space<vmem>> -> memref<512x2048xf32, #tpu.memory_space<vmem>>
    %dma_wait3A_666 = arith.constant 7680 : i32
    %dma_wait3A_667 = arith.constant 0 : i32
    %dma_wait3A_668 = tpu.memref_slice %arg0[%dma_wait3A_666, %dma_wait3A_667] : memref<32768x2048xf32, #tpu.memory_space<any>> -> memref<512x2048xf32, #tpu.memory_space<any>>
    tpu.wait_dma2 semaphore(%dma_wait3A_661 : memref<!tpu.dma_semaphore, #tpu.memory_space<semaphore_mem>>) src(%dma_wait3A_668 : memref<512x2048xf32, #tpu.memory_space<any>>) dst(%dma_wait3A_665 : memref<512x2048xf32, #tpu.memory_space<vmem>>)
    %dma_start3A_669 = arith.constant 3 : i32
    %dma_start3A_670 = arith.constant 3 : i32
    %dma_start3A_671 = tpu.memref_slice %arg4[%dma_start3A_670] : memref<4x!tpu.dma_semaphore, #tpu.memory_space<semaphore_mem>> -> memref<1x!tpu.dma_semaphore, #tpu.memory_space<semaphore_mem>>
    %dma_start3A_672 = tpu.memref_squeeze %dma_start3A_671 : memref<1x!tpu.dma_semaphore, #tpu.memory_space<semaphore_mem>> -> memref<!tpu.dma_semaphore, #tpu.memory_space<semaphore_mem>>
    %dma_start3A_673 = arith.constant 7680 : i32
    %dma_start3A_674 = arith.constant 0 : i32
    %dma_start3A_675 = tpu.memref_slice %arg1[%dma_start3A_673, %dma_start3A_674] : memref<18432x2048xf32, #tpu.memory_space<any>> -> memref<512x2048xf32, #tpu.memory_space<any>>
    %dma_start3A_676 = arith.constant 0 : i32
    %dma_start3A_677 = arith.constant 0 : i32
    %dma_start3A_678 = tpu.memref_slice %arg2[%dma_start3A_669, %dma_start3A_676, %dma_start3A_677] : memref<4x512x2048xf32, #tpu.memory_space<vmem>> -> memref<1x512x2048xf32, #tpu.memory_space<vmem>>
    %dma_start3A_679 = tpu.memref_squeeze %dma_start3A_678 : memref<1x512x2048xf32, #tpu.memory_space<vmem>> -> memref<512x2048xf32, #tpu.memory_space<vmem>>
    tpu.enqueue_dma source(%dma_start3A_679 : memref<512x2048xf32, #tpu.memory_space<vmem>>) target(%dma_start3A_675 : memref<512x2048xf32, #tpu.memory_space<any>>) target_semaphore(%dma_start3A_672 : memref<!tpu.dma_semaphore, #tpu.memory_space<semaphore_mem>>)
    %dma_wait3A_680 = arith.constant 1 : i32
    %dma_wait3A_681 = arith.constant 1 : i32
    %dma_wait3A_682 = tpu.memref_slice %arg4[%dma_wait3A_681] : memref<4x!tpu.dma_semaphore, #tpu.memory_space<semaphore_mem>> -> memref<1x!tpu.dma_semaphore, #tpu.memory_space<semaphore_mem>>
    %dma_wait3A_683 = tpu.memref_squeeze %dma_wait3A_682 : memref<1x!tpu.dma_semaphore, #tpu.memory_space<semaphore_mem>> -> memref<!tpu.dma_semaphore, #tpu.memory_space<semaphore_mem>>
    %dma_wait3A_684 = arith.constant 6656 : i32
    %dma_wait3A_685 = arith.constant 0 : i32
    %dma_wait3A_686 = tpu.memref_slice %arg1[%dma_wait3A_684, %dma_wait3A_685] : memref<18432x2048xf32, #tpu.memory_space<any>> -> memref<512x2048xf32, #tpu.memory_space<any>>
    %dma_wait3A_687 = arith.constant 0 : i32
    %dma_wait3A_688 = arith.constant 0 : i32
    %dma_wait3A_689 = tpu.memref_slice %arg2[%dma_wait3A_680, %dma_wait3A_687, %dma_wait3A_688] : memref<4x512x2048xf32, #tpu.memory_space<vmem>> -> memref<1x512x2048xf32, #tpu.memory_space<vmem>>
    %dma_wait3A_690 = tpu.memref_squeeze %dma_wait3A_689 : memref<1x512x2048xf32, #tpu.memory_space<vmem>> -> memref<512x2048xf32, #tpu.memory_space<vmem>>
    tpu.wait_dma2 semaphore(%dma_wait3A_683 : memref<!tpu.dma_semaphore, #tpu.memory_space<semaphore_mem>>) src(%dma_wait3A_690 : memref<512x2048xf32, #tpu.memory_space<vmem>>) dst(%dma_wait3A_686 : memref<512x2048xf32, #tpu.memory_space<any>>)
    %dma_start3A_691 = arith.constant 1 : i32
    %dma_start3A_692 = arith.constant 1 : i32
    %dma_start3A_693 = tpu.memref_slice %arg3[%dma_start3A_692] : memref<4x!tpu.dma_semaphore, #tpu.memory_space<semaphore_mem>> -> memref<1x!tpu.dma_semaphore, #tpu.memory_space<semaphore_mem>>
    %dma_start3A_694 = tpu.memref_squeeze %dma_start3A_693 : memref<1x!tpu.dma_semaphore, #tpu.memory_space<semaphore_mem>> -> memref<!tpu.dma_semaphore, #tpu.memory_space<semaphore_mem>>
    %dma_start3A_695 = arith.constant 0 : i32
    %dma_start3A_696 = arith.constant 0 : i32
    %dma_start3A_697 = tpu.memref_slice %arg2[%dma_start3A_691, %dma_start3A_695, %dma_start3A_696] : memref<4x512x2048xf32, #tpu.memory_space<vmem>> -> memref<1x512x2048xf32, #tpu.memory_space<vmem>>
    %dma_start3A_698 = tpu.memref_squeeze %dma_start3A_697 : memref<1x512x2048xf32, #tpu.memory_space<vmem>> -> memref<512x2048xf32, #tpu.memory_space<vmem>>
    %dma_start3A_699 = arith.constant 8704 : i32
    %dma_start3A_700 = arith.constant 0 : i32
    %dma_start3A_701 = tpu.memref_slice %arg0[%dma_start3A_699, %dma_start3A_700] : memref<32768x2048xf32, #tpu.memory_space<any>> -> memref<512x2048xf32, #tpu.memory_space<any>>
    tpu.enqueue_dma source(%dma_start3A_701 : memref<512x2048xf32, #tpu.memory_space<any>>) target(%dma_start3A_698 : memref<512x2048xf32, #tpu.memory_space<vmem>>) target_semaphore(%dma_start3A_694 : memref<!tpu.dma_semaphore, #tpu.memory_space<semaphore_mem>>)
    %dma_wait3A_702 = arith.constant 0 : i32
    %dma_wait3A_703 = arith.constant 0 : i32
    %dma_wait3A_704 = tpu.memref_slice %arg3[%dma_wait3A_703] : memref<4x!tpu.dma_semaphore, #tpu.memory_space<semaphore_mem>> -> memref<1x!tpu.dma_semaphore, #tpu.memory_space<semaphore_mem>>
    %dma_wait3A_705 = tpu.memref_squeeze %dma_wait3A_704 : memref<1x!tpu.dma_semaphore, #tpu.memory_space<semaphore_mem>> -> memref<!tpu.dma_semaphore, #tpu.memory_space<semaphore_mem>>
    %dma_wait3A_706 = arith.constant 0 : i32
    %dma_wait3A_707 = arith.constant 0 : i32
    %dma_wait3A_708 = tpu.memref_slice %arg2[%dma_wait3A_702, %dma_wait3A_706, %dma_wait3A_707] : memref<4x512x2048xf32, #tpu.memory_space<vmem>> -> memref<1x512x2048xf32, #tpu.memory_space<vmem>>
    %dma_wait3A_709 = tpu.memref_squeeze %dma_wait3A_708 : memref<1x512x2048xf32, #tpu.memory_space<vmem>> -> memref<512x2048xf32, #tpu.memory_space<vmem>>
    %dma_wait3A_710 = arith.constant 8192 : i32
    %dma_wait3A_711 = arith.constant 0 : i32
    %dma_wait3A_712 = tpu.memref_slice %arg0[%dma_wait3A_710, %dma_wait3A_711] : memref<32768x2048xf32, #tpu.memory_space<any>> -> memref<512x2048xf32, #tpu.memory_space<any>>
    tpu.wait_dma2 semaphore(%dma_wait3A_705 : memref<!tpu.dma_semaphore, #tpu.memory_space<semaphore_mem>>) src(%dma_wait3A_712 : memref<512x2048xf32, #tpu.memory_space<any>>) dst(%dma_wait3A_709 : memref<512x2048xf32, #tpu.memory_space<vmem>>)
    %dma_start3A_713 = arith.constant 0 : i32
    %dma_start3A_714 = arith.constant 0 : i32
    %dma_start3A_715 = tpu.memref_slice %arg4[%dma_start3A_714] : memref<4x!tpu.dma_semaphore, #tpu.memory_space<semaphore_mem>> -> memref<1x!tpu.dma_semaphore, #tpu.memory_space<semaphore_mem>>
    %dma_start3A_716 = tpu.memref_squeeze %dma_start3A_715 : memref<1x!tpu.dma_semaphore, #tpu.memory_space<semaphore_mem>> -> memref<!tpu.dma_semaphore, #tpu.memory_space<semaphore_mem>>
    %dma_start3A_717 = arith.constant 8192 : i32
    %dma_start3A_718 = arith.constant 0 : i32
    %dma_start3A_719 = tpu.memref_slice %arg1[%dma_start3A_717, %dma_start3A_718] : memref<18432x2048xf32, #tpu.memory_space<any>> -> memref<512x2048xf32, #tpu.memory_space<any>>
    %dma_start3A_720 = arith.constant 0 : i32
    %dma_start3A_721 = arith.constant 0 : i32
    %dma_start3A_722 = tpu.memref_slice %arg2[%dma_start3A_713, %dma_start3A_720, %dma_start3A_721] : memref<4x512x2048xf32, #tpu.memory_space<vmem>> -> memref<1x512x2048xf32, #tpu.memory_space<vmem>>
    %dma_start3A_723 = tpu.memref_squeeze %dma_start3A_722 : memref<1x512x2048xf32, #tpu.memory_space<vmem>> -> memref<512x2048xf32, #tpu.memory_space<vmem>>
    tpu.enqueue_dma source(%dma_start3A_723 : memref<512x2048xf32, #tpu.memory_space<vmem>>) target(%dma_start3A_719 : memref<512x2048xf32, #tpu.memory_space<any>>) target_semaphore(%dma_start3A_716 : memref<!tpu.dma_semaphore, #tpu.memory_space<semaphore_mem>>)
    %dma_wait3A_724 = arith.constant 2 : i32
    %dma_wait3A_725 = arith.constant 2 : i32
    %dma_wait3A_726 = tpu.memref_slice %arg4[%dma_wait3A_725] : memref<4x!tpu.dma_semaphore, #tpu.memory_space<semaphore_mem>> -> memref<1x!tpu.dma_semaphore, #tpu.memory_space<semaphore_mem>>
    %dma_wait3A_727 = tpu.memref_squeeze %dma_wait3A_726 : memref<1x!tpu.dma_semaphore, #tpu.memory_space<semaphore_mem>> -> memref<!tpu.dma_semaphore, #tpu.memory_space<semaphore_mem>>
    %dma_wait3A_728 = arith.constant 7168 : i32
    %dma_wait3A_729 = arith.constant 0 : i32
    %dma_wait3A_730 = tpu.memref_slice %arg1[%dma_wait3A_728, %dma_wait3A_729] : memref<18432x2048xf32, #tpu.memory_space<any>> -> memref<512x2048xf32, #tpu.memory_space<any>>
    %dma_wait3A_731 = arith.constant 0 : i32
    %dma_wait3A_732 = arith.constant 0 : i32
    %dma_wait3A_733 = tpu.memref_slice %arg2[%dma_wait3A_724, %dma_wait3A_731, %dma_wait3A_732] : memref<4x512x2048xf32, #tpu.memory_space<vmem>> -> memref<1x512x2048xf32, #tpu.memory_space<vmem>>
    %dma_wait3A_734 = tpu.memref_squeeze %dma_wait3A_733 : memref<1x512x2048xf32, #tpu.memory_space<vmem>> -> memref<512x2048xf32, #tpu.memory_space<vmem>>
    tpu.wait_dma2 semaphore(%dma_wait3A_727 : memref<!tpu.dma_semaphore, #tpu.memory_space<semaphore_mem>>) src(%dma_wait3A_734 : memref<512x2048xf32, #tpu.memory_space<vmem>>) dst(%dma_wait3A_730 : memref<512x2048xf32, #tpu.memory_space<any>>)
    %dma_start3A_735 = arith.constant 2 : i32
    %dma_start3A_736 = arith.constant 2 : i32
    %dma_start3A_737 = tpu.memref_slice %arg3[%dma_start3A_736] : memref<4x!tpu.dma_semaphore, #tpu.memory_space<semaphore_mem>> -> memref<1x!tpu.dma_semaphore, #tpu.memory_space<semaphore_mem>>
    %dma_start3A_738 = tpu.memref_squeeze %dma_start3A_737 : memref<1x!tpu.dma_semaphore, #tpu.memory_space<semaphore_mem>> -> memref<!tpu.dma_semaphore, #tpu.memory_space<semaphore_mem>>
    %dma_start3A_739 = arith.constant 0 : i32
    %dma_start3A_740 = arith.constant 0 : i32
    %dma_start3A_741 = tpu.memref_slice %arg2[%dma_start3A_735, %dma_start3A_739, %dma_start3A_740] : memref<4x512x2048xf32, #tpu.memory_space<vmem>> -> memref<1x512x2048xf32, #tpu.memory_space<vmem>>
    %dma_start3A_742 = tpu.memref_squeeze %dma_start3A_741 : memref<1x512x2048xf32, #tpu.memory_space<vmem>> -> memref<512x2048xf32, #tpu.memory_space<vmem>>
    %dma_start3A_743 = arith.constant 9216 : i32
    %dma_start3A_744 = arith.constant 0 : i32
    %dma_start3A_745 = tpu.memref_slice %arg0[%dma_start3A_743, %dma_start3A_744] : memref<32768x2048xf32, #tpu.memory_space<any>> -> memref<512x2048xf32, #tpu.memory_space<any>>
    tpu.enqueue_dma source(%dma_start3A_745 : memref<512x2048xf32, #tpu.memory_space<any>>) target(%dma_start3A_742 : memref<512x2048xf32, #tpu.memory_space<vmem>>) target_semaphore(%dma_start3A_738 : memref<!tpu.dma_semaphore, #tpu.memory_space<semaphore_mem>>)
    %dma_wait3A_746 = arith.constant 1 : i32
    %dma_wait3A_747 = arith.constant 1 : i32
    %dma_wait3A_748 = tpu.memref_slice %arg3[%dma_wait3A_747] : memref<4x!tpu.dma_semaphore, #tpu.memory_space<semaphore_mem>> -> memref<1x!tpu.dma_semaphore, #tpu.memory_space<semaphore_mem>>
    %dma_wait3A_749 = tpu.memref_squeeze %dma_wait3A_748 : memref<1x!tpu.dma_semaphore, #tpu.memory_space<semaphore_mem>> -> memref<!tpu.dma_semaphore, #tpu.memory_space<semaphore_mem>>
    %dma_wait3A_750 = arith.constant 0 : i32
    %dma_wait3A_751 = arith.constant 0 : i32
    %dma_wait3A_752 = tpu.memref_slice %arg2[%dma_wait3A_746, %dma_wait3A_750, %dma_wait3A_751] : memref<4x512x2048xf32, #tpu.memory_space<vmem>> -> memref<1x512x2048xf32, #tpu.memory_space<vmem>>
    %dma_wait3A_753 = tpu.memref_squeeze %dma_wait3A_752 : memref<1x512x2048xf32, #tpu.memory_space<vmem>> -> memref<512x2048xf32, #tpu.memory_space<vmem>>
    %dma_wait3A_754 = arith.constant 8704 : i32
    %dma_wait3A_755 = arith.constant 0 : i32
    %dma_wait3A_756 = tpu.memref_slice %arg0[%dma_wait3A_754, %dma_wait3A_755] : memref<32768x2048xf32, #tpu.memory_space<any>> -> memref<512x2048xf32, #tpu.memory_space<any>>
    tpu.wait_dma2 semaphore(%dma_wait3A_749 : memref<!tpu.dma_semaphore, #tpu.memory_space<semaphore_mem>>) src(%dma_wait3A_756 : memref<512x2048xf32, #tpu.memory_space<any>>) dst(%dma_wait3A_753 : memref<512x2048xf32, #tpu.memory_space<vmem>>)
    %dma_start3A_757 = arith.constant 1 : i32
    %dma_start3A_758 = arith.constant 1 : i32
    %dma_start3A_759 = tpu.memref_slice %arg4[%dma_start3A_758] : memref<4x!tpu.dma_semaphore, #tpu.memory_space<semaphore_mem>> -> memref<1x!tpu.dma_semaphore, #tpu.memory_space<semaphore_mem>>
    %dma_start3A_760 = tpu.memref_squeeze %dma_start3A_759 : memref<1x!tpu.dma_semaphore, #tpu.memory_space<semaphore_mem>> -> memref<!tpu.dma_semaphore, #tpu.memory_space<semaphore_mem>>
    %dma_start3A_761 = arith.constant 8704 : i32
    %dma_start3A_762 = arith.constant 0 : i32
    %dma_start3A_763 = tpu.memref_slice %arg1[%dma_start3A_761, %dma_start3A_762] : memref<18432x2048xf32, #tpu.memory_space<any>> -> memref<512x2048xf32, #tpu.memory_space<any>>
    %dma_start3A_764 = arith.constant 0 : i32
    %dma_start3A_765 = arith.constant 0 : i32
    %dma_start3A_766 = tpu.memref_slice %arg2[%dma_start3A_757, %dma_start3A_764, %dma_start3A_765] : memref<4x512x2048xf32, #tpu.memory_space<vmem>> -> memref<1x512x2048xf32, #tpu.memory_space<vmem>>
    %dma_start3A_767 = tpu.memref_squeeze %dma_start3A_766 : memref<1x512x2048xf32, #tpu.memory_space<vmem>> -> memref<512x2048xf32, #tpu.memory_space<vmem>>
    tpu.enqueue_dma source(%dma_start3A_767 : memref<512x2048xf32, #tpu.memory_space<vmem>>) target(%dma_start3A_763 : memref<512x2048xf32, #tpu.memory_space<any>>) target_semaphore(%dma_start3A_760 : memref<!tpu.dma_semaphore, #tpu.memory_space<semaphore_mem>>)
    %dma_wait3A_768 = arith.constant 3 : i32
    %dma_wait3A_769 = arith.constant 3 : i32
    %dma_wait3A_770 = tpu.memref_slice %arg4[%dma_wait3A_769] : memref<4x!tpu.dma_semaphore, #tpu.memory_space<semaphore_mem>> -> memref<1x!tpu.dma_semaphore, #tpu.memory_space<semaphore_mem>>
    %dma_wait3A_771 = tpu.memref_squeeze %dma_wait3A_770 : memref<1x!tpu.dma_semaphore, #tpu.memory_space<semaphore_mem>> -> memref<!tpu.dma_semaphore, #tpu.memory_space<semaphore_mem>>
    %dma_wait3A_772 = arith.constant 7680 : i32
    %dma_wait3A_773 = arith.constant 0 : i32
    %dma_wait3A_774 = tpu.memref_slice %arg1[%dma_wait3A_772, %dma_wait3A_773] : memref<18432x2048xf32, #tpu.memory_space<any>> -> memref<512x2048xf32, #tpu.memory_space<any>>
    %dma_wait3A_775 = arith.constant 0 : i32
    %dma_wait3A_776 = arith.constant 0 : i32
    %dma_wait3A_777 = tpu.memref_slice %arg2[%dma_wait3A_768, %dma_wait3A_775, %dma_wait3A_776] : memref<4x512x2048xf32, #tpu.memory_space<vmem>> -> memref<1x512x2048xf32, #tpu.memory_space<vmem>>
    %dma_wait3A_778 = tpu.memref_squeeze %dma_wait3A_777 : memref<1x512x2048xf32, #tpu.memory_space<vmem>> -> memref<512x2048xf32, #tpu.memory_space<vmem>>
    tpu.wait_dma2 semaphore(%dma_wait3A_771 : memref<!tpu.dma_semaphore, #tpu.memory_space<semaphore_mem>>) src(%dma_wait3A_778 : memref<512x2048xf32, #tpu.memory_space<vmem>>) dst(%dma_wait3A_774 : memref<512x2048xf32, #tpu.memory_space<any>>)
    %dma_start3A_779 = arith.constant 3 : i32
    %dma_start3A_780 = arith.constant 3 : i32
    %dma_start3A_781 = tpu.memref_slice %arg3[%dma_start3A_780] : memref<4x!tpu.dma_semaphore, #tpu.memory_space<semaphore_mem>> -> memref<1x!tpu.dma_semaphore, #tpu.memory_space<semaphore_mem>>
    %dma_start3A_782 = tpu.memref_squeeze %dma_start3A_781 : memref<1x!tpu.dma_semaphore, #tpu.memory_space<semaphore_mem>> -> memref<!tpu.dma_semaphore, #tpu.memory_space<semaphore_mem>>
    %dma_start3A_783 = arith.constant 0 : i32
    %dma_start3A_784 = arith.constant 0 : i32
    %dma_start3A_785 = tpu.memref_slice %arg2[%dma_start3A_779, %dma_start3A_783, %dma_start3A_784] : memref<4x512x2048xf32, #tpu.memory_space<vmem>> -> memref<1x512x2048xf32, #tpu.memory_space<vmem>>
    %dma_start3A_786 = tpu.memref_squeeze %dma_start3A_785 : memref<1x512x2048xf32, #tpu.memory_space<vmem>> -> memref<512x2048xf32, #tpu.memory_space<vmem>>
    %dma_start3A_787 = arith.constant 9728 : i32
    %dma_start3A_788 = arith.constant 0 : i32
    %dma_start3A_789 = tpu.memref_slice %arg0[%dma_start3A_787, %dma_start3A_788] : memref<32768x2048xf32, #tpu.memory_space<any>> -> memref<512x2048xf32, #tpu.memory_space<any>>
    tpu.enqueue_dma source(%dma_start3A_789 : memref<512x2048xf32, #tpu.memory_space<any>>) target(%dma_start3A_786 : memref<512x2048xf32, #tpu.memory_space<vmem>>) target_semaphore(%dma_start3A_782 : memref<!tpu.dma_semaphore, #tpu.memory_space<semaphore_mem>>)
    %dma_wait3A_790 = arith.constant 2 : i32
    %dma_wait3A_791 = arith.constant 2 : i32
    %dma_wait3A_792 = tpu.memref_slice %arg3[%dma_wait3A_791] : memref<4x!tpu.dma_semaphore, #tpu.memory_space<semaphore_mem>> -> memref<1x!tpu.dma_semaphore, #tpu.memory_space<semaphore_mem>>
    %dma_wait3A_793 = tpu.memref_squeeze %dma_wait3A_792 : memref<1x!tpu.dma_semaphore, #tpu.memory_space<semaphore_mem>> -> memref<!tpu.dma_semaphore, #tpu.memory_space<semaphore_mem>>
    %dma_wait3A_794 = arith.constant 0 : i32
    %dma_wait3A_795 = arith.constant 0 : i32
    %dma_wait3A_796 = tpu.memref_slice %arg2[%dma_wait3A_790, %dma_wait3A_794, %dma_wait3A_795] : memref<4x512x2048xf32, #tpu.memory_space<vmem>> -> memref<1x512x2048xf32, #tpu.memory_space<vmem>>
    %dma_wait3A_797 = tpu.memref_squeeze %dma_wait3A_796 : memref<1x512x2048xf32, #tpu.memory_space<vmem>> -> memref<512x2048xf32, #tpu.memory_space<vmem>>
    %dma_wait3A_798 = arith.constant 9216 : i32
    %dma_wait3A_799 = arith.constant 0 : i32
    %dma_wait3A_800 = tpu.memref_slice %arg0[%dma_wait3A_798, %dma_wait3A_799] : memref<32768x2048xf32, #tpu.memory_space<any>> -> memref<512x2048xf32, #tpu.memory_space<any>>
    tpu.wait_dma2 semaphore(%dma_wait3A_793 : memref<!tpu.dma_semaphore, #tpu.memory_space<semaphore_mem>>) src(%dma_wait3A_800 : memref<512x2048xf32, #tpu.memory_space<any>>) dst(%dma_wait3A_797 : memref<512x2048xf32, #tpu.memory_space<vmem>>)
    %dma_start3A_801 = arith.constant 2 : i32
    %dma_start3A_802 = arith.constant 2 : i32
    %dma_start3A_803 = tpu.memref_slice %arg4[%dma_start3A_802] : memref<4x!tpu.dma_semaphore, #tpu.memory_space<semaphore_mem>> -> memref<1x!tpu.dma_semaphore, #tpu.memory_space<semaphore_mem>>
    %dma_start3A_804 = tpu.memref_squeeze %dma_start3A_803 : memref<1x!tpu.dma_semaphore, #tpu.memory_space<semaphore_mem>> -> memref<!tpu.dma_semaphore, #tpu.memory_space<semaphore_mem>>
    %dma_start3A_805 = arith.constant 9216 : i32
    %dma_start3A_806 = arith.constant 0 : i32
    %dma_start3A_807 = tpu.memref_slice %arg1[%dma_start3A_805, %dma_start3A_806] : memref<18432x2048xf32, #tpu.memory_space<any>> -> memref<512x2048xf32, #tpu.memory_space<any>>
    %dma_start3A_808 = arith.constant 0 : i32
    %dma_start3A_809 = arith.constant 0 : i32
    %dma_start3A_810 = tpu.memref_slice %arg2[%dma_start3A_801, %dma_start3A_808, %dma_start3A_809] : memref<4x512x2048xf32, #tpu.memory_space<vmem>> -> memref<1x512x2048xf32, #tpu.memory_space<vmem>>
    %dma_start3A_811 = tpu.memref_squeeze %dma_start3A_810 : memref<1x512x2048xf32, #tpu.memory_space<vmem>> -> memref<512x2048xf32, #tpu.memory_space<vmem>>
    tpu.enqueue_dma source(%dma_start3A_811 : memref<512x2048xf32, #tpu.memory_space<vmem>>) target(%dma_start3A_807 : memref<512x2048xf32, #tpu.memory_space<any>>) target_semaphore(%dma_start3A_804 : memref<!tpu.dma_semaphore, #tpu.memory_space<semaphore_mem>>)
    %dma_wait3A_812 = arith.constant 0 : i32
    %dma_wait3A_813 = arith.constant 0 : i32
    %dma_wait3A_814 = tpu.memref_slice %arg4[%dma_wait3A_813] : memref<4x!tpu.dma_semaphore, #tpu.memory_space<semaphore_mem>> -> memref<1x!tpu.dma_semaphore, #tpu.memory_space<semaphore_mem>>
    %dma_wait3A_815 = tpu.memref_squeeze %dma_wait3A_814 : memref<1x!tpu.dma_semaphore, #tpu.memory_space<semaphore_mem>> -> memref<!tpu.dma_semaphore, #tpu.memory_space<semaphore_mem>>
    %dma_wait3A_816 = arith.constant 8192 : i32
    %dma_wait3A_817 = arith.constant 0 : i32
    %dma_wait3A_818 = tpu.memref_slice %arg1[%dma_wait3A_816, %dma_wait3A_817] : memref<18432x2048xf32, #tpu.memory_space<any>> -> memref<512x2048xf32, #tpu.memory_space<any>>
    %dma_wait3A_819 = arith.constant 0 : i32
    %dma_wait3A_820 = arith.constant 0 : i32
    %dma_wait3A_821 = tpu.memref_slice %arg2[%dma_wait3A_812, %dma_wait3A_819, %dma_wait3A_820] : memref<4x512x2048xf32, #tpu.memory_space<vmem>> -> memref<1x512x2048xf32, #tpu.memory_space<vmem>>
    %dma_wait3A_822 = tpu.memref_squeeze %dma_wait3A_821 : memref<1x512x2048xf32, #tpu.memory_space<vmem>> -> memref<512x2048xf32, #tpu.memory_space<vmem>>
    tpu.wait_dma2 semaphore(%dma_wait3A_815 : memref<!tpu.dma_semaphore, #tpu.memory_space<semaphore_mem>>) src(%dma_wait3A_822 : memref<512x2048xf32, #tpu.memory_space<vmem>>) dst(%dma_wait3A_818 : memref<512x2048xf32, #tpu.memory_space<any>>)
    %dma_start3A_823 = arith.constant 0 : i32
    %dma_start3A_824 = arith.constant 0 : i32
    %dma_start3A_825 = tpu.memref_slice %arg3[%dma_start3A_824] : memref<4x!tpu.dma_semaphore, #tpu.memory_space<semaphore_mem>> -> memref<1x!tpu.dma_semaphore, #tpu.memory_space<semaphore_mem>>
    %dma_start3A_826 = tpu.memref_squeeze %dma_start3A_825 : memref<1x!tpu.dma_semaphore, #tpu.memory_space<semaphore_mem>> -> memref<!tpu.dma_semaphore, #tpu.memory_space<semaphore_mem>>
    %dma_start3A_827 = arith.constant 0 : i32
    %dma_start3A_828 = arith.constant 0 : i32
    %dma_start3A_829 = tpu.memref_slice %arg2[%dma_start3A_823, %dma_start3A_827, %dma_start3A_828] : memref<4x512x2048xf32, #tpu.memory_space<vmem>> -> memref<1x512x2048xf32, #tpu.memory_space<vmem>>
    %dma_start3A_830 = tpu.memref_squeeze %dma_start3A_829 : memref<1x512x2048xf32, #tpu.memory_space<vmem>> -> memref<512x2048xf32, #tpu.memory_space<vmem>>
    %dma_start3A_831 = arith.constant 10240 : i32
    %dma_start3A_832 = arith.constant 0 : i32
    %dma_start3A_833 = tpu.memref_slice %arg0[%dma_start3A_831, %dma_start3A_832] : memref<32768x2048xf32, #tpu.memory_space<any>> -> memref<512x2048xf32, #tpu.memory_space<any>>
    tpu.enqueue_dma source(%dma_start3A_833 : memref<512x2048xf32, #tpu.memory_space<any>>) target(%dma_start3A_830 : memref<512x2048xf32, #tpu.memory_space<vmem>>) target_semaphore(%dma_start3A_826 : memref<!tpu.dma_semaphore, #tpu.memory_space<semaphore_mem>>)
    %dma_wait3A_834 = arith.constant 3 : i32
    %dma_wait3A_835 = arith.constant 3 : i32
    %dma_wait3A_836 = tpu.memref_slice %arg3[%dma_wait3A_835] : memref<4x!tpu.dma_semaphore, #tpu.memory_space<semaphore_mem>> -> memref<1x!tpu.dma_semaphore, #tpu.memory_space<semaphore_mem>>
    %dma_wait3A_837 = tpu.memref_squeeze %dma_wait3A_836 : memref<1x!tpu.dma_semaphore, #tpu.memory_space<semaphore_mem>> -> memref<!tpu.dma_semaphore, #tpu.memory_space<semaphore_mem>>
    %dma_wait3A_838 = arith.constant 0 : i32
    %dma_wait3A_839 = arith.constant 0 : i32
    %dma_wait3A_840 = tpu.memref_slice %arg2[%dma_wait3A_834, %dma_wait3A_838, %dma_wait3A_839] : memref<4x512x2048xf32, #tpu.memory_space<vmem>> -> memref<1x512x2048xf32, #tpu.memory_space<vmem>>
    %dma_wait3A_841 = tpu.memref_squeeze %dma_wait3A_840 : memref<1x512x2048xf32, #tpu.memory_space<vmem>> -> memref<512x2048xf32, #tpu.memory_space<vmem>>
    %dma_wait3A_842 = arith.constant 9728 : i32
    %dma_wait3A_843 = arith.constant 0 : i32
    %dma_wait3A_844 = tpu.memref_slice %arg0[%dma_wait3A_842, %dma_wait3A_843] : memref<32768x2048xf32, #tpu.memory_space<any>> -> memref<512x2048xf32, #tpu.memory_space<any>>
    tpu.wait_dma2 semaphore(%dma_wait3A_837 : memref<!tpu.dma_semaphore, #tpu.memory_space<semaphore_mem>>) src(%dma_wait3A_844 : memref<512x2048xf32, #tpu.memory_space<any>>) dst(%dma_wait3A_841 : memref<512x2048xf32, #tpu.memory_space<vmem>>)
    %dma_start3A_845 = arith.constant 3 : i32
    %dma_start3A_846 = arith.constant 3 : i32
    %dma_start3A_847 = tpu.memref_slice %arg4[%dma_start3A_846] : memref<4x!tpu.dma_semaphore, #tpu.memory_space<semaphore_mem>> -> memref<1x!tpu.dma_semaphore, #tpu.memory_space<semaphore_mem>>
    %dma_start3A_848 = tpu.memref_squeeze %dma_start3A_847 : memref<1x!tpu.dma_semaphore, #tpu.memory_space<semaphore_mem>> -> memref<!tpu.dma_semaphore, #tpu.memory_space<semaphore_mem>>
    %dma_start3A_849 = arith.constant 9728 : i32
    %dma_start3A_850 = arith.constant 0 : i32
    %dma_start3A_851 = tpu.memref_slice %arg1[%dma_start3A_849, %dma_start3A_850] : memref<18432x2048xf32, #tpu.memory_space<any>> -> memref<512x2048xf32, #tpu.memory_space<any>>
    %dma_start3A_852 = arith.constant 0 : i32
    %dma_start3A_853 = arith.constant 0 : i32
    %dma_start3A_854 = tpu.memref_slice %arg2[%dma_start3A_845, %dma_start3A_852, %dma_start3A_853] : memref<4x512x2048xf32, #tpu.memory_space<vmem>> -> memref<1x512x2048xf32, #tpu.memory_space<vmem>>
    %dma_start3A_855 = tpu.memref_squeeze %dma_start3A_854 : memref<1x512x2048xf32, #tpu.memory_space<vmem>> -> memref<512x2048xf32, #tpu.memory_space<vmem>>
    tpu.enqueue_dma source(%dma_start3A_855 : memref<512x2048xf32, #tpu.memory_space<vmem>>) target(%dma_start3A_851 : memref<512x2048xf32, #tpu.memory_space<any>>) target_semaphore(%dma_start3A_848 : memref<!tpu.dma_semaphore, #tpu.memory_space<semaphore_mem>>)
    %dma_wait3A_856 = arith.constant 1 : i32
    %dma_wait3A_857 = arith.constant 1 : i32
    %dma_wait3A_858 = tpu.memref_slice %arg4[%dma_wait3A_857] : memref<4x!tpu.dma_semaphore, #tpu.memory_space<semaphore_mem>> -> memref<1x!tpu.dma_semaphore, #tpu.memory_space<semaphore_mem>>
    %dma_wait3A_859 = tpu.memref_squeeze %dma_wait3A_858 : memref<1x!tpu.dma_semaphore, #tpu.memory_space<semaphore_mem>> -> memref<!tpu.dma_semaphore, #tpu.memory_space<semaphore_mem>>
    %dma_wait3A_860 = arith.constant 8704 : i32
    %dma_wait3A_861 = arith.constant 0 : i32
    %dma_wait3A_862 = tpu.memref_slice %arg1[%dma_wait3A_860, %dma_wait3A_861] : memref<18432x2048xf32, #tpu.memory_space<any>> -> memref<512x2048xf32, #tpu.memory_space<any>>
    %dma_wait3A_863 = arith.constant 0 : i32
    %dma_wait3A_864 = arith.constant 0 : i32
    %dma_wait3A_865 = tpu.memref_slice %arg2[%dma_wait3A_856, %dma_wait3A_863, %dma_wait3A_864] : memref<4x512x2048xf32, #tpu.memory_space<vmem>> -> memref<1x512x2048xf32, #tpu.memory_space<vmem>>
    %dma_wait3A_866 = tpu.memref_squeeze %dma_wait3A_865 : memref<1x512x2048xf32, #tpu.memory_space<vmem>> -> memref<512x2048xf32, #tpu.memory_space<vmem>>
    tpu.wait_dma2 semaphore(%dma_wait3A_859 : memref<!tpu.dma_semaphore, #tpu.memory_space<semaphore_mem>>) src(%dma_wait3A_866 : memref<512x2048xf32, #tpu.memory_space<vmem>>) dst(%dma_wait3A_862 : memref<512x2048xf32, #tpu.memory_space<any>>)
    %dma_start3A_867 = arith.constant 1 : i32
    %dma_start3A_868 = arith.constant 1 : i32
    %dma_start3A_869 = tpu.memref_slice %arg3[%dma_start3A_868] : memref<4x!tpu.dma_semaphore, #tpu.memory_space<semaphore_mem>> -> memref<1x!tpu.dma_semaphore, #tpu.memory_space<semaphore_mem>>
    %dma_start3A_870 = tpu.memref_squeeze %dma_start3A_869 : memref<1x!tpu.dma_semaphore, #tpu.memory_space<semaphore_mem>> -> memref<!tpu.dma_semaphore, #tpu.memory_space<semaphore_mem>>
    %dma_start3A_871 = arith.constant 0 : i32
    %dma_start3A_872 = arith.constant 0 : i32
    %dma_start3A_873 = tpu.memref_slice %arg2[%dma_start3A_867, %dma_start3A_871, %dma_start3A_872] : memref<4x512x2048xf32, #tpu.memory_space<vmem>> -> memref<1x512x2048xf32, #tpu.memory_space<vmem>>
    %dma_start3A_874 = tpu.memref_squeeze %dma_start3A_873 : memref<1x512x2048xf32, #tpu.memory_space<vmem>> -> memref<512x2048xf32, #tpu.memory_space<vmem>>
    %dma_start3A_875 = arith.constant 10752 : i32
    %dma_start3A_876 = arith.constant 0 : i32
    %dma_start3A_877 = tpu.memref_slice %arg0[%dma_start3A_875, %dma_start3A_876] : memref<32768x2048xf32, #tpu.memory_space<any>> -> memref<512x2048xf32, #tpu.memory_space<any>>
    tpu.enqueue_dma source(%dma_start3A_877 : memref<512x2048xf32, #tpu.memory_space<any>>) target(%dma_start3A_874 : memref<512x2048xf32, #tpu.memory_space<vmem>>) target_semaphore(%dma_start3A_870 : memref<!tpu.dma_semaphore, #tpu.memory_space<semaphore_mem>>)
    %dma_wait3A_878 = arith.constant 0 : i32
    %dma_wait3A_879 = arith.constant 0 : i32
    %dma_wait3A_880 = tpu.memref_slice %arg3[%dma_wait3A_879] : memref<4x!tpu.dma_semaphore, #tpu.memory_space<semaphore_mem>> -> memref<1x!tpu.dma_semaphore, #tpu.memory_space<semaphore_mem>>
    %dma_wait3A_881 = tpu.memref_squeeze %dma_wait3A_880 : memref<1x!tpu.dma_semaphore, #tpu.memory_space<semaphore_mem>> -> memref<!tpu.dma_semaphore, #tpu.memory_space<semaphore_mem>>
    %dma_wait3A_882 = arith.constant 0 : i32
    %dma_wait3A_883 = arith.constant 0 : i32
    %dma_wait3A_884 = tpu.memref_slice %arg2[%dma_wait3A_878, %dma_wait3A_882, %dma_wait3A_883] : memref<4x512x2048xf32, #tpu.memory_space<vmem>> -> memref<1x512x2048xf32, #tpu.memory_space<vmem>>
    %dma_wait3A_885 = tpu.memref_squeeze %dma_wait3A_884 : memref<1x512x2048xf32, #tpu.memory_space<vmem>> -> memref<512x2048xf32, #tpu.memory_space<vmem>>
    %dma_wait3A_886 = arith.constant 10240 : i32
    %dma_wait3A_887 = arith.constant 0 : i32
    %dma_wait3A_888 = tpu.memref_slice %arg0[%dma_wait3A_886, %dma_wait3A_887] : memref<32768x2048xf32, #tpu.memory_space<any>> -> memref<512x2048xf32, #tpu.memory_space<any>>
    tpu.wait_dma2 semaphore(%dma_wait3A_881 : memref<!tpu.dma_semaphore, #tpu.memory_space<semaphore_mem>>) src(%dma_wait3A_888 : memref<512x2048xf32, #tpu.memory_space<any>>) dst(%dma_wait3A_885 : memref<512x2048xf32, #tpu.memory_space<vmem>>)
    %dma_start3A_889 = arith.constant 0 : i32
    %dma_start3A_890 = arith.constant 0 : i32
    %dma_start3A_891 = tpu.memref_slice %arg4[%dma_start3A_890] : memref<4x!tpu.dma_semaphore, #tpu.memory_space<semaphore_mem>> -> memref<1x!tpu.dma_semaphore, #tpu.memory_space<semaphore_mem>>
    %dma_start3A_892 = tpu.memref_squeeze %dma_start3A_891 : memref<1x!tpu.dma_semaphore, #tpu.memory_space<semaphore_mem>> -> memref<!tpu.dma_semaphore, #tpu.memory_space<semaphore_mem>>
    %dma_start3A_893 = arith.constant 10240 : i32
    %dma_start3A_894 = arith.constant 0 : i32
    %dma_start3A_895 = tpu.memref_slice %arg1[%dma_start3A_893, %dma_start3A_894] : memref<18432x2048xf32, #tpu.memory_space<any>> -> memref<512x2048xf32, #tpu.memory_space<any>>
    %dma_start3A_896 = arith.constant 0 : i32
    %dma_start3A_897 = arith.constant 0 : i32
    %dma_start3A_898 = tpu.memref_slice %arg2[%dma_start3A_889, %dma_start3A_896, %dma_start3A_897] : memref<4x512x2048xf32, #tpu.memory_space<vmem>> -> memref<1x512x2048xf32, #tpu.memory_space<vmem>>
    %dma_start3A_899 = tpu.memref_squeeze %dma_start3A_898 : memref<1x512x2048xf32, #tpu.memory_space<vmem>> -> memref<512x2048xf32, #tpu.memory_space<vmem>>
    tpu.enqueue_dma source(%dma_start3A_899 : memref<512x2048xf32, #tpu.memory_space<vmem>>) target(%dma_start3A_895 : memref<512x2048xf32, #tpu.memory_space<any>>) target_semaphore(%dma_start3A_892 : memref<!tpu.dma_semaphore, #tpu.memory_space<semaphore_mem>>)
    %dma_wait3A_900 = arith.constant 2 : i32
    %dma_wait3A_901 = arith.constant 2 : i32
    %dma_wait3A_902 = tpu.memref_slice %arg4[%dma_wait3A_901] : memref<4x!tpu.dma_semaphore, #tpu.memory_space<semaphore_mem>> -> memref<1x!tpu.dma_semaphore, #tpu.memory_space<semaphore_mem>>
    %dma_wait3A_903 = tpu.memref_squeeze %dma_wait3A_902 : memref<1x!tpu.dma_semaphore, #tpu.memory_space<semaphore_mem>> -> memref<!tpu.dma_semaphore, #tpu.memory_space<semaphore_mem>>
    %dma_wait3A_904 = arith.constant 9216 : i32
    %dma_wait3A_905 = arith.constant 0 : i32
    %dma_wait3A_906 = tpu.memref_slice %arg1[%dma_wait3A_904, %dma_wait3A_905] : memref<18432x2048xf32, #tpu.memory_space<any>> -> memref<512x2048xf32, #tpu.memory_space<any>>
    %dma_wait3A_907 = arith.constant 0 : i32
    %dma_wait3A_908 = arith.constant 0 : i32
    %dma_wait3A_909 = tpu.memref_slice %arg2[%dma_wait3A_900, %dma_wait3A_907, %dma_wait3A_908] : memref<4x512x2048xf32, #tpu.memory_space<vmem>> -> memref<1x512x2048xf32, #tpu.memory_space<vmem>>
    %dma_wait3A_910 = tpu.memref_squeeze %dma_wait3A_909 : memref<1x512x2048xf32, #tpu.memory_space<vmem>> -> memref<512x2048xf32, #tpu.memory_space<vmem>>
    tpu.wait_dma2 semaphore(%dma_wait3A_903 : memref<!tpu.dma_semaphore, #tpu.memory_space<semaphore_mem>>) src(%dma_wait3A_910 : memref<512x2048xf32, #tpu.memory_space<vmem>>) dst(%dma_wait3A_906 : memref<512x2048xf32, #tpu.memory_space<any>>)
    %dma_start3A_911 = arith.constant 2 : i32
    %dma_start3A_912 = arith.constant 2 : i32
    %dma_start3A_913 = tpu.memref_slice %arg3[%dma_start3A_912] : memref<4x!tpu.dma_semaphore, #tpu.memory_space<semaphore_mem>> -> memref<1x!tpu.dma_semaphore, #tpu.memory_space<semaphore_mem>>
    %dma_start3A_914 = tpu.memref_squeeze %dma_start3A_913 : memref<1x!tpu.dma_semaphore, #tpu.memory_space<semaphore_mem>> -> memref<!tpu.dma_semaphore, #tpu.memory_space<semaphore_mem>>
    %dma_start3A_915 = arith.constant 0 : i32
    %dma_start3A_916 = arith.constant 0 : i32
    %dma_start3A_917 = tpu.memref_slice %arg2[%dma_start3A_911, %dma_start3A_915, %dma_start3A_916] : memref<4x512x2048xf32, #tpu.memory_space<vmem>> -> memref<1x512x2048xf32, #tpu.memory_space<vmem>>
    %dma_start3A_918 = tpu.memref_squeeze %dma_start3A_917 : memref<1x512x2048xf32, #tpu.memory_space<vmem>> -> memref<512x2048xf32, #tpu.memory_space<vmem>>
    %dma_start3A_919 = arith.constant 11264 : i32
    %dma_start3A_920 = arith.constant 0 : i32
    %dma_start3A_921 = tpu.memref_slice %arg0[%dma_start3A_919, %dma_start3A_920] : memref<32768x2048xf32, #tpu.memory_space<any>> -> memref<512x2048xf32, #tpu.memory_space<any>>
    tpu.enqueue_dma source(%dma_start3A_921 : memref<512x2048xf32, #tpu.memory_space<any>>) target(%dma_start3A_918 : memref<512x2048xf32, #tpu.memory_space<vmem>>) target_semaphore(%dma_start3A_914 : memref<!tpu.dma_semaphore, #tpu.memory_space<semaphore_mem>>)
    %dma_wait3A_922 = arith.constant 1 : i32
    %dma_wait3A_923 = arith.constant 1 : i32
    %dma_wait3A_924 = tpu.memref_slice %arg3[%dma_wait3A_923] : memref<4x!tpu.dma_semaphore, #tpu.memory_space<semaphore_mem>> -> memref<1x!tpu.dma_semaphore, #tpu.memory_space<semaphore_mem>>
    %dma_wait3A_925 = tpu.memref_squeeze %dma_wait3A_924 : memref<1x!tpu.dma_semaphore, #tpu.memory_space<semaphore_mem>> -> memref<!tpu.dma_semaphore, #tpu.memory_space<semaphore_mem>>
    %dma_wait3A_926 = arith.constant 0 : i32
    %dma_wait3A_927 = arith.constant 0 : i32
    %dma_wait3A_928 = tpu.memref_slice %arg2[%dma_wait3A_922, %dma_wait3A_926, %dma_wait3A_927] : memref<4x512x2048xf32, #tpu.memory_space<vmem>> -> memref<1x512x2048xf32, #tpu.memory_space<vmem>>
    %dma_wait3A_929 = tpu.memref_squeeze %dma_wait3A_928 : memref<1x512x2048xf32, #tpu.memory_space<vmem>> -> memref<512x2048xf32, #tpu.memory_space<vmem>>
    %dma_wait3A_930 = arith.constant 10752 : i32
    %dma_wait3A_931 = arith.constant 0 : i32
    %dma_wait3A_932 = tpu.memref_slice %arg0[%dma_wait3A_930, %dma_wait3A_931] : memref<32768x2048xf32, #tpu.memory_space<any>> -> memref<512x2048xf32, #tpu.memory_space<any>>
    tpu.wait_dma2 semaphore(%dma_wait3A_925 : memref<!tpu.dma_semaphore, #tpu.memory_space<semaphore_mem>>) src(%dma_wait3A_932 : memref<512x2048xf32, #tpu.memory_space<any>>) dst(%dma_wait3A_929 : memref<512x2048xf32, #tpu.memory_space<vmem>>)
    %dma_start3A_933 = arith.constant 1 : i32
    %dma_start3A_934 = arith.constant 1 : i32
    %dma_start3A_935 = tpu.memref_slice %arg4[%dma_start3A_934] : memref<4x!tpu.dma_semaphore, #tpu.memory_space<semaphore_mem>> -> memref<1x!tpu.dma_semaphore, #tpu.memory_space<semaphore_mem>>
    %dma_start3A_936 = tpu.memref_squeeze %dma_start3A_935 : memref<1x!tpu.dma_semaphore, #tpu.memory_space<semaphore_mem>> -> memref<!tpu.dma_semaphore, #tpu.memory_space<semaphore_mem>>
    %dma_start3A_937 = arith.constant 10752 : i32
    %dma_start3A_938 = arith.constant 0 : i32
    %dma_start3A_939 = tpu.memref_slice %arg1[%dma_start3A_937, %dma_start3A_938] : memref<18432x2048xf32, #tpu.memory_space<any>> -> memref<512x2048xf32, #tpu.memory_space<any>>
    %dma_start3A_940 = arith.constant 0 : i32
    %dma_start3A_941 = arith.constant 0 : i32
    %dma_start3A_942 = tpu.memref_slice %arg2[%dma_start3A_933, %dma_start3A_940, %dma_start3A_941] : memref<4x512x2048xf32, #tpu.memory_space<vmem>> -> memref<1x512x2048xf32, #tpu.memory_space<vmem>>
    %dma_start3A_943 = tpu.memref_squeeze %dma_start3A_942 : memref<1x512x2048xf32, #tpu.memory_space<vmem>> -> memref<512x2048xf32, #tpu.memory_space<vmem>>
    tpu.enqueue_dma source(%dma_start3A_943 : memref<512x2048xf32, #tpu.memory_space<vmem>>) target(%dma_start3A_939 : memref<512x2048xf32, #tpu.memory_space<any>>) target_semaphore(%dma_start3A_936 : memref<!tpu.dma_semaphore, #tpu.memory_space<semaphore_mem>>)
    %dma_wait3A_944 = arith.constant 3 : i32
    %dma_wait3A_945 = arith.constant 3 : i32
    %dma_wait3A_946 = tpu.memref_slice %arg4[%dma_wait3A_945] : memref<4x!tpu.dma_semaphore, #tpu.memory_space<semaphore_mem>> -> memref<1x!tpu.dma_semaphore, #tpu.memory_space<semaphore_mem>>
    %dma_wait3A_947 = tpu.memref_squeeze %dma_wait3A_946 : memref<1x!tpu.dma_semaphore, #tpu.memory_space<semaphore_mem>> -> memref<!tpu.dma_semaphore, #tpu.memory_space<semaphore_mem>>
    %dma_wait3A_948 = arith.constant 9728 : i32
    %dma_wait3A_949 = arith.constant 0 : i32
    %dma_wait3A_950 = tpu.memref_slice %arg1[%dma_wait3A_948, %dma_wait3A_949] : memref<18432x2048xf32, #tpu.memory_space<any>> -> memref<512x2048xf32, #tpu.memory_space<any>>
    %dma_wait3A_951 = arith.constant 0 : i32
    %dma_wait3A_952 = arith.constant 0 : i32
    %dma_wait3A_953 = tpu.memref_slice %arg2[%dma_wait3A_944, %dma_wait3A_951, %dma_wait3A_952] : memref<4x512x2048xf32, #tpu.memory_space<vmem>> -> memref<1x512x2048xf32, #tpu.memory_space<vmem>>
    %dma_wait3A_954 = tpu.memref_squeeze %dma_wait3A_953 : memref<1x512x2048xf32, #tpu.memory_space<vmem>> -> memref<512x2048xf32, #tpu.memory_space<vmem>>
    tpu.wait_dma2 semaphore(%dma_wait3A_947 : memref<!tpu.dma_semaphore, #tpu.memory_space<semaphore_mem>>) src(%dma_wait3A_954 : memref<512x2048xf32, #tpu.memory_space<vmem>>) dst(%dma_wait3A_950 : memref<512x2048xf32, #tpu.memory_space<any>>)
    %dma_start3A_955 = arith.constant 3 : i32
    %dma_start3A_956 = arith.constant 3 : i32
    %dma_start3A_957 = tpu.memref_slice %arg3[%dma_start3A_956] : memref<4x!tpu.dma_semaphore, #tpu.memory_space<semaphore_mem>> -> memref<1x!tpu.dma_semaphore, #tpu.memory_space<semaphore_mem>>
    %dma_start3A_958 = tpu.memref_squeeze %dma_start3A_957 : memref<1x!tpu.dma_semaphore, #tpu.memory_space<semaphore_mem>> -> memref<!tpu.dma_semaphore, #tpu.memory_space<semaphore_mem>>
    %dma_start3A_959 = arith.constant 0 : i32
    %dma_start3A_960 = arith.constant 0 : i32
    %dma_start3A_961 = tpu.memref_slice %arg2[%dma_start3A_955, %dma_start3A_959, %dma_start3A_960] : memref<4x512x2048xf32, #tpu.memory_space<vmem>> -> memref<1x512x2048xf32, #tpu.memory_space<vmem>>
    %dma_start3A_962 = tpu.memref_squeeze %dma_start3A_961 : memref<1x512x2048xf32, #tpu.memory_space<vmem>> -> memref<512x2048xf32, #tpu.memory_space<vmem>>
    %dma_start3A_963 = arith.constant 11776 : i32
    %dma_start3A_964 = arith.constant 0 : i32
    %dma_start3A_965 = tpu.memref_slice %arg0[%dma_start3A_963, %dma_start3A_964] : memref<32768x2048xf32, #tpu.memory_space<any>> -> memref<512x2048xf32, #tpu.memory_space<any>>
    tpu.enqueue_dma source(%dma_start3A_965 : memref<512x2048xf32, #tpu.memory_space<any>>) target(%dma_start3A_962 : memref<512x2048xf32, #tpu.memory_space<vmem>>) target_semaphore(%dma_start3A_958 : memref<!tpu.dma_semaphore, #tpu.memory_space<semaphore_mem>>)
    %dma_wait3A_966 = arith.constant 2 : i32
    %dma_wait3A_967 = arith.constant 2 : i32
    %dma_wait3A_968 = tpu.memref_slice %arg3[%dma_wait3A_967] : memref<4x!tpu.dma_semaphore, #tpu.memory_space<semaphore_mem>> -> memref<1x!tpu.dma_semaphore, #tpu.memory_space<semaphore_mem>>
    %dma_wait3A_969 = tpu.memref_squeeze %dma_wait3A_968 : memref<1x!tpu.dma_semaphore, #tpu.memory_space<semaphore_mem>> -> memref<!tpu.dma_semaphore, #tpu.memory_space<semaphore_mem>>
    %dma_wait3A_970 = arith.constant 0 : i32
    %dma_wait3A_971 = arith.constant 0 : i32
    %dma_wait3A_972 = tpu.memref_slice %arg2[%dma_wait3A_966, %dma_wait3A_970, %dma_wait3A_971] : memref<4x512x2048xf32, #tpu.memory_space<vmem>> -> memref<1x512x2048xf32, #tpu.memory_space<vmem>>
    %dma_wait3A_973 = tpu.memref_squeeze %dma_wait3A_972 : memref<1x512x2048xf32, #tpu.memory_space<vmem>> -> memref<512x2048xf32, #tpu.memory_space<vmem>>
    %dma_wait3A_974 = arith.constant 11264 : i32
    %dma_wait3A_975 = arith.constant 0 : i32
    %dma_wait3A_976 = tpu.memref_slice %arg0[%dma_wait3A_974, %dma_wait3A_975] : memref<32768x2048xf32, #tpu.memory_space<any>> -> memref<512x2048xf32, #tpu.memory_space<any>>
    tpu.wait_dma2 semaphore(%dma_wait3A_969 : memref<!tpu.dma_semaphore, #tpu.memory_space<semaphore_mem>>) src(%dma_wait3A_976 : memref<512x2048xf32, #tpu.memory_space<any>>) dst(%dma_wait3A_973 : memref<512x2048xf32, #tpu.memory_space<vmem>>)
    %dma_start3A_977 = arith.constant 2 : i32
    %dma_start3A_978 = arith.constant 2 : i32
    %dma_start3A_979 = tpu.memref_slice %arg4[%dma_start3A_978] : memref<4x!tpu.dma_semaphore, #tpu.memory_space<semaphore_mem>> -> memref<1x!tpu.dma_semaphore, #tpu.memory_space<semaphore_mem>>
    %dma_start3A_980 = tpu.memref_squeeze %dma_start3A_979 : memref<1x!tpu.dma_semaphore, #tpu.memory_space<semaphore_mem>> -> memref<!tpu.dma_semaphore, #tpu.memory_space<semaphore_mem>>
    %dma_start3A_981 = arith.constant 11264 : i32
    %dma_start3A_982 = arith.constant 0 : i32
    %dma_start3A_983 = tpu.memref_slice %arg1[%dma_start3A_981, %dma_start3A_982] : memref<18432x2048xf32, #tpu.memory_space<any>> -> memref<512x2048xf32, #tpu.memory_space<any>>
    %dma_start3A_984 = arith.constant 0 : i32
    %dma_start3A_985 = arith.constant 0 : i32
    %dma_start3A_986 = tpu.memref_slice %arg2[%dma_start3A_977, %dma_start3A_984, %dma_start3A_985] : memref<4x512x2048xf32, #tpu.memory_space<vmem>> -> memref<1x512x2048xf32, #tpu.memory_space<vmem>>
    %dma_start3A_987 = tpu.memref_squeeze %dma_start3A_986 : memref<1x512x2048xf32, #tpu.memory_space<vmem>> -> memref<512x2048xf32, #tpu.memory_space<vmem>>
    tpu.enqueue_dma source(%dma_start3A_987 : memref<512x2048xf32, #tpu.memory_space<vmem>>) target(%dma_start3A_983 : memref<512x2048xf32, #tpu.memory_space<any>>) target_semaphore(%dma_start3A_980 : memref<!tpu.dma_semaphore, #tpu.memory_space<semaphore_mem>>)
    %dma_wait3A_988 = arith.constant 0 : i32
    %dma_wait3A_989 = arith.constant 0 : i32
    %dma_wait3A_990 = tpu.memref_slice %arg4[%dma_wait3A_989] : memref<4x!tpu.dma_semaphore, #tpu.memory_space<semaphore_mem>> -> memref<1x!tpu.dma_semaphore, #tpu.memory_space<semaphore_mem>>
    %dma_wait3A_991 = tpu.memref_squeeze %dma_wait3A_990 : memref<1x!tpu.dma_semaphore, #tpu.memory_space<semaphore_mem>> -> memref<!tpu.dma_semaphore, #tpu.memory_space<semaphore_mem>>
    %dma_wait3A_992 = arith.constant 10240 : i32
    %dma_wait3A_993 = arith.constant 0 : i32
    %dma_wait3A_994 = tpu.memref_slice %arg1[%dma_wait3A_992, %dma_wait3A_993] : memref<18432x2048xf32, #tpu.memory_space<any>> -> memref<512x2048xf32, #tpu.memory_space<any>>
    %dma_wait3A_995 = arith.constant 0 : i32
    %dma_wait3A_996 = arith.constant 0 : i32
    %dma_wait3A_997 = tpu.memref_slice %arg2[%dma_wait3A_988, %dma_wait3A_995, %dma_wait3A_996] : memref<4x512x2048xf32, #tpu.memory_space<vmem>> -> memref<1x512x2048xf32, #tpu.memory_space<vmem>>
    %dma_wait3A_998 = tpu.memref_squeeze %dma_wait3A_997 : memref<1x512x2048xf32, #tpu.memory_space<vmem>> -> memref<512x2048xf32, #tpu.memory_space<vmem>>
    tpu.wait_dma2 semaphore(%dma_wait3A_991 : memref<!tpu.dma_semaphore, #tpu.memory_space<semaphore_mem>>) src(%dma_wait3A_998 : memref<512x2048xf32, #tpu.memory_space<vmem>>) dst(%dma_wait3A_994 : memref<512x2048xf32, #tpu.memory_space<any>>)
    %dma_start3A_999 = arith.constant 0 : i32
    %dma_start3A_1000 = arith.constant 0 : i32
    %dma_start3A_1001 = tpu.memref_slice %arg3[%dma_start3A_1000] : memref<4x!tpu.dma_semaphore, #tpu.memory_space<semaphore_mem>> -> memref<1x!tpu.dma_semaphore, #tpu.memory_space<semaphore_mem>>
    %dma_start3A_1002 = tpu.memref_squeeze %dma_start3A_1001 : memref<1x!tpu.dma_semaphore, #tpu.memory_space<semaphore_mem>> -> memref<!tpu.dma_semaphore, #tpu.memory_space<semaphore_mem>>
    %dma_start3A_1003 = arith.constant 0 : i32
    %dma_start3A_1004 = arith.constant 0 : i32
    %dma_start3A_1005 = tpu.memref_slice %arg2[%dma_start3A_999, %dma_start3A_1003, %dma_start3A_1004] : memref<4x512x2048xf32, #tpu.memory_space<vmem>> -> memref<1x512x2048xf32, #tpu.memory_space<vmem>>
    %dma_start3A_1006 = tpu.memref_squeeze %dma_start3A_1005 : memref<1x512x2048xf32, #tpu.memory_space<vmem>> -> memref<512x2048xf32, #tpu.memory_space<vmem>>
    %dma_start3A_1007 = arith.constant 12288 : i32
    %dma_start3A_1008 = arith.constant 0 : i32
    %dma_start3A_1009 = tpu.memref_slice %arg0[%dma_start3A_1007, %dma_start3A_1008] : memref<32768x2048xf32, #tpu.memory_space<any>> -> memref<512x2048xf32, #tpu.memory_space<any>>
    tpu.enqueue_dma source(%dma_start3A_1009 : memref<512x2048xf32, #tpu.memory_space<any>>) target(%dma_start3A_1006 : memref<512x2048xf32, #tpu.memory_space<vmem>>) target_semaphore(%dma_start3A_1002 : memref<!tpu.dma_semaphore, #tpu.memory_space<semaphore_mem>>)
    %dma_wait3A_1010 = arith.constant 3 : i32
    %dma_wait3A_1011 = arith.constant 3 : i32
    %dma_wait3A_1012 = tpu.memref_slice %arg3[%dma_wait3A_1011] : memref<4x!tpu.dma_semaphore, #tpu.memory_space<semaphore_mem>> -> memref<1x!tpu.dma_semaphore, #tpu.memory_space<semaphore_mem>>
    %dma_wait3A_1013 = tpu.memref_squeeze %dma_wait3A_1012 : memref<1x!tpu.dma_semaphore, #tpu.memory_space<semaphore_mem>> -> memref<!tpu.dma_semaphore, #tpu.memory_space<semaphore_mem>>
    %dma_wait3A_1014 = arith.constant 0 : i32
    %dma_wait3A_1015 = arith.constant 0 : i32
    %dma_wait3A_1016 = tpu.memref_slice %arg2[%dma_wait3A_1010, %dma_wait3A_1014, %dma_wait3A_1015] : memref<4x512x2048xf32, #tpu.memory_space<vmem>> -> memref<1x512x2048xf32, #tpu.memory_space<vmem>>
    %dma_wait3A_1017 = tpu.memref_squeeze %dma_wait3A_1016 : memref<1x512x2048xf32, #tpu.memory_space<vmem>> -> memref<512x2048xf32, #tpu.memory_space<vmem>>
    %dma_wait3A_1018 = arith.constant 11776 : i32
    %dma_wait3A_1019 = arith.constant 0 : i32
    %dma_wait3A_1020 = tpu.memref_slice %arg0[%dma_wait3A_1018, %dma_wait3A_1019] : memref<32768x2048xf32, #tpu.memory_space<any>> -> memref<512x2048xf32, #tpu.memory_space<any>>
    tpu.wait_dma2 semaphore(%dma_wait3A_1013 : memref<!tpu.dma_semaphore, #tpu.memory_space<semaphore_mem>>) src(%dma_wait3A_1020 : memref<512x2048xf32, #tpu.memory_space<any>>) dst(%dma_wait3A_1017 : memref<512x2048xf32, #tpu.memory_space<vmem>>)
    %dma_start3A_1021 = arith.constant 3 : i32
    %dma_start3A_1022 = arith.constant 3 : i32
    %dma_start3A_1023 = tpu.memref_slice %arg4[%dma_start3A_1022] : memref<4x!tpu.dma_semaphore, #tpu.memory_space<semaphore_mem>> -> memref<1x!tpu.dma_semaphore, #tpu.memory_space<semaphore_mem>>
    %dma_start3A_1024 = tpu.memref_squeeze %dma_start3A_1023 : memref<1x!tpu.dma_semaphore, #tpu.memory_space<semaphore_mem>> -> memref<!tpu.dma_semaphore, #tpu.memory_space<semaphore_mem>>
    %dma_start3A_1025 = arith.constant 11776 : i32
    %dma_start3A_1026 = arith.constant 0 : i32
    %dma_start3A_1027 = tpu.memref_slice %arg1[%dma_start3A_1025, %dma_start3A_1026] : memref<18432x2048xf32, #tpu.memory_space<any>> -> memref<512x2048xf32, #tpu.memory_space<any>>
    %dma_start3A_1028 = arith.constant 0 : i32
    %dma_start3A_1029 = arith.constant 0 : i32
    %dma_start3A_1030 = tpu.memref_slice %arg2[%dma_start3A_1021, %dma_start3A_1028, %dma_start3A_1029] : memref<4x512x2048xf32, #tpu.memory_space<vmem>> -> memref<1x512x2048xf32, #tpu.memory_space<vmem>>
    %dma_start3A_1031 = tpu.memref_squeeze %dma_start3A_1030 : memref<1x512x2048xf32, #tpu.memory_space<vmem>> -> memref<512x2048xf32, #tpu.memory_space<vmem>>
    tpu.enqueue_dma source(%dma_start3A_1031 : memref<512x2048xf32, #tpu.memory_space<vmem>>) target(%dma_start3A_1027 : memref<512x2048xf32, #tpu.memory_space<any>>) target_semaphore(%dma_start3A_1024 : memref<!tpu.dma_semaphore, #tpu.memory_space<semaphore_mem>>)
    %dma_wait3A_1032 = arith.constant 1 : i32
    %dma_wait3A_1033 = arith.constant 1 : i32
    %dma_wait3A_1034 = tpu.memref_slice %arg4[%dma_wait3A_1033] : memref<4x!tpu.dma_semaphore, #tpu.memory_space<semaphore_mem>> -> memref<1x!tpu.dma_semaphore, #tpu.memory_space<semaphore_mem>>
    %dma_wait3A_1035 = tpu.memref_squeeze %dma_wait3A_1034 : memref<1x!tpu.dma_semaphore, #tpu.memory_space<semaphore_mem>> -> memref<!tpu.dma_semaphore, #tpu.memory_space<semaphore_mem>>
    %dma_wait3A_1036 = arith.constant 10752 : i32
    %dma_wait3A_1037 = arith.constant 0 : i32
    %dma_wait3A_1038 = tpu.memref_slice %arg1[%dma_wait3A_1036, %dma_wait3A_1037] : memref<18432x2048xf32, #tpu.memory_space<any>> -> memref<512x2048xf32, #tpu.memory_space<any>>
    %dma_wait3A_1039 = arith.constant 0 : i32
    %dma_wait3A_1040 = arith.constant 0 : i32
    %dma_wait3A_1041 = tpu.memref_slice %arg2[%dma_wait3A_1032, %dma_wait3A_1039, %dma_wait3A_1040] : memref<4x512x2048xf32, #tpu.memory_space<vmem>> -> memref<1x512x2048xf32, #tpu.memory_space<vmem>>
    %dma_wait3A_1042 = tpu.memref_squeeze %dma_wait3A_1041 : memref<1x512x2048xf32, #tpu.memory_space<vmem>> -> memref<512x2048xf32, #tpu.memory_space<vmem>>
    tpu.wait_dma2 semaphore(%dma_wait3A_1035 : memref<!tpu.dma_semaphore, #tpu.memory_space<semaphore_mem>>) src(%dma_wait3A_1042 : memref<512x2048xf32, #tpu.memory_space<vmem>>) dst(%dma_wait3A_1038 : memref<512x2048xf32, #tpu.memory_space<any>>)
    %dma_start3A_1043 = arith.constant 1 : i32
    %dma_start3A_1044 = arith.constant 1 : i32
    %dma_start3A_1045 = tpu.memref_slice %arg3[%dma_start3A_1044] : memref<4x!tpu.dma_semaphore, #tpu.memory_space<semaphore_mem>> -> memref<1x!tpu.dma_semaphore, #tpu.memory_space<semaphore_mem>>
    %dma_start3A_1046 = tpu.memref_squeeze %dma_start3A_1045 : memref<1x!tpu.dma_semaphore, #tpu.memory_space<semaphore_mem>> -> memref<!tpu.dma_semaphore, #tpu.memory_space<semaphore_mem>>
    %dma_start3A_1047 = arith.constant 0 : i32
    %dma_start3A_1048 = arith.constant 0 : i32
    %dma_start3A_1049 = tpu.memref_slice %arg2[%dma_start3A_1043, %dma_start3A_1047, %dma_start3A_1048] : memref<4x512x2048xf32, #tpu.memory_space<vmem>> -> memref<1x512x2048xf32, #tpu.memory_space<vmem>>
    %dma_start3A_1050 = tpu.memref_squeeze %dma_start3A_1049 : memref<1x512x2048xf32, #tpu.memory_space<vmem>> -> memref<512x2048xf32, #tpu.memory_space<vmem>>
    %dma_start3A_1051 = arith.constant 12800 : i32
    %dma_start3A_1052 = arith.constant 0 : i32
    %dma_start3A_1053 = tpu.memref_slice %arg0[%dma_start3A_1051, %dma_start3A_1052] : memref<32768x2048xf32, #tpu.memory_space<any>> -> memref<512x2048xf32, #tpu.memory_space<any>>
    tpu.enqueue_dma source(%dma_start3A_1053 : memref<512x2048xf32, #tpu.memory_space<any>>) target(%dma_start3A_1050 : memref<512x2048xf32, #tpu.memory_space<vmem>>) target_semaphore(%dma_start3A_1046 : memref<!tpu.dma_semaphore, #tpu.memory_space<semaphore_mem>>)
    %dma_wait3A_1054 = arith.constant 0 : i32
    %dma_wait3A_1055 = arith.constant 0 : i32
    %dma_wait3A_1056 = tpu.memref_slice %arg3[%dma_wait3A_1055] : memref<4x!tpu.dma_semaphore, #tpu.memory_space<semaphore_mem>> -> memref<1x!tpu.dma_semaphore, #tpu.memory_space<semaphore_mem>>
    %dma_wait3A_1057 = tpu.memref_squeeze %dma_wait3A_1056 : memref<1x!tpu.dma_semaphore, #tpu.memory_space<semaphore_mem>> -> memref<!tpu.dma_semaphore, #tpu.memory_space<semaphore_mem>>
    %dma_wait3A_1058 = arith.constant 0 : i32
    %dma_wait3A_1059 = arith.constant 0 : i32
    %dma_wait3A_1060 = tpu.memref_slice %arg2[%dma_wait3A_1054, %dma_wait3A_1058, %dma_wait3A_1059] : memref<4x512x2048xf32, #tpu.memory_space<vmem>> -> memref<1x512x2048xf32, #tpu.memory_space<vmem>>
    %dma_wait3A_1061 = tpu.memref_squeeze %dma_wait3A_1060 : memref<1x512x2048xf32, #tpu.memory_space<vmem>> -> memref<512x2048xf32, #tpu.memory_space<vmem>>
    %dma_wait3A_1062 = arith.constant 12288 : i32
    %dma_wait3A_1063 = arith.constant 0 : i32
    %dma_wait3A_1064 = tpu.memref_slice %arg0[%dma_wait3A_1062, %dma_wait3A_1063] : memref<32768x2048xf32, #tpu.memory_space<any>> -> memref<512x2048xf32, #tpu.memory_space<any>>
    tpu.wait_dma2 semaphore(%dma_wait3A_1057 : memref<!tpu.dma_semaphore, #tpu.memory_space<semaphore_mem>>) src(%dma_wait3A_1064 : memref<512x2048xf32, #tpu.memory_space<any>>) dst(%dma_wait3A_1061 : memref<512x2048xf32, #tpu.memory_space<vmem>>)
    %dma_start3A_1065 = arith.constant 0 : i32
    %dma_start3A_1066 = arith.constant 0 : i32
    %dma_start3A_1067 = tpu.memref_slice %arg4[%dma_start3A_1066] : memref<4x!tpu.dma_semaphore, #tpu.memory_space<semaphore_mem>> -> memref<1x!tpu.dma_semaphore, #tpu.memory_space<semaphore_mem>>
    %dma_start3A_1068 = tpu.memref_squeeze %dma_start3A_1067 : memref<1x!tpu.dma_semaphore, #tpu.memory_space<semaphore_mem>> -> memref<!tpu.dma_semaphore, #tpu.memory_space<semaphore_mem>>
    %dma_start3A_1069 = arith.constant 12288 : i32
    %dma_start3A_1070 = arith.constant 0 : i32
    %dma_start3A_1071 = tpu.memref_slice %arg1[%dma_start3A_1069, %dma_start3A_1070] : memref<18432x2048xf32, #tpu.memory_space<any>> -> memref<512x2048xf32, #tpu.memory_space<any>>
    %dma_start3A_1072 = arith.constant 0 : i32
    %dma_start3A_1073 = arith.constant 0 : i32
    %dma_start3A_1074 = tpu.memref_slice %arg2[%dma_start3A_1065, %dma_start3A_1072, %dma_start3A_1073] : memref<4x512x2048xf32, #tpu.memory_space<vmem>> -> memref<1x512x2048xf32, #tpu.memory_space<vmem>>
    %dma_start3A_1075 = tpu.memref_squeeze %dma_start3A_1074 : memref<1x512x2048xf32, #tpu.memory_space<vmem>> -> memref<512x2048xf32, #tpu.memory_space<vmem>>
    tpu.enqueue_dma source(%dma_start3A_1075 : memref<512x2048xf32, #tpu.memory_space<vmem>>) target(%dma_start3A_1071 : memref<512x2048xf32, #tpu.memory_space<any>>) target_semaphore(%dma_start3A_1068 : memref<!tpu.dma_semaphore, #tpu.memory_space<semaphore_mem>>)
    %dma_wait3A_1076 = arith.constant 2 : i32
    %dma_wait3A_1077 = arith.constant 2 : i32
    %dma_wait3A_1078 = tpu.memref_slice %arg4[%dma_wait3A_1077] : memref<4x!tpu.dma_semaphore, #tpu.memory_space<semaphore_mem>> -> memref<1x!tpu.dma_semaphore, #tpu.memory_space<semaphore_mem>>
    %dma_wait3A_1079 = tpu.memref_squeeze %dma_wait3A_1078 : memref<1x!tpu.dma_semaphore, #tpu.memory_space<semaphore_mem>> -> memref<!tpu.dma_semaphore, #tpu.memory_space<semaphore_mem>>
    %dma_wait3A_1080 = arith.constant 11264 : i32
    %dma_wait3A_1081 = arith.constant 0 : i32
    %dma_wait3A_1082 = tpu.memref_slice %arg1[%dma_wait3A_1080, %dma_wait3A_1081] : memref<18432x2048xf32, #tpu.memory_space<any>> -> memref<512x2048xf32, #tpu.memory_space<any>>
    %dma_wait3A_1083 = arith.constant 0 : i32
    %dma_wait3A_1084 = arith.constant 0 : i32
    %dma_wait3A_1085 = tpu.memref_slice %arg2[%dma_wait3A_1076, %dma_wait3A_1083, %dma_wait3A_1084] : memref<4x512x2048xf32, #tpu.memory_space<vmem>> -> memref<1x512x2048xf32, #tpu.memory_space<vmem>>
    %dma_wait3A_1086 = tpu.memref_squeeze %dma_wait3A_1085 : memref<1x512x2048xf32, #tpu.memory_space<vmem>> -> memref<512x2048xf32, #tpu.memory_space<vmem>>
    tpu.wait_dma2 semaphore(%dma_wait3A_1079 : memref<!tpu.dma_semaphore, #tpu.memory_space<semaphore_mem>>) src(%dma_wait3A_1086 : memref<512x2048xf32, #tpu.memory_space<vmem>>) dst(%dma_wait3A_1082 : memref<512x2048xf32, #tpu.memory_space<any>>)
    %dma_start3A_1087 = arith.constant 2 : i32
    %dma_start3A_1088 = arith.constant 2 : i32
    %dma_start3A_1089 = tpu.memref_slice %arg3[%dma_start3A_1088] : memref<4x!tpu.dma_semaphore, #tpu.memory_space<semaphore_mem>> -> memref<1x!tpu.dma_semaphore, #tpu.memory_space<semaphore_mem>>
    %dma_start3A_1090 = tpu.memref_squeeze %dma_start3A_1089 : memref<1x!tpu.dma_semaphore, #tpu.memory_space<semaphore_mem>> -> memref<!tpu.dma_semaphore, #tpu.memory_space<semaphore_mem>>
    %dma_start3A_1091 = arith.constant 0 : i32
    %dma_start3A_1092 = arith.constant 0 : i32
    %dma_start3A_1093 = tpu.memref_slice %arg2[%dma_start3A_1087, %dma_start3A_1091, %dma_start3A_1092] : memref<4x512x2048xf32, #tpu.memory_space<vmem>> -> memref<1x512x2048xf32, #tpu.memory_space<vmem>>
    %dma_start3A_1094 = tpu.memref_squeeze %dma_start3A_1093 : memref<1x512x2048xf32, #tpu.memory_space<vmem>> -> memref<512x2048xf32, #tpu.memory_space<vmem>>
    %dma_start3A_1095 = arith.constant 13312 : i32
    %dma_start3A_1096 = arith.constant 0 : i32
    %dma_start3A_1097 = tpu.memref_slice %arg0[%dma_start3A_1095, %dma_start3A_1096] : memref<32768x2048xf32, #tpu.memory_space<any>> -> memref<512x2048xf32, #tpu.memory_space<any>>
    tpu.enqueue_dma source(%dma_start3A_1097 : memref<512x2048xf32, #tpu.memory_space<any>>) target(%dma_start3A_1094 : memref<512x2048xf32, #tpu.memory_space<vmem>>) target_semaphore(%dma_start3A_1090 : memref<!tpu.dma_semaphore, #tpu.memory_space<semaphore_mem>>)
    %dma_wait3A_1098 = arith.constant 1 : i32
    %dma_wait3A_1099 = arith.constant 1 : i32
    %dma_wait3A_1100 = tpu.memref_slice %arg3[%dma_wait3A_1099] : memref<4x!tpu.dma_semaphore, #tpu.memory_space<semaphore_mem>> -> memref<1x!tpu.dma_semaphore, #tpu.memory_space<semaphore_mem>>
    %dma_wait3A_1101 = tpu.memref_squeeze %dma_wait3A_1100 : memref<1x!tpu.dma_semaphore, #tpu.memory_space<semaphore_mem>> -> memref<!tpu.dma_semaphore, #tpu.memory_space<semaphore_mem>>
    %dma_wait3A_1102 = arith.constant 0 : i32
    %dma_wait3A_1103 = arith.constant 0 : i32
    %dma_wait3A_1104 = tpu.memref_slice %arg2[%dma_wait3A_1098, %dma_wait3A_1102, %dma_wait3A_1103] : memref<4x512x2048xf32, #tpu.memory_space<vmem>> -> memref<1x512x2048xf32, #tpu.memory_space<vmem>>
    %dma_wait3A_1105 = tpu.memref_squeeze %dma_wait3A_1104 : memref<1x512x2048xf32, #tpu.memory_space<vmem>> -> memref<512x2048xf32, #tpu.memory_space<vmem>>
    %dma_wait3A_1106 = arith.constant 12800 : i32
    %dma_wait3A_1107 = arith.constant 0 : i32
    %dma_wait3A_1108 = tpu.memref_slice %arg0[%dma_wait3A_1106, %dma_wait3A_1107] : memref<32768x2048xf32, #tpu.memory_space<any>> -> memref<512x2048xf32, #tpu.memory_space<any>>
    tpu.wait_dma2 semaphore(%dma_wait3A_1101 : memref<!tpu.dma_semaphore, #tpu.memory_space<semaphore_mem>>) src(%dma_wait3A_1108 : memref<512x2048xf32, #tpu.memory_space<any>>) dst(%dma_wait3A_1105 : memref<512x2048xf32, #tpu.memory_space<vmem>>)
    %dma_start3A_1109 = arith.constant 1 : i32
    %dma_start3A_1110 = arith.constant 1 : i32
    %dma_start3A_1111 = tpu.memref_slice %arg4[%dma_start3A_1110] : memref<4x!tpu.dma_semaphore, #tpu.memory_space<semaphore_mem>> -> memref<1x!tpu.dma_semaphore, #tpu.memory_space<semaphore_mem>>
    %dma_start3A_1112 = tpu.memref_squeeze %dma_start3A_1111 : memref<1x!tpu.dma_semaphore, #tpu.memory_space<semaphore_mem>> -> memref<!tpu.dma_semaphore, #tpu.memory_space<semaphore_mem>>
    %dma_start3A_1113 = arith.constant 12800 : i32
    %dma_start3A_1114 = arith.constant 0 : i32
    %dma_start3A_1115 = tpu.memref_slice %arg1[%dma_start3A_1113, %dma_start3A_1114] : memref<18432x2048xf32, #tpu.memory_space<any>> -> memref<512x2048xf32, #tpu.memory_space<any>>
    %dma_start3A_1116 = arith.constant 0 : i32
    %dma_start3A_1117 = arith.constant 0 : i32
    %dma_start3A_1118 = tpu.memref_slice %arg2[%dma_start3A_1109, %dma_start3A_1116, %dma_start3A_1117] : memref<4x512x2048xf32, #tpu.memory_space<vmem>> -> memref<1x512x2048xf32, #tpu.memory_space<vmem>>
    %dma_start3A_1119 = tpu.memref_squeeze %dma_start3A_1118 : memref<1x512x2048xf32, #tpu.memory_space<vmem>> -> memref<512x2048xf32, #tpu.memory_space<vmem>>
    tpu.enqueue_dma source(%dma_start3A_1119 : memref<512x2048xf32, #tpu.memory_space<vmem>>) target(%dma_start3A_1115 : memref<512x2048xf32, #tpu.memory_space<any>>) target_semaphore(%dma_start3A_1112 : memref<!tpu.dma_semaphore, #tpu.memory_space<semaphore_mem>>)
    %dma_wait3A_1120 = arith.constant 3 : i32
    %dma_wait3A_1121 = arith.constant 3 : i32
    %dma_wait3A_1122 = tpu.memref_slice %arg4[%dma_wait3A_1121] : memref<4x!tpu.dma_semaphore, #tpu.memory_space<semaphore_mem>> -> memref<1x!tpu.dma_semaphore, #tpu.memory_space<semaphore_mem>>
    %dma_wait3A_1123 = tpu.memref_squeeze %dma_wait3A_1122 : memref<1x!tpu.dma_semaphore, #tpu.memory_space<semaphore_mem>> -> memref<!tpu.dma_semaphore, #tpu.memory_space<semaphore_mem>>
    %dma_wait3A_1124 = arith.constant 11776 : i32
    %dma_wait3A_1125 = arith.constant 0 : i32
    %dma_wait3A_1126 = tpu.memref_slice %arg1[%dma_wait3A_1124, %dma_wait3A_1125] : memref<18432x2048xf32, #tpu.memory_space<any>> -> memref<512x2048xf32, #tpu.memory_space<any>>
    %dma_wait3A_1127 = arith.constant 0 : i32
    %dma_wait3A_1128 = arith.constant 0 : i32
    %dma_wait3A_1129 = tpu.memref_slice %arg2[%dma_wait3A_1120, %dma_wait3A_1127, %dma_wait3A_1128] : memref<4x512x2048xf32, #tpu.memory_space<vmem>> -> memref<1x512x2048xf32, #tpu.memory_space<vmem>>
    %dma_wait3A_1130 = tpu.memref_squeeze %dma_wait3A_1129 : memref<1x512x2048xf32, #tpu.memory_space<vmem>> -> memref<512x2048xf32, #tpu.memory_space<vmem>>
    tpu.wait_dma2 semaphore(%dma_wait3A_1123 : memref<!tpu.dma_semaphore, #tpu.memory_space<semaphore_mem>>) src(%dma_wait3A_1130 : memref<512x2048xf32, #tpu.memory_space<vmem>>) dst(%dma_wait3A_1126 : memref<512x2048xf32, #tpu.memory_space<any>>)
    %dma_start3A_1131 = arith.constant 3 : i32
    %dma_start3A_1132 = arith.constant 3 : i32
    %dma_start3A_1133 = tpu.memref_slice %arg3[%dma_start3A_1132] : memref<4x!tpu.dma_semaphore, #tpu.memory_space<semaphore_mem>> -> memref<1x!tpu.dma_semaphore, #tpu.memory_space<semaphore_mem>>
    %dma_start3A_1134 = tpu.memref_squeeze %dma_start3A_1133 : memref<1x!tpu.dma_semaphore, #tpu.memory_space<semaphore_mem>> -> memref<!tpu.dma_semaphore, #tpu.memory_space<semaphore_mem>>
    %dma_start3A_1135 = arith.constant 0 : i32
    %dma_start3A_1136 = arith.constant 0 : i32
    %dma_start3A_1137 = tpu.memref_slice %arg2[%dma_start3A_1131, %dma_start3A_1135, %dma_start3A_1136] : memref<4x512x2048xf32, #tpu.memory_space<vmem>> -> memref<1x512x2048xf32, #tpu.memory_space<vmem>>
    %dma_start3A_1138 = tpu.memref_squeeze %dma_start3A_1137 : memref<1x512x2048xf32, #tpu.memory_space<vmem>> -> memref<512x2048xf32, #tpu.memory_space<vmem>>
    %dma_start3A_1139 = arith.constant 13824 : i32
    %dma_start3A_1140 = arith.constant 0 : i32
    %dma_start3A_1141 = tpu.memref_slice %arg0[%dma_start3A_1139, %dma_start3A_1140] : memref<32768x2048xf32, #tpu.memory_space<any>> -> memref<512x2048xf32, #tpu.memory_space<any>>
    tpu.enqueue_dma source(%dma_start3A_1141 : memref<512x2048xf32, #tpu.memory_space<any>>) target(%dma_start3A_1138 : memref<512x2048xf32, #tpu.memory_space<vmem>>) target_semaphore(%dma_start3A_1134 : memref<!tpu.dma_semaphore, #tpu.memory_space<semaphore_mem>>)
    %dma_wait3A_1142 = arith.constant 2 : i32
    %dma_wait3A_1143 = arith.constant 2 : i32
    %dma_wait3A_1144 = tpu.memref_slice %arg3[%dma_wait3A_1143] : memref<4x!tpu.dma_semaphore, #tpu.memory_space<semaphore_mem>> -> memref<1x!tpu.dma_semaphore, #tpu.memory_space<semaphore_mem>>
    %dma_wait3A_1145 = tpu.memref_squeeze %dma_wait3A_1144 : memref<1x!tpu.dma_semaphore, #tpu.memory_space<semaphore_mem>> -> memref<!tpu.dma_semaphore, #tpu.memory_space<semaphore_mem>>
    %dma_wait3A_1146 = arith.constant 0 : i32
    %dma_wait3A_1147 = arith.constant 0 : i32
    %dma_wait3A_1148 = tpu.memref_slice %arg2[%dma_wait3A_1142, %dma_wait3A_1146, %dma_wait3A_1147] : memref<4x512x2048xf32, #tpu.memory_space<vmem>> -> memref<1x512x2048xf32, #tpu.memory_space<vmem>>
    %dma_wait3A_1149 = tpu.memref_squeeze %dma_wait3A_1148 : memref<1x512x2048xf32, #tpu.memory_space<vmem>> -> memref<512x2048xf32, #tpu.memory_space<vmem>>
    %dma_wait3A_1150 = arith.constant 13312 : i32
    %dma_wait3A_1151 = arith.constant 0 : i32
    %dma_wait3A_1152 = tpu.memref_slice %arg0[%dma_wait3A_1150, %dma_wait3A_1151] : memref<32768x2048xf32, #tpu.memory_space<any>> -> memref<512x2048xf32, #tpu.memory_space<any>>
    tpu.wait_dma2 semaphore(%dma_wait3A_1145 : memref<!tpu.dma_semaphore, #tpu.memory_space<semaphore_mem>>) src(%dma_wait3A_1152 : memref<512x2048xf32, #tpu.memory_space<any>>) dst(%dma_wait3A_1149 : memref<512x2048xf32, #tpu.memory_space<vmem>>)
    %dma_start3A_1153 = arith.constant 2 : i32
    %dma_start3A_1154 = arith.constant 2 : i32
    %dma_start3A_1155 = tpu.memref_slice %arg4[%dma_start3A_1154] : memref<4x!tpu.dma_semaphore, #tpu.memory_space<semaphore_mem>> -> memref<1x!tpu.dma_semaphore, #tpu.memory_space<semaphore_mem>>
    %dma_start3A_1156 = tpu.memref_squeeze %dma_start3A_1155 : memref<1x!tpu.dma_semaphore, #tpu.memory_space<semaphore_mem>> -> memref<!tpu.dma_semaphore, #tpu.memory_space<semaphore_mem>>
    %dma_start3A_1157 = arith.constant 13312 : i32
    %dma_start3A_1158 = arith.constant 0 : i32
    %dma_start3A_1159 = tpu.memref_slice %arg1[%dma_start3A_1157, %dma_start3A_1158] : memref<18432x2048xf32, #tpu.memory_space<any>> -> memref<512x2048xf32, #tpu.memory_space<any>>
    %dma_start3A_1160 = arith.constant 0 : i32
    %dma_start3A_1161 = arith.constant 0 : i32
    %dma_start3A_1162 = tpu.memref_slice %arg2[%dma_start3A_1153, %dma_start3A_1160, %dma_start3A_1161] : memref<4x512x2048xf32, #tpu.memory_space<vmem>> -> memref<1x512x2048xf32, #tpu.memory_space<vmem>>
    %dma_start3A_1163 = tpu.memref_squeeze %dma_start3A_1162 : memref<1x512x2048xf32, #tpu.memory_space<vmem>> -> memref<512x2048xf32, #tpu.memory_space<vmem>>
    tpu.enqueue_dma source(%dma_start3A_1163 : memref<512x2048xf32, #tpu.memory_space<vmem>>) target(%dma_start3A_1159 : memref<512x2048xf32, #tpu.memory_space<any>>) target_semaphore(%dma_start3A_1156 : memref<!tpu.dma_semaphore, #tpu.memory_space<semaphore_mem>>)
    %dma_wait3A_1164 = arith.constant 0 : i32
    %dma_wait3A_1165 = arith.constant 0 : i32
    %dma_wait3A_1166 = tpu.memref_slice %arg4[%dma_wait3A_1165] : memref<4x!tpu.dma_semaphore, #tpu.memory_space<semaphore_mem>> -> memref<1x!tpu.dma_semaphore, #tpu.memory_space<semaphore_mem>>
    %dma_wait3A_1167 = tpu.memref_squeeze %dma_wait3A_1166 : memref<1x!tpu.dma_semaphore, #tpu.memory_space<semaphore_mem>> -> memref<!tpu.dma_semaphore, #tpu.memory_space<semaphore_mem>>
    %dma_wait3A_1168 = arith.constant 12288 : i32
    %dma_wait3A_1169 = arith.constant 0 : i32
    %dma_wait3A_1170 = tpu.memref_slice %arg1[%dma_wait3A_1168, %dma_wait3A_1169] : memref<18432x2048xf32, #tpu.memory_space<any>> -> memref<512x2048xf32, #tpu.memory_space<any>>
    %dma_wait3A_1171 = arith.constant 0 : i32
    %dma_wait3A_1172 = arith.constant 0 : i32
    %dma_wait3A_1173 = tpu.memref_slice %arg2[%dma_wait3A_1164, %dma_wait3A_1171, %dma_wait3A_1172] : memref<4x512x2048xf32, #tpu.memory_space<vmem>> -> memref<1x512x2048xf32, #tpu.memory_space<vmem>>
    %dma_wait3A_1174 = tpu.memref_squeeze %dma_wait3A_1173 : memref<1x512x2048xf32, #tpu.memory_space<vmem>> -> memref<512x2048xf32, #tpu.memory_space<vmem>>
    tpu.wait_dma2 semaphore(%dma_wait3A_1167 : memref<!tpu.dma_semaphore, #tpu.memory_space<semaphore_mem>>) src(%dma_wait3A_1174 : memref<512x2048xf32, #tpu.memory_space<vmem>>) dst(%dma_wait3A_1170 : memref<512x2048xf32, #tpu.memory_space<any>>)
    %dma_start3A_1175 = arith.constant 0 : i32
    %dma_start3A_1176 = arith.constant 0 : i32
    %dma_start3A_1177 = tpu.memref_slice %arg3[%dma_start3A_1176] : memref<4x!tpu.dma_semaphore, #tpu.memory_space<semaphore_mem>> -> memref<1x!tpu.dma_semaphore, #tpu.memory_space<semaphore_mem>>
    %dma_start3A_1178 = tpu.memref_squeeze %dma_start3A_1177 : memref<1x!tpu.dma_semaphore, #tpu.memory_space<semaphore_mem>> -> memref<!tpu.dma_semaphore, #tpu.memory_space<semaphore_mem>>
    %dma_start3A_1179 = arith.constant 0 : i32
    %dma_start3A_1180 = arith.constant 0 : i32
    %dma_start3A_1181 = tpu.memref_slice %arg2[%dma_start3A_1175, %dma_start3A_1179, %dma_start3A_1180] : memref<4x512x2048xf32, #tpu.memory_space<vmem>> -> memref<1x512x2048xf32, #tpu.memory_space<vmem>>
    %dma_start3A_1182 = tpu.memref_squeeze %dma_start3A_1181 : memref<1x512x2048xf32, #tpu.memory_space<vmem>> -> memref<512x2048xf32, #tpu.memory_space<vmem>>
    %dma_start3A_1183 = arith.constant 14336 : i32
    %dma_start3A_1184 = arith.constant 0 : i32
    %dma_start3A_1185 = tpu.memref_slice %arg0[%dma_start3A_1183, %dma_start3A_1184] : memref<32768x2048xf32, #tpu.memory_space<any>> -> memref<512x2048xf32, #tpu.memory_space<any>>
    tpu.enqueue_dma source(%dma_start3A_1185 : memref<512x2048xf32, #tpu.memory_space<any>>) target(%dma_start3A_1182 : memref<512x2048xf32, #tpu.memory_space<vmem>>) target_semaphore(%dma_start3A_1178 : memref<!tpu.dma_semaphore, #tpu.memory_space<semaphore_mem>>)
    %dma_wait3A_1186 = arith.constant 3 : i32
    %dma_wait3A_1187 = arith.constant 3 : i32
    %dma_wait3A_1188 = tpu.memref_slice %arg3[%dma_wait3A_1187] : memref<4x!tpu.dma_semaphore, #tpu.memory_space<semaphore_mem>> -> memref<1x!tpu.dma_semaphore, #tpu.memory_space<semaphore_mem>>
    %dma_wait3A_1189 = tpu.memref_squeeze %dma_wait3A_1188 : memref<1x!tpu.dma_semaphore, #tpu.memory_space<semaphore_mem>> -> memref<!tpu.dma_semaphore, #tpu.memory_space<semaphore_mem>>
    %dma_wait3A_1190 = arith.constant 0 : i32
    %dma_wait3A_1191 = arith.constant 0 : i32
    %dma_wait3A_1192 = tpu.memref_slice %arg2[%dma_wait3A_1186, %dma_wait3A_1190, %dma_wait3A_1191] : memref<4x512x2048xf32, #tpu.memory_space<vmem>> -> memref<1x512x2048xf32, #tpu.memory_space<vmem>>
    %dma_wait3A_1193 = tpu.memref_squeeze %dma_wait3A_1192 : memref<1x512x2048xf32, #tpu.memory_space<vmem>> -> memref<512x2048xf32, #tpu.memory_space<vmem>>
    %dma_wait3A_1194 = arith.constant 13824 : i32
    %dma_wait3A_1195 = arith.constant 0 : i32
    %dma_wait3A_1196 = tpu.memref_slice %arg0[%dma_wait3A_1194, %dma_wait3A_1195] : memref<32768x2048xf32, #tpu.memory_space<any>> -> memref<512x2048xf32, #tpu.memory_space<any>>
    tpu.wait_dma2 semaphore(%dma_wait3A_1189 : memref<!tpu.dma_semaphore, #tpu.memory_space<semaphore_mem>>) src(%dma_wait3A_1196 : memref<512x2048xf32, #tpu.memory_space<any>>) dst(%dma_wait3A_1193 : memref<512x2048xf32, #tpu.memory_space<vmem>>)
    %dma_start3A_1197 = arith.constant 3 : i32
    %dma_start3A_1198 = arith.constant 3 : i32
    %dma_start3A_1199 = tpu.memref_slice %arg4[%dma_start3A_1198] : memref<4x!tpu.dma_semaphore, #tpu.memory_space<semaphore_mem>> -> memref<1x!tpu.dma_semaphore, #tpu.memory_space<semaphore_mem>>
    %dma_start3A_1200 = tpu.memref_squeeze %dma_start3A_1199 : memref<1x!tpu.dma_semaphore, #tpu.memory_space<semaphore_mem>> -> memref<!tpu.dma_semaphore, #tpu.memory_space<semaphore_mem>>
    %dma_start3A_1201 = arith.constant 13824 : i32
    %dma_start3A_1202 = arith.constant 0 : i32
    %dma_start3A_1203 = tpu.memref_slice %arg1[%dma_start3A_1201, %dma_start3A_1202] : memref<18432x2048xf32, #tpu.memory_space<any>> -> memref<512x2048xf32, #tpu.memory_space<any>>
    %dma_start3A_1204 = arith.constant 0 : i32
    %dma_start3A_1205 = arith.constant 0 : i32
    %dma_start3A_1206 = tpu.memref_slice %arg2[%dma_start3A_1197, %dma_start3A_1204, %dma_start3A_1205] : memref<4x512x2048xf32, #tpu.memory_space<vmem>> -> memref<1x512x2048xf32, #tpu.memory_space<vmem>>
    %dma_start3A_1207 = tpu.memref_squeeze %dma_start3A_1206 : memref<1x512x2048xf32, #tpu.memory_space<vmem>> -> memref<512x2048xf32, #tpu.memory_space<vmem>>
    tpu.enqueue_dma source(%dma_start3A_1207 : memref<512x2048xf32, #tpu.memory_space<vmem>>) target(%dma_start3A_1203 : memref<512x2048xf32, #tpu.memory_space<any>>) target_semaphore(%dma_start3A_1200 : memref<!tpu.dma_semaphore, #tpu.memory_space<semaphore_mem>>)
    %dma_wait3A_1208 = arith.constant 1 : i32
    %dma_wait3A_1209 = arith.constant 1 : i32
    %dma_wait3A_1210 = tpu.memref_slice %arg4[%dma_wait3A_1209] : memref<4x!tpu.dma_semaphore, #tpu.memory_space<semaphore_mem>> -> memref<1x!tpu.dma_semaphore, #tpu.memory_space<semaphore_mem>>
    %dma_wait3A_1211 = tpu.memref_squeeze %dma_wait3A_1210 : memref<1x!tpu.dma_semaphore, #tpu.memory_space<semaphore_mem>> -> memref<!tpu.dma_semaphore, #tpu.memory_space<semaphore_mem>>
    %dma_wait3A_1212 = arith.constant 12800 : i32
    %dma_wait3A_1213 = arith.constant 0 : i32
    %dma_wait3A_1214 = tpu.memref_slice %arg1[%dma_wait3A_1212, %dma_wait3A_1213] : memref<18432x2048xf32, #tpu.memory_space<any>> -> memref<512x2048xf32, #tpu.memory_space<any>>
    %dma_wait3A_1215 = arith.constant 0 : i32
    %dma_wait3A_1216 = arith.constant 0 : i32
    %dma_wait3A_1217 = tpu.memref_slice %arg2[%dma_wait3A_1208, %dma_wait3A_1215, %dma_wait3A_1216] : memref<4x512x2048xf32, #tpu.memory_space<vmem>> -> memref<1x512x2048xf32, #tpu.memory_space<vmem>>
    %dma_wait3A_1218 = tpu.memref_squeeze %dma_wait3A_1217 : memref<1x512x2048xf32, #tpu.memory_space<vmem>> -> memref<512x2048xf32, #tpu.memory_space<vmem>>
    tpu.wait_dma2 semaphore(%dma_wait3A_1211 : memref<!tpu.dma_semaphore, #tpu.memory_space<semaphore_mem>>) src(%dma_wait3A_1218 : memref<512x2048xf32, #tpu.memory_space<vmem>>) dst(%dma_wait3A_1214 : memref<512x2048xf32, #tpu.memory_space<any>>)
    %dma_start3A_1219 = arith.constant 1 : i32
    %dma_start3A_1220 = arith.constant 1 : i32
    %dma_start3A_1221 = tpu.memref_slice %arg3[%dma_start3A_1220] : memref<4x!tpu.dma_semaphore, #tpu.memory_space<semaphore_mem>> -> memref<1x!tpu.dma_semaphore, #tpu.memory_space<semaphore_mem>>
    %dma_start3A_1222 = tpu.memref_squeeze %dma_start3A_1221 : memref<1x!tpu.dma_semaphore, #tpu.memory_space<semaphore_mem>> -> memref<!tpu.dma_semaphore, #tpu.memory_space<semaphore_mem>>
    %dma_start3A_1223 = arith.constant 0 : i32
    %dma_start3A_1224 = arith.constant 0 : i32
    %dma_start3A_1225 = tpu.memref_slice %arg2[%dma_start3A_1219, %dma_start3A_1223, %dma_start3A_1224] : memref<4x512x2048xf32, #tpu.memory_space<vmem>> -> memref<1x512x2048xf32, #tpu.memory_space<vmem>>
    %dma_start3A_1226 = tpu.memref_squeeze %dma_start3A_1225 : memref<1x512x2048xf32, #tpu.memory_space<vmem>> -> memref<512x2048xf32, #tpu.memory_space<vmem>>
    %dma_start3A_1227 = arith.constant 14848 : i32
    %dma_start3A_1228 = arith.constant 0 : i32
    %dma_start3A_1229 = tpu.memref_slice %arg0[%dma_start3A_1227, %dma_start3A_1228] : memref<32768x2048xf32, #tpu.memory_space<any>> -> memref<512x2048xf32, #tpu.memory_space<any>>
    tpu.enqueue_dma source(%dma_start3A_1229 : memref<512x2048xf32, #tpu.memory_space<any>>) target(%dma_start3A_1226 : memref<512x2048xf32, #tpu.memory_space<vmem>>) target_semaphore(%dma_start3A_1222 : memref<!tpu.dma_semaphore, #tpu.memory_space<semaphore_mem>>)
    %dma_wait3A_1230 = arith.constant 0 : i32
    %dma_wait3A_1231 = arith.constant 0 : i32
    %dma_wait3A_1232 = tpu.memref_slice %arg3[%dma_wait3A_1231] : memref<4x!tpu.dma_semaphore, #tpu.memory_space<semaphore_mem>> -> memref<1x!tpu.dma_semaphore, #tpu.memory_space<semaphore_mem>>
    %dma_wait3A_1233 = tpu.memref_squeeze %dma_wait3A_1232 : memref<1x!tpu.dma_semaphore, #tpu.memory_space<semaphore_mem>> -> memref<!tpu.dma_semaphore, #tpu.memory_space<semaphore_mem>>
    %dma_wait3A_1234 = arith.constant 0 : i32
    %dma_wait3A_1235 = arith.constant 0 : i32
    %dma_wait3A_1236 = tpu.memref_slice %arg2[%dma_wait3A_1230, %dma_wait3A_1234, %dma_wait3A_1235] : memref<4x512x2048xf32, #tpu.memory_space<vmem>> -> memref<1x512x2048xf32, #tpu.memory_space<vmem>>
    %dma_wait3A_1237 = tpu.memref_squeeze %dma_wait3A_1236 : memref<1x512x2048xf32, #tpu.memory_space<vmem>> -> memref<512x2048xf32, #tpu.memory_space<vmem>>
    %dma_wait3A_1238 = arith.constant 14336 : i32
    %dma_wait3A_1239 = arith.constant 0 : i32
    %dma_wait3A_1240 = tpu.memref_slice %arg0[%dma_wait3A_1238, %dma_wait3A_1239] : memref<32768x2048xf32, #tpu.memory_space<any>> -> memref<512x2048xf32, #tpu.memory_space<any>>
    tpu.wait_dma2 semaphore(%dma_wait3A_1233 : memref<!tpu.dma_semaphore, #tpu.memory_space<semaphore_mem>>) src(%dma_wait3A_1240 : memref<512x2048xf32, #tpu.memory_space<any>>) dst(%dma_wait3A_1237 : memref<512x2048xf32, #tpu.memory_space<vmem>>)
    %dma_start3A_1241 = arith.constant 0 : i32
    %dma_start3A_1242 = arith.constant 0 : i32
    %dma_start3A_1243 = tpu.memref_slice %arg4[%dma_start3A_1242] : memref<4x!tpu.dma_semaphore, #tpu.memory_space<semaphore_mem>> -> memref<1x!tpu.dma_semaphore, #tpu.memory_space<semaphore_mem>>
    %dma_start3A_1244 = tpu.memref_squeeze %dma_start3A_1243 : memref<1x!tpu.dma_semaphore, #tpu.memory_space<semaphore_mem>> -> memref<!tpu.dma_semaphore, #tpu.memory_space<semaphore_mem>>
    %dma_start3A_1245 = arith.constant 14336 : i32
    %dma_start3A_1246 = arith.constant 0 : i32
    %dma_start3A_1247 = tpu.memref_slice %arg1[%dma_start3A_1245, %dma_start3A_1246] : memref<18432x2048xf32, #tpu.memory_space<any>> -> memref<512x2048xf32, #tpu.memory_space<any>>
    %dma_start3A_1248 = arith.constant 0 : i32
    %dma_start3A_1249 = arith.constant 0 : i32
    %dma_start3A_1250 = tpu.memref_slice %arg2[%dma_start3A_1241, %dma_start3A_1248, %dma_start3A_1249] : memref<4x512x2048xf32, #tpu.memory_space<vmem>> -> memref<1x512x2048xf32, #tpu.memory_space<vmem>>
    %dma_start3A_1251 = tpu.memref_squeeze %dma_start3A_1250 : memref<1x512x2048xf32, #tpu.memory_space<vmem>> -> memref<512x2048xf32, #tpu.memory_space<vmem>>
    tpu.enqueue_dma source(%dma_start3A_1251 : memref<512x2048xf32, #tpu.memory_space<vmem>>) target(%dma_start3A_1247 : memref<512x2048xf32, #tpu.memory_space<any>>) target_semaphore(%dma_start3A_1244 : memref<!tpu.dma_semaphore, #tpu.memory_space<semaphore_mem>>)
    %dma_wait3A_1252 = arith.constant 2 : i32
    %dma_wait3A_1253 = arith.constant 2 : i32
    %dma_wait3A_1254 = tpu.memref_slice %arg4[%dma_wait3A_1253] : memref<4x!tpu.dma_semaphore, #tpu.memory_space<semaphore_mem>> -> memref<1x!tpu.dma_semaphore, #tpu.memory_space<semaphore_mem>>
    %dma_wait3A_1255 = tpu.memref_squeeze %dma_wait3A_1254 : memref<1x!tpu.dma_semaphore, #tpu.memory_space<semaphore_mem>> -> memref<!tpu.dma_semaphore, #tpu.memory_space<semaphore_mem>>
    %dma_wait3A_1256 = arith.constant 13312 : i32
    %dma_wait3A_1257 = arith.constant 0 : i32
    %dma_wait3A_1258 = tpu.memref_slice %arg1[%dma_wait3A_1256, %dma_wait3A_1257] : memref<18432x2048xf32, #tpu.memory_space<any>> -> memref<512x2048xf32, #tpu.memory_space<any>>
    %dma_wait3A_1259 = arith.constant 0 : i32
    %dma_wait3A_1260 = arith.constant 0 : i32
    %dma_wait3A_1261 = tpu.memref_slice %arg2[%dma_wait3A_1252, %dma_wait3A_1259, %dma_wait3A_1260] : memref<4x512x2048xf32, #tpu.memory_space<vmem>> -> memref<1x512x2048xf32, #tpu.memory_space<vmem>>
    %dma_wait3A_1262 = tpu.memref_squeeze %dma_wait3A_1261 : memref<1x512x2048xf32, #tpu.memory_space<vmem>> -> memref<512x2048xf32, #tpu.memory_space<vmem>>
    tpu.wait_dma2 semaphore(%dma_wait3A_1255 : memref<!tpu.dma_semaphore, #tpu.memory_space<semaphore_mem>>) src(%dma_wait3A_1262 : memref<512x2048xf32, #tpu.memory_space<vmem>>) dst(%dma_wait3A_1258 : memref<512x2048xf32, #tpu.memory_space<any>>)
    %dma_start3A_1263 = arith.constant 2 : i32
    %dma_start3A_1264 = arith.constant 2 : i32
    %dma_start3A_1265 = tpu.memref_slice %arg3[%dma_start3A_1264] : memref<4x!tpu.dma_semaphore, #tpu.memory_space<semaphore_mem>> -> memref<1x!tpu.dma_semaphore, #tpu.memory_space<semaphore_mem>>
    %dma_start3A_1266 = tpu.memref_squeeze %dma_start3A_1265 : memref<1x!tpu.dma_semaphore, #tpu.memory_space<semaphore_mem>> -> memref<!tpu.dma_semaphore, #tpu.memory_space<semaphore_mem>>
    %dma_start3A_1267 = arith.constant 0 : i32
    %dma_start3A_1268 = arith.constant 0 : i32
    %dma_start3A_1269 = tpu.memref_slice %arg2[%dma_start3A_1263, %dma_start3A_1267, %dma_start3A_1268] : memref<4x512x2048xf32, #tpu.memory_space<vmem>> -> memref<1x512x2048xf32, #tpu.memory_space<vmem>>
    %dma_start3A_1270 = tpu.memref_squeeze %dma_start3A_1269 : memref<1x512x2048xf32, #tpu.memory_space<vmem>> -> memref<512x2048xf32, #tpu.memory_space<vmem>>
    %dma_start3A_1271 = arith.constant 15360 : i32
    %dma_start3A_1272 = arith.constant 0 : i32
    %dma_start3A_1273 = tpu.memref_slice %arg0[%dma_start3A_1271, %dma_start3A_1272] : memref<32768x2048xf32, #tpu.memory_space<any>> -> memref<512x2048xf32, #tpu.memory_space<any>>
    tpu.enqueue_dma source(%dma_start3A_1273 : memref<512x2048xf32, #tpu.memory_space<any>>) target(%dma_start3A_1270 : memref<512x2048xf32, #tpu.memory_space<vmem>>) target_semaphore(%dma_start3A_1266 : memref<!tpu.dma_semaphore, #tpu.memory_space<semaphore_mem>>)
    %dma_wait3A_1274 = arith.constant 1 : i32
    %dma_wait3A_1275 = arith.constant 1 : i32
    %dma_wait3A_1276 = tpu.memref_slice %arg3[%dma_wait3A_1275] : memref<4x!tpu.dma_semaphore, #tpu.memory_space<semaphore_mem>> -> memref<1x!tpu.dma_semaphore, #tpu.memory_space<semaphore_mem>>
    %dma_wait3A_1277 = tpu.memref_squeeze %dma_wait3A_1276 : memref<1x!tpu.dma_semaphore, #tpu.memory_space<semaphore_mem>> -> memref<!tpu.dma_semaphore, #tpu.memory_space<semaphore_mem>>
    %dma_wait3A_1278 = arith.constant 0 : i32
    %dma_wait3A_1279 = arith.constant 0 : i32
    %dma_wait3A_1280 = tpu.memref_slice %arg2[%dma_wait3A_1274, %dma_wait3A_1278, %dma_wait3A_1279] : memref<4x512x2048xf32, #tpu.memory_space<vmem>> -> memref<1x512x2048xf32, #tpu.memory_space<vmem>>
    %dma_wait3A_1281 = tpu.memref_squeeze %dma_wait3A_1280 : memref<1x512x2048xf32, #tpu.memory_space<vmem>> -> memref<512x2048xf32, #tpu.memory_space<vmem>>
    %dma_wait3A_1282 = arith.constant 14848 : i32
    %dma_wait3A_1283 = arith.constant 0 : i32
    %dma_wait3A_1284 = tpu.memref_slice %arg0[%dma_wait3A_1282, %dma_wait3A_1283] : memref<32768x2048xf32, #tpu.memory_space<any>> -> memref<512x2048xf32, #tpu.memory_space<any>>
    tpu.wait_dma2 semaphore(%dma_wait3A_1277 : memref<!tpu.dma_semaphore, #tpu.memory_space<semaphore_mem>>) src(%dma_wait3A_1284 : memref<512x2048xf32, #tpu.memory_space<any>>) dst(%dma_wait3A_1281 : memref<512x2048xf32, #tpu.memory_space<vmem>>)
    %dma_start3A_1285 = arith.constant 1 : i32
    %dma_start3A_1286 = arith.constant 1 : i32
    %dma_start3A_1287 = tpu.memref_slice %arg4[%dma_start3A_1286] : memref<4x!tpu.dma_semaphore, #tpu.memory_space<semaphore_mem>> -> memref<1x!tpu.dma_semaphore, #tpu.memory_space<semaphore_mem>>
    %dma_start3A_1288 = tpu.memref_squeeze %dma_start3A_1287 : memref<1x!tpu.dma_semaphore, #tpu.memory_space<semaphore_mem>> -> memref<!tpu.dma_semaphore, #tpu.memory_space<semaphore_mem>>
    %dma_start3A_1289 = arith.constant 14848 : i32
    %dma_start3A_1290 = arith.constant 0 : i32
    %dma_start3A_1291 = tpu.memref_slice %arg1[%dma_start3A_1289, %dma_start3A_1290] : memref<18432x2048xf32, #tpu.memory_space<any>> -> memref<512x2048xf32, #tpu.memory_space<any>>
    %dma_start3A_1292 = arith.constant 0 : i32
    %dma_start3A_1293 = arith.constant 0 : i32
    %dma_start3A_1294 = tpu.memref_slice %arg2[%dma_start3A_1285, %dma_start3A_1292, %dma_start3A_1293] : memref<4x512x2048xf32, #tpu.memory_space<vmem>> -> memref<1x512x2048xf32, #tpu.memory_space<vmem>>
    %dma_start3A_1295 = tpu.memref_squeeze %dma_start3A_1294 : memref<1x512x2048xf32, #tpu.memory_space<vmem>> -> memref<512x2048xf32, #tpu.memory_space<vmem>>
    tpu.enqueue_dma source(%dma_start3A_1295 : memref<512x2048xf32, #tpu.memory_space<vmem>>) target(%dma_start3A_1291 : memref<512x2048xf32, #tpu.memory_space<any>>) target_semaphore(%dma_start3A_1288 : memref<!tpu.dma_semaphore, #tpu.memory_space<semaphore_mem>>)
    %dma_wait3A_1296 = arith.constant 3 : i32
    %dma_wait3A_1297 = arith.constant 3 : i32
    %dma_wait3A_1298 = tpu.memref_slice %arg4[%dma_wait3A_1297] : memref<4x!tpu.dma_semaphore, #tpu.memory_space<semaphore_mem>> -> memref<1x!tpu.dma_semaphore, #tpu.memory_space<semaphore_mem>>
    %dma_wait3A_1299 = tpu.memref_squeeze %dma_wait3A_1298 : memref<1x!tpu.dma_semaphore, #tpu.memory_space<semaphore_mem>> -> memref<!tpu.dma_semaphore, #tpu.memory_space<semaphore_mem>>
    %dma_wait3A_1300 = arith.constant 13824 : i32
    %dma_wait3A_1301 = arith.constant 0 : i32
    %dma_wait3A_1302 = tpu.memref_slice %arg1[%dma_wait3A_1300, %dma_wait3A_1301] : memref<18432x2048xf32, #tpu.memory_space<any>> -> memref<512x2048xf32, #tpu.memory_space<any>>
    %dma_wait3A_1303 = arith.constant 0 : i32
    %dma_wait3A_1304 = arith.constant 0 : i32
    %dma_wait3A_1305 = tpu.memref_slice %arg2[%dma_wait3A_1296, %dma_wait3A_1303, %dma_wait3A_1304] : memref<4x512x2048xf32, #tpu.memory_space<vmem>> -> memref<1x512x2048xf32, #tpu.memory_space<vmem>>
    %dma_wait3A_1306 = tpu.memref_squeeze %dma_wait3A_1305 : memref<1x512x2048xf32, #tpu.memory_space<vmem>> -> memref<512x2048xf32, #tpu.memory_space<vmem>>
    tpu.wait_dma2 semaphore(%dma_wait3A_1299 : memref<!tpu.dma_semaphore, #tpu.memory_space<semaphore_mem>>) src(%dma_wait3A_1306 : memref<512x2048xf32, #tpu.memory_space<vmem>>) dst(%dma_wait3A_1302 : memref<512x2048xf32, #tpu.memory_space<any>>)
    %dma_start3A_1307 = arith.constant 3 : i32
    %dma_start3A_1308 = arith.constant 3 : i32
    %dma_start3A_1309 = tpu.memref_slice %arg3[%dma_start3A_1308] : memref<4x!tpu.dma_semaphore, #tpu.memory_space<semaphore_mem>> -> memref<1x!tpu.dma_semaphore, #tpu.memory_space<semaphore_mem>>
    %dma_start3A_1310 = tpu.memref_squeeze %dma_start3A_1309 : memref<1x!tpu.dma_semaphore, #tpu.memory_space<semaphore_mem>> -> memref<!tpu.dma_semaphore, #tpu.memory_space<semaphore_mem>>
    %dma_start3A_1311 = arith.constant 0 : i32
    %dma_start3A_1312 = arith.constant 0 : i32
    %dma_start3A_1313 = tpu.memref_slice %arg2[%dma_start3A_1307, %dma_start3A_1311, %dma_start3A_1312] : memref<4x512x2048xf32, #tpu.memory_space<vmem>> -> memref<1x512x2048xf32, #tpu.memory_space<vmem>>
    %dma_start3A_1314 = tpu.memref_squeeze %dma_start3A_1313 : memref<1x512x2048xf32, #tpu.memory_space<vmem>> -> memref<512x2048xf32, #tpu.memory_space<vmem>>
    %dma_start3A_1315 = arith.constant 15872 : i32
    %dma_start3A_1316 = arith.constant 0 : i32
    %dma_start3A_1317 = tpu.memref_slice %arg0[%dma_start3A_1315, %dma_start3A_1316] : memref<32768x2048xf32, #tpu.memory_space<any>> -> memref<512x2048xf32, #tpu.memory_space<any>>
    tpu.enqueue_dma source(%dma_start3A_1317 : memref<512x2048xf32, #tpu.memory_space<any>>) target(%dma_start3A_1314 : memref<512x2048xf32, #tpu.memory_space<vmem>>) target_semaphore(%dma_start3A_1310 : memref<!tpu.dma_semaphore, #tpu.memory_space<semaphore_mem>>)
    %dma_wait3A_1318 = arith.constant 2 : i32
    %dma_wait3A_1319 = arith.constant 2 : i32
    %dma_wait3A_1320 = tpu.memref_slice %arg3[%dma_wait3A_1319] : memref<4x!tpu.dma_semaphore, #tpu.memory_space<semaphore_mem>> -> memref<1x!tpu.dma_semaphore, #tpu.memory_space<semaphore_mem>>
    %dma_wait3A_1321 = tpu.memref_squeeze %dma_wait3A_1320 : memref<1x!tpu.dma_semaphore, #tpu.memory_space<semaphore_mem>> -> memref<!tpu.dma_semaphore, #tpu.memory_space<semaphore_mem>>
    %dma_wait3A_1322 = arith.constant 0 : i32
    %dma_wait3A_1323 = arith.constant 0 : i32
    %dma_wait3A_1324 = tpu.memref_slice %arg2[%dma_wait3A_1318, %dma_wait3A_1322, %dma_wait3A_1323] : memref<4x512x2048xf32, #tpu.memory_space<vmem>> -> memref<1x512x2048xf32, #tpu.memory_space<vmem>>
    %dma_wait3A_1325 = tpu.memref_squeeze %dma_wait3A_1324 : memref<1x512x2048xf32, #tpu.memory_space<vmem>> -> memref<512x2048xf32, #tpu.memory_space<vmem>>
    %dma_wait3A_1326 = arith.constant 15360 : i32
    %dma_wait3A_1327 = arith.constant 0 : i32
    %dma_wait3A_1328 = tpu.memref_slice %arg0[%dma_wait3A_1326, %dma_wait3A_1327] : memref<32768x2048xf32, #tpu.memory_space<any>> -> memref<512x2048xf32, #tpu.memory_space<any>>
    tpu.wait_dma2 semaphore(%dma_wait3A_1321 : memref<!tpu.dma_semaphore, #tpu.memory_space<semaphore_mem>>) src(%dma_wait3A_1328 : memref<512x2048xf32, #tpu.memory_space<any>>) dst(%dma_wait3A_1325 : memref<512x2048xf32, #tpu.memory_space<vmem>>)
    %dma_start3A_1329 = arith.constant 2 : i32
    %dma_start3A_1330 = arith.constant 2 : i32
    %dma_start3A_1331 = tpu.memref_slice %arg4[%dma_start3A_1330] : memref<4x!tpu.dma_semaphore, #tpu.memory_space<semaphore_mem>> -> memref<1x!tpu.dma_semaphore, #tpu.memory_space<semaphore_mem>>
    %dma_start3A_1332 = tpu.memref_squeeze %dma_start3A_1331 : memref<1x!tpu.dma_semaphore, #tpu.memory_space<semaphore_mem>> -> memref<!tpu.dma_semaphore, #tpu.memory_space<semaphore_mem>>
    %dma_start3A_1333 = arith.constant 15360 : i32
    %dma_start3A_1334 = arith.constant 0 : i32
    %dma_start3A_1335 = tpu.memref_slice %arg1[%dma_start3A_1333, %dma_start3A_1334] : memref<18432x2048xf32, #tpu.memory_space<any>> -> memref<512x2048xf32, #tpu.memory_space<any>>
    %dma_start3A_1336 = arith.constant 0 : i32
    %dma_start3A_1337 = arith.constant 0 : i32
    %dma_start3A_1338 = tpu.memref_slice %arg2[%dma_start3A_1329, %dma_start3A_1336, %dma_start3A_1337] : memref<4x512x2048xf32, #tpu.memory_space<vmem>> -> memref<1x512x2048xf32, #tpu.memory_space<vmem>>
    %dma_start3A_1339 = tpu.memref_squeeze %dma_start3A_1338 : memref<1x512x2048xf32, #tpu.memory_space<vmem>> -> memref<512x2048xf32, #tpu.memory_space<vmem>>
    tpu.enqueue_dma source(%dma_start3A_1339 : memref<512x2048xf32, #tpu.memory_space<vmem>>) target(%dma_start3A_1335 : memref<512x2048xf32, #tpu.memory_space<any>>) target_semaphore(%dma_start3A_1332 : memref<!tpu.dma_semaphore, #tpu.memory_space<semaphore_mem>>)
    %dma_wait3A_1340 = arith.constant 0 : i32
    %dma_wait3A_1341 = arith.constant 0 : i32
    %dma_wait3A_1342 = tpu.memref_slice %arg4[%dma_wait3A_1341] : memref<4x!tpu.dma_semaphore, #tpu.memory_space<semaphore_mem>> -> memref<1x!tpu.dma_semaphore, #tpu.memory_space<semaphore_mem>>
    %dma_wait3A_1343 = tpu.memref_squeeze %dma_wait3A_1342 : memref<1x!tpu.dma_semaphore, #tpu.memory_space<semaphore_mem>> -> memref<!tpu.dma_semaphore, #tpu.memory_space<semaphore_mem>>
    %dma_wait3A_1344 = arith.constant 14336 : i32
    %dma_wait3A_1345 = arith.constant 0 : i32
    %dma_wait3A_1346 = tpu.memref_slice %arg1[%dma_wait3A_1344, %dma_wait3A_1345] : memref<18432x2048xf32, #tpu.memory_space<any>> -> memref<512x2048xf32, #tpu.memory_space<any>>
    %dma_wait3A_1347 = arith.constant 0 : i32
    %dma_wait3A_1348 = arith.constant 0 : i32
    %dma_wait3A_1349 = tpu.memref_slice %arg2[%dma_wait3A_1340, %dma_wait3A_1347, %dma_wait3A_1348] : memref<4x512x2048xf32, #tpu.memory_space<vmem>> -> memref<1x512x2048xf32, #tpu.memory_space<vmem>>
    %dma_wait3A_1350 = tpu.memref_squeeze %dma_wait3A_1349 : memref<1x512x2048xf32, #tpu.memory_space<vmem>> -> memref<512x2048xf32, #tpu.memory_space<vmem>>
    tpu.wait_dma2 semaphore(%dma_wait3A_1343 : memref<!tpu.dma_semaphore, #tpu.memory_space<semaphore_mem>>) src(%dma_wait3A_1350 : memref<512x2048xf32, #tpu.memory_space<vmem>>) dst(%dma_wait3A_1346 : memref<512x2048xf32, #tpu.memory_space<any>>)
    %dma_start3A_1351 = arith.constant 0 : i32
    %dma_start3A_1352 = arith.constant 0 : i32
    %dma_start3A_1353 = tpu.memref_slice %arg3[%dma_start3A_1352] : memref<4x!tpu.dma_semaphore, #tpu.memory_space<semaphore_mem>> -> memref<1x!tpu.dma_semaphore, #tpu.memory_space<semaphore_mem>>
    %dma_start3A_1354 = tpu.memref_squeeze %dma_start3A_1353 : memref<1x!tpu.dma_semaphore, #tpu.memory_space<semaphore_mem>> -> memref<!tpu.dma_semaphore, #tpu.memory_space<semaphore_mem>>
    %dma_start3A_1355 = arith.constant 0 : i32
    %dma_start3A_1356 = arith.constant 0 : i32
    %dma_start3A_1357 = tpu.memref_slice %arg2[%dma_start3A_1351, %dma_start3A_1355, %dma_start3A_1356] : memref<4x512x2048xf32, #tpu.memory_space<vmem>> -> memref<1x512x2048xf32, #tpu.memory_space<vmem>>
    %dma_start3A_1358 = tpu.memref_squeeze %dma_start3A_1357 : memref<1x512x2048xf32, #tpu.memory_space<vmem>> -> memref<512x2048xf32, #tpu.memory_space<vmem>>
    %dma_start3A_1359 = arith.constant 16384 : i32
    %dma_start3A_1360 = arith.constant 0 : i32
    %dma_start3A_1361 = tpu.memref_slice %arg0[%dma_start3A_1359, %dma_start3A_1360] : memref<32768x2048xf32, #tpu.memory_space<any>> -> memref<512x2048xf32, #tpu.memory_space<any>>
    tpu.enqueue_dma source(%dma_start3A_1361 : memref<512x2048xf32, #tpu.memory_space<any>>) target(%dma_start3A_1358 : memref<512x2048xf32, #tpu.memory_space<vmem>>) target_semaphore(%dma_start3A_1354 : memref<!tpu.dma_semaphore, #tpu.memory_space<semaphore_mem>>)
    %dma_wait3A_1362 = arith.constant 3 : i32
    %dma_wait3A_1363 = arith.constant 3 : i32
    %dma_wait3A_1364 = tpu.memref_slice %arg3[%dma_wait3A_1363] : memref<4x!tpu.dma_semaphore, #tpu.memory_space<semaphore_mem>> -> memref<1x!tpu.dma_semaphore, #tpu.memory_space<semaphore_mem>>
    %dma_wait3A_1365 = tpu.memref_squeeze %dma_wait3A_1364 : memref<1x!tpu.dma_semaphore, #tpu.memory_space<semaphore_mem>> -> memref<!tpu.dma_semaphore, #tpu.memory_space<semaphore_mem>>
    %dma_wait3A_1366 = arith.constant 0 : i32
    %dma_wait3A_1367 = arith.constant 0 : i32
    %dma_wait3A_1368 = tpu.memref_slice %arg2[%dma_wait3A_1362, %dma_wait3A_1366, %dma_wait3A_1367] : memref<4x512x2048xf32, #tpu.memory_space<vmem>> -> memref<1x512x2048xf32, #tpu.memory_space<vmem>>
    %dma_wait3A_1369 = tpu.memref_squeeze %dma_wait3A_1368 : memref<1x512x2048xf32, #tpu.memory_space<vmem>> -> memref<512x2048xf32, #tpu.memory_space<vmem>>
    %dma_wait3A_1370 = arith.constant 15872 : i32
    %dma_wait3A_1371 = arith.constant 0 : i32
    %dma_wait3A_1372 = tpu.memref_slice %arg0[%dma_wait3A_1370, %dma_wait3A_1371] : memref<32768x2048xf32, #tpu.memory_space<any>> -> memref<512x2048xf32, #tpu.memory_space<any>>
    tpu.wait_dma2 semaphore(%dma_wait3A_1365 : memref<!tpu.dma_semaphore, #tpu.memory_space<semaphore_mem>>) src(%dma_wait3A_1372 : memref<512x2048xf32, #tpu.memory_space<any>>) dst(%dma_wait3A_1369 : memref<512x2048xf32, #tpu.memory_space<vmem>>)
    %dma_start3A_1373 = arith.constant 3 : i32
    %dma_start3A_1374 = arith.constant 3 : i32
    %dma_start3A_1375 = tpu.memref_slice %arg4[%dma_start3A_1374] : memref<4x!tpu.dma_semaphore, #tpu.memory_space<semaphore_mem>> -> memref<1x!tpu.dma_semaphore, #tpu.memory_space<semaphore_mem>>
    %dma_start3A_1376 = tpu.memref_squeeze %dma_start3A_1375 : memref<1x!tpu.dma_semaphore, #tpu.memory_space<semaphore_mem>> -> memref<!tpu.dma_semaphore, #tpu.memory_space<semaphore_mem>>
    %dma_start3A_1377 = arith.constant 15872 : i32
    %dma_start3A_1378 = arith.constant 0 : i32
    %dma_start3A_1379 = tpu.memref_slice %arg1[%dma_start3A_1377, %dma_start3A_1378] : memref<18432x2048xf32, #tpu.memory_space<any>> -> memref<512x2048xf32, #tpu.memory_space<any>>
    %dma_start3A_1380 = arith.constant 0 : i32
    %dma_start3A_1381 = arith.constant 0 : i32
    %dma_start3A_1382 = tpu.memref_slice %arg2[%dma_start3A_1373, %dma_start3A_1380, %dma_start3A_1381] : memref<4x512x2048xf32, #tpu.memory_space<vmem>> -> memref<1x512x2048xf32, #tpu.memory_space<vmem>>
    %dma_start3A_1383 = tpu.memref_squeeze %dma_start3A_1382 : memref<1x512x2048xf32, #tpu.memory_space<vmem>> -> memref<512x2048xf32, #tpu.memory_space<vmem>>
    tpu.enqueue_dma source(%dma_start3A_1383 : memref<512x2048xf32, #tpu.memory_space<vmem>>) target(%dma_start3A_1379 : memref<512x2048xf32, #tpu.memory_space<any>>) target_semaphore(%dma_start3A_1376 : memref<!tpu.dma_semaphore, #tpu.memory_space<semaphore_mem>>)
    %dma_wait3A_1384 = arith.constant 1 : i32
    %dma_wait3A_1385 = arith.constant 1 : i32
    %dma_wait3A_1386 = tpu.memref_slice %arg4[%dma_wait3A_1385] : memref<4x!tpu.dma_semaphore, #tpu.memory_space<semaphore_mem>> -> memref<1x!tpu.dma_semaphore, #tpu.memory_space<semaphore_mem>>
    %dma_wait3A_1387 = tpu.memref_squeeze %dma_wait3A_1386 : memref<1x!tpu.dma_semaphore, #tpu.memory_space<semaphore_mem>> -> memref<!tpu.dma_semaphore, #tpu.memory_space<semaphore_mem>>
    %dma_wait3A_1388 = arith.constant 14848 : i32
    %dma_wait3A_1389 = arith.constant 0 : i32
    %dma_wait3A_1390 = tpu.memref_slice %arg1[%dma_wait3A_1388, %dma_wait3A_1389] : memref<18432x2048xf32, #tpu.memory_space<any>> -> memref<512x2048xf32, #tpu.memory_space<any>>
    %dma_wait3A_1391 = arith.constant 0 : i32
    %dma_wait3A_1392 = arith.constant 0 : i32
    %dma_wait3A_1393 = tpu.memref_slice %arg2[%dma_wait3A_1384, %dma_wait3A_1391, %dma_wait3A_1392] : memref<4x512x2048xf32, #tpu.memory_space<vmem>> -> memref<1x512x2048xf32, #tpu.memory_space<vmem>>
    %dma_wait3A_1394 = tpu.memref_squeeze %dma_wait3A_1393 : memref<1x512x2048xf32, #tpu.memory_space<vmem>> -> memref<512x2048xf32, #tpu.memory_space<vmem>>
    tpu.wait_dma2 semaphore(%dma_wait3A_1387 : memref<!tpu.dma_semaphore, #tpu.memory_space<semaphore_mem>>) src(%dma_wait3A_1394 : memref<512x2048xf32, #tpu.memory_space<vmem>>) dst(%dma_wait3A_1390 : memref<512x2048xf32, #tpu.memory_space<any>>)
    %dma_start3A_1395 = arith.constant 1 : i32
    %dma_start3A_1396 = arith.constant 1 : i32
    %dma_start3A_1397 = tpu.memref_slice %arg3[%dma_start3A_1396] : memref<4x!tpu.dma_semaphore, #tpu.memory_space<semaphore_mem>> -> memref<1x!tpu.dma_semaphore, #tpu.memory_space<semaphore_mem>>
    %dma_start3A_1398 = tpu.memref_squeeze %dma_start3A_1397 : memref<1x!tpu.dma_semaphore, #tpu.memory_space<semaphore_mem>> -> memref<!tpu.dma_semaphore, #tpu.memory_space<semaphore_mem>>
    %dma_start3A_1399 = arith.constant 0 : i32
    %dma_start3A_1400 = arith.constant 0 : i32
    %dma_start3A_1401 = tpu.memref_slice %arg2[%dma_start3A_1395, %dma_start3A_1399, %dma_start3A_1400] : memref<4x512x2048xf32, #tpu.memory_space<vmem>> -> memref<1x512x2048xf32, #tpu.memory_space<vmem>>
    %dma_start3A_1402 = tpu.memref_squeeze %dma_start3A_1401 : memref<1x512x2048xf32, #tpu.memory_space<vmem>> -> memref<512x2048xf32, #tpu.memory_space<vmem>>
    %dma_start3A_1403 = arith.constant 16896 : i32
    %dma_start3A_1404 = arith.constant 0 : i32
    %dma_start3A_1405 = tpu.memref_slice %arg0[%dma_start3A_1403, %dma_start3A_1404] : memref<32768x2048xf32, #tpu.memory_space<any>> -> memref<512x2048xf32, #tpu.memory_space<any>>
    tpu.enqueue_dma source(%dma_start3A_1405 : memref<512x2048xf32, #tpu.memory_space<any>>) target(%dma_start3A_1402 : memref<512x2048xf32, #tpu.memory_space<vmem>>) target_semaphore(%dma_start3A_1398 : memref<!tpu.dma_semaphore, #tpu.memory_space<semaphore_mem>>)
    %dma_wait3A_1406 = arith.constant 0 : i32
    %dma_wait3A_1407 = arith.constant 0 : i32
    %dma_wait3A_1408 = tpu.memref_slice %arg3[%dma_wait3A_1407] : memref<4x!tpu.dma_semaphore, #tpu.memory_space<semaphore_mem>> -> memref<1x!tpu.dma_semaphore, #tpu.memory_space<semaphore_mem>>
    %dma_wait3A_1409 = tpu.memref_squeeze %dma_wait3A_1408 : memref<1x!tpu.dma_semaphore, #tpu.memory_space<semaphore_mem>> -> memref<!tpu.dma_semaphore, #tpu.memory_space<semaphore_mem>>
    %dma_wait3A_1410 = arith.constant 0 : i32
    %dma_wait3A_1411 = arith.constant 0 : i32
    %dma_wait3A_1412 = tpu.memref_slice %arg2[%dma_wait3A_1406, %dma_wait3A_1410, %dma_wait3A_1411] : memref<4x512x2048xf32, #tpu.memory_space<vmem>> -> memref<1x512x2048xf32, #tpu.memory_space<vmem>>
    %dma_wait3A_1413 = tpu.memref_squeeze %dma_wait3A_1412 : memref<1x512x2048xf32, #tpu.memory_space<vmem>> -> memref<512x2048xf32, #tpu.memory_space<vmem>>
    %dma_wait3A_1414 = arith.constant 16384 : i32
    %dma_wait3A_1415 = arith.constant 0 : i32
    %dma_wait3A_1416 = tpu.memref_slice %arg0[%dma_wait3A_1414, %dma_wait3A_1415] : memref<32768x2048xf32, #tpu.memory_space<any>> -> memref<512x2048xf32, #tpu.memory_space<any>>
    tpu.wait_dma2 semaphore(%dma_wait3A_1409 : memref<!tpu.dma_semaphore, #tpu.memory_space<semaphore_mem>>) src(%dma_wait3A_1416 : memref<512x2048xf32, #tpu.memory_space<any>>) dst(%dma_wait3A_1413 : memref<512x2048xf32, #tpu.memory_space<vmem>>)
    %dma_start3A_1417 = arith.constant 0 : i32
    %dma_start3A_1418 = arith.constant 0 : i32
    %dma_start3A_1419 = tpu.memref_slice %arg4[%dma_start3A_1418] : memref<4x!tpu.dma_semaphore, #tpu.memory_space<semaphore_mem>> -> memref<1x!tpu.dma_semaphore, #tpu.memory_space<semaphore_mem>>
    %dma_start3A_1420 = tpu.memref_squeeze %dma_start3A_1419 : memref<1x!tpu.dma_semaphore, #tpu.memory_space<semaphore_mem>> -> memref<!tpu.dma_semaphore, #tpu.memory_space<semaphore_mem>>
    %dma_start3A_1421 = arith.constant 16384 : i32
    %dma_start3A_1422 = arith.constant 0 : i32
    %dma_start3A_1423 = tpu.memref_slice %arg1[%dma_start3A_1421, %dma_start3A_1422] : memref<18432x2048xf32, #tpu.memory_space<any>> -> memref<512x2048xf32, #tpu.memory_space<any>>
    %dma_start3A_1424 = arith.constant 0 : i32
    %dma_start3A_1425 = arith.constant 0 : i32
    %dma_start3A_1426 = tpu.memref_slice %arg2[%dma_start3A_1417, %dma_start3A_1424, %dma_start3A_1425] : memref<4x512x2048xf32, #tpu.memory_space<vmem>> -> memref<1x512x2048xf32, #tpu.memory_space<vmem>>
    %dma_start3A_1427 = tpu.memref_squeeze %dma_start3A_1426 : memref<1x512x2048xf32, #tpu.memory_space<vmem>> -> memref<512x2048xf32, #tpu.memory_space<vmem>>
    tpu.enqueue_dma source(%dma_start3A_1427 : memref<512x2048xf32, #tpu.memory_space<vmem>>) target(%dma_start3A_1423 : memref<512x2048xf32, #tpu.memory_space<any>>) target_semaphore(%dma_start3A_1420 : memref<!tpu.dma_semaphore, #tpu.memory_space<semaphore_mem>>)
    %dma_wait3A_1428 = arith.constant 2 : i32
    %dma_wait3A_1429 = arith.constant 2 : i32
    %dma_wait3A_1430 = tpu.memref_slice %arg4[%dma_wait3A_1429] : memref<4x!tpu.dma_semaphore, #tpu.memory_space<semaphore_mem>> -> memref<1x!tpu.dma_semaphore, #tpu.memory_space<semaphore_mem>>
    %dma_wait3A_1431 = tpu.memref_squeeze %dma_wait3A_1430 : memref<1x!tpu.dma_semaphore, #tpu.memory_space<semaphore_mem>> -> memref<!tpu.dma_semaphore, #tpu.memory_space<semaphore_mem>>
    %dma_wait3A_1432 = arith.constant 15360 : i32
    %dma_wait3A_1433 = arith.constant 0 : i32
    %dma_wait3A_1434 = tpu.memref_slice %arg1[%dma_wait3A_1432, %dma_wait3A_1433] : memref<18432x2048xf32, #tpu.memory_space<any>> -> memref<512x2048xf32, #tpu.memory_space<any>>
    %dma_wait3A_1435 = arith.constant 0 : i32
    %dma_wait3A_1436 = arith.constant 0 : i32
    %dma_wait3A_1437 = tpu.memref_slice %arg2[%dma_wait3A_1428, %dma_wait3A_1435, %dma_wait3A_1436] : memref<4x512x2048xf32, #tpu.memory_space<vmem>> -> memref<1x512x2048xf32, #tpu.memory_space<vmem>>
    %dma_wait3A_1438 = tpu.memref_squeeze %dma_wait3A_1437 : memref<1x512x2048xf32, #tpu.memory_space<vmem>> -> memref<512x2048xf32, #tpu.memory_space<vmem>>
    tpu.wait_dma2 semaphore(%dma_wait3A_1431 : memref<!tpu.dma_semaphore, #tpu.memory_space<semaphore_mem>>) src(%dma_wait3A_1438 : memref<512x2048xf32, #tpu.memory_space<vmem>>) dst(%dma_wait3A_1434 : memref<512x2048xf32, #tpu.memory_space<any>>)
    %dma_start3A_1439 = arith.constant 2 : i32
    %dma_start3A_1440 = arith.constant 2 : i32
    %dma_start3A_1441 = tpu.memref_slice %arg3[%dma_start3A_1440] : memref<4x!tpu.dma_semaphore, #tpu.memory_space<semaphore_mem>> -> memref<1x!tpu.dma_semaphore, #tpu.memory_space<semaphore_mem>>
    %dma_start3A_1442 = tpu.memref_squeeze %dma_start3A_1441 : memref<1x!tpu.dma_semaphore, #tpu.memory_space<semaphore_mem>> -> memref<!tpu.dma_semaphore, #tpu.memory_space<semaphore_mem>>
    %dma_start3A_1443 = arith.constant 0 : i32
    %dma_start3A_1444 = arith.constant 0 : i32
    %dma_start3A_1445 = tpu.memref_slice %arg2[%dma_start3A_1439, %dma_start3A_1443, %dma_start3A_1444] : memref<4x512x2048xf32, #tpu.memory_space<vmem>> -> memref<1x512x2048xf32, #tpu.memory_space<vmem>>
    %dma_start3A_1446 = tpu.memref_squeeze %dma_start3A_1445 : memref<1x512x2048xf32, #tpu.memory_space<vmem>> -> memref<512x2048xf32, #tpu.memory_space<vmem>>
    %dma_start3A_1447 = arith.constant 17408 : i32
    %dma_start3A_1448 = arith.constant 0 : i32
    %dma_start3A_1449 = tpu.memref_slice %arg0[%dma_start3A_1447, %dma_start3A_1448] : memref<32768x2048xf32, #tpu.memory_space<any>> -> memref<512x2048xf32, #tpu.memory_space<any>>
    tpu.enqueue_dma source(%dma_start3A_1449 : memref<512x2048xf32, #tpu.memory_space<any>>) target(%dma_start3A_1446 : memref<512x2048xf32, #tpu.memory_space<vmem>>) target_semaphore(%dma_start3A_1442 : memref<!tpu.dma_semaphore, #tpu.memory_space<semaphore_mem>>)
    %dma_wait3A_1450 = arith.constant 1 : i32
    %dma_wait3A_1451 = arith.constant 1 : i32
    %dma_wait3A_1452 = tpu.memref_slice %arg3[%dma_wait3A_1451] : memref<4x!tpu.dma_semaphore, #tpu.memory_space<semaphore_mem>> -> memref<1x!tpu.dma_semaphore, #tpu.memory_space<semaphore_mem>>
    %dma_wait3A_1453 = tpu.memref_squeeze %dma_wait3A_1452 : memref<1x!tpu.dma_semaphore, #tpu.memory_space<semaphore_mem>> -> memref<!tpu.dma_semaphore, #tpu.memory_space<semaphore_mem>>
    %dma_wait3A_1454 = arith.constant 0 : i32
    %dma_wait3A_1455 = arith.constant 0 : i32
    %dma_wait3A_1456 = tpu.memref_slice %arg2[%dma_wait3A_1450, %dma_wait3A_1454, %dma_wait3A_1455] : memref<4x512x2048xf32, #tpu.memory_space<vmem>> -> memref<1x512x2048xf32, #tpu.memory_space<vmem>>
    %dma_wait3A_1457 = tpu.memref_squeeze %dma_wait3A_1456 : memref<1x512x2048xf32, #tpu.memory_space<vmem>> -> memref<512x2048xf32, #tpu.memory_space<vmem>>
    %dma_wait3A_1458 = arith.constant 16896 : i32
    %dma_wait3A_1459 = arith.constant 0 : i32
    %dma_wait3A_1460 = tpu.memref_slice %arg0[%dma_wait3A_1458, %dma_wait3A_1459] : memref<32768x2048xf32, #tpu.memory_space<any>> -> memref<512x2048xf32, #tpu.memory_space<any>>
    tpu.wait_dma2 semaphore(%dma_wait3A_1453 : memref<!tpu.dma_semaphore, #tpu.memory_space<semaphore_mem>>) src(%dma_wait3A_1460 : memref<512x2048xf32, #tpu.memory_space<any>>) dst(%dma_wait3A_1457 : memref<512x2048xf32, #tpu.memory_space<vmem>>)
    %dma_start3A_1461 = arith.constant 1 : i32
    %dma_start3A_1462 = arith.constant 1 : i32
    %dma_start3A_1463 = tpu.memref_slice %arg4[%dma_start3A_1462] : memref<4x!tpu.dma_semaphore, #tpu.memory_space<semaphore_mem>> -> memref<1x!tpu.dma_semaphore, #tpu.memory_space<semaphore_mem>>
    %dma_start3A_1464 = tpu.memref_squeeze %dma_start3A_1463 : memref<1x!tpu.dma_semaphore, #tpu.memory_space<semaphore_mem>> -> memref<!tpu.dma_semaphore, #tpu.memory_space<semaphore_mem>>
    %dma_start3A_1465 = arith.constant 16896 : i32
    %dma_start3A_1466 = arith.constant 0 : i32
    %dma_start3A_1467 = tpu.memref_slice %arg1[%dma_start3A_1465, %dma_start3A_1466] : memref<18432x2048xf32, #tpu.memory_space<any>> -> memref<512x2048xf32, #tpu.memory_space<any>>
    %dma_start3A_1468 = arith.constant 0 : i32
    %dma_start3A_1469 = arith.constant 0 : i32
    %dma_start3A_1470 = tpu.memref_slice %arg2[%dma_start3A_1461, %dma_start3A_1468, %dma_start3A_1469] : memref<4x512x2048xf32, #tpu.memory_space<vmem>> -> memref<1x512x2048xf32, #tpu.memory_space<vmem>>
    %dma_start3A_1471 = tpu.memref_squeeze %dma_start3A_1470 : memref<1x512x2048xf32, #tpu.memory_space<vmem>> -> memref<512x2048xf32, #tpu.memory_space<vmem>>
    tpu.enqueue_dma source(%dma_start3A_1471 : memref<512x2048xf32, #tpu.memory_space<vmem>>) target(%dma_start3A_1467 : memref<512x2048xf32, #tpu.memory_space<any>>) target_semaphore(%dma_start3A_1464 : memref<!tpu.dma_semaphore, #tpu.memory_space<semaphore_mem>>)
    %dma_wait3A_1472 = arith.constant 3 : i32
    %dma_wait3A_1473 = arith.constant 3 : i32
    %dma_wait3A_1474 = tpu.memref_slice %arg4[%dma_wait3A_1473] : memref<4x!tpu.dma_semaphore, #tpu.memory_space<semaphore_mem>> -> memref<1x!tpu.dma_semaphore, #tpu.memory_space<semaphore_mem>>
    %dma_wait3A_1475 = tpu.memref_squeeze %dma_wait3A_1474 : memref<1x!tpu.dma_semaphore, #tpu.memory_space<semaphore_mem>> -> memref<!tpu.dma_semaphore, #tpu.memory_space<semaphore_mem>>
    %dma_wait3A_1476 = arith.constant 15872 : i32
    %dma_wait3A_1477 = arith.constant 0 : i32
    %dma_wait3A_1478 = tpu.memref_slice %arg1[%dma_wait3A_1476, %dma_wait3A_1477] : memref<18432x2048xf32, #tpu.memory_space<any>> -> memref<512x2048xf32, #tpu.memory_space<any>>
    %dma_wait3A_1479 = arith.constant 0 : i32
    %dma_wait3A_1480 = arith.constant 0 : i32
    %dma_wait3A_1481 = tpu.memref_slice %arg2[%dma_wait3A_1472, %dma_wait3A_1479, %dma_wait3A_1480] : memref<4x512x2048xf32, #tpu.memory_space<vmem>> -> memref<1x512x2048xf32, #tpu.memory_space<vmem>>
    %dma_wait3A_1482 = tpu.memref_squeeze %dma_wait3A_1481 : memref<1x512x2048xf32, #tpu.memory_space<vmem>> -> memref<512x2048xf32, #tpu.memory_space<vmem>>
    tpu.wait_dma2 semaphore(%dma_wait3A_1475 : memref<!tpu.dma_semaphore, #tpu.memory_space<semaphore_mem>>) src(%dma_wait3A_1482 : memref<512x2048xf32, #tpu.memory_space<vmem>>) dst(%dma_wait3A_1478 : memref<512x2048xf32, #tpu.memory_space<any>>)
    %dma_start3A_1483 = arith.constant 3 : i32
    %dma_start3A_1484 = arith.constant 3 : i32
    %dma_start3A_1485 = tpu.memref_slice %arg3[%dma_start3A_1484] : memref<4x!tpu.dma_semaphore, #tpu.memory_space<semaphore_mem>> -> memref<1x!tpu.dma_semaphore, #tpu.memory_space<semaphore_mem>>
    %dma_start3A_1486 = tpu.memref_squeeze %dma_start3A_1485 : memref<1x!tpu.dma_semaphore, #tpu.memory_space<semaphore_mem>> -> memref<!tpu.dma_semaphore, #tpu.memory_space<semaphore_mem>>
    %dma_start3A_1487 = arith.constant 0 : i32
    %dma_start3A_1488 = arith.constant 0 : i32
    %dma_start3A_1489 = tpu.memref_slice %arg2[%dma_start3A_1483, %dma_start3A_1487, %dma_start3A_1488] : memref<4x512x2048xf32, #tpu.memory_space<vmem>> -> memref<1x512x2048xf32, #tpu.memory_space<vmem>>
    %dma_start3A_1490 = tpu.memref_squeeze %dma_start3A_1489 : memref<1x512x2048xf32, #tpu.memory_space<vmem>> -> memref<512x2048xf32, #tpu.memory_space<vmem>>
    %dma_start3A_1491 = arith.constant 17920 : i32
    %dma_start3A_1492 = arith.constant 0 : i32
    %dma_start3A_1493 = tpu.memref_slice %arg0[%dma_start3A_1491, %dma_start3A_1492] : memref<32768x2048xf32, #tpu.memory_space<any>> -> memref<512x2048xf32, #tpu.memory_space<any>>
    tpu.enqueue_dma source(%dma_start3A_1493 : memref<512x2048xf32, #tpu.memory_space<any>>) target(%dma_start3A_1490 : memref<512x2048xf32, #tpu.memory_space<vmem>>) target_semaphore(%dma_start3A_1486 : memref<!tpu.dma_semaphore, #tpu.memory_space<semaphore_mem>>)
    %dma_wait3A_1494 = arith.constant 2 : i32
    %dma_wait3A_1495 = arith.constant 2 : i32
    %dma_wait3A_1496 = tpu.memref_slice %arg3[%dma_wait3A_1495] : memref<4x!tpu.dma_semaphore, #tpu.memory_space<semaphore_mem>> -> memref<1x!tpu.dma_semaphore, #tpu.memory_space<semaphore_mem>>
    %dma_wait3A_1497 = tpu.memref_squeeze %dma_wait3A_1496 : memref<1x!tpu.dma_semaphore, #tpu.memory_space<semaphore_mem>> -> memref<!tpu.dma_semaphore, #tpu.memory_space<semaphore_mem>>
    %dma_wait3A_1498 = arith.constant 0 : i32
    %dma_wait3A_1499 = arith.constant 0 : i32
    %dma_wait3A_1500 = tpu.memref_slice %arg2[%dma_wait3A_1494, %dma_wait3A_1498, %dma_wait3A_1499] : memref<4x512x2048xf32, #tpu.memory_space<vmem>> -> memref<1x512x2048xf32, #tpu.memory_space<vmem>>
    %dma_wait3A_1501 = tpu.memref_squeeze %dma_wait3A_1500 : memref<1x512x2048xf32, #tpu.memory_space<vmem>> -> memref<512x2048xf32, #tpu.memory_space<vmem>>
    %dma_wait3A_1502 = arith.constant 17408 : i32
    %dma_wait3A_1503 = arith.constant 0 : i32
    %dma_wait3A_1504 = tpu.memref_slice %arg0[%dma_wait3A_1502, %dma_wait3A_1503] : memref<32768x2048xf32, #tpu.memory_space<any>> -> memref<512x2048xf32, #tpu.memory_space<any>>
    tpu.wait_dma2 semaphore(%dma_wait3A_1497 : memref<!tpu.dma_semaphore, #tpu.memory_space<semaphore_mem>>) src(%dma_wait3A_1504 : memref<512x2048xf32, #tpu.memory_space<any>>) dst(%dma_wait3A_1501 : memref<512x2048xf32, #tpu.memory_space<vmem>>)
    %dma_start3A_1505 = arith.constant 2 : i32
    %dma_start3A_1506 = arith.constant 2 : i32
    %dma_start3A_1507 = tpu.memref_slice %arg4[%dma_start3A_1506] : memref<4x!tpu.dma_semaphore, #tpu.memory_space<semaphore_mem>> -> memref<1x!tpu.dma_semaphore, #tpu.memory_space<semaphore_mem>>
    %dma_start3A_1508 = tpu.memref_squeeze %dma_start3A_1507 : memref<1x!tpu.dma_semaphore, #tpu.memory_space<semaphore_mem>> -> memref<!tpu.dma_semaphore, #tpu.memory_space<semaphore_mem>>
    %dma_start3A_1509 = arith.constant 17408 : i32
    %dma_start3A_1510 = arith.constant 0 : i32
    %dma_start3A_1511 = tpu.memref_slice %arg1[%dma_start3A_1509, %dma_start3A_1510] : memref<18432x2048xf32, #tpu.memory_space<any>> -> memref<512x2048xf32, #tpu.memory_space<any>>
    %dma_start3A_1512 = arith.constant 0 : i32
    %dma_start3A_1513 = arith.constant 0 : i32
    %dma_start3A_1514 = tpu.memref_slice %arg2[%dma_start3A_1505, %dma_start3A_1512, %dma_start3A_1513] : memref<4x512x2048xf32, #tpu.memory_space<vmem>> -> memref<1x512x2048xf32, #tpu.memory_space<vmem>>
    %dma_start3A_1515 = tpu.memref_squeeze %dma_start3A_1514 : memref<1x512x2048xf32, #tpu.memory_space<vmem>> -> memref<512x2048xf32, #tpu.memory_space<vmem>>
    tpu.enqueue_dma source(%dma_start3A_1515 : memref<512x2048xf32, #tpu.memory_space<vmem>>) target(%dma_start3A_1511 : memref<512x2048xf32, #tpu.memory_space<any>>) target_semaphore(%dma_start3A_1508 : memref<!tpu.dma_semaphore, #tpu.memory_space<semaphore_mem>>)
    %dma_wait3A_1516 = arith.constant 3 : i32
    %dma_wait3A_1517 = arith.constant 3 : i32
    %dma_wait3A_1518 = tpu.memref_slice %arg3[%dma_wait3A_1517] : memref<4x!tpu.dma_semaphore, #tpu.memory_space<semaphore_mem>> -> memref<1x!tpu.dma_semaphore, #tpu.memory_space<semaphore_mem>>
    %dma_wait3A_1519 = tpu.memref_squeeze %dma_wait3A_1518 : memref<1x!tpu.dma_semaphore, #tpu.memory_space<semaphore_mem>> -> memref<!tpu.dma_semaphore, #tpu.memory_space<semaphore_mem>>
    %dma_wait3A_1520 = arith.constant 0 : i32
    %dma_wait3A_1521 = arith.constant 0 : i32
    %dma_wait3A_1522 = tpu.memref_slice %arg2[%dma_wait3A_1516, %dma_wait3A_1520, %dma_wait3A_1521] : memref<4x512x2048xf32, #tpu.memory_space<vmem>> -> memref<1x512x2048xf32, #tpu.memory_space<vmem>>
    %dma_wait3A_1523 = tpu.memref_squeeze %dma_wait3A_1522 : memref<1x512x2048xf32, #tpu.memory_space<vmem>> -> memref<512x2048xf32, #tpu.memory_space<vmem>>
    %dma_wait3A_1524 = arith.constant 17920 : i32
    %dma_wait3A_1525 = arith.constant 0 : i32
    %dma_wait3A_1526 = tpu.memref_slice %arg0[%dma_wait3A_1524, %dma_wait3A_1525] : memref<32768x2048xf32, #tpu.memory_space<any>> -> memref<512x2048xf32, #tpu.memory_space<any>>
    tpu.wait_dma2 semaphore(%dma_wait3A_1519 : memref<!tpu.dma_semaphore, #tpu.memory_space<semaphore_mem>>) src(%dma_wait3A_1526 : memref<512x2048xf32, #tpu.memory_space<any>>) dst(%dma_wait3A_1523 : memref<512x2048xf32, #tpu.memory_space<vmem>>)
    %dma_start3A_1527 = arith.constant 3 : i32
    %dma_start3A_1528 = arith.constant 3 : i32
    %dma_start3A_1529 = tpu.memref_slice %arg4[%dma_start3A_1528] : memref<4x!tpu.dma_semaphore, #tpu.memory_space<semaphore_mem>> -> memref<1x!tpu.dma_semaphore, #tpu.memory_space<semaphore_mem>>
    %dma_start3A_1530 = tpu.memref_squeeze %dma_start3A_1529 : memref<1x!tpu.dma_semaphore, #tpu.memory_space<semaphore_mem>> -> memref<!tpu.dma_semaphore, #tpu.memory_space<semaphore_mem>>
    %dma_start3A_1531 = arith.constant 17920 : i32
    %dma_start3A_1532 = arith.constant 0 : i32
    %dma_start3A_1533 = tpu.memref_slice %arg1[%dma_start3A_1531, %dma_start3A_1532] : memref<18432x2048xf32, #tpu.memory_space<any>> -> memref<512x2048xf32, #tpu.memory_space<any>>
    %dma_start3A_1534 = arith.constant 0 : i32
    %dma_start3A_1535 = arith.constant 0 : i32
    %dma_start3A_1536 = tpu.memref_slice %arg2[%dma_start3A_1527, %dma_start3A_1534, %dma_start3A_1535] : memref<4x512x2048xf32, #tpu.memory_space<vmem>> -> memref<1x512x2048xf32, #tpu.memory_space<vmem>>
    %dma_start3A_1537 = tpu.memref_squeeze %dma_start3A_1536 : memref<1x512x2048xf32, #tpu.memory_space<vmem>> -> memref<512x2048xf32, #tpu.memory_space<vmem>>
    tpu.enqueue_dma source(%dma_start3A_1537 : memref<512x2048xf32, #tpu.memory_space<vmem>>) target(%dma_start3A_1533 : memref<512x2048xf32, #tpu.memory_space<any>>) target_semaphore(%dma_start3A_1530 : memref<!tpu.dma_semaphore, #tpu.memory_space<semaphore_mem>>)
    %dma_wait3A_1538 = arith.constant 0 : i32
    %dma_wait3A_1539 = arith.constant 0 : i32
    %dma_wait3A_1540 = tpu.memref_slice %arg4[%dma_wait3A_1539] : memref<4x!tpu.dma_semaphore, #tpu.memory_space<semaphore_mem>> -> memref<1x!tpu.dma_semaphore, #tpu.memory_space<semaphore_mem>>
    %dma_wait3A_1541 = tpu.memref_squeeze %dma_wait3A_1540 : memref<1x!tpu.dma_semaphore, #tpu.memory_space<semaphore_mem>> -> memref<!tpu.dma_semaphore, #tpu.memory_space<semaphore_mem>>
    %dma_wait3A_1542 = arith.constant 16384 : i32
    %dma_wait3A_1543 = arith.constant 0 : i32
    %dma_wait3A_1544 = tpu.memref_slice %arg1[%dma_wait3A_1542, %dma_wait3A_1543] : memref<18432x2048xf32, #tpu.memory_space<any>> -> memref<512x2048xf32, #tpu.memory_space<any>>
    %dma_wait3A_1545 = arith.constant 0 : i32
    %dma_wait3A_1546 = arith.constant 0 : i32
    %dma_wait3A_1547 = tpu.memref_slice %arg2[%dma_wait3A_1538, %dma_wait3A_1545, %dma_wait3A_1546] : memref<4x512x2048xf32, #tpu.memory_space<vmem>> -> memref<1x512x2048xf32, #tpu.memory_space<vmem>>
    %dma_wait3A_1548 = tpu.memref_squeeze %dma_wait3A_1547 : memref<1x512x2048xf32, #tpu.memory_space<vmem>> -> memref<512x2048xf32, #tpu.memory_space<vmem>>
    tpu.wait_dma2 semaphore(%dma_wait3A_1541 : memref<!tpu.dma_semaphore, #tpu.memory_space<semaphore_mem>>) src(%dma_wait3A_1548 : memref<512x2048xf32, #tpu.memory_space<vmem>>) dst(%dma_wait3A_1544 : memref<512x2048xf32, #tpu.memory_space<any>>)
    %dma_wait3A_1549 = arith.constant 1 : i32
    %dma_wait3A_1550 = arith.constant 1 : i32
    %dma_wait3A_1551 = tpu.memref_slice %arg4[%dma_wait3A_1550] : memref<4x!tpu.dma_semaphore, #tpu.memory_space<semaphore_mem>> -> memref<1x!tpu.dma_semaphore, #tpu.memory_space<semaphore_mem>>
    %dma_wait3A_1552 = tpu.memref_squeeze %dma_wait3A_1551 : memref<1x!tpu.dma_semaphore, #tpu.memory_space<semaphore_mem>> -> memref<!tpu.dma_semaphore, #tpu.memory_space<semaphore_mem>>
    %dma_wait3A_1553 = arith.constant 16896 : i32
    %dma_wait3A_1554 = arith.constant 0 : i32
    %dma_wait3A_1555 = tpu.memref_slice %arg1[%dma_wait3A_1553, %dma_wait3A_1554] : memref<18432x2048xf32, #tpu.memory_space<any>> -> memref<512x2048xf32, #tpu.memory_space<any>>
    %dma_wait3A_1556 = arith.constant 0 : i32
    %dma_wait3A_1557 = arith.constant 0 : i32
    %dma_wait3A_1558 = tpu.memref_slice %arg2[%dma_wait3A_1549, %dma_wait3A_1556, %dma_wait3A_1557] : memref<4x512x2048xf32, #tpu.memory_space<vmem>> -> memref<1x512x2048xf32, #tpu.memory_space<vmem>>
    %dma_wait3A_1559 = tpu.memref_squeeze %dma_wait3A_1558 : memref<1x512x2048xf32, #tpu.memory_space<vmem>> -> memref<512x2048xf32, #tpu.memory_space<vmem>>
    tpu.wait_dma2 semaphore(%dma_wait3A_1552 : memref<!tpu.dma_semaphore, #tpu.memory_space<semaphore_mem>>) src(%dma_wait3A_1559 : memref<512x2048xf32, #tpu.memory_space<vmem>>) dst(%dma_wait3A_1555 : memref<512x2048xf32, #tpu.memory_space<any>>)
    %dma_wait3A_1560 = arith.constant 2 : i32
    %dma_wait3A_1561 = arith.constant 2 : i32
    %dma_wait3A_1562 = tpu.memref_slice %arg4[%dma_wait3A_1561] : memref<4x!tpu.dma_semaphore, #tpu.memory_space<semaphore_mem>> -> memref<1x!tpu.dma_semaphore, #tpu.memory_space<semaphore_mem>>
    %dma_wait3A_1563 = tpu.memref_squeeze %dma_wait3A_1562 : memref<1x!tpu.dma_semaphore, #tpu.memory_space<semaphore_mem>> -> memref<!tpu.dma_semaphore, #tpu.memory_space<semaphore_mem>>
    %dma_wait3A_1564 = arith.constant 17408 : i32
    %dma_wait3A_1565 = arith.constant 0 : i32
    %dma_wait3A_1566 = tpu.memref_slice %arg1[%dma_wait3A_1564, %dma_wait3A_1565] : memref<18432x2048xf32, #tpu.memory_space<any>> -> memref<512x2048xf32, #tpu.memory_space<any>>
    %dma_wait3A_1567 = arith.constant 0 : i32
    %dma_wait3A_1568 = arith.constant 0 : i32
    %dma_wait3A_1569 = tpu.memref_slice %arg2[%dma_wait3A_1560, %dma_wait3A_1567, %dma_wait3A_1568] : memref<4x512x2048xf32, #tpu.memory_space<vmem>> -> memref<1x512x2048xf32, #tpu.memory_space<vmem>>
    %dma_wait3A_1570 = tpu.memref_squeeze %dma_wait3A_1569 : memref<1x512x2048xf32, #tpu.memory_space<vmem>> -> memref<512x2048xf32, #tpu.memory_space<vmem>>
    tpu.wait_dma2 semaphore(%dma_wait3A_1563 : memref<!tpu.dma_semaphore, #tpu.memory_space<semaphore_mem>>) src(%dma_wait3A_1570 : memref<512x2048xf32, #tpu.memory_space<vmem>>) dst(%dma_wait3A_1566 : memref<512x2048xf32, #tpu.memory_space<any>>)
    %dma_wait3A_1571 = arith.constant 3 : i32
    %dma_wait3A_1572 = arith.constant 3 : i32
    %dma_wait3A_1573 = tpu.memref_slice %arg4[%dma_wait3A_1572] : memref<4x!tpu.dma_semaphore, #tpu.memory_space<semaphore_mem>> -> memref<1x!tpu.dma_semaphore, #tpu.memory_space<semaphore_mem>>
    %dma_wait3A_1574 = tpu.memref_squeeze %dma_wait3A_1573 : memref<1x!tpu.dma_semaphore, #tpu.memory_space<semaphore_mem>> -> memref<!tpu.dma_semaphore, #tpu.memory_space<semaphore_mem>>
    %dma_wait3A_1575 = arith.constant 17920 : i32
    %dma_wait3A_1576 = arith.constant 0 : i32
    %dma_wait3A_1577 = tpu.memref_slice %arg1[%dma_wait3A_1575, %dma_wait3A_1576] : memref<18432x2048xf32, #tpu.memory_space<any>> -> memref<512x2048xf32, #tpu.memory_space<any>>
    %dma_wait3A_1578 = arith.constant 0 : i32
    %dma_wait3A_1579 = arith.constant 0 : i32
    %dma_wait3A_1580 = tpu.memref_slice %arg2[%dma_wait3A_1571, %dma_wait3A_1578, %dma_wait3A_1579] : memref<4x512x2048xf32, #tpu.memory_space<vmem>> -> memref<1x512x2048xf32, #tpu.memory_space<vmem>>
    %dma_wait3A_1581 = tpu.memref_squeeze %dma_wait3A_1580 : memref<1x512x2048xf32, #tpu.memory_space<vmem>> -> memref<512x2048xf32, #tpu.memory_space<vmem>>
    tpu.wait_dma2 semaphore(%dma_wait3A_1574 : memref<!tpu.dma_semaphore, #tpu.memory_space<semaphore_mem>>) src(%dma_wait3A_1581 : memref<512x2048xf32, #tpu.memory_space<vmem>>) dst(%dma_wait3A_1577 : memref<512x2048xf32, #tpu.memory_space<any>>)
    return
  }
}

</mosaic_0001>

<sc_bundles>
// kernel: kernel.4.cloned.1.call-start
scs
__scs_entry_jumppad:
0x0: {  	(pc) =	sbr.rel $0x88, $3  }
0x1: {  	(tag) =	ssettag $0x0;
	lr =	simm.s32 $0x1  }
0x2: {  	[smem:$0x3FA0] =	sst lr;
	_ =	strace $0xD0000000  }
0x3: {  	_ = 	snop  }
0x4: {  	_ = 	snop  }
0x5: {  	_ = 	snop  }
0x6: {  	_ = 	snop  }
0x7: {  	_ = 	snop  }
__scs_overlays_trampoline_lowered:
0x8: {  	[smem:$0x3FAF] =	sst s0  }
0x9: {  	[smem:$0x3FB0] =	sst s1  }
0xa: {  	[smem:$0x3FB1] =	sst s2  }
0xb: {  	[smem:$0x3FB2] =	sst s3  }
0xc: {  	[smem:$0x3FB3] =	sst s4  }
0xd: {  	[smem:$0x3FB4] =	sst s5  }
0xe: {  	[smem:$0x3FB5] =	sst s6  }
0xf: {  	[smem:$0x3FB6] =	sst s7  }
0x10: {  	[smem:$0x3FB7] =	sst s8  }
0x11: {  	[smem:$0x3FB8] =	sst s9;
	s0 =	simm.s32 @!p0 $0x0  }
0x12: {  	s1 =	sld [smem:$0x3F9E];
	s0 =	simm.s32 @p0 $0x1  }
0x13: {  	[smem:$0x3FB9] =	sst s0;
	s0 =	simm.s32 @!p1 $0x0  }
0x14: {  	s2 =	sld [smem:$0x3F9D];
	s0 =	simm.s32 @p1 $0x1  }
0x15: {  	[smem:$0x3FBA] =	sst s0;
	s0 =	simm.s32 @!p2 $0x0  }
0x16: {  	s3 =	sld [smem:$0x3FDB];
	s0 =	simm.s32 @p2 $0x1  }
0x17: {  	s4 =	simm.s32 $0x1BF5;
	[smem:$0x3FBC] =	sst s0  }
0x18: {  	s0 =	sld [smem:$0x3F9F];
	_ =	swait.ge [sflag:s4], $0x0  }
0x19: {  	s7 =	sld [smem:$0x3FA0]  }
0x1a: {  	s8 =	sadd.s32 $0xFFFFE003, lr  }
0x1b: {  	s9 =	sadd.s32 $0xFFFFFEF7, lr;
	s5 =	simm.s32 $0xFFFFFFFF;
	p2 =	slt.u32 s8, $0xFFFFF086  }
0x1c: {  	p1 =	slt.u32 s9, $0xF7A;
	s5 =	simm.s32 @!p2 $0x0  }
0x1d: {  	s5 =	simm.s32 @p1 $0x1;
	p0 =	seq.s32 s7, s2  }
0x1e: {  	s7 =	smul.u32 @!p0 $0xF7A, s2;
	p2 =	seq.s32 @!p0 s5, $0x0  }
0x1f: {  	s9 =	smul.u32 $0xF7A, s1;
	s8 =	simm.s32 @!p0 $0x1BF5;
	p2 =	por !p2, p0  }
0x20: {  	[sflag:s8] =	ssyncset.s32 @!p0 $0xFFFFF086;
	s6 =	sadd.s32 @!p0 s3, s7;
	s7 =	simm.s32 @!p0 $0x108  }
0x21: {  	s3 =	sadd.s32 s3, s9;
	s6 =	sadd.s32 @!p0 $0x88, s6;
	s7 =	simm.s32 @p2 $0x1082  }
0x22: {  	[simem:s7], [sflag:s8] =	dma.local @!p0 [hbm:s6], $0xF7A  }
0x23: {  	s9 =	sor.u32 $0xD0000000, s2;
	s6 =	simm.s32 $0x108;
	_ =	swait.ge @!p0 [sflag:s8], $0x0  }
0x24: {  	s3 =	sadd.s32 $0x88, s3;
	s6 =	simm.s32 @!p1 $0x1082;
	[sflag:s4] =	ssyncset.s32 $0xFFFFF086  }
0x25: {  	[simem:s6], [sflag:s4] =	dma.local [hbm:s3], $0xF7A  }
0x26: {  	[smem:$0x3FA0] =	sst s1;
	(tag) =	ssettag s2;
	_ =	strace s9  }
0x27: {  	s1 =	sld [smem:$0x3FB0]  }
0x28: {  	s2 =	sld [smem:$0x3FB1]  }
0x29: {  	s4 =	sld [smem:$0x3FB3]  }
0x2a: {  	p0 =	seq.s32 s5, $0x0;
	s5 =	sld [smem:$0x3FB4]  }
0x2b: {  	s6 =	sld [smem:$0x3FB5]  }
0x2c: {  	s7 =	sld [smem:$0x3FB6]  }
0x2d: {  	s3 =	simm.s32 $0x108;
	s8 =	sld [smem:$0x3FB7]  }
0x2e: {  	s3 =	simm.s32 @!p0 $0x1082;
	s9 =	sld [smem:$0x3FB8]  }
0x2f: {  	lr =	sadd.s32 s0, s3;
	s0 =	sld [smem:$0x3FAF]  }
0x30: {  	s3 =	sld [smem:$0x3FB2]  }
0x31: {  	[smem:$0x3FBB] =	sst s10  }
0x32: {  	s10 =	sld [smem:$0x3FB9];
	_ =	sdelay $0x3  }
0x33: {  	p0 =	seq.s32 s10, $0x1;
	s10 =	sld [smem:$0x3FBB];
	_ =	sdelay $0x3  }
0x34: {  	[smem:$0x3FBB] =	sst s10  }
0x35: {  	s10 =	sld [smem:$0x3FBA];
	_ =	sdelay $0x3  }
0x36: {  	p1 =	seq.s32 s10, $0x1;
	s10 =	sld [smem:$0x3FBB];
	_ =	sdelay $0x3  }
0x37: {  	[smem:$0x3FBB] =	sst s10  }
0x38: {  	s10 =	sld [smem:$0x3FBC]  }
0x39: {  	_ = 	snop;
	(pc) =	sbr.ind lr, $3  }
0x3a: {  	_ = 	snop  }
0x3b: {  	_ = 	snop  }
0x3c: {  	p2 =	seq.s32 s10, $0x1;
	s10 =	sld [smem:$0x3FBB]  }
0x3d: {  	_ =	shalt  }
0x3e: {  	_ =	shalt  }
0x3f: {  	_ =	shalt  }
0x40: {  	_ =	shalt  }
0x41: {  	_ =	shalt  }
0x42: {  	_ =	shalt  }
0x43: {  	_ =	shalt  }
0x44: {  	_ =	shalt  }
0x45: {  	_ =	shalt  }
0x46: {  	_ =	shalt  }
0x47: {  	_ =	shalt  }
0x48: {  	_ =	shalt  }
0x49: {  	_ =	shalt  }
0x4a: {  	_ =	shalt  }
0x4b: {  	_ =	shalt  }
0x4c: {  	_ =	shalt  }
0x4d: {  	_ =	shalt  }
0x4e: {  	_ =	shalt  }
0x4f: {  	_ =	shalt  }
0x50: {  	_ =	shalt  }
0x51: {  	_ =	shalt  }
0x52: {  	_ =	shalt  }
0x53: {  	_ =	shalt  }
0x54: {  	_ =	shalt  }
0x55: {  	_ =	shalt  }
0x56: {  	_ =	shalt  }
0x57: {  	_ =	shalt  }
0x58: {  	_ =	shalt  }
0x59: {  	_ =	shalt  }
0x5a: {  	_ =	shalt  }
0x5b: {  	_ =	shalt  }
0x5c: {  	_ =	shalt  }
0x5d: {  	_ =	shalt  }
0x5e: {  	_ =	shalt  }
0x5f: {  	_ =	shalt  }
0x60: {  	_ =	shalt  }
0x61: {  	_ =	shalt  }
0x62: {  	_ =	shalt  }
0x63: {  	_ =	shalt  }
0x64: {  	_ =	shalt  }
0x65: {  	_ =	shalt  }
0x66: {  	_ =	shalt  }
0x67: {  	_ =	shalt  }
0x68: {  	_ =	shalt  }
0x69: {  	_ =	shalt  }
0x6a: {  	_ =	shalt  }
0x6b: {  	_ =	shalt  }
0x6c: {  	_ =	shalt  }
0x6d: {  	_ =	shalt  }
0x6e: {  	_ =	shalt  }
0x6f: {  	_ =	shalt  }
0x70: {  	_ =	shalt  }
0x71: {  	_ =	shalt  }
0x72: {  	_ =	shalt  }
0x73: {  	_ =	shalt  }
0x74: {  	_ =	shalt  }
0x75: {  	_ =	shalt  }
0x76: {  	_ =	shalt  }
0x77: {  	_ =	shalt  }
0x78: {  	_ =	shalt  }
0x79: {  	_ =	shalt  }
0x7a: {  	_ =	shalt  }
0x7b: {  	_ =	shalt  }
0x7c: {  	_ =	shalt  }
0x7d: {  	_ =	shalt  }
0x7e: {  	_ =	shalt  }
0x7f: {  	_ =	shalt  }
0x80: {  	_ =	shalt  }
0x81: {  	_ =	shalt  }
0x82: {  	_ =	shalt  }
0x83: {  	_ =	shalt  }
0x84: {  	_ =	shalt  }
0x85: {  	_ =	shalt  }
0x86: {  	_ =	shalt  }
0x87: {  	_ =	shalt  }
.Lfunc_end0:
.L_simem_size_0:
called_computation_lowered:
.L_overlay_start_0:
0x88: {  	s2 =	sld [smem:$0x3FD9]  }
0x89: {  	s3 =	sld [smem:$0x3FFE];
	_ =	sdelay $0x1  }
0x8a: {  	s1 =	srdreg.scid  }
0x8b: {  	s0 =	sand.u32 $0x1, s1  }
0x8c: {  	s17 =	sshll.u32 s0, $0xA;
	s2 =	sadd.s32 s3, s2  }
0x8d: {  	s2 =	sadd.s32 s2, s17  }
0x8e: {  	[smem:$0x3FC7] =	sst s2  }
0x8f: {  	_ = 	snop  }
0x90: {  	s2 =	sld [smem:$0x3FC9];
	(tm) =	ssettm $0x1  }
0x91: {  	s18 =	sld [smem:$0x3FFB];
	_ =	sdelay $0x3  }
0x92: {  	_ =	strace s18  }
0x93: {  	s3 =	sld [smem:$0x3FFC];
	_ =	sdelay $0x3  }
0x94: {  	_ =	strace s3  }
0x95: {  	s3 =	sld [smem:$0x3FFD];
	_ =	sdelay $0x3  }
0x96: {  	_ =	strace s3  }
0x97: {  	_ =	strace $0x8FFFFFFF  }
0x98: {  	s19 =	sld [smem:$0x3FDB];
	_ =	sdelay $0x1  }
0x99: {  	s4 =	simm.s32 $_scs_section_size  }
0x9a: {  	s5 =	simm.s32 $_size__tile_overlayer_lowered;
	s6 =	simm.s32 $_tile_overlayer_lowered  }
0x9b: {  	s22 =	simm.s32 $0x1BFF;
	s21 =	sshll.u32 s6, $0x1;
	s3 =	sadd.s32 s4, s19  }
0x9c: {  	s7 =	simm.s32 $0x0;
	s20 =	sshll.u32 s5, $0x1;
	s5 =	sadd.s32 s21, s3  }
0x9d: {  	[timem:s7], [sflag:s22] =	dma.local [hbm:s5], s20  }
0x9e: {  	_ =	swait.ge [sflag:s22], s20  }
0x9f: {  	s4 =	ssub.s32 $0x0, s20;
	[sflag:s22] =	ssyncset.done $0x0  }
0xa0: {  	[sflag:s22] =	ssyncadd.s32 s4;
	_ =	sdelay $0x1  }
0xa1: {  	s23 =	simm.s32 $0x1B8B  }
0xa2: {  	_ =	swait.ge [sflag:s23], $0x1  }
0xa3: {  	[sflag:s23] =	ssyncset.done $0x0  }
0xa4: {  	s25 =	simm.s32 $0x1B8E;
	s24 =	sld [smem:$0x3FFE];
	[sflag:s23] =	ssyncadd.s32 $0xFFFFFFFF  }
0xa5: {  	s26 =	simm.s32 $execute0_lowered;
	[smem:$0x3FD2] =	sst s25  }
0xa6: {  	s5 =	sshll.u32 s26, $0x1;
	_ =	strace $0x80000046;
	[dreg:$0x1] =	wrdreg $0xFFFFFFFF  }
0xa7: {  	s28 =	simm.s32 $_size_execute0_lowered;
	s3 =	sadd.s32 s3, s5;
	[dreg:$0x0] =	wrdreg $0x0  }
0xa8: {  	s5 =	sshll.u32 s28, $0x1;
	[dreg:$0x2] =	wrdreg s3  }
0xa9: {  	[dreg:$0x3] =	wrdreg s5  }
0xaa: {  	[dreg:$0x4] =	wrdreg $0xC0  }
0xab: {  	_ =	task [dreg:s7], $0x5FFFF  }
0xac: {  	[dreg:$0x1] =	wrdreg $0xFFFFFFFF  }
0xad: {  	[dreg:$0x0] =	wrdreg $0x60  }
0xae: {  	[dreg:$0x2] =	wrdreg s2  }
0xaf: {  	[dreg:$0x3] =	wrdreg s24  }
0xb0: {  	[dreg:$0x4] =	wrdreg $0x9  }
0xb1: {  	_ =	task.clear_ibuf [dreg:s7], $0x5FFFF;
	_ =	strace $0x90000046  }
0xb2: {  	s29 =	simm.s32 $0x9;
	_ =	strace $0x80000048  }
0xb3: {  	_ =	swait.ge [sflag:s29], $0x1  }
0xb4: {  	[sflag:s29] =	ssyncadd.s32 $0xFFFFFFFF  }
0xb5: {  	_ =	strace $0x90000048  }
0xb6: {  	_ =	sfence  }
0xb7: {  	s30 =	sld [smem:$0x0];
	_ =	sdelay $0x2  }
0xb8: {  	s31 =	sshll.u32 s1, $0xD;
	s1 =	sshrl.u32 s1, $0x2  }
0xb9: {  	s3 =	sand.u32 $0x4000, s31;
	s1 =	sadd.s32 s1, s30  }
0xba: {  	s0 =	sor.u32 s3, s0;
	s1 =	sshll.u32 s1, $0x11  }
0xbb: {  	s0 =	sor.u32 s1, s0  }
0xbc: {  	s0 =	sadd.s32 $0x8F2B, s0  }
0xbd: {  	[sflag:s0] =	ssyncadd.remote.s32 $0x1  }
0xbe: {  	_ =	sfence.sel $0xFFFF  }
0xbf: {  	[dreg:$0x0] =	wrdreg $0xFFFFFFFF;
	(pc) =	sbr.abs _section_cstart, $3  }
0xc0: {  	[dreg:$0x1] =	wrdreg $0xFFFFFFFF  }
0xc1: {  	_ =	task.clear_ibuf [dreg:s7], $0x2FFFF;
	_ =	strace $0x9FFFFFFF  }
0xc2: {  	(tm) =	ssettm $0x7FFFFFFF  }
0xc3: {  	_ =	shalt  }
tec
execute0_lowered:
.L_overlay_start_1:
0x0: {  	(tag) =	ssettag $0x1  }
0x1: {  	s0 =	srdreg.scid;
	s1 =	stileid.u32  }
0x2: {  	s3 =	sand.u32 $0x1, s0;
	s16 =	sshll.u32 s1, $0x1  }
0x3: {  	s0 =	sor.u32 s3, s16  }
0x4: {  	s4 =	smul.u32 $0xE0000, s0  }
0x5: {  	s5 =	rddreg [dreg:$0x1];
	s0 =	smul.u32 $0x1C000, s0  }
0x6: {  	s2 =	simm.s32 $0x0;
	s5 =	sadd.s32 $0x400, s5  }
0x7: {  	[smem:$0x7FF] =	sst s2;
	s31 =	sadd.s32 s5, s0  }
0x8: {  	s17 =	rddreg [dreg:$0x0];
	_ =	strace $0x80000047;
	s20 =	sadd.s32 $0x1000, s31  }
0x9: {  	s4 =	sshrl.u32 s4, $0x3;
	s22 =	sadd.s32 $0x2000, s31;
	[dreg:$0x6] =	wrdreg s20  }
0xa: {  	s1 =	sadd.s32 s17, s4;
	s24 =	sadd.s32 $0x3000, s31;
	[dreg:$0x8] =	wrdreg s22  }
0xb: {  	s6 =	sadd.s32 $0x480000, s1;
	[dreg:$0xa] =	wrdreg s24  }
0xc: {  	s18 =	sadd.s32 $0x481000, s1;
	[dreg:$0x3] =	wrdreg s6  }
0xd: {  	s19 =	sadd.s32 $0x482000, s1;
	[dreg:$0x4] =	wrdreg s18  }
0xe: {  	s21 =	sadd.s32 $0x483000, s1;
	[dreg:$0x5] =	wrdreg s19  }
0xf: {  	s23 =	sadd.s32 $0x484000, s1;
	[dreg:$0x7] =	wrdreg s21  }
0x10: {  	s5 =	sadd.s32 s5, s4;
	s25 =	sadd.s32 $0x485000, s1;
	[dreg:$0x9] =	wrdreg s23  }
0x11: {  	s26 =	sadd.s32 $0x4000, s5;
	[dreg:$0xb] =	wrdreg s25  }
0x12: {  	s4 =	sadd.s32 $0x486000, s1;
	[dreg:$0xc] =	wrdreg s26  }
0x13: {  	s7 =	sadd.s32 $0x487000, s1;
	[dreg:$0xd] =	wrdreg s4  }
0x14: {  	s8 =	sadd.s32 $0x6000, s5;
	[dreg:$0xf] =	wrdreg s7  }
0x15: {  	s9 =	sadd.s32 $0x488000, s1;
	[dreg:$0x10] =	wrdreg s8  }
0x16: {  	s10 =	sadd.s32 $0x7000, s5;
	[dreg:$0x11] =	wrdreg s9  }
0x17: {  	s11 =	sadd.s32 $0x489000, s1;
	[dreg:$0x12] =	wrdreg s10  }
0x18: {  	s12 =	sadd.s32 $0x8000, s5;
	[dreg:$0x13] =	wrdreg s11  }
0x19: {  	p0 =	por $0x0, $0x0;
	s13 =	sadd.s32 $0x48A000, s1;
	[dreg:$0x14] =	wrdreg s12  }
0x1a: {  	s3 =	ssub.s32 $0x2, s3;
	s14 =	sadd.s32 $0x9000, s5;
	[dreg:$0x15] =	wrdreg s13  }
0x1b: {  	s15 =	sadd.s32 $0x48B000, s1;
	s16 =	sadd.s32 $0xA000, s5;
	[dreg:$0x16] =	wrdreg s14  }
0x1c: {  	s17 =	sadd.s32 $0x48C000, s1;
	s20 =	sadd.s32 $0xC000, s5;
	[dreg:$0x17] =	wrdreg s15  }
0x1d: {  	s22 =	sadd.s32 $0xD000, s5;
	s24 =	sadd.s32 $0xE000, s5;
	[dreg:$0x18] =	wrdreg s16  }
0x1e: {  	s30 =	sadd.s32 $0x10000, s5;
	s29 =	sadd.s32 $0x492000, s1;
	[dreg:$0x19] =	wrdreg s17  }
0x1f: {  	s28 =	sadd.s32 $0x11000, s5;
	s6 =	sadd.s32 $0x5000, s5;
	[dreg:$0x1c] =	wrdreg s20  }
0x20: {  	s18 =	sadd.s32 $0xB000, s5;
	s19 =	sadd.s32 $0x48D000, s1;
	[dreg:$0x1e] =	wrdreg s22  }
0x21: {  	s21 =	sadd.s32 $0x48E000, s1;
	s23 =	sadd.s32 $0x48F000, s1;
	[smem:$0x7FA] =	sst s24  }
0x22: {  	s25 =	sadd.s32 $0x490000, s1;
	s26 =	sshrl.u32 s3, $0x1;
	s10 =	sadd.s32 $0x491000, s1  }
0x23: {  	s24 =	sadd.s32 $0x494000, s1;
	s22 =	sadd.s32 $0x495000, s1;
	s20 =	sadd.s32 $0x496000, s1  }
0x24: {  	s17 =	sadd.s32 $0x16000, s5;
	s16 =	sadd.s32 $0x498000, s1;
	[dreg:$0xe] =	wrdreg s6  }
0x25: {  	s15 =	sadd.s32 $0x17000, s5;
	s14 =	sadd.s32 $0x499000, s1;
	[dreg:$0x1a] =	wrdreg s18  }
0x26: {  	s13 =	sadd.s32 $0x18000, s5;
	s12 =	sadd.s32 $0x49A000, s1;
	[dreg:$0x1b] =	wrdreg s19  }
0x27: {  	s9 =	sadd.s32 $0x19000, s5;
	s8 =	sadd.s32 $0x49B000, s1;
	[dreg:$0x1d] =	wrdreg s21  }
0x28: {  	s4 =	sadd.s32 $0x1A000, s5;
	[dreg:$0x1f] =	wrdreg s23;
	s7 =	ssub.s32 s3, s26  }
0x29: {  	[smem:$0x7FB] =	sst s25;
	s6 =	sadd.s32 $0xF000, s5;
	s11 =	smax.u32 s7, $0x1  }
0x2a: {  	[smem:$0x7FD] =	sst s10;
	s26 =	sadd.s32 $0x493000, s1;
	p1 =	sne.s32 s11, $0x1  }
.Ltmp0:
0x2b: {  	s25 =	sadd.s32 $0x12000, s5;
	s23 =	sadd.s32 $0x13000, s5;
	(pc) =	sbr.rel @!p1 .LBB2_3-.Ltmp0, $4  }
0x2c: {  	s21 =	sadd.s32 $0x14000, s5;
	s19 =	sadd.s32 $0x15000, s5;
	s18 =	sadd.s32 $0x497000, s1  }
0x2d: {  	s3 =	sadd.s32 $0x1B000, s5;
	s10 =	simm.s32 $0x2;
	s0 =	rddreg [dreg:$0x3]  }
0x2e: {  	s5 =	simm.s32 $0x4;
	[smem:$0x7FC] =	sst s6;
	s7 =	simm.s32 $0x8000  }
0x2f: {  	s6 =	simm.s32 $0x3;
	s1 =	sadd.s32 $0xFFFFFFFF, s11;
	s11 =	simm.s32 $0x1  }
0x30: {  	[smem:$0x7F9] =	sst s1  }
0x31: {  	[tilespmem:s2], [sflag:$0x1] =	stream.linear.gather [hbm4b:s0+s2], $0x8000, $0x38;
	[tilespmem:$0x10000] =	vst v63  }
0x32: {  	s1 =	rddreg [dreg:$0x4]  }
0x33: {  	[tilespmem:s7], [sflag:$0x2] =	stream.linear.gather [hbm4b:s1+s2], $0x8000, $0x38;
	[tilespmem:$0x10000] =	vst v63  }
0x34: {  	_ =	swait.ge [sflag:s11], $0x8000  }
0x35: {  	[sflag:s11] =	ssyncset.done $0x0  }
0x36: {  	[sflag:s11] =	ssyncadd.s32 $0xFFFF8000  }
0x37: {  	[hbm4b:s31+s2] =	stream.linear.scatter [tilespmem:s2], [sflag:$0x3], $0x8000, $0x38;
	[tilespmem:$0x10000] =	vst v63  }
0x38: {  	_ =	swait.ge [sflag:s6], $0x8000  }
0x39: {  	[sflag:s6] =	ssyncset.done $0x0  }
0x3a: {  	s1 =	rddreg [dreg:$0x5];
	[sflag:s6] =	ssyncadd.s32 $0xFFFF8000  }
0x3b: {  	[tilespmem:s2], [sflag:$0x1] =	stream.linear.gather [hbm4b:s1+s2], $0x8000, $0x38;
	[tilespmem:$0x10000] =	vst v63  }
0x3c: {  	_ =	swait.ge [sflag:s10], $0x8000  }
0x3d: {  	[sflag:s10] =	ssyncset.done $0x0  }
0x3e: {  	s1 =	rddreg [dreg:$0x6];
	[sflag:s10] =	ssyncadd.s32 $0xFFFF8000  }
0x3f: {  	[hbm4b:s1+s2] =	stream.linear.scatter [tilespmem:s7], [sflag:$0x4], $0x8000, $0x38;
	[tilespmem:$0x10000] =	vst v63  }
0x40: {  	_ =	swait.ge [sflag:s5], $0x8000  }
0x41: {  	[sflag:s5] =	ssyncset.done $0x0  }
0x42: {  	s1 =	rddreg [dreg:$0x7];
	[sflag:s5] =	ssyncadd.s32 $0xFFFF8000  }
0x43: {  	[tilespmem:s7], [sflag:$0x2] =	stream.linear.gather [hbm4b:s1+s2], $0x8000, $0x38;
	[tilespmem:$0x10000] =	vst v63  }
0x44: {  	_ =	swait.ge [sflag:s11], $0x8000  }
0x45: {  	[sflag:s11] =	ssyncset.done $0x0  }
0x46: {  	s1 =	rddreg [dreg:$0x8];
	[sflag:s11] =	ssyncadd.s32 $0xFFFF8000  }
0x47: {  	[hbm4b:s1+s2] =	stream.linear.scatter [tilespmem:s2], [sflag:$0x3], $0x8000, $0x38;
	[tilespmem:$0x10000] =	vst v63  }
0x48: {  	_ =	swait.ge [sflag:s6], $0x8000  }
0x49: {  	[sflag:s6] =	ssyncset.done $0x0  }
0x4a: {  	s1 =	rddreg [dreg:$0x9];
	[sflag:s6] =	ssyncadd.s32 $0xFFFF8000  }
0x4b: {  	[tilespmem:s2], [sflag:$0x1] =	stream.linear.gather [hbm4b:s1+s2], $0x8000, $0x38;
	[tilespmem:$0x10000] =	vst v63  }
0x4c: {  	_ =	swait.ge [sflag:s10], $0x8000  }
0x4d: {  	[sflag:s10] =	ssyncset.done $0x0  }
0x4e: {  	s1 =	rddreg [dreg:$0xa];
	[sflag:s10] =	ssyncadd.s32 $0xFFFF8000  }
0x4f: {  	[hbm4b:s1+s2] =	stream.linear.scatter [tilespmem:s7], [sflag:$0x4], $0x8000, $0x38;
	[tilespmem:$0x10000] =	vst v63  }
0x50: {  	_ =	swait.ge [sflag:s5], $0x8000  }
0x51: {  	[sflag:s5] =	ssyncset.done $0x0  }
0x52: {  	s1 =	rddreg [dreg:$0xb];
	[sflag:s5] =	ssyncadd.s32 $0xFFFF8000  }
0x53: {  	[tilespmem:s7], [sflag:$0x2] =	stream.linear.gather [hbm4b:s1+s2], $0x8000, $0x38;
	[tilespmem:$0x10000] =	vst v63  }
0x54: {  	_ =	swait.ge [sflag:s11], $0x8000  }
0x55: {  	[sflag:s11] =	ssyncset.done $0x0  }
0x56: {  	s1 =	rddreg [dreg:$0xc];
	[sflag:s11] =	ssyncadd.s32 $0xFFFF8000  }
0x57: {  	[hbm4b:s1+s2] =	stream.linear.scatter [tilespmem:s2], [sflag:$0x3], $0x8000, $0x38;
	[tilespmem:$0x10000] =	vst v63  }
0x58: {  	_ =	swait.ge [sflag:s6], $0x8000  }
0x59: {  	[sflag:s6] =	ssyncset.done $0x0  }
0x5a: {  	s1 =	rddreg [dreg:$0xd];
	[sflag:s6] =	ssyncadd.s32 $0xFFFF8000  }
0x5b: {  	[tilespmem:s2], [sflag:$0x1] =	stream.linear.gather [hbm4b:s1+s2], $0x8000, $0x38;
	[tilespmem:$0x10000] =	vst v63  }
0x5c: {  	_ =	swait.ge [sflag:s10], $0x8000  }
0x5d: {  	[sflag:s10] =	ssyncset.done $0x0  }
0x5e: {  	s1 =	rddreg [dreg:$0xe];
	[sflag:s10] =	ssyncadd.s32 $0xFFFF8000  }
0x5f: {  	[hbm4b:s1+s2] =	stream.linear.scatter [tilespmem:s7], [sflag:$0x4], $0x8000, $0x38;
	[tilespmem:$0x10000] =	vst v63  }
0x60: {  	_ =	swait.ge [sflag:s5], $0x8000  }
0x61: {  	[sflag:s5] =	ssyncset.done $0x0  }
0x62: {  	s1 =	rddreg [dreg:$0xf];
	[sflag:s5] =	ssyncadd.s32 $0xFFFF8000  }
0x63: {  	[tilespmem:s7], [sflag:$0x2] =	stream.linear.gather [hbm4b:s1+s2], $0x8000, $0x38;
	[tilespmem:$0x10000] =	vst v63  }
0x64: {  	_ =	swait.ge [sflag:s11], $0x8000  }
0x65: {  	[sflag:s11] =	ssyncset.done $0x0  }
0x66: {  	s1 =	rddreg [dreg:$0x10];
	[sflag:s11] =	ssyncadd.s32 $0xFFFF8000  }
0x67: {  	[hbm4b:s1+s2] =	stream.linear.scatter [tilespmem:s2], [sflag:$0x3], $0x8000, $0x38;
	[tilespmem:$0x10000] =	vst v63  }
0x68: {  	_ =	swait.ge [sflag:s6], $0x8000  }
0x69: {  	[sflag:s6] =	ssyncset.done $0x0  }
0x6a: {  	s1 =	rddreg [dreg:$0x11];
	[sflag:s6] =	ssyncadd.s32 $0xFFFF8000  }
0x6b: {  	[tilespmem:s2], [sflag:$0x1] =	stream.linear.gather [hbm4b:s1+s2], $0x8000, $0x38;
	[tilespmem:$0x10000] =	vst v63  }
0x6c: {  	_ =	swait.ge [sflag:s10], $0x8000  }
0x6d: {  	[sflag:s10] =	ssyncset.done $0x0  }
0x6e: {  	s1 =	rddreg [dreg:$0x12];
	[sflag:s10] =	ssyncadd.s32 $0xFFFF8000  }
0x6f: {  	[hbm4b:s1+s2] =	stream.linear.scatter [tilespmem:s7], [sflag:$0x4], $0x8000, $0x38;
	[tilespmem:$0x10000] =	vst v63  }
0x70: {  	_ =	swait.ge [sflag:s5], $0x8000  }
0x71: {  	[sflag:s5] =	ssyncset.done $0x0  }
0x72: {  	s1 =	rddreg [dreg:$0x13];
	[sflag:s5] =	ssyncadd.s32 $0xFFFF8000  }
0x73: {  	[tilespmem:s7], [sflag:$0x2] =	stream.linear.gather [hbm4b:s1+s2], $0x8000, $0x38;
	[tilespmem:$0x10000] =	vst v63  }
0x74: {  	_ =	swait.ge [sflag:s11], $0x8000  }
0x75: {  	[sflag:s11] =	ssyncset.done $0x0  }
0x76: {  	s1 =	rddreg [dreg:$0x14];
	[sflag:s11] =	ssyncadd.s32 $0xFFFF8000  }
0x77: {  	[hbm4b:s1+s2] =	stream.linear.scatter [tilespmem:s2], [sflag:$0x3], $0x8000, $0x38;
	[tilespmem:$0x10000] =	vst v63  }
0x78: {  	_ =	swait.ge [sflag:s6], $0x8000  }
0x79: {  	[sflag:s6] =	ssyncset.done $0x0  }
0x7a: {  	s1 =	rddreg [dreg:$0x15];
	[sflag:s6] =	ssyncadd.s32 $0xFFFF8000  }
0x7b: {  	[tilespmem:s2], [sflag:$0x1] =	stream.linear.gather [hbm4b:s1+s2], $0x8000, $0x38;
	[tilespmem:$0x10000] =	vst v63  }
0x7c: {  	_ =	swait.ge [sflag:s10], $0x8000  }
0x7d: {  	[sflag:s10] =	ssyncset.done $0x0  }
0x7e: {  	s1 =	rddreg [dreg:$0x16];
	[sflag:s10] =	ssyncadd.s32 $0xFFFF8000  }
0x7f: {  	[hbm4b:s1+s2] =	stream.linear.scatter [tilespmem:s7], [sflag:$0x4], $0x8000, $0x38;
	[tilespmem:$0x10000] =	vst v63  }
0x80: {  	_ =	swait.ge [sflag:s5], $0x8000  }
0x81: {  	[sflag:s5] =	ssyncset.done $0x0  }
0x82: {  	s1 =	rddreg [dreg:$0x17];
	[sflag:s5] =	ssyncadd.s32 $0xFFFF8000  }
0x83: {  	[tilespmem:s7], [sflag:$0x2] =	stream.linear.gather [hbm4b:s1+s2], $0x8000, $0x38;
	[tilespmem:$0x10000] =	vst v63  }
0x84: {  	_ =	swait.ge [sflag:s11], $0x8000  }
0x85: {  	[sflag:s11] =	ssyncset.done $0x0  }
0x86: {  	s1 =	rddreg [dreg:$0x18];
	[sflag:s11] =	ssyncadd.s32 $0xFFFF8000  }
0x87: {  	[hbm4b:s1+s2] =	stream.linear.scatter [tilespmem:s2], [sflag:$0x3], $0x8000, $0x38;
	[tilespmem:$0x10000] =	vst v63  }
0x88: {  	_ =	swait.ge [sflag:s6], $0x8000  }
0x89: {  	[sflag:s6] =	ssyncset.done $0x0  }
0x8a: {  	s1 =	rddreg [dreg:$0x19];
	[sflag:s6] =	ssyncadd.s32 $0xFFFF8000  }
0x8b: {  	[tilespmem:s2], [sflag:$0x1] =	stream.linear.gather [hbm4b:s1+s2], $0x8000, $0x38;
	[tilespmem:$0x10000] =	vst v63  }
0x8c: {  	_ =	swait.ge [sflag:s10], $0x8000  }
0x8d: {  	[sflag:s10] =	ssyncset.done $0x0  }
0x8e: {  	s1 =	rddreg [dreg:$0x1a];
	[sflag:s10] =	ssyncadd.s32 $0xFFFF8000  }
0x8f: {  	[hbm4b:s1+s2] =	stream.linear.scatter [tilespmem:s7], [sflag:$0x4], $0x8000, $0x38;
	[tilespmem:$0x10000] =	vst v63  }
0x90: {  	_ =	swait.ge [sflag:s5], $0x8000  }
0x91: {  	[sflag:s5] =	ssyncset.done $0x0  }
0x92: {  	s1 =	rddreg [dreg:$0x1b];
	[sflag:s5] =	ssyncadd.s32 $0xFFFF8000  }
0x93: {  	[tilespmem:s7], [sflag:$0x2] =	stream.linear.gather [hbm4b:s1+s2], $0x8000, $0x38;
	[tilespmem:$0x10000] =	vst v63  }
0x94: {  	_ =	swait.ge [sflag:s11], $0x8000  }
0x95: {  	[sflag:s11] =	ssyncset.done $0x0  }
0x96: {  	s1 =	rddreg [dreg:$0x1c];
	[sflag:s11] =	ssyncadd.s32 $0xFFFF8000  }
0x97: {  	[hbm4b:s1+s2] =	stream.linear.scatter [tilespmem:s2], [sflag:$0x3], $0x8000, $0x38;
	[tilespmem:$0x10000] =	vst v63  }
0x98: {  	_ =	swait.ge [sflag:s6], $0x8000  }
0x99: {  	[sflag:s6] =	ssyncset.done $0x0  }
0x9a: {  	s1 =	rddreg [dreg:$0x1d];
	[sflag:s6] =	ssyncadd.s32 $0xFFFF8000  }
0x9b: {  	[tilespmem:s2], [sflag:$0x1] =	stream.linear.gather [hbm4b:s1+s2], $0x8000, $0x38;
	[tilespmem:$0x10000] =	vst v63  }
0x9c: {  	_ =	swait.ge [sflag:s10], $0x8000  }
0x9d: {  	[sflag:s10] =	ssyncset.done $0x0  }
0x9e: {  	s1 =	rddreg [dreg:$0x1e];
	[sflag:s10] =	ssyncadd.s32 $0xFFFF8000  }
0x9f: {  	[hbm4b:s1+s2] =	stream.linear.scatter [tilespmem:s7], [sflag:$0x4], $0x8000, $0x38;
	[tilespmem:$0x10000] =	vst v63  }
0xa0: {  	_ =	swait.ge [sflag:s5], $0x8000  }
0xa1: {  	[sflag:s5] =	ssyncset.done $0x0  }
0xa2: {  	s1 =	rddreg [dreg:$0x1f];
	[sflag:s5] =	ssyncadd.s32 $0xFFFF8000  }
0xa3: {  	[tilespmem:s7], [sflag:$0x2] =	stream.linear.gather [hbm4b:s1+s2], $0x8000, $0x38;
	[tilespmem:$0x10000] =	vst v63  }
0xa4: {  	_ =	swait.ge [sflag:s11], $0x8000  }
0xa5: {  	s1 =	sld [smem:$0x7FA]  }
0xa6: {  	[sflag:s11] =	ssyncset.done $0x0  }
0xa7: {  	[sflag:s11] =	ssyncadd.s32 $0xFFFF8000  }
0xa8: {  	[hbm4b:s1+s2] =	stream.linear.scatter [tilespmem:s2], [sflag:$0x3], $0x8000, $0x38;
	[tilespmem:$0x10000] =	vst v63  }
0xa9: {  	_ =	swait.ge [sflag:s6], $0x8000  }
0xaa: {  	s1 =	sld [smem:$0x7FB]  }
0xab: {  	[sflag:s6] =	ssyncset.done $0x0  }
0xac: {  	[sflag:s6] =	ssyncadd.s32 $0xFFFF8000  }
0xad: {  	[tilespmem:s2], [sflag:$0x1] =	stream.linear.gather [hbm4b:s1+s2], $0x8000, $0x38;
	[tilespmem:$0x10000] =	vst v63  }
0xae: {  	_ =	swait.ge [sflag:s10], $0x8000  }
0xaf: {  	s1 =	sld [smem:$0x7FC]  }
0xb0: {  	[sflag:s10] =	ssyncset.done $0x0  }
0xb1: {  	[sflag:s10] =	ssyncadd.s32 $0xFFFF8000  }
0xb2: {  	[hbm4b:s1+s2] =	stream.linear.scatter [tilespmem:s7], [sflag:$0x4], $0x8000, $0x38;
	[tilespmem:$0x10000] =	vst v63  }
0xb3: {  	_ =	swait.ge [sflag:s5], $0x8000  }
0xb4: {  	s1 =	sld [smem:$0x7FD]  }
0xb5: {  	[sflag:s5] =	ssyncset.done $0x0  }
0xb6: {  	[sflag:s5] =	ssyncadd.s32 $0xFFFF8000  }
0xb7: {  	[tilespmem:s7], [sflag:$0x2] =	stream.linear.gather [hbm4b:s1+s2], $0x8000, $0x38;
	[tilespmem:$0x10000] =	vst v63  }
0xb8: {  	_ =	swait.ge [sflag:s11], $0x8000  }
0xb9: {  	[sflag:s11] =	ssyncset.done $0x0  }
0xba: {  	[sflag:s11] =	ssyncadd.s32 $0xFFFF8000  }
0xbb: {  	[hbm4b:s30+s2] =	stream.linear.scatter [tilespmem:s2], [sflag:$0x3], $0x8000, $0x38;
	[tilespmem:$0x10000] =	vst v63  }
0xbc: {  	_ =	swait.ge [sflag:s6], $0x8000  }
0xbd: {  	[sflag:s6] =	ssyncset.done $0x0  }
0xbe: {  	[sflag:s6] =	ssyncadd.s32 $0xFFFF8000  }
0xbf: {  	[tilespmem:s2], [sflag:$0x1] =	stream.linear.gather [hbm4b:s29+s2], $0x8000, $0x38;
	[tilespmem:$0x10000] =	vst v63  }
0xc0: {  	_ =	swait.ge [sflag:s10], $0x8000  }
0xc1: {  	[sflag:s10] =	ssyncset.done $0x0  }
0xc2: {  	[sflag:s10] =	ssyncadd.s32 $0xFFFF8000  }
0xc3: {  	[hbm4b:s28+s2] =	stream.linear.scatter [tilespmem:s7], [sflag:$0x4], $0x8000, $0x38;
	[tilespmem:$0x10000] =	vst v63  }
0xc4: {  	_ =	swait.ge [sflag:s5], $0x8000  }
0xc5: {  	[sflag:s5] =	ssyncset.done $0x0  }
0xc6: {  	[sflag:s5] =	ssyncadd.s32 $0xFFFF8000  }
0xc7: {  	[tilespmem:s7], [sflag:$0x2] =	stream.linear.gather [hbm4b:s26+s2], $0x8000, $0x38;
	[tilespmem:$0x10000] =	vst v63  }
0xc8: {  	_ =	swait.ge [sflag:s11], $0x8000  }
0xc9: {  	[sflag:s11] =	ssyncset.done $0x0  }
0xca: {  	[sflag:s11] =	ssyncadd.s32 $0xFFFF8000  }
0xcb: {  	[hbm4b:s25+s2] =	stream.linear.scatter [tilespmem:s2], [sflag:$0x3], $0x8000, $0x38;
	[tilespmem:$0x10000] =	vst v63  }
0xcc: {  	_ =	swait.ge [sflag:s6], $0x8000  }
0xcd: {  	[sflag:s6] =	ssyncset.done $0x0  }
0xce: {  	[sflag:s6] =	ssyncadd.s32 $0xFFFF8000  }
0xcf: {  	[tilespmem:s2], [sflag:$0x1] =	stream.linear.gather [hbm4b:s24+s2], $0x8000, $0x38;
	[tilespmem:$0x10000] =	vst v63  }
0xd0: {  	_ =	swait.ge [sflag:s10], $0x8000  }
0xd1: {  	[sflag:s10] =	ssyncset.done $0x0  }
0xd2: {  	[sflag:s10] =	ssyncadd.s32 $0xFFFF8000  }
0xd3: {  	[hbm4b:s23+s2] =	stream.linear.scatter [tilespmem:s7], [sflag:$0x4], $0x8000, $0x38;
	[tilespmem:$0x10000] =	vst v63  }
0xd4: {  	_ =	swait.ge [sflag:s5], $0x8000  }
0xd5: {  	[sflag:s5] =	ssyncset.done $0x0  }
0xd6: {  	[sflag:s5] =	ssyncadd.s32 $0xFFFF8000  }
0xd7: {  	[tilespmem:s7], [sflag:$0x2] =	stream.linear.gather [hbm4b:s22+s2], $0x8000, $0x38;
	[tilespmem:$0x10000] =	vst v63  }
0xd8: {  	_ =	swait.ge [sflag:s11], $0x8000  }
0xd9: {  	[sflag:s11] =	ssyncset.done $0x0  }
0xda: {  	[sflag:s11] =	ssyncadd.s32 $0xFFFF8000  }
0xdb: {  	[hbm4b:s21+s2] =	stream.linear.scatter [tilespmem:s2], [sflag:$0x3], $0x8000, $0x38;
	[tilespmem:$0x10000] =	vst v63  }
0xdc: {  	_ =	swait.ge [sflag:s6], $0x8000  }
0xdd: {  	[sflag:s6] =	ssyncset.done $0x0  }
0xde: {  	[sflag:s6] =	ssyncadd.s32 $0xFFFF8000  }
0xdf: {  	[tilespmem:s2], [sflag:$0x1] =	stream.linear.gather [hbm4b:s20+s2], $0x8000, $0x38;
	[tilespmem:$0x10000] =	vst v63  }
0xe0: {  	_ =	swait.ge [sflag:s10], $0x8000  }
0xe1: {  	[sflag:s10] =	ssyncset.done $0x0  }
0xe2: {  	[sflag:s10] =	ssyncadd.s32 $0xFFFF8000  }
0xe3: {  	[hbm4b:s19+s2] =	stream.linear.scatter [tilespmem:s7], [sflag:$0x4], $0x8000, $0x38;
	[tilespmem:$0x10000] =	vst v63  }
0xe4: {  	_ =	swait.ge [sflag:s5], $0x8000  }
0xe5: {  	[sflag:s5] =	ssyncset.done $0x0  }
0xe6: {  	[sflag:s5] =	ssyncadd.s32 $0xFFFF8000  }
0xe7: {  	[tilespmem:s7], [sflag:$0x2] =	stream.linear.gather [hbm4b:s18+s2], $0x8000, $0x38;
	[tilespmem:$0x10000] =	vst v63  }
0xe8: {  	_ =	swait.ge [sflag:s11], $0x8000  }
0xe9: {  	[sflag:s11] =	ssyncset.done $0x0  }
0xea: {  	[sflag:s11] =	ssyncadd.s32 $0xFFFF8000  }
0xeb: {  	[hbm4b:s17+s2] =	stream.linear.scatter [tilespmem:s2], [sflag:$0x3], $0x8000, $0x38;
	[tilespmem:$0x10000] =	vst v63  }
0xec: {  	_ =	swait.ge [sflag:s6], $0x8000  }
0xed: {  	[sflag:s6] =	ssyncset.done $0x0  }
0xee: {  	[sflag:s6] =	ssyncadd.s32 $0xFFFF8000  }
0xef: {  	[tilespmem:s2], [sflag:$0x1] =	stream.linear.gather [hbm4b:s16+s2], $0x8000, $0x38;
	[tilespmem:$0x10000] =	vst v63  }
0xf0: {  	_ =	swait.ge [sflag:s10], $0x8000  }
0xf1: {  	[sflag:s10] =	ssyncset.done $0x0  }
0xf2: {  	[sflag:s10] =	ssyncadd.s32 $0xFFFF8000  }
0xf3: {  	[hbm4b:s15+s2] =	stream.linear.scatter [tilespmem:s7], [sflag:$0x4], $0x8000, $0x38;
	[tilespmem:$0x10000] =	vst v63  }
0xf4: {  	_ =	swait.ge [sflag:s5], $0x8000  }
0xf5: {  	[sflag:s5] =	ssyncset.done $0x0  }
0xf6: {  	[sflag:s5] =	ssyncadd.s32 $0xFFFF8000  }
0xf7: {  	[tilespmem:s7], [sflag:$0x2] =	stream.linear.gather [hbm4b:s14+s2], $0x8000, $0x38;
	[tilespmem:$0x10000] =	vst v63  }
0xf8: {  	_ =	swait.ge [sflag:s11], $0x8000  }
0xf9: {  	[sflag:s11] =	ssyncset.done $0x0  }
0xfa: {  	[sflag:s11] =	ssyncadd.s32 $0xFFFF8000  }
0xfb: {  	[hbm4b:s13+s2] =	stream.linear.scatter [tilespmem:s2], [sflag:$0x3], $0x8000, $0x38;
	[tilespmem:$0x10000] =	vst v63  }
0xfc: {  	_ =	swait.ge [sflag:s6], $0x8000  }
0xfd: {  	[sflag:s6] =	ssyncset.done $0x0  }
0xfe: {  	[sflag:s6] =	ssyncadd.s32 $0xFFFF8000  }
0xff: {  	[tilespmem:s2], [sflag:$0x1] =	stream.linear.gather [hbm4b:s12+s2], $0x8000, $0x38;
	[tilespmem:$0x10000] =	vst v63  }
0x100: {  	_ =	swait.ge [sflag:s10], $0x8000  }
0x101: {  	[sflag:s10] =	ssyncset.done $0x0  }
0x102: {  	[sflag:s10] =	ssyncadd.s32 $0xFFFF8000  }
0x103: {  	[hbm4b:s9+s2] =	stream.linear.scatter [tilespmem:s7], [sflag:$0x4], $0x8000, $0x38;
	[tilespmem:$0x10000] =	vst v63  }
0x104: {  	_ =	swait.ge [sflag:s5], $0x8000  }
0x105: {  	[sflag:s5] =	ssyncset.done $0x0  }
0x106: {  	[sflag:s5] =	ssyncadd.s32 $0xFFFF8000  }
0x107: {  	[tilespmem:s7], [sflag:$0x2] =	stream.linear.gather [hbm4b:s8+s2], $0x8000, $0x38;
	[tilespmem:$0x10000] =	vst v63  }
0x108: {  	_ =	swait.ge [sflag:s11], $0x8000  }
0x109: {  	[sflag:s11] =	ssyncset.done $0x0  }
0x10a: {  	[sflag:s11] =	ssyncadd.s32 $0xFFFF8000  }
0x10b: {  	[hbm4b:s4+s2] =	stream.linear.scatter [tilespmem:s2], [sflag:$0x3], $0x8000, $0x38;
	[tilespmem:$0x10000] =	vst v63  }
0x10c: {  	_ =	swait.ge [sflag:s10], $0x8000  }
0x10d: {  	[sflag:s10] =	ssyncset.done $0x0  }
0x10e: {  	[sflag:s10] =	ssyncadd.s32 $0xFFFF8000  }
0x10f: {  	[hbm4b:s3+s2] =	stream.linear.scatter [tilespmem:s7], [sflag:$0x4], $0x8000, $0x38;
	[tilespmem:$0x10000] =	vst v63  }
0x110: {  	_ =	swait.ge [sflag:s6], $0x8000  }
0x111: {  	s1 =	sld [smem:$0x7F9];
	_ =	sdelay $0x2  }
0x112: {  	p1 =	sne.s32 s1, $0x1  }
.Ltmp1:
0x113: {  	_ = 	snop;
	(pc) =	sbr.rel @!p1 .LBB2_3-.Ltmp1, $4  }
0x114: {  	[sflag:s6] =	ssyncset.done $0x0  }
0x115: {  	[sflag:s6] =	ssyncadd.s32 $0xFFFF8000  }
0x116: {  	p0 =	por $0x1, $0x1;
	_ =	swait.ge [sflag:s5], $0x8000  }
0x117: {  	s1 =	sadd.s32 $0xFFFFFFFF, s1;
	s0 =	rddreg [dreg:$0x3];
	[sflag:s5] =	ssyncset.done $0x0  }
.LBB2_2:
0x118: {  	p1 =	sne.s32 s1, $0x1  }
0x119: {  	s7 =	sadd.s32 $0xFFFFFFFF, s1;
	[sflag:s5] =	ssyncadd.s32 $0xFFFF8000;
	s5 =	simm.s32 $0x8000  }
0x11a: {  	s1 =	smov.u32 s31;
	s31 =	smov.u32 s30;
	s30 =	smov.u32 s29  }
0x11b: {  	s29 =	smov.u32 s28;
	s28 =	smov.u32 s26;
	s26 =	smov.u32 s25  }
0x11c: {  	s25 =	smov.u32 s24;
	s24 =	smov.u32 s23;
	s23 =	smov.u32 s22  }
0x11d: {  	s22 =	smov.u32 s21;
	s21 =	smov.u32 s20;
	s20 =	smov.u32 s19  }
0x11e: {  	s19 =	smov.u32 s18;
	s18 =	smov.u32 s17;
	s17 =	smov.u32 s16  }
0x11f: {  	s16 =	smov.u32 s15;
	s15 =	smov.u32 s14;
	s14 =	smov.u32 s13  }
0x120: {  	s13 =	smov.u32 s12;
	s12 =	smov.u32 s9;
	s9 =	smov.u32 s8  }
0x121: {  	[tilespmem:s2], [sflag:$0x1] =	stream.linear.gather [hbm4b:s0+s2], $0x8000, $0x38;
	[tilespmem:$0x10000] =	vst v63  }
0x122: {  	s8 =	smov.u32 s4;
	s4 =	smov.u32 s3;
	s3 =	rddreg [dreg:$0x4]  }
0x123: {  	[tilespmem:s5], [sflag:$0x2] =	stream.linear.gather [hbm4b:s3+s2], $0x8000, $0x38;
	[tilespmem:$0x10000] =	vst v63  }
0x124: {  	s3 =	smov.u32 s4;
	s4 =	smov.u32 s8  }
0x125: {  	s8 =	smov.u32 s9;
	s9 =	smov.u32 s12;
	s12 =	smov.u32 s13  }
0x126: {  	s13 =	smov.u32 s14;
	s14 =	smov.u32 s15;
	s15 =	smov.u32 s16  }
0x127: {  	s16 =	smov.u32 s17;
	s17 =	smov.u32 s18;
	s18 =	smov.u32 s19  }
0x128: {  	s19 =	smov.u32 s20;
	s20 =	smov.u32 s21;
	s21 =	smov.u32 s22  }
0x129: {  	s22 =	smov.u32 s23;
	s23 =	smov.u32 s24;
	s24 =	smov.u32 s25  }
0x12a: {  	s25 =	smov.u32 s26;
	s26 =	smov.u32 s28;
	_ =	swait.ge [sflag:s11], $0x8000  }
0x12b: {  	s28 =	smov.u32 s29;
	s29 =	smov.u32 s30;
	[sflag:s11] =	ssyncset.done $0x0  }
0x12c: {  	s30 =	smov.u32 s31;
	s31 =	smov.u32 s1;
	[sflag:s11] =	ssyncadd.s32 $0xFFFF8000  }
0x12d: {  	[hbm4b:s31+s2] =	stream.linear.scatter [tilespmem:s2], [sflag:$0x3], $0x8000, $0x38;
	[tilespmem:$0x10000] =	vst v63  }
0x12e: {  	_ =	swait.ge [sflag:s6], $0x8000  }
0x12f: {  	[sflag:s6] =	ssyncset.done $0x0  }
0x130: {  	s0 =	rddreg [dreg:$0x5];
	[sflag:s6] =	ssyncadd.s32 $0xFFFF8000  }
0x131: {  	[tilespmem:s2], [sflag:$0x1] =	stream.linear.gather [hbm4b:s0+s2], $0x8000, $0x38;
	[tilespmem:$0x10000] =	vst v63  }
0x132: {  	_ =	swait.ge [sflag:s10], $0x8000  }
0x133: {  	s5 =	simm.s32 $0x4;
	s1 =	smov.u32 s7;
	[sflag:s10] =	ssyncset.done $0x0  }
0x134: {  	s7 =	simm.s32 $0x8000;
	s0 =	rddreg [dreg:$0x6];
	[sflag:s10] =	ssyncadd.s32 $0xFFFF8000  }
0x135: {  	[hbm4b:s0+s2] =	stream.linear.scatter [tilespmem:s7], [sflag:$0x4], $0x8000, $0x38;
	[tilespmem:$0x10000] =	vst v63  }
0x136: {  	_ =	swait.ge [sflag:s5], $0x8000  }
0x137: {  	[sflag:s5] =	ssyncset.done $0x0  }
0x138: {  	s0 =	rddreg [dreg:$0x7];
	[sflag:s5] =	ssyncadd.s32 $0xFFFF8000  }
0x139: {  	[tilespmem:s7], [sflag:$0x2] =	stream.linear.gather [hbm4b:s0+s2], $0x8000, $0x38;
	[tilespmem:$0x10000] =	vst v63  }
0x13a: {  	_ =	swait.ge [sflag:s11], $0x8000  }
0x13b: {  	[sflag:s11] =	ssyncset.done $0x0  }
0x13c: {  	s0 =	rddreg [dreg:$0x8];
	[sflag:s11] =	ssyncadd.s32 $0xFFFF8000  }
0x13d: {  	[hbm4b:s0+s2] =	stream.linear.scatter [tilespmem:s2], [sflag:$0x3], $0x8000, $0x38;
	[tilespmem:$0x10000] =	vst v63  }
0x13e: {  	_ =	swait.ge [sflag:s6], $0x8000  }
0x13f: {  	[sflag:s6] =	ssyncset.done $0x0  }
0x140: {  	s0 =	rddreg [dreg:$0x9];
	[sflag:s6] =	ssyncadd.s32 $0xFFFF8000  }
0x141: {  	[tilespmem:s2], [sflag:$0x1] =	stream.linear.gather [hbm4b:s0+s2], $0x8000, $0x38;
	[tilespmem:$0x10000] =	vst v63  }
0x142: {  	_ =	swait.ge [sflag:s10], $0x8000  }
0x143: {  	[sflag:s10] =	ssyncset.done $0x0  }
0x144: {  	s0 =	rddreg [dreg:$0xa];
	[sflag:s10] =	ssyncadd.s32 $0xFFFF8000  }
0x145: {  	[hbm4b:s0+s2] =	stream.linear.scatter [tilespmem:s7], [sflag:$0x4], $0x8000, $0x38;
	[tilespmem:$0x10000] =	vst v63  }
0x146: {  	_ =	swait.ge [sflag:s5], $0x8000  }
0x147: {  	[sflag:s5] =	ssyncset.done $0x0  }
0x148: {  	s0 =	rddreg [dreg:$0xb];
	[sflag:s5] =	ssyncadd.s32 $0xFFFF8000  }
0x149: {  	[tilespmem:s7], [sflag:$0x2] =	stream.linear.gather [hbm4b:s0+s2], $0x8000, $0x38;
	[tilespmem:$0x10000] =	vst v63  }
0x14a: {  	_ =	swait.ge [sflag:s11], $0x8000  }
0x14b: {  	[sflag:s11] =	ssyncset.done $0x0  }
0x14c: {  	s0 =	rddreg [dreg:$0xc];
	[sflag:s11] =	ssyncadd.s32 $0xFFFF8000  }
0x14d: {  	[hbm4b:s0+s2] =	stream.linear.scatter [tilespmem:s2], [sflag:$0x3], $0x8000, $0x38;
	[tilespmem:$0x10000] =	vst v63  }
0x14e: {  	_ =	swait.ge [sflag:s6], $0x8000  }
0x14f: {  	[sflag:s6] =	ssyncset.done $0x0  }
0x150: {  	s0 =	rddreg [dreg:$0xd];
	[sflag:s6] =	ssyncadd.s32 $0xFFFF8000  }
0x151: {  	[tilespmem:s2], [sflag:$0x1] =	stream.linear.gather [hbm4b:s0+s2], $0x8000, $0x38;
	[tilespmem:$0x10000] =	vst v63  }
0x152: {  	_ =	swait.ge [sflag:s10], $0x8000  }
0x153: {  	[sflag:s10] =	ssyncset.done $0x0  }
0x154: {  	s0 =	rddreg [dreg:$0xe];
	[sflag:s10] =	ssyncadd.s32 $0xFFFF8000  }
0x155: {  	[hbm4b:s0+s2] =	stream.linear.scatter [tilespmem:s7], [sflag:$0x4], $0x8000, $0x38;
	[tilespmem:$0x10000] =	vst v63  }
0x156: {  	_ =	swait.ge [sflag:s5], $0x8000  }
0x157: {  	[sflag:s5] =	ssyncset.done $0x0  }
0x158: {  	s0 =	rddreg [dreg:$0xf];
	[sflag:s5] =	ssyncadd.s32 $0xFFFF8000  }
0x159: {  	[tilespmem:s7], [sflag:$0x2] =	stream.linear.gather [hbm4b:s0+s2], $0x8000, $0x38;
	[tilespmem:$0x10000] =	vst v63  }
0x15a: {  	_ =	swait.ge [sflag:s11], $0x8000  }
0x15b: {  	[sflag:s11] =	ssyncset.done $0x0  }
0x15c: {  	s0 =	rddreg [dreg:$0x10];
	[sflag:s11] =	ssyncadd.s32 $0xFFFF8000  }
0x15d: {  	[hbm4b:s0+s2] =	stream.linear.scatter [tilespmem:s2], [sflag:$0x3], $0x8000, $0x38;
	[tilespmem:$0x10000] =	vst v63  }
0x15e: {  	_ =	swait.ge [sflag:s6], $0x8000  }
0x15f: {  	[sflag:s6] =	ssyncset.done $0x0  }
0x160: {  	s0 =	rddreg [dreg:$0x11];
	[sflag:s6] =	ssyncadd.s32 $0xFFFF8000  }
0x161: {  	[tilespmem:s2], [sflag:$0x1] =	stream.linear.gather [hbm4b:s0+s2], $0x8000, $0x38;
	[tilespmem:$0x10000] =	vst v63  }
0x162: {  	_ =	swait.ge [sflag:s10], $0x8000  }
0x163: {  	[sflag:s10] =	ssyncset.done $0x0  }
0x164: {  	s0 =	rddreg [dreg:$0x12];
	[sflag:s10] =	ssyncadd.s32 $0xFFFF8000  }
0x165: {  	[hbm4b:s0+s2] =	stream.linear.scatter [tilespmem:s7], [sflag:$0x4], $0x8000, $0x38;
	[tilespmem:$0x10000] =	vst v63  }
0x166: {  	_ =	swait.ge [sflag:s5], $0x8000  }
0x167: {  	[sflag:s5] =	ssyncset.done $0x0  }
0x168: {  	s0 =	rddreg [dreg:$0x13];
	[sflag:s5] =	ssyncadd.s32 $0xFFFF8000  }
0x169: {  	[tilespmem:s7], [sflag:$0x2] =	stream.linear.gather [hbm4b:s0+s2], $0x8000, $0x38;
	[tilespmem:$0x10000] =	vst v63  }
0x16a: {  	_ =	swait.ge [sflag:s11], $0x8000  }
0x16b: {  	[sflag:s11] =	ssyncset.done $0x0  }
0x16c: {  	s0 =	rddreg [dreg:$0x14];
	[sflag:s11] =	ssyncadd.s32 $0xFFFF8000  }
0x16d: {  	[hbm4b:s0+s2] =	stream.linear.scatter [tilespmem:s2], [sflag:$0x3], $0x8000, $0x38;
	[tilespmem:$0x10000] =	vst v63  }
0x16e: {  	_ =	swait.ge [sflag:s6], $0x8000  }
0x16f: {  	[sflag:s6] =	ssyncset.done $0x0  }
0x170: {  	s0 =	rddreg [dreg:$0x15];
	[sflag:s6] =	ssyncadd.s32 $0xFFFF8000  }
0x171: {  	[tilespmem:s2], [sflag:$0x1] =	stream.linear.gather [hbm4b:s0+s2], $0x8000, $0x38;
	[tilespmem:$0x10000] =	vst v63  }
0x172: {  	_ =	swait.ge [sflag:s10], $0x8000  }
0x173: {  	[sflag:s10] =	ssyncset.done $0x0  }
0x174: {  	s0 =	rddreg [dreg:$0x16];
	[sflag:s10] =	ssyncadd.s32 $0xFFFF8000  }
0x175: {  	[hbm4b:s0+s2] =	stream.linear.scatter [tilespmem:s7], [sflag:$0x4], $0x8000, $0x38;
	[tilespmem:$0x10000] =	vst v63  }
0x176: {  	_ =	swait.ge [sflag:s5], $0x8000  }
0x177: {  	[sflag:s5] =	ssyncset.done $0x0  }
0x178: {  	s0 =	rddreg [dreg:$0x17];
	[sflag:s5] =	ssyncadd.s32 $0xFFFF8000  }
0x179: {  	[tilespmem:s7], [sflag:$0x2] =	stream.linear.gather [hbm4b:s0+s2], $0x8000, $0x38;
	[tilespmem:$0x10000] =	vst v63  }
0x17a: {  	_ =	swait.ge [sflag:s11], $0x8000  }
0x17b: {  	[sflag:s11] =	ssyncset.done $0x0  }
0x17c: {  	s0 =	rddreg [dreg:$0x18];
	[sflag:s11] =	ssyncadd.s32 $0xFFFF8000  }
0x17d: {  	[hbm4b:s0+s2] =	stream.linear.scatter [tilespmem:s2], [sflag:$0x3], $0x8000, $0x38;
	[tilespmem:$0x10000] =	vst v63  }
0x17e: {  	_ =	swait.ge [sflag:s6], $0x8000  }
0x17f: {  	[sflag:s6] =	ssyncset.done $0x0  }
0x180: {  	s0 =	rddreg [dreg:$0x19];
	[sflag:s6] =	ssyncadd.s32 $0xFFFF8000  }
0x181: {  	[tilespmem:s2], [sflag:$0x1] =	stream.linear.gather [hbm4b:s0+s2], $0x8000, $0x38;
	[tilespmem:$0x10000] =	vst v63  }
0x182: {  	_ =	swait.ge [sflag:s10], $0x8000  }
0x183: {  	[sflag:s10] =	ssyncset.done $0x0  }
0x184: {  	s0 =	rddreg [dreg:$0x1a];
	[sflag:s10] =	ssyncadd.s32 $0xFFFF8000  }
0x185: {  	[hbm4b:s0+s2] =	stream.linear.scatter [tilespmem:s7], [sflag:$0x4], $0x8000, $0x38;
	[tilespmem:$0x10000] =	vst v63  }
0x186: {  	_ =	swait.ge [sflag:s5], $0x8000  }
0x187: {  	[sflag:s5] =	ssyncset.done $0x0  }
0x188: {  	s0 =	rddreg [dreg:$0x1b];
	[sflag:s5] =	ssyncadd.s32 $0xFFFF8000  }
0x189: {  	[tilespmem:s7], [sflag:$0x2] =	stream.linear.gather [hbm4b:s0+s2], $0x8000, $0x38;
	[tilespmem:$0x10000] =	vst v63  }
0x18a: {  	_ =	swait.ge [sflag:s11], $0x8000  }
0x18b: {  	[sflag:s11] =	ssyncset.done $0x0  }
0x18c: {  	s0 =	rddreg [dreg:$0x1c];
	[sflag:s11] =	ssyncadd.s32 $0xFFFF8000  }
0x18d: {  	[hbm4b:s0+s2] =	stream.linear.scatter [tilespmem:s2], [sflag:$0x3], $0x8000, $0x38;
	[tilespmem:$0x10000] =	vst v63  }
0x18e: {  	_ =	swait.ge [sflag:s6], $0x8000  }
0x18f: {  	[sflag:s6] =	ssyncset.done $0x0  }
0x190: {  	s0 =	rddreg [dreg:$0x1d];
	[sflag:s6] =	ssyncadd.s32 $0xFFFF8000  }
0x191: {  	[tilespmem:s2], [sflag:$0x1] =	stream.linear.gather [hbm4b:s0+s2], $0x8000, $0x38;
	[tilespmem:$0x10000] =	vst v63  }
0x192: {  	_ =	swait.ge [sflag:s10], $0x8000  }
0x193: {  	[sflag:s10] =	ssyncset.done $0x0  }
0x194: {  	s0 =	rddreg [dreg:$0x1e];
	[sflag:s10] =	ssyncadd.s32 $0xFFFF8000  }
0x195: {  	[hbm4b:s0+s2] =	stream.linear.scatter [tilespmem:s7], [sflag:$0x4], $0x8000, $0x38;
	[tilespmem:$0x10000] =	vst v63  }
0x196: {  	_ =	swait.ge [sflag:s5], $0x8000  }
0x197: {  	[sflag:s5] =	ssyncset.done $0x0  }
0x198: {  	s0 =	rddreg [dreg:$0x1f];
	[sflag:s5] =	ssyncadd.s32 $0xFFFF8000  }
0x199: {  	[tilespmem:s7], [sflag:$0x2] =	stream.linear.gather [hbm4b:s0+s2], $0x8000, $0x38;
	[tilespmem:$0x10000] =	vst v63  }
0x19a: {  	_ =	swait.ge [sflag:s11], $0x8000  }
0x19b: {  	s0 =	sld [smem:$0x7FA]  }
0x19c: {  	[sflag:s11] =	ssyncset.done $0x0  }
0x19d: {  	[sflag:s11] =	ssyncadd.s32 $0xFFFF8000  }
0x19e: {  	[hbm4b:s0+s2] =	stream.linear.scatter [tilespmem:s2], [sflag:$0x3], $0x8000, $0x38;
	[tilespmem:$0x10000] =	vst v63  }
0x19f: {  	_ =	swait.ge [sflag:s6], $0x8000  }
0x1a0: {  	s0 =	sld [smem:$0x7FB]  }
0x1a1: {  	[sflag:s6] =	ssyncset.done $0x0  }
0x1a2: {  	[sflag:s6] =	ssyncadd.s32 $0xFFFF8000  }
0x1a3: {  	[tilespmem:s2], [sflag:$0x1] =	stream.linear.gather [hbm4b:s0+s2], $0x8000, $0x38;
	[tilespmem:$0x10000] =	vst v63  }
0x1a4: {  	_ =	swait.ge [sflag:s10], $0x8000  }
0x1a5: {  	s0 =	sld [smem:$0x7FC]  }
0x1a6: {  	[sflag:s10] =	ssyncset.done $0x0  }
0x1a7: {  	[sflag:s10] =	ssyncadd.s32 $0xFFFF8000  }
0x1a8: {  	[hbm4b:s0+s2] =	stream.linear.scatter [tilespmem:s7], [sflag:$0x4], $0x8000, $0x38;
	[tilespmem:$0x10000] =	vst v63  }
0x1a9: {  	_ =	swait.ge [sflag:s5], $0x8000  }
0x1aa: {  	s0 =	sld [smem:$0x7FD]  }
0x1ab: {  	[sflag:s5] =	ssyncset.done $0x0  }
0x1ac: {  	[sflag:s5] =	ssyncadd.s32 $0xFFFF8000  }
0x1ad: {  	[tilespmem:s7], [sflag:$0x2] =	stream.linear.gather [hbm4b:s0+s2], $0x8000, $0x38;
	[tilespmem:$0x10000] =	vst v63  }
0x1ae: {  	_ =	swait.ge [sflag:s11], $0x8000  }
0x1af: {  	[sflag:s11] =	ssyncset.done $0x0  }
0x1b0: {  	[sflag:s11] =	ssyncadd.s32 $0xFFFF8000  }
0x1b1: {  	[hbm4b:s30+s2] =	stream.linear.scatter [tilespmem:s2], [sflag:$0x3], $0x8000, $0x38;
	[tilespmem:$0x10000] =	vst v63  }
0x1b2: {  	_ =	swait.ge [sflag:s6], $0x8000  }
0x1b3: {  	[sflag:s6] =	ssyncset.done $0x0  }
0x1b4: {  	[sflag:s6] =	ssyncadd.s32 $0xFFFF8000  }
0x1b5: {  	[tilespmem:s2], [sflag:$0x1] =	stream.linear.gather [hbm4b:s29+s2], $0x8000, $0x38;
	[tilespmem:$0x10000] =	vst v63  }
0x1b6: {  	_ =	swait.ge [sflag:s10], $0x8000  }
0x1b7: {  	[sflag:s10] =	ssyncset.done $0x0  }
0x1b8: {  	[sflag:s10] =	ssyncadd.s32 $0xFFFF8000  }
0x1b9: {  	[hbm4b:s28+s2] =	stream.linear.scatter [tilespmem:s7], [sflag:$0x4], $0x8000, $0x38;
	[tilespmem:$0x10000] =	vst v63  }
0x1ba: {  	_ =	swait.ge [sflag:s5], $0x8000  }
0x1bb: {  	[sflag:s5] =	ssyncset.done $0x0  }
0x1bc: {  	[sflag:s5] =	ssyncadd.s32 $0xFFFF8000  }
0x1bd: {  	[tilespmem:s7], [sflag:$0x2] =	stream.linear.gather [hbm4b:s26+s2], $0x8000, $0x38;
	[tilespmem:$0x10000] =	vst v63  }
0x1be: {  	_ =	swait.ge [sflag:s11], $0x8000  }
0x1bf: {  	[sflag:s11] =	ssyncset.done $0x0  }
0x1c0: {  	[sflag:s11] =	ssyncadd.s32 $0xFFFF8000  }
0x1c1: {  	[hbm4b:s25+s2] =	stream.linear.scatter [tilespmem:s2], [sflag:$0x3], $0x8000, $0x38;
	[tilespmem:$0x10000] =	vst v63  }
0x1c2: {  	_ =	swait.ge [sflag:s6], $0x8000  }
0x1c3: {  	[sflag:s6] =	ssyncset.done $0x0  }
0x1c4: {  	[sflag:s6] =	ssyncadd.s32 $0xFFFF8000  }
0x1c5: {  	[tilespmem:s2], [sflag:$0x1] =	stream.linear.gather [hbm4b:s24+s2], $0x8000, $0x38;
	[tilespmem:$0x10000] =	vst v63  }
0x1c6: {  	_ =	swait.ge [sflag:s10], $0x8000  }
0x1c7: {  	[sflag:s10] =	ssyncset.done $0x0  }
0x1c8: {  	[sflag:s10] =	ssyncadd.s32 $0xFFFF8000  }
0x1c9: {  	[hbm4b:s23+s2] =	stream.linear.scatter [tilespmem:s7], [sflag:$0x4], $0x8000, $0x38;
	[tilespmem:$0x10000] =	vst v63  }
0x1ca: {  	_ =	swait.ge [sflag:s5], $0x8000  }
0x1cb: {  	[sflag:s5] =	ssyncset.done $0x0  }
0x1cc: {  	[sflag:s5] =	ssyncadd.s32 $0xFFFF8000  }
0x1cd: {  	[tilespmem:s7], [sflag:$0x2] =	stream.linear.gather [hbm4b:s22+s2], $0x8000, $0x38;
	[tilespmem:$0x10000] =	vst v63  }
0x1ce: {  	_ =	swait.ge [sflag:s11], $0x8000  }
0x1cf: {  	[sflag:s11] =	ssyncset.done $0x0  }
0x1d0: {  	[sflag:s11] =	ssyncadd.s32 $0xFFFF8000  }
0x1d1: {  	[hbm4b:s21+s2] =	stream.linear.scatter [tilespmem:s2], [sflag:$0x3], $0x8000, $0x38;
	[tilespmem:$0x10000] =	vst v63  }
0x1d2: {  	_ =	swait.ge [sflag:s6], $0x8000  }
0x1d3: {  	[sflag:s6] =	ssyncset.done $0x0  }
0x1d4: {  	[sflag:s6] =	ssyncadd.s32 $0xFFFF8000  }
0x1d5: {  	[tilespmem:s2], [sflag:$0x1] =	stream.linear.gather [hbm4b:s20+s2], $0x8000, $0x38;
	[tilespmem:$0x10000] =	vst v63  }
0x1d6: {  	_ =	swait.ge [sflag:s10], $0x8000  }
0x1d7: {  	[sflag:s10] =	ssyncset.done $0x0  }
0x1d8: {  	[sflag:s10] =	ssyncadd.s32 $0xFFFF8000  }
0x1d9: {  	[hbm4b:s19+s2] =	stream.linear.scatter [tilespmem:s7], [sflag:$0x4], $0x8000, $0x38;
	[tilespmem:$0x10000] =	vst v63  }
0x1da: {  	_ =	swait.ge [sflag:s5], $0x8000  }
0x1db: {  	[sflag:s5] =	ssyncset.done $0x0  }
0x1dc: {  	[sflag:s5] =	ssyncadd.s32 $0xFFFF8000  }
0x1dd: {  	[tilespmem:s7], [sflag:$0x2] =	stream.linear.gather [hbm4b:s18+s2], $0x8000, $0x38;
	[tilespmem:$0x10000] =	vst v63  }
0x1de: {  	_ =	swait.ge [sflag:s11], $0x8000  }
0x1df: {  	[sflag:s11] =	ssyncset.done $0x0  }
0x1e0: {  	[sflag:s11] =	ssyncadd.s32 $0xFFFF8000  }
0x1e1: {  	[hbm4b:s17+s2] =	stream.linear.scatter [tilespmem:s2], [sflag:$0x3], $0x8000, $0x38;
	[tilespmem:$0x10000] =	vst v63  }
0x1e2: {  	_ =	swait.ge [sflag:s6], $0x8000  }
0x1e3: {  	[sflag:s6] =	ssyncset.done $0x0  }
0x1e4: {  	[sflag:s6] =	ssyncadd.s32 $0xFFFF8000  }
0x1e5: {  	[tilespmem:s2], [sflag:$0x1] =	stream.linear.gather [hbm4b:s16+s2], $0x8000, $0x38;
	[tilespmem:$0x10000] =	vst v63  }
0x1e6: {  	_ =	swait.ge [sflag:s10], $0x8000  }
0x1e7: {  	[sflag:s10] =	ssyncset.done $0x0  }
0x1e8: {  	[sflag:s10] =	ssyncadd.s32 $0xFFFF8000  }
0x1e9: {  	[hbm4b:s15+s2] =	stream.linear.scatter [tilespmem:s7], [sflag:$0x4], $0x8000, $0x38;
	[tilespmem:$0x10000] =	vst v63  }
0x1ea: {  	_ =	swait.ge [sflag:s5], $0x8000  }
0x1eb: {  	[sflag:s5] =	ssyncset.done $0x0  }
0x1ec: {  	[sflag:s5] =	ssyncadd.s32 $0xFFFF8000  }
0x1ed: {  	[tilespmem:s7], [sflag:$0x2] =	stream.linear.gather [hbm4b:s14+s2], $0x8000, $0x38;
	[tilespmem:$0x10000] =	vst v63  }
0x1ee: {  	_ =	swait.ge [sflag:s11], $0x8000  }
0x1ef: {  	[sflag:s11] =	ssyncset.done $0x0  }
0x1f0: {  	[sflag:s11] =	ssyncadd.s32 $0xFFFF8000  }
0x1f1: {  	[hbm4b:s13+s2] =	stream.linear.scatter [tilespmem:s2], [sflag:$0x3], $0x8000, $0x38;
	[tilespmem:$0x10000] =	vst v63  }
0x1f2: {  	_ =	swait.ge [sflag:s6], $0x8000  }
0x1f3: {  	[sflag:s6] =	ssyncset.done $0x0  }
0x1f4: {  	[sflag:s6] =	ssyncadd.s32 $0xFFFF8000  }
0x1f5: {  	[tilespmem:s2], [sflag:$0x1] =	stream.linear.gather [hbm4b:s12+s2], $0x8000, $0x38;
	[tilespmem:$0x10000] =	vst v63  }
0x1f6: {  	_ =	swait.ge [sflag:s10], $0x8000  }
0x1f7: {  	[sflag:s10] =	ssyncset.done $0x0  }
0x1f8: {  	[sflag:s10] =	ssyncadd.s32 $0xFFFF8000  }
0x1f9: {  	[hbm4b:s9+s2] =	stream.linear.scatter [tilespmem:s7], [sflag:$0x4], $0x8000, $0x38;
	[tilespmem:$0x10000] =	vst v63  }
0x1fa: {  	_ =	swait.ge [sflag:s5], $0x8000  }
0x1fb: {  	[sflag:s5] =	ssyncset.done $0x0  }
0x1fc: {  	[sflag:s5] =	ssyncadd.s32 $0xFFFF8000  }
0x1fd: {  	[tilespmem:s7], [sflag:$0x2] =	stream.linear.gather [hbm4b:s8+s2], $0x8000, $0x38;
	[tilespmem:$0x10000] =	vst v63  }
0x1fe: {  	_ =	swait.ge [sflag:s11], $0x8000  }
0x1ff: {  	[sflag:s11] =	ssyncset.done $0x0  }
0x200: {  	[sflag:s11] =	ssyncadd.s32 $0xFFFF8000  }
0x201: {  	[hbm4b:s4+s2] =	stream.linear.scatter [tilespmem:s2], [sflag:$0x3], $0x8000, $0x38;
	[tilespmem:$0x10000] =	vst v63  }
0x202: {  	_ =	swait.ge [sflag:s10], $0x8000  }
0x203: {  	[sflag:s10] =	ssyncset.done $0x0  }
0x204: {  	[sflag:s10] =	ssyncadd.s32 $0xFFFF8000  }
0x205: {  	[hbm4b:s3+s2] =	stream.linear.scatter [tilespmem:s7], [sflag:$0x4], $0x8000, $0x38;
	[tilespmem:$0x10000] =	vst v63  }
.Ltmp2:
0x206: {  	_ =	swait.ge [sflag:s6], $0x8000;
	(pc) =	sbr.rel @p1 .LBB2_2-.Ltmp2, $4  }
0x207: {  	[sflag:s6] =	ssyncset.done $0x0  }
0x208: {  	[sflag:s6] =	ssyncadd.s32 $0xFFFF8000  }
0x209: {  	_ =	swait.ge [sflag:s5], $0x8000  }
0x20a: {  	s0 =	rddreg [dreg:$0x3];
	[sflag:s5] =	ssyncset.done $0x0  }
.LBB2_3:
0x20b: {  	[sflag:s5] =	ssyncadd.s32 @p0 $0xFFFF8000  }
0x20c: {  	[tilespmem:s2], [sflag:$0x1] =	stream.linear.gather [hbm4b:s0+s2], $0x8000, $0x38;
	[tilespmem:$0x10000] =	vst v63  }
0x20d: {  	s1 =	rddreg [dreg:$0x4]  }
0x20e: {  	[tilespmem:s7], [sflag:$0x2] =	stream.linear.gather [hbm4b:s1+s2], $0x8000, $0x38;
	[tilespmem:$0x10000] =	vst v63  }
0x20f: {  	_ =	swait.ge [sflag:s11], $0x8000  }
0x210: {  	[sflag:s11] =	ssyncset.done $0x0  }
0x211: {  	[sflag:s11] =	ssyncadd.s32 $0xFFFF8000  }
0x212: {  	[hbm4b:s31+s2] =	stream.linear.scatter [tilespmem:s2], [sflag:$0x3], $0x8000, $0x38;
	[tilespmem:$0x10000] =	vst v63  }
0x213: {  	_ =	swait.ge [sflag:s6], $0x8000  }
0x214: {  	[sflag:s6] =	ssyncset.done $0x0  }
0x215: {  	s1 =	rddreg [dreg:$0x5];
	[sflag:s6] =	ssyncadd.s32 $0xFFFF8000  }
0x216: {  	[tilespmem:s2], [sflag:$0x1] =	stream.linear.gather [hbm4b:s1+s2], $0x8000, $0x38;
	[tilespmem:$0x10000] =	vst v63  }
0x217: {  	_ =	swait.ge [sflag:s10], $0x8000  }
0x218: {  	[sflag:s10] =	ssyncset.done $0x0  }
0x219: {  	s31 =	rddreg [dreg:$0x6];
	[sflag:s10] =	ssyncadd.s32 $0xFFFF8000  }
0x21a: {  	[hbm4b:s31+s2] =	stream.linear.scatter [tilespmem:s7], [sflag:$0x4], $0x8000, $0x38;
	[tilespmem:$0x10000] =	vst v63  }
0x21b: {  	_ =	swait.ge [sflag:s5], $0x8000  }
0x21c: {  	[sflag:s5] =	ssyncset.done $0x0  }
0x21d: {  	s1 =	rddreg [dreg:$0x7];
	[sflag:s5] =	ssyncadd.s32 $0xFFFF8000  }
0x21e: {  	[tilespmem:s7], [sflag:$0x2] =	stream.linear.gather [hbm4b:s1+s2], $0x8000, $0x38;
	[tilespmem:$0x10000] =	vst v63  }
0x21f: {  	_ =	swait.ge [sflag:s11], $0x8000  }
0x220: {  	[sflag:s11] =	ssyncset.done $0x0  }
0x221: {  	s31 =	rddreg [dreg:$0x8];
	[sflag:s11] =	ssyncadd.s32 $0xFFFF8000  }
0x222: {  	[hbm4b:s31+s2] =	stream.linear.scatter [tilespmem:s2], [sflag:$0x3], $0x8000, $0x38;
	[tilespmem:$0x10000] =	vst v63  }
0x223: {  	_ =	swait.ge [sflag:s6], $0x8000  }
0x224: {  	[sflag:s6] =	ssyncset.done $0x0  }
0x225: {  	s1 =	rddreg [dreg:$0x9];
	[sflag:s6] =	ssyncadd.s32 $0xFFFF8000  }
0x226: {  	[tilespmem:s2], [sflag:$0x1] =	stream.linear.gather [hbm4b:s1+s2], $0x8000, $0x38;
	[tilespmem:$0x10000] =	vst v63  }
0x227: {  	_ =	swait.ge [sflag:s10], $0x8000  }
0x228: {  	[sflag:s10] =	ssyncset.done $0x0  }
0x229: {  	s31 =	rddreg [dreg:$0xa];
	[sflag:s10] =	ssyncadd.s32 $0xFFFF8000  }
0x22a: {  	[hbm4b:s31+s2] =	stream.linear.scatter [tilespmem:s7], [sflag:$0x4], $0x8000, $0x38;
	[tilespmem:$0x10000] =	vst v63  }
0x22b: {  	_ =	swait.ge [sflag:s5], $0x8000  }
0x22c: {  	[sflag:s5] =	ssyncset.done $0x0  }
0x22d: {  	s1 =	rddreg [dreg:$0xb];
	[sflag:s5] =	ssyncadd.s32 $0xFFFF8000  }
0x22e: {  	[tilespmem:s7], [sflag:$0x2] =	stream.linear.gather [hbm4b:s1+s2], $0x8000, $0x38;
	[tilespmem:$0x10000] =	vst v63  }
0x22f: {  	_ =	swait.ge [sflag:s11], $0x8000  }
0x230: {  	[sflag:s11] =	ssyncset.done $0x0  }
0x231: {  	s31 =	rddreg [dreg:$0xc];
	[sflag:s11] =	ssyncadd.s32 $0xFFFF8000  }
0x232: {  	[hbm4b:s31+s2] =	stream.linear.scatter [tilespmem:s2], [sflag:$0x3], $0x8000, $0x38;
	[tilespmem:$0x10000] =	vst v63  }
0x233: {  	_ =	swait.ge [sflag:s6], $0x8000  }
0x234: {  	[sflag:s6] =	ssyncset.done $0x0  }
0x235: {  	s1 =	rddreg [dreg:$0xd];
	[sflag:s6] =	ssyncadd.s32 $0xFFFF8000  }
0x236: {  	[tilespmem:s2], [sflag:$0x1] =	stream.linear.gather [hbm4b:s1+s2], $0x8000, $0x38;
	[tilespmem:$0x10000] =	vst v63  }
0x237: {  	_ =	swait.ge [sflag:s10], $0x8000  }
0x238: {  	[sflag:s10] =	ssyncset.done $0x0  }
0x239: {  	s31 =	rddreg [dreg:$0xe];
	[sflag:s10] =	ssyncadd.s32 $0xFFFF8000  }
0x23a: {  	[hbm4b:s31+s2] =	stream.linear.scatter [tilespmem:s7], [sflag:$0x4], $0x8000, $0x38;
	[tilespmem:$0x10000] =	vst v63  }
0x23b: {  	_ =	swait.ge [sflag:s5], $0x8000  }
0x23c: {  	[sflag:s5] =	ssyncset.done $0x0  }
0x23d: {  	s1 =	rddreg [dreg:$0xf];
	[sflag:s5] =	ssyncadd.s32 $0xFFFF8000  }
0x23e: {  	[tilespmem:s7], [sflag:$0x2] =	stream.linear.gather [hbm4b:s1+s2], $0x8000, $0x38;
	[tilespmem:$0x10000] =	vst v63  }
0x23f: {  	_ =	swait.ge [sflag:s11], $0x8000  }
0x240: {  	[sflag:s11] =	ssyncset.done $0x0  }
0x241: {  	s31 =	rddreg [dreg:$0x10];
	[sflag:s11] =	ssyncadd.s32 $0xFFFF8000  }
0x242: {  	[hbm4b:s31+s2] =	stream.linear.scatter [tilespmem:s2], [sflag:$0x3], $0x8000, $0x38;
	[tilespmem:$0x10000] =	vst v63  }
0x243: {  	_ =	swait.ge [sflag:s6], $0x8000  }
0x244: {  	[sflag:s6] =	ssyncset.done $0x0  }
0x245: {  	s1 =	rddreg [dreg:$0x11];
	[sflag:s6] =	ssyncadd.s32 $0xFFFF8000  }
0x246: {  	[tilespmem:s2], [sflag:$0x1] =	stream.linear.gather [hbm4b:s1+s2], $0x8000, $0x38;
	[tilespmem:$0x10000] =	vst v63  }
0x247: {  	_ =	swait.ge [sflag:s10], $0x8000  }
0x248: {  	[sflag:s10] =	ssyncset.done $0x0  }
0x249: {  	s31 =	rddreg [dreg:$0x12];
	[sflag:s10] =	ssyncadd.s32 $0xFFFF8000  }
0x24a: {  	[hbm4b:s31+s2] =	stream.linear.scatter [tilespmem:s7], [sflag:$0x4], $0x8000, $0x38;
	[tilespmem:$0x10000] =	vst v63  }
0x24b: {  	_ =	swait.ge [sflag:s5], $0x8000  }
0x24c: {  	[sflag:s5] =	ssyncset.done $0x0  }
0x24d: {  	s1 =	rddreg [dreg:$0x13];
	[sflag:s5] =	ssyncadd.s32 $0xFFFF8000  }
0x24e: {  	[tilespmem:s7], [sflag:$0x2] =	stream.linear.gather [hbm4b:s1+s2], $0x8000, $0x38;
	[tilespmem:$0x10000] =	vst v63  }
0x24f: {  	_ =	swait.ge [sflag:s11], $0x8000  }
0x250: {  	[sflag:s11] =	ssyncset.done $0x0  }
0x251: {  	s31 =	rddreg [dreg:$0x14];
	[sflag:s11] =	ssyncadd.s32 $0xFFFF8000  }
0x252: {  	[hbm4b:s31+s2] =	stream.linear.scatter [tilespmem:s2], [sflag:$0x3], $0x8000, $0x38;
	[tilespmem:$0x10000] =	vst v63  }
0x253: {  	_ =	swait.ge [sflag:s6], $0x8000  }
0x254: {  	[sflag:s6] =	ssyncset.done $0x0  }
0x255: {  	s1 =	rddreg [dreg:$0x15];
	[sflag:s6] =	ssyncadd.s32 $0xFFFF8000  }
0x256: {  	[tilespmem:s2], [sflag:$0x1] =	stream.linear.gather [hbm4b:s1+s2], $0x8000, $0x38;
	[tilespmem:$0x10000] =	vst v63  }
0x257: {  	_ =	swait.ge [sflag:s10], $0x8000  }
0x258: {  	[sflag:s10] =	ssyncset.done $0x0  }
0x259: {  	s31 =	rddreg [dreg:$0x16];
	[sflag:s10] =	ssyncadd.s32 $0xFFFF8000  }
0x25a: {  	[hbm4b:s31+s2] =	stream.linear.scatter [tilespmem:s7], [sflag:$0x4], $0x8000, $0x38;
	[tilespmem:$0x10000] =	vst v63  }
0x25b: {  	_ =	swait.ge [sflag:s5], $0x8000  }
0x25c: {  	[sflag:s5] =	ssyncset.done $0x0  }
0x25d: {  	s1 =	rddreg [dreg:$0x17];
	[sflag:s5] =	ssyncadd.s32 $0xFFFF8000  }
0x25e: {  	[tilespmem:s7], [sflag:$0x2] =	stream.linear.gather [hbm4b:s1+s2], $0x8000, $0x38;
	[tilespmem:$0x10000] =	vst v63  }
0x25f: {  	_ =	swait.ge [sflag:s11], $0x8000  }
0x260: {  	[sflag:s11] =	ssyncset.done $0x0  }
0x261: {  	s31 =	rddreg [dreg:$0x18];
	[sflag:s11] =	ssyncadd.s32 $0xFFFF8000  }
0x262: {  	[hbm4b:s31+s2] =	stream.linear.scatter [tilespmem:s2], [sflag:$0x3], $0x8000, $0x38;
	[tilespmem:$0x10000] =	vst v63  }
0x263: {  	_ =	swait.ge [sflag:s6], $0x8000  }
0x264: {  	[sflag:s6] =	ssyncset.done $0x0  }
0x265: {  	s1 =	rddreg [dreg:$0x19];
	[sflag:s6] =	ssyncadd.s32 $0xFFFF8000  }
0x266: {  	[tilespmem:s2], [sflag:$0x1] =	stream.linear.gather [hbm4b:s1+s2], $0x8000, $0x38;
	[tilespmem:$0x10000] =	vst v63  }
0x267: {  	_ =	swait.ge [sflag:s10], $0x8000  }
0x268: {  	[sflag:s10] =	ssyncset.done $0x0  }
0x269: {  	s31 =	rddreg [dreg:$0x1a];
	[sflag:s10] =	ssyncadd.s32 $0xFFFF8000  }
0x26a: {  	[hbm4b:s31+s2] =	stream.linear.scatter [tilespmem:s7], [sflag:$0x4], $0x8000, $0x38;
	[tilespmem:$0x10000] =	vst v63  }
0x26b: {  	_ =	swait.ge [sflag:s5], $0x8000  }
0x26c: {  	[sflag:s5] =	ssyncset.done $0x0  }
0x26d: {  	s1 =	rddreg [dreg:$0x1b];
	[sflag:s5] =	ssyncadd.s32 $0xFFFF8000  }
0x26e: {  	[tilespmem:s7], [sflag:$0x2] =	stream.linear.gather [hbm4b:s1+s2], $0x8000, $0x38;
	[tilespmem:$0x10000] =	vst v63  }
0x26f: {  	_ =	swait.ge [sflag:s11], $0x8000  }
0x270: {  	[sflag:s11] =	ssyncset.done $0x0  }
0x271: {  	s31 =	rddreg [dreg:$0x1c];
	[sflag:s11] =	ssyncadd.s32 $0xFFFF8000  }
0x272: {  	[hbm4b:s31+s2] =	stream.linear.scatter [tilespmem:s2], [sflag:$0x3], $0x8000, $0x38;
	[tilespmem:$0x10000] =	vst v63  }
0x273: {  	_ =	swait.ge [sflag:s6], $0x8000  }
0x274: {  	[sflag:s6] =	ssyncset.done $0x0  }
0x275: {  	s1 =	rddreg [dreg:$0x1d];
	[sflag:s6] =	ssyncadd.s32 $0xFFFF8000  }
0x276: {  	[tilespmem:s2], [sflag:$0x1] =	stream.linear.gather [hbm4b:s1+s2], $0x8000, $0x38;
	[tilespmem:$0x10000] =	vst v63  }
0x277: {  	_ =	swait.ge [sflag:s10], $0x8000  }
0x278: {  	[sflag:s10] =	ssyncset.done $0x0  }
0x279: {  	s31 =	rddreg [dreg:$0x1e];
	[sflag:s10] =	ssyncadd.s32 $0xFFFF8000  }
0x27a: {  	[hbm4b:s31+s2] =	stream.linear.scatter [tilespmem:s7], [sflag:$0x4], $0x8000, $0x38;
	[tilespmem:$0x10000] =	vst v63  }
0x27b: {  	_ =	swait.ge [sflag:s5], $0x8000  }
0x27c: {  	[sflag:s5] =	ssyncset.done $0x0  }
0x27d: {  	s1 =	rddreg [dreg:$0x1f];
	[sflag:s5] =	ssyncadd.s32 $0xFFFF8000  }
0x27e: {  	[tilespmem:s7], [sflag:$0x2] =	stream.linear.gather [hbm4b:s1+s2], $0x8000, $0x38;
	[tilespmem:$0x10000] =	vst v63  }
0x27f: {  	_ =	swait.ge [sflag:s11], $0x8000  }
0x280: {  	s31 =	sld [smem:$0x7FA]  }
0x281: {  	[sflag:s11] =	ssyncset.done $0x0  }
0x282: {  	[sflag:s11] =	ssyncadd.s32 $0xFFFF8000  }
0x283: {  	[hbm4b:s31+s2] =	stream.linear.scatter [tilespmem:s2], [sflag:$0x3], $0x8000, $0x38;
	[tilespmem:$0x10000] =	vst v63  }
0x284: {  	_ =	swait.ge [sflag:s6], $0x8000  }
0x285: {  	s1 =	sld [smem:$0x7FB]  }
0x286: {  	[sflag:s6] =	ssyncset.done $0x0  }
0x287: {  	[sflag:s6] =	ssyncadd.s32 $0xFFFF8000  }
0x288: {  	[tilespmem:s2], [sflag:$0x1] =	stream.linear.gather [hbm4b:s1+s2], $0x8000, $0x38;
	[tilespmem:$0x10000] =	vst v63  }
0x289: {  	_ =	swait.ge [sflag:s10], $0x8000  }
0x28a: {  	s31 =	sld [smem:$0x7FC]  }
0x28b: {  	[sflag:s10] =	ssyncset.done $0x0  }
0x28c: {  	[sflag:s10] =	ssyncadd.s32 $0xFFFF8000  }
0x28d: {  	[hbm4b:s31+s2] =	stream.linear.scatter [tilespmem:s7], [sflag:$0x4], $0x8000, $0x38;
	[tilespmem:$0x10000] =	vst v63  }
0x28e: {  	_ =	swait.ge [sflag:s5], $0x8000  }
0x28f: {  	s1 =	sld [smem:$0x7FD]  }
0x290: {  	[sflag:s5] =	ssyncset.done $0x0  }
0x291: {  	[sflag:s5] =	ssyncadd.s32 $0xFFFF8000  }
0x292: {  	[tilespmem:s7], [sflag:$0x2] =	stream.linear.gather [hbm4b:s1+s2], $0x8000, $0x38;
	[tilespmem:$0x10000] =	vst v63  }
0x293: {  	_ =	swait.ge [sflag:s11], $0x8000  }
0x294: {  	[sflag:s11] =	ssyncset.done $0x0  }
0x295: {  	[sflag:s11] =	ssyncadd.s32 $0xFFFF8000  }
0x296: {  	[hbm4b:s30+s2] =	stream.linear.scatter [tilespmem:s2], [sflag:$0x3], $0x8000, $0x38;
	[tilespmem:$0x10000] =	vst v63  }
0x297: {  	_ =	swait.ge [sflag:s6], $0x8000  }
0x298: {  	[sflag:s6] =	ssyncset.done $0x0  }
0x299: {  	[sflag:s6] =	ssyncadd.s32 $0xFFFF8000  }
0x29a: {  	[tilespmem:s2], [sflag:$0x1] =	stream.linear.gather [hbm4b:s29+s2], $0x8000, $0x38;
	[tilespmem:$0x10000] =	vst v63  }
0x29b: {  	_ =	swait.ge [sflag:s10], $0x8000  }
0x29c: {  	[sflag:s10] =	ssyncset.done $0x0  }
0x29d: {  	[sflag:s10] =	ssyncadd.s32 $0xFFFF8000  }
0x29e: {  	[hbm4b:s28+s2] =	stream.linear.scatter [tilespmem:s7], [sflag:$0x4], $0x8000, $0x38;
	[tilespmem:$0x10000] =	vst v63  }
0x29f: {  	_ =	swait.ge [sflag:s5], $0x8000  }
0x2a0: {  	[sflag:s5] =	ssyncset.done $0x0  }
0x2a1: {  	[sflag:s5] =	ssyncadd.s32 $0xFFFF8000  }
0x2a2: {  	[tilespmem:s7], [sflag:$0x2] =	stream.linear.gather [hbm4b:s26+s2], $0x8000, $0x38;
	[tilespmem:$0x10000] =	vst v63  }
0x2a3: {  	_ =	swait.ge [sflag:s11], $0x8000  }
0x2a4: {  	[sflag:s11] =	ssyncset.done $0x0  }
0x2a5: {  	[sflag:s11] =	ssyncadd.s32 $0xFFFF8000  }
0x2a6: {  	[hbm4b:s25+s2] =	stream.linear.scatter [tilespmem:s2], [sflag:$0x3], $0x8000, $0x38;
	[tilespmem:$0x10000] =	vst v63  }
0x2a7: {  	_ =	swait.ge [sflag:s6], $0x8000  }
0x2a8: {  	[sflag:s6] =	ssyncset.done $0x0  }
0x2a9: {  	[sflag:s6] =	ssyncadd.s32 $0xFFFF8000  }
0x2aa: {  	[tilespmem:s2], [sflag:$0x1] =	stream.linear.gather [hbm4b:s24+s2], $0x8000, $0x38;
	[tilespmem:$0x10000] =	vst v63  }
0x2ab: {  	_ =	swait.ge [sflag:s10], $0x8000  }
0x2ac: {  	[sflag:s10] =	ssyncset.done $0x0  }
0x2ad: {  	[sflag:s10] =	ssyncadd.s32 $0xFFFF8000  }
0x2ae: {  	[hbm4b:s23+s2] =	stream.linear.scatter [tilespmem:s7], [sflag:$0x4], $0x8000, $0x38;
	[tilespmem:$0x10000] =	vst v63  }
0x2af: {  	_ =	swait.ge [sflag:s5], $0x8000  }
0x2b0: {  	[sflag:s5] =	ssyncset.done $0x0  }
0x2b1: {  	[sflag:s5] =	ssyncadd.s32 $0xFFFF8000  }
0x2b2: {  	[tilespmem:s7], [sflag:$0x2] =	stream.linear.gather [hbm4b:s22+s2], $0x8000, $0x38;
	[tilespmem:$0x10000] =	vst v63  }
0x2b3: {  	_ =	swait.ge [sflag:s11], $0x8000  }
0x2b4: {  	[sflag:s11] =	ssyncset.done $0x0  }
0x2b5: {  	[sflag:s11] =	ssyncadd.s32 $0xFFFF8000  }
0x2b6: {  	[hbm4b:s21+s2] =	stream.linear.scatter [tilespmem:s2], [sflag:$0x3], $0x8000, $0x38;
	[tilespmem:$0x10000] =	vst v63  }
0x2b7: {  	_ =	swait.ge [sflag:s6], $0x8000  }
0x2b8: {  	[sflag:s6] =	ssyncset.done $0x0  }
0x2b9: {  	[sflag:s6] =	ssyncadd.s32 $0xFFFF8000  }
0x2ba: {  	[tilespmem:s2], [sflag:$0x1] =	stream.linear.gather [hbm4b:s20+s2], $0x8000, $0x38;
	[tilespmem:$0x10000] =	vst v63  }
0x2bb: {  	_ =	swait.ge [sflag:s10], $0x8000  }
0x2bc: {  	[sflag:s10] =	ssyncset.done $0x0  }
0x2bd: {  	[sflag:s10] =	ssyncadd.s32 $0xFFFF8000  }
0x2be: {  	[hbm4b:s19+s2] =	stream.linear.scatter [tilespmem:s7], [sflag:$0x4], $0x8000, $0x38;
	[tilespmem:$0x10000] =	vst v63  }
0x2bf: {  	_ =	swait.ge [sflag:s5], $0x8000  }
0x2c0: {  	[sflag:s5] =	ssyncset.done $0x0  }
0x2c1: {  	[sflag:s5] =	ssyncadd.s32 $0xFFFF8000  }
0x2c2: {  	[tilespmem:s7], [sflag:$0x2] =	stream.linear.gather [hbm4b:s18+s2], $0x8000, $0x38;
	[tilespmem:$0x10000] =	vst v63  }
0x2c3: {  	_ =	swait.ge [sflag:s11], $0x8000  }
0x2c4: {  	[sflag:s11] =	ssyncset.done $0x0  }
0x2c5: {  	[sflag:s11] =	ssyncadd.s32 $0xFFFF8000  }
0x2c6: {  	[hbm4b:s17+s2] =	stream.linear.scatter [tilespmem:s2], [sflag:$0x3], $0x8000, $0x38;
	[tilespmem:$0x10000] =	vst v63  }
0x2c7: {  	_ =	swait.ge [sflag:s6], $0x8000  }
0x2c8: {  	[sflag:s6] =	ssyncset.done $0x0  }
0x2c9: {  	[sflag:s6] =	ssyncadd.s32 $0xFFFF8000  }
0x2ca: {  	[tilespmem:s2], [sflag:$0x1] =	stream.linear.gather [hbm4b:s16+s2], $0x8000, $0x38;
	[tilespmem:$0x10000] =	vst v63  }
0x2cb: {  	_ =	swait.ge [sflag:s10], $0x8000  }
0x2cc: {  	[sflag:s10] =	ssyncset.done $0x0  }
0x2cd: {  	[sflag:s10] =	ssyncadd.s32 $0xFFFF8000  }
0x2ce: {  	[hbm4b:s15+s2] =	stream.linear.scatter [tilespmem:s7], [sflag:$0x4], $0x8000, $0x38;
	[tilespmem:$0x10000] =	vst v63  }
0x2cf: {  	_ =	swait.ge [sflag:s5], $0x8000  }
0x2d0: {  	[sflag:s5] =	ssyncset.done $0x0  }
0x2d1: {  	[sflag:s5] =	ssyncadd.s32 $0xFFFF8000  }
0x2d2: {  	[tilespmem:s7], [sflag:$0x2] =	stream.linear.gather [hbm4b:s14+s2], $0x8000, $0x38;
	[tilespmem:$0x10000] =	vst v63  }
0x2d3: {  	_ =	swait.ge [sflag:s11], $0x8000  }
0x2d4: {  	[sflag:s11] =	ssyncset.done $0x0  }
0x2d5: {  	[sflag:s11] =	ssyncadd.s32 $0xFFFF8000  }
0x2d6: {  	[hbm4b:s13+s2] =	stream.linear.scatter [tilespmem:s2], [sflag:$0x3], $0x8000, $0x38;
	[tilespmem:$0x10000] =	vst v63  }
0x2d7: {  	_ =	swait.ge [sflag:s6], $0x8000  }
0x2d8: {  	[sflag:s6] =	ssyncset.done $0x0  }
0x2d9: {  	[sflag:s6] =	ssyncadd.s32 $0xFFFF8000  }
0x2da: {  	[tilespmem:s2], [sflag:$0x1] =	stream.linear.gather [hbm4b:s12+s2], $0x8000, $0x38;
	[tilespmem:$0x10000] =	vst v63  }
0x2db: {  	_ =	swait.ge [sflag:s10], $0x8000  }
0x2dc: {  	[sflag:s10] =	ssyncset.done $0x0  }
0x2dd: {  	[sflag:s10] =	ssyncadd.s32 $0xFFFF8000  }
0x2de: {  	[hbm4b:s9+s2] =	stream.linear.scatter [tilespmem:s7], [sflag:$0x4], $0x8000, $0x38;
	[tilespmem:$0x10000] =	vst v63  }
0x2df: {  	_ =	swait.ge [sflag:s5], $0x8000  }
0x2e0: {  	[sflag:s5] =	ssyncset.done $0x0  }
0x2e1: {  	[sflag:s5] =	ssyncadd.s32 $0xFFFF8000  }
0x2e2: {  	[tilespmem:s7], [sflag:$0x2] =	stream.linear.gather [hbm4b:s8+s2], $0x8000, $0x38;
	[tilespmem:$0x10000] =	vst v63  }
0x2e3: {  	_ =	swait.ge [sflag:s11], $0x8000  }
0x2e4: {  	[sflag:s11] =	ssyncset.done $0x0  }
0x2e5: {  	[sflag:s11] =	ssyncadd.s32 $0xFFFF8000  }
0x2e6: {  	[hbm4b:s4+s2] =	stream.linear.scatter [tilespmem:s2], [sflag:$0x3], $0x8000, $0x38;
	[tilespmem:$0x10000] =	vst v63  }
0x2e7: {  	_ =	swait.ge [sflag:s10], $0x8000  }
0x2e8: {  	[sflag:s10] =	ssyncset.done $0x0  }
0x2e9: {  	[sflag:s10] =	ssyncadd.s32 $0xFFFF8000  }
0x2ea: {  	[hbm4b:s3+s2] =	stream.linear.scatter [tilespmem:s7], [sflag:$0x4], $0x8000, $0x38;
	[tilespmem:$0x10000] =	vst v63  }
0x2eb: {  	_ =	swait.ge [sflag:s6], $0x8000  }
0x2ec: {  	[sflag:s6] =	ssyncset.done $0x0  }
0x2ed: {  	[sflag:s6] =	ssyncadd.s32 $0xFFFF8000  }
0x2ee: {  	_ =	swait.ge [sflag:s5], $0x8000  }
0x2ef: {  	[sflag:s5] =	ssyncset.done $0x0  }
0x2f0: {  	[sflag:s5] =	ssyncadd.s32 $0xFFFF8000  }
0x2f1: {  	_ =	sfence.sel $0x180000  }
0x2f2: {  	[bflag:$0x0] =	sbarrier.arrive $0xFFFF  }
0x2f3: {  	_ =	strace $0x90000047  }
0x2f4: {  	s31 =	stileid.u32;
	[bflag:$0x2] =	sbarrier.arrive $0xFFFF  }
0x2f5: {  	p0 =	sne.s32 s31, $0x0;
	s0 =	rddreg [dreg:$0x2]  }
0x2f6: {  	s0 =	sadd.s32 @!p0 $0x100000, s0  }
0x2f7: {  	[sflag:s0] =	ssyncadd.tile.s32 @!p0 $0x1;
	_ =	shalt  }
.Lfunc_end2:
_tile_overlayer_lowered:
.L_overlay_start_2:
0x2f8: {  	(tag) =	ssettag $0x2  }
0x2f9: {  	s0 =	rddreg [dreg:$0x0];
	s2 =	stileid.u32  }
0x2fa: {  	s1 =	rddreg [dreg:$0x1];
	p0 =	sne.s32 s2, $0x0  }
0x2fb: {  	s3 =	rddreg [dreg:$0x2];
	[bflag:$0x3] =	sbarrier.arrive $0xFFFF;
	s2 =	simm.s32 @!p0 $0x1C05  }
0x2fc: {  	[timem:s3], [sflag:s2] =	dma.local @!p0 [hbm:s0], s1  }
0x2fd: {  	s0 =	simm.s32 @!p0 $0x5  }
0x2fe: {  	_ =	swait.ge @!p0 [sflag:s0], s1  }
0x2ff: {  	s1 =	ssub.s32 @!p0 $0x0, s1;
	[sflag:s0] =	ssyncset.done @!p0 $0x0  }
0x300: {  	[sflag:s0] =	ssyncadd.s32 @!p0 s1  }
0x301: {  	[bflag:$0x3] =	sbarrier.arrive $0xFFFF  }
0x302: {  	_ =	shalt  }

</sc_bundles>
